<compile_context>
chip_gen: v7x
topology: tpu7x:2x2x1
jax: 0.10.2.dev20260603
libtpu: 0.0.44.dev20260713+nightly
codegen_flags: <defaults>
</compile_context>

<pallas_src>
import functools

import jax
import jax.numpy as jnp
from jax import lax
from jax.experimental import pallas as pl
from jax.experimental.pallas import tpu as pltpu
from jax.experimental.pallas import tpu_sc as plsc

N = 10000
E = 160000
NFEAT = 256
NHID = 256
NCLASS = 128

_NC = 2
_NS = 16
_C = 112
_NCHUNK = 1440
_EPAD = _NCHUNK * _C
_NPAD = 16 * 632
_RPT = _NPAD // _NS
_F = 128


def _sc_segsum(n_stages, slen, per_core_edges, interleave):
    mesh = plsc.VectorSubcoreMesh(core_axis_name="c", subcore_axis_name="s")
    K = n_stages * slen

    @functools.partial(
        pl.kernel,
        out_type=jax.ShapeDtypeStruct((_NC, _NPAD, _F), jnp.float32),
        mesh=mesh,
        scratch_types=[
            pltpu.VMEM_SHARED((_NPAD, _F), jnp.float32),
            pltpu.VMEM((slen, 2, _C), jnp.int32),
            pltpu.VMEM((_C, _F), jnp.float32),
            pltpu.VMEM((_C, _F), jnp.float32),
            pltpu.VMEM((_C, _F), jnp.float32),
            pltpu.SemaphoreType.DMA,
            pltpu.SemaphoreType.DMA,
            pltpu.SemaphoreType.DMA,
            pltpu.SemaphoreType.DMA,
            pltpu.SemaphoreType.DMA,
            pltpu.SemaphoreType.DMA,
        ],
    )
    def seg(table, edges, out, acc, e_v, g0, g1, g2,
            gs0, gs1, gs2, ss0, ss1, ss2):
        c = lax.axis_index("c")
        s = lax.axis_index("s")
        bufs = (g0, g1, g2)
        gsems = (gs0, gs1, gs2)
        ssems = (ss0, ss1, ss2)

        zvec = jnp.zeros((16,), jnp.float32)

        @pl.loop(0, _C)
        def _zrow(r):
            for k in range(_F // 16):
                g0[r, pl.ds(16 * k, 16)] = zvec

        nfull, rem = _RPT // _C, _RPT % _C
        for m in range(nfull):
            pltpu.sync_copy(g0, acc.at[pl.ds(s * _RPT + m * _C, _C)])
        if rem:
            pltpu.sync_copy(g0.at[pl.ds(0, rem)],
                            acc.at[pl.ds(s * _RPT + nfull * _C, rem)])
        plsc.subcore_barrier()

        def start_gather(j, b):
            pltpu.async_copy(table.at[e_v.at[j, 0]], bufs[b], gsems[b])

        def wait_gather(j, b):
            pltpu.make_async_copy(
                table.at[e_v.at[j, 0]], bufs[b], gsems[b]).wait()

        def start_scatter(j, b):
            pltpu.async_copy(bufs[b], acc.at[e_v.at[j, 1]], ssems[b],
                             add=True)

        def wait_scatter(j, b):
            pltpu.make_async_copy(
                bufs[b], acc.at[e_v.at[j, 1]], ssems[b]).wait()

        cvec = jnp.full((16,), c, dtype=jnp.int32)

        for stage in range(n_stages):
            sl_chunks = pl.ds(s * K + stage * slen, slen)
            if per_core_edges:
                pltpu.sync_copy(edges.at[c, sl_chunks], e_v)
            else:
                pltpu.sync_copy(edges.at[sl_chunks], e_v)

            if interleave:
                @pl.loop(0, slen)
                def _tx(j):
                    for k in range(_C // 16):
                        sl = pl.ds(16 * k, 16)
                        e_v[j, 0, sl] = e_v[j, 0, sl] * 2 + cvec

            start_gather(0, 0)
            start_gather(1, 1)

            @pl.loop(0, slen, step=3)
            def _main(jj):
                for t in range(3):
                    j = jj + t
                    wait_gather(j, t)
                    start_scatter(j, t)

                    @pl.when(j >= 1)
                    def _():
                        wait_scatter(j - 1, (t + 2) % 3)

                    @pl.when(j + 2 < slen)
                    def _():
                        start_gather(j + 2, (t + 2) % 3)

            wait_scatter(slen - 1, (slen - 1) % 3)

        plsc.subcore_barrier()
        pltpu.sync_copy(acc.at[pl.ds(s * _RPT, _RPT)],
                        out.at[c, pl.ds(s * _RPT, _RPT)])

    return seg


_BR = 400


def _tc_pre(x, W01, W02):

    def body(x_ref, w01_ref, w02_ref, p01_ref, xw02_ref):
        xb = x_ref[...]
        p01_ref[...] = xb @ w01_ref[...]
        xw02_ref[...] = xb @ w02_ref[...]

    return pl.pallas_call(
        body,
        grid=(N // _BR,),
        in_specs=[
            pl.BlockSpec((_BR, NFEAT), lambda i: (i, 0)),
            pl.BlockSpec((NFEAT, NHID), lambda i: (0, 0)),
            pl.BlockSpec((NFEAT, NCLASS), lambda i: (0, 0)),
        ],
        out_specs=[
            pl.BlockSpec((_BR, NHID), lambda i: (i, 0)),
            pl.BlockSpec((_BR, NCLASS), lambda i: (i, 0)),
        ],
        out_shape=[
            jax.ShapeDtypeStruct((N, NHID), jnp.float32),
            jax.ShapeDtypeStruct((N, NCLASS), jnp.float32),
        ],
    )(x, W01, W02)


def _tc_mid(agg1, p01, W1, W2):

    def body(aL_ref, aR_ref, p01_ref, w1_ref, w2_ref, g_ref):
        h = (aL_ref[0] @ w1_ref[:128, :] + aR_ref[0] @ w1_ref[128:, :]
             + p01_ref[...])
        h = jnp.maximum(h, 0.0)
        g_ref[...] = h @ w2_ref[...]

    return pl.pallas_call(
        body,
        grid=(N // _BR,),
        in_specs=[
            pl.BlockSpec((1, _BR, 128), lambda i: (0, i, 0)),
            pl.BlockSpec((1, _BR, 128), lambda i: (1, i, 0)),
            pl.BlockSpec((_BR, NHID), lambda i: (i, 0)),
            pl.BlockSpec((NFEAT, NHID), lambda i: (0, 0)),
            pl.BlockSpec((NHID, NCLASS), lambda i: (0, 0)),
        ],
        out_specs=pl.BlockSpec((_BR, NCLASS), lambda i: (i, 0)),
        out_shape=jax.ShapeDtypeStruct((N, NCLASS), jnp.float32),
    )(agg1, agg1, p01, W1, W2)


def _tc_out(agg2, xw02):

    def body(zL_ref, zR_ref, xw_ref, o_ref):
        z = zL_ref[0] + zR_ref[0] + xw_ref[...]
        m = jnp.max(z, axis=1, keepdims=True)
        e = jnp.exp(z - m)
        lse = jnp.log(jnp.sum(e, axis=1, keepdims=True)) + m
        o_ref[...] = z - lse

    return pl.pallas_call(
        body,
        grid=(N // _BR,),
        in_specs=[
            pl.BlockSpec((1, _BR, 128), lambda i: (0, i, 0)),
            pl.BlockSpec((1, _BR, 128), lambda i: (1, i, 0)),
            pl.BlockSpec((_BR, NCLASS), lambda i: (i, 0)),
        ],
        out_specs=pl.BlockSpec((_BR, NCLASS), lambda i: (i, 0)),
        out_shape=jax.ShapeDtypeStruct((N, NCLASS), jnp.float32),
    )(agg2, agg2, xw02)


def kernel(x, adj, W1, W01, W2, W02):
    pad = _EPAD - E
    ar = jnp.arange(pad, dtype=jnp.int32)
    src_p = jnp.concatenate([adj[0], ar * 7 % N])
    dst_p = jnp.concatenate([adj[1], N + ar % (_NPAD - N)])
    edges = jnp.stack([src_p.reshape(_NCHUNK, _C),
                       dst_p.reshape(_NCHUNK, _C)], axis=1)

    p01, xw02 = _tc_pre(x, W01, W02)

    agg1 = _sc_segsum(5, 18, False, True)(x.reshape(2 * N, 128), edges)

    g = _tc_mid(agg1, p01, W1, W2)

    agg2 = _sc_segsum(3, 15, True, False)(
        g, edges.reshape(2, _NCHUNK // 2, 2, _C))

    return _tc_out(agg2, xw02)

# --- scband reference (transcript-rebuilt; emitter-appended) ---
"""Pipeline reference for scband-my-gcn-33655363732155 (READ-ONLY COPY).

The authoritative reference and input builder live on the scoring server;
editing this copy changes nothing except your own understanding.
"""

import jax, jax.numpy as jnp
import numpy as np

N = 10000
E = 160000
NFEAT = 256
NHID = 256
NCLASS = 128


def setup_inputs(seed: int = 0) -> dict:
    key = jax.random.key(seed)
    k1, k2, k3, k4, k5, k6 = jax.random.split(key, 6)
    x = jax.random.normal(k1, (N, NFEAT), dtype=jnp.float32)
    adj = jax.random.randint(k2, (2, E), 0, N, dtype=jnp.int32)
    # conv_layer = GCNConvInitRes: h' = (A @ h) @ W + x0 @ W0 (initial-feature residual)
    W1 = jax.random.normal(k3, (NFEAT, NHID), dtype=jnp.float32) * 0.05
    W01 = jax.random.normal(k4, (NFEAT, NHID), dtype=jnp.float32) * 0.05
    W2 = jax.random.normal(k5, (NHID, NCLASS), dtype=jnp.float32) * 0.05
    W02 = jax.random.normal(k6, (NFEAT, NCLASS), dtype=jnp.float32) * 0.05
    return {"x": x, "adj": adj, "W1": W1, "W01": W01, "W2": W2, "W02": W02}


def reference(x, adj, W1, W01, W2, W02):
    src = adj[0]
    dst = adj[1]
    # layer 1: conv -> relu (dropout is a no-op in eval mode)
    h = x
    agg = jax.ops.segment_sum(h[src], dst, num_segments=N)
    h = jax.nn.relu(agg @ W1 + x @ W01)
    # layer 2 (output layer, no activation)
    agg = jax.ops.segment_sum(h[src], dst, num_segments=N)
    h = agg @ W2 + x @ W02
    return jax.nn.log_softmax(h, axis=1)

if __name__ == "__main__":
    import jax
    _d = setup_inputs()
    print(jax.jit(kernel)(*tuple(_d.values())))

</pallas_src>

<mosaic_0001>
#map = affine_map<(d0, d1) -> (0, 0)>
#map1 = affine_map<(d0, d1) -> (0, 0, 0)>
module attributes {stable_mosaic.version = 14 : i64} {
  func.func @seg(%arg0: i32, %arg1: i32, %arg2: memref<20000x128xf32, #tpu.memory_space<hbm>>, %arg3: memref<1440x2x112xi32, #tpu.memory_space<hbm>>, %arg4: memref<2x10112x128xf32, #tpu.memory_space<hbm>>, %arg5: memref<10112x128xf32, #tpu.memory_space<vmem_shared>>, %arg6: memref<18x2x112xi32, #tpu.memory_space<vmem>>, %arg7: memref<112x128xf32, #tpu.memory_space<vmem>>, %arg8: memref<112x128xf32, #tpu.memory_space<vmem>>, %arg9: memref<112x128xf32, #tpu.memory_space<vmem>>, %arg10: memref<!tpu.dma_semaphore, #tpu.memory_space<semaphore_mem>>, %arg11: memref<!tpu.dma_semaphore, #tpu.memory_space<semaphore_mem>>, %arg12: memref<!tpu.dma_semaphore, #tpu.memory_space<semaphore_mem>>, %arg13: memref<!tpu.dma_semaphore, #tpu.memory_space<semaphore_mem>>, %arg14: memref<!tpu.dma_semaphore, #tpu.memory_space<semaphore_mem>>, %arg15: memref<!tpu.dma_semaphore, #tpu.memory_space<semaphore_mem>>) attributes {dimension_semantics = [#tpu.dimension_semantics<core_parallel>, #tpu.dimension_semantics<subcore_parallel>], iteration_bounds = array<i64: 2, 16>, scalar_prefetch = 0 : i64, scratch_operands = 11 : i64, tpu.core_type = #tpu.core_type<sc_vector_subcore>, window_params = [{transform_indices = #map}, {transform_indices = #map1}, {transform_indices = #map1}]} {
    %broadcast_in_dim3A = arith.constant 0.000000e+00 : f32
    %broadcast_in_dim3A_0 = vector.broadcast %broadcast_in_dim3A : f32 to vector<16xf32>
    %scan3A = arith.constant 0 : i32
    %scan3A_1 = arith.constant 112 : i32
    %scan3A_2 = arith.addi %scan3A, %scan3A_1 : i32
    %scan3A_3 = arith.constant 1 : i32
    scf.for %scan3A_221 = %scan3A to %scan3A_2 step %scan3A_3  : i32 {
      %mul3A_222 = arith.constant 1 : i32
      %mul3A_223 = arith.muli %scan3A_221, %mul3A_222 : i32
      %add3A_224 = arith.constant 0 : i32
      %add3A_225 = arith.addi %add3A_224, %mul3A_223 : i32
      %swap3A = arith.index_cast %add3A_225 : i32 to index
      %swap3A_226 = arith.constant 0 : index
      %swap3A_227 = tpu.vector_load %arg7[%swap3A, %swap3A_226] {strides = array<i32>} : memref<112x128xf32, #tpu.memory_space<vmem>>, vector<1x16xf32>,
      %swap3A_228 = vector.shape_cast %swap3A_227 : vector<1x16xf32> to vector<16xf32>
      %swap3A_229 = vector.shape_cast %broadcast_in_dim3A_0 : vector<16xf32> to vector<1x16xf32>
      tpu.vector_store %arg7[%swap3A, %swap3A_226], %swap3A_229 {strides = array<i32>} : memref<112x128xf32, #tpu.memory_space<vmem>>, vector<1x16xf32>,
      %swap3A_230 = arith.index_cast %add3A_225 : i32 to index
      %swap3A_231 = arith.constant 16 : index
      %swap3A_232 = tpu.vector_load %arg7[%swap3A_230, %swap3A_231] {strides = array<i32>} : memref<112x128xf32, #tpu.memory_space<vmem>>, vector<1x16xf32>,
      %swap3A_233 = vector.shape_cast %swap3A_232 : vector<1x16xf32> to vector<16xf32>
      %swap3A_234 = vector.shape_cast %broadcast_in_dim3A_0 : vector<16xf32> to vector<1x16xf32>
      tpu.vector_store %arg7[%swap3A_230, %swap3A_231], %swap3A_234 {strides = array<i32>} : memref<112x128xf32, #tpu.memory_space<vmem>>, vector<1x16xf32>,
      %swap3A_235 = arith.index_cast %add3A_225 : i32 to index
      %swap3A_236 = arith.constant 32 : index
      %swap3A_237 = tpu.vector_load %arg7[%swap3A_235, %swap3A_236] {strides = array<i32>} : memref<112x128xf32, #tpu.memory_space<vmem>>, vector<1x16xf32>,
      %swap3A_238 = vector.shape_cast %swap3A_237 : vector<1x16xf32> to vector<16xf32>
      %swap3A_239 = vector.shape_cast %broadcast_in_dim3A_0 : vector<16xf32> to vector<1x16xf32>
      tpu.vector_store %arg7[%swap3A_235, %swap3A_236], %swap3A_239 {strides = array<i32>} : memref<112x128xf32, #tpu.memory_space<vmem>>, vector<1x16xf32>,
      %swap3A_240 = arith.index_cast %add3A_225 : i32 to index
      %swap3A_241 = arith.constant 48 : index
      %swap3A_242 = tpu.vector_load %arg7[%swap3A_240, %swap3A_241] {strides = array<i32>} : memref<112x128xf32, #tpu.memory_space<vmem>>, vector<1x16xf32>,
      %swap3A_243 = vector.shape_cast %swap3A_242 : vector<1x16xf32> to vector<16xf32>
      %swap3A_244 = vector.shape_cast %broadcast_in_dim3A_0 : vector<16xf32> to vector<1x16xf32>
      tpu.vector_store %arg7[%swap3A_240, %swap3A_241], %swap3A_244 {strides = array<i32>} : memref<112x128xf32, #tpu.memory_space<vmem>>, vector<1x16xf32>,
      %swap3A_245 = arith.index_cast %add3A_225 : i32 to index
      %swap3A_246 = arith.constant 64 : index
      %swap3A_247 = tpu.vector_load %arg7[%swap3A_245, %swap3A_246] {strides = array<i32>} : memref<112x128xf32, #tpu.memory_space<vmem>>, vector<1x16xf32>,
      %swap3A_248 = vector.shape_cast %swap3A_247 : vector<1x16xf32> to vector<16xf32>
      %swap3A_249 = vector.shape_cast %broadcast_in_dim3A_0 : vector<16xf32> to vector<1x16xf32>
      tpu.vector_store %arg7[%swap3A_245, %swap3A_246], %swap3A_249 {strides = array<i32>} : memref<112x128xf32, #tpu.memory_space<vmem>>, vector<1x16xf32>,
      %swap3A_250 = arith.index_cast %add3A_225 : i32 to index
      %swap3A_251 = arith.constant 80 : index
      %swap3A_252 = tpu.vector_load %arg7[%swap3A_250, %swap3A_251] {strides = array<i32>} : memref<112x128xf32, #tpu.memory_space<vmem>>, vector<1x16xf32>,
      %swap3A_253 = vector.shape_cast %swap3A_252 : vector<1x16xf32> to vector<16xf32>
      %swap3A_254 = vector.shape_cast %broadcast_in_dim3A_0 : vector<16xf32> to vector<1x16xf32>
      tpu.vector_store %arg7[%swap3A_250, %swap3A_251], %swap3A_254 {strides = array<i32>} : memref<112x128xf32, #tpu.memory_space<vmem>>, vector<1x16xf32>,
      %swap3A_255 = arith.index_cast %add3A_225 : i32 to index
      %swap3A_256 = arith.constant 96 : index
      %swap3A_257 = tpu.vector_load %arg7[%swap3A_255, %swap3A_256] {strides = array<i32>} : memref<112x128xf32, #tpu.memory_space<vmem>>, vector<1x16xf32>,
      %swap3A_258 = vector.shape_cast %swap3A_257 : vector<1x16xf32> to vector<16xf32>
      %swap3A_259 = vector.shape_cast %broadcast_in_dim3A_0 : vector<16xf32> to vector<1x16xf32>
      tpu.vector_store %arg7[%swap3A_255, %swap3A_256], %swap3A_259 {strides = array<i32>} : memref<112x128xf32, #tpu.memory_space<vmem>>, vector<1x16xf32>,
      %swap3A_260 = arith.index_cast %add3A_225 : i32 to index
      %swap3A_261 = arith.constant 112 : index
      %swap3A_262 = tpu.vector_load %arg7[%swap3A_260, %swap3A_261] {strides = array<i32>} : memref<112x128xf32, #tpu.memory_space<vmem>>, vector<1x16xf32>,
      %swap3A_263 = vector.shape_cast %swap3A_262 : vector<1x16xf32> to vector<16xf32>
      %swap3A_264 = vector.shape_cast %broadcast_in_dim3A_0 : vector<16xf32> to vector<1x16xf32>
      tpu.vector_store %arg7[%swap3A_260, %swap3A_261], %swap3A_264 {strides = array<i32>} : memref<112x128xf32, #tpu.memory_space<vmem>>, vector<1x16xf32>,
    }
    %scan3A_4 = arith.constant 112 : i32
    %mul3A = arith.constant 632 : i32
    %mul3A_5 = arith.muli %arg1, %mul3A : i32
    %add3A = arith.constant 0 : i32
    %add3A_6 = arith.addi %mul3A_5, %add3A : i32
    "tpu.region"() ({
      %run_scoped3A = tpu.sem_alloc : memref<!tpu.dma_semaphore, #tpu.memory_space<semaphore_mem>>
      %dma_start3A_221 = arith.constant 0 : i32
      %dma_start3A_222 = tpu.memref_slice %arg5[%add3A_6, %dma_start3A_221] : memref<10112x128xf32, #tpu.memory_space<vmem_shared>> -> memref<112x128xf32, #tpu.memory_space<vmem_shared>>
      %dma_start3A_223 = arith.constant 0 : i32
      %dma_start3A_224 = tpu.memref_slice %arg5[%add3A_6, %dma_start3A_223] : memref<10112x128xf32, #tpu.memory_space<vmem_shared>> -> memref<112x128xf32, #tpu.memory_space<vmem_shared>>
      tpu.enqueue_dma source(%arg7 : memref<112x128xf32, #tpu.memory_space<vmem>>) target(%dma_start3A_224 : memref<112x128xf32, #tpu.memory_space<vmem_shared>>) target_semaphore(%run_scoped3A : memref<!tpu.dma_semaphore, #tpu.memory_space<semaphore_mem>>)
      %dma_wait3A_225 = arith.constant 0 : i32
      %dma_wait3A_226 = tpu.memref_slice %arg5[%add3A_6, %dma_wait3A_225] : memref<10112x128xf32, #tpu.memory_space<vmem_shared>> -> memref<112x128xf32, #tpu.memory_space<vmem_shared>>
      %dma_wait3A_227 = arith.constant 0 : i32
      %dma_wait3A_228 = tpu.memref_slice %arg5[%add3A_6, %dma_wait3A_227] : memref<10112x128xf32, #tpu.memory_space<vmem_shared>> -> memref<112x128xf32, #tpu.memory_space<vmem_shared>>
      tpu.wait_dma2 semaphore(%run_scoped3A : memref<!tpu.dma_semaphore, #tpu.memory_space<semaphore_mem>>) src(%arg7 : memref<112x128xf32, #tpu.memory_space<vmem>>) dst(%dma_wait3A_228 : memref<112x128xf32, #tpu.memory_space<vmem_shared>>)
      tpu.yield
    }) : () -> ()
    %mul3A_7 = arith.constant 632 : i32
    %mul3A_8 = arith.muli %arg1, %mul3A_7 : i32
    %add3A_9 = arith.constant 112 : i32
    %add3A_10 = arith.addi %mul3A_8, %add3A_9 : i32
    "tpu.region"() ({
      %run_scoped3A = tpu.sem_alloc : memref<!tpu.dma_semaphore, #tpu.memory_space<semaphore_mem>>
      %dma_start3A_221 = arith.constant 0 : i32
      %dma_start3A_222 = tpu.memref_slice %arg5[%add3A_10, %dma_start3A_221] : memref<10112x128xf32, #tpu.memory_space<vmem_shared>> -> memref<112x128xf32, #tpu.memory_space<vmem_shared>>
      %dma_start3A_223 = arith.constant 0 : i32
      %dma_start3A_224 = tpu.memref_slice %arg5[%add3A_10, %dma_start3A_223] : memref<10112x128xf32, #tpu.memory_space<vmem_shared>> -> memref<112x128xf32, #tpu.memory_space<vmem_shared>>
      tpu.enqueue_dma source(%arg7 : memref<112x128xf32, #tpu.memory_space<vmem>>) target(%dma_start3A_224 : memref<112x128xf32, #tpu.memory_space<vmem_shared>>) target_semaphore(%run_scoped3A : memref<!tpu.dma_semaphore, #tpu.memory_space<semaphore_mem>>)
      %dma_wait3A_225 = arith.constant 0 : i32
      %dma_wait3A_226 = tpu.memref_slice %arg5[%add3A_10, %dma_wait3A_225] : memref<10112x128xf32, #tpu.memory_space<vmem_shared>> -> memref<112x128xf32, #tpu.memory_space<vmem_shared>>
      %dma_wait3A_227 = arith.constant 0 : i32
      %dma_wait3A_228 = tpu.memref_slice %arg5[%add3A_10, %dma_wait3A_227] : memref<10112x128xf32, #tpu.memory_space<vmem_shared>> -> memref<112x128xf32, #tpu.memory_space<vmem_shared>>
      tpu.wait_dma2 semaphore(%run_scoped3A : memref<!tpu.dma_semaphore, #tpu.memory_space<semaphore_mem>>) src(%arg7 : memref<112x128xf32, #tpu.memory_space<vmem>>) dst(%dma_wait3A_228 : memref<112x128xf32, #tpu.memory_space<vmem_shared>>)
      tpu.yield
    }) : () -> ()
    %mul3A_11 = arith.constant 632 : i32
    %mul3A_12 = arith.muli %arg1, %mul3A_11 : i32
    %add3A_13 = arith.constant 224 : i32
    %add3A_14 = arith.addi %mul3A_12, %add3A_13 : i32
    "tpu.region"() ({
      %run_scoped3A = tpu.sem_alloc : memref<!tpu.dma_semaphore, #tpu.memory_space<semaphore_mem>>
      %dma_start3A_221 = arith.constant 0 : i32
      %dma_start3A_222 = tpu.memref_slice %arg5[%add3A_14, %dma_start3A_221] : memref<10112x128xf32, #tpu.memory_space<vmem_shared>> -> memref<112x128xf32, #tpu.memory_space<vmem_shared>>
      %dma_start3A_223 = arith.constant 0 : i32
      %dma_start3A_224 = tpu.memref_slice %arg5[%add3A_14, %dma_start3A_223] : memref<10112x128xf32, #tpu.memory_space<vmem_shared>> -> memref<112x128xf32, #tpu.memory_space<vmem_shared>>
      tpu.enqueue_dma source(%arg7 : memref<112x128xf32, #tpu.memory_space<vmem>>) target(%dma_start3A_224 : memref<112x128xf32, #tpu.memory_space<vmem_shared>>) target_semaphore(%run_scoped3A : memref<!tpu.dma_semaphore, #tpu.memory_space<semaphore_mem>>)
      %dma_wait3A_225 = arith.constant 0 : i32
      %dma_wait3A_226 = tpu.memref_slice %arg5[%add3A_14, %dma_wait3A_225] : memref<10112x128xf32, #tpu.memory_space<vmem_shared>> -> memref<112x128xf32, #tpu.memory_space<vmem_shared>>
      %dma_wait3A_227 = arith.constant 0 : i32
      %dma_wait3A_228 = tpu.memref_slice %arg5[%add3A_14, %dma_wait3A_227] : memref<10112x128xf32, #tpu.memory_space<vmem_shared>> -> memref<112x128xf32, #tpu.memory_space<vmem_shared>>
      tpu.wait_dma2 semaphore(%run_scoped3A : memref<!tpu.dma_semaphore, #tpu.memory_space<semaphore_mem>>) src(%arg7 : memref<112x128xf32, #tpu.memory_space<vmem>>) dst(%dma_wait3A_228 : memref<112x128xf32, #tpu.memory_space<vmem_shared>>)
      tpu.yield
    }) : () -> ()
    %mul3A_15 = arith.constant 632 : i32
    %mul3A_16 = arith.muli %arg1, %mul3A_15 : i32
    %add3A_17 = arith.constant 336 : i32
    %add3A_18 = arith.addi %mul3A_16, %add3A_17 : i32
    "tpu.region"() ({
      %run_scoped3A = tpu.sem_alloc : memref<!tpu.dma_semaphore, #tpu.memory_space<semaphore_mem>>
      %dma_start3A_221 = arith.constant 0 : i32
      %dma_start3A_222 = tpu.memref_slice %arg5[%add3A_18, %dma_start3A_221] : memref<10112x128xf32, #tpu.memory_space<vmem_shared>> -> memref<112x128xf32, #tpu.memory_space<vmem_shared>>
      %dma_start3A_223 = arith.constant 0 : i32
      %dma_start3A_224 = tpu.memref_slice %arg5[%add3A_18, %dma_start3A_223] : memref<10112x128xf32, #tpu.memory_space<vmem_shared>> -> memref<112x128xf32, #tpu.memory_space<vmem_shared>>
      tpu.enqueue_dma source(%arg7 : memref<112x128xf32, #tpu.memory_space<vmem>>) target(%dma_start3A_224 : memref<112x128xf32, #tpu.memory_space<vmem_shared>>) target_semaphore(%run_scoped3A : memref<!tpu.dma_semaphore, #tpu.memory_space<semaphore_mem>>)
      %dma_wait3A_225 = arith.constant 0 : i32
      %dma_wait3A_226 = tpu.memref_slice %arg5[%add3A_18, %dma_wait3A_225] : memref<10112x128xf32, #tpu.memory_space<vmem_shared>> -> memref<112x128xf32, #tpu.memory_space<vmem_shared>>
      %dma_wait3A_227 = arith.constant 0 : i32
      %dma_wait3A_228 = tpu.memref_slice %arg5[%add3A_18, %dma_wait3A_227] : memref<10112x128xf32, #tpu.memory_space<vmem_shared>> -> memref<112x128xf32, #tpu.memory_space<vmem_shared>>
      tpu.wait_dma2 semaphore(%run_scoped3A : memref<!tpu.dma_semaphore, #tpu.memory_space<semaphore_mem>>) src(%arg7 : memref<112x128xf32, #tpu.memory_space<vmem>>) dst(%dma_wait3A_228 : memref<112x128xf32, #tpu.memory_space<vmem_shared>>)
      tpu.yield
    }) : () -> ()
    %mul3A_19 = arith.constant 632 : i32
    %mul3A_20 = arith.muli %arg1, %mul3A_19 : i32
    %add3A_21 = arith.constant 448 : i32
    %add3A_22 = arith.addi %mul3A_20, %add3A_21 : i32
    "tpu.region"() ({
      %run_scoped3A = tpu.sem_alloc : memref<!tpu.dma_semaphore, #tpu.memory_space<semaphore_mem>>
      %dma_start3A_221 = arith.constant 0 : i32
      %dma_start3A_222 = tpu.memref_slice %arg5[%add3A_22, %dma_start3A_221] : memref<10112x128xf32, #tpu.memory_space<vmem_shared>> -> memref<112x128xf32, #tpu.memory_space<vmem_shared>>
      %dma_start3A_223 = arith.constant 0 : i32
      %dma_start3A_224 = tpu.memref_slice %arg5[%add3A_22, %dma_start3A_223] : memref<10112x128xf32, #tpu.memory_space<vmem_shared>> -> memref<112x128xf32, #tpu.memory_space<vmem_shared>>
      tpu.enqueue_dma source(%arg7 : memref<112x128xf32, #tpu.memory_space<vmem>>) target(%dma_start3A_224 : memref<112x128xf32, #tpu.memory_space<vmem_shared>>) target_semaphore(%run_scoped3A : memref<!tpu.dma_semaphore, #tpu.memory_space<semaphore_mem>>)
      %dma_wait3A_225 = arith.constant 0 : i32
      %dma_wait3A_226 = tpu.memref_slice %arg5[%add3A_22, %dma_wait3A_225] : memref<10112x128xf32, #tpu.memory_space<vmem_shared>> -> memref<112x128xf32, #tpu.memory_space<vmem_shared>>
      %dma_wait3A_227 = arith.constant 0 : i32
      %dma_wait3A_228 = tpu.memref_slice %arg5[%add3A_22, %dma_wait3A_227] : memref<10112x128xf32, #tpu.memory_space<vmem_shared>> -> memref<112x128xf32, #tpu.memory_space<vmem_shared>>
      tpu.wait_dma2 semaphore(%run_scoped3A : memref<!tpu.dma_semaphore, #tpu.memory_space<semaphore_mem>>) src(%arg7 : memref<112x128xf32, #tpu.memory_space<vmem>>) dst(%dma_wait3A_228 : memref<112x128xf32, #tpu.memory_space<vmem_shared>>)
      tpu.yield
    }) : () -> ()
    %mul3A_23 = arith.constant 632 : i32
    %mul3A_24 = arith.muli %arg1, %mul3A_23 : i32
    %add3A_25 = arith.constant 560 : i32
    %add3A_26 = arith.addi %mul3A_24, %add3A_25 : i32
    "tpu.region"() ({
      %run_scoped3A = tpu.sem_alloc : memref<!tpu.dma_semaphore, #tpu.memory_space<semaphore_mem>>
      %dma_start3A_221 = arith.constant 0 : i32
      %dma_start3A_222 = arith.constant 0 : i32
      %dma_start3A_223 = tpu.memref_slice %arg7[%dma_start3A_221, %dma_start3A_222] : memref<112x128xf32, #tpu.memory_space<vmem>> -> memref<72x128xf32, #tpu.memory_space<vmem>>
      %dma_start3A_224 = arith.constant 0 : i32
      %dma_start3A_225 = tpu.memref_slice %arg5[%add3A_26, %dma_start3A_224] : memref<10112x128xf32, #tpu.memory_space<vmem_shared>> -> memref<72x128xf32, #tpu.memory_space<vmem_shared>>
      %dma_start3A_226 = arith.constant 0 : i32
      %dma_start3A_227 = tpu.memref_slice %arg5[%add3A_26, %dma_start3A_226] : memref<10112x128xf32, #tpu.memory_space<vmem_shared>> -> memref<72x128xf32, #tpu.memory_space<vmem_shared>>
      %dma_start3A_228 = arith.constant 0 : i32
      %dma_start3A_229 = arith.constant 0 : i32
      %dma_start3A_230 = tpu.memref_slice %arg7[%dma_start3A_228, %dma_start3A_229] : memref<112x128xf32, #tpu.memory_space<vmem>> -> memref<72x128xf32, #tpu.memory_space<vmem>>
      tpu.enqueue_dma source(%dma_start3A_230 : memref<72x128xf32, #tpu.memory_space<vmem>>) target(%dma_start3A_227 : memref<72x128xf32, #tpu.memory_space<vmem_shared>>) target_semaphore(%run_scoped3A : memref<!tpu.dma_semaphore, #tpu.memory_space<semaphore_mem>>)
      %dma_wait3A_231 = arith.constant 0 : i32
      %dma_wait3A_232 = arith.constant 0 : i32
      %dma_wait3A_233 = tpu.memref_slice %arg7[%dma_wait3A_231, %dma_wait3A_232] : memref<112x128xf32, #tpu.memory_space<vmem>> -> memref<72x128xf32, #tpu.memory_space<vmem>>
      %dma_wait3A_234 = arith.constant 0 : i32
      %dma_wait3A_235 = tpu.memref_slice %arg5[%add3A_26, %dma_wait3A_234] : memref<10112x128xf32, #tpu.memory_space<vmem_shared>> -> memref<72x128xf32, #tpu.memory_space<vmem_shared>>
      %dma_wait3A_236 = arith.constant 0 : i32
      %dma_wait3A_237 = tpu.memref_slice %arg5[%add3A_26, %dma_wait3A_236] : memref<10112x128xf32, #tpu.memory_space<vmem_shared>> -> memref<72x128xf32, #tpu.memory_space<vmem_shared>>
      %dma_wait3A_238 = arith.constant 0 : i32
      %dma_wait3A_239 = arith.constant 0 : i32
      %dma_wait3A_240 = tpu.memref_slice %arg7[%dma_wait3A_238, %dma_wait3A_239] : memref<112x128xf32, #tpu.memory_space<vmem>> -> memref<72x128xf32, #tpu.memory_space<vmem>>
      tpu.wait_dma2 semaphore(%run_scoped3A : memref<!tpu.dma_semaphore, #tpu.memory_space<semaphore_mem>>) src(%dma_wait3A_240 : memref<72x128xf32, #tpu.memory_space<vmem>>) dst(%dma_wait3A_237 : memref<72x128xf32, #tpu.memory_space<vmem_shared>>)
      tpu.yield
    }) : () -> ()
    %barrier3A = arith.constant 0 : index
    tpu.barrier barrier_id(%barrier3A)
    %broadcast_in_dim3A_27 = vector.broadcast %arg0 : i32 to vector<16xi32>
    %mul3A_28 = arith.constant 90 : i32
    %mul3A_29 = arith.muli %arg1, %mul3A_28 : i32
    %add3A_30 = arith.constant 0 : i32
    %add3A_31 = arith.addi %mul3A_29, %add3A_30 : i32
    "tpu.region"() ({
      %run_scoped3A = tpu.sem_alloc : memref<!tpu.dma_semaphore, #tpu.memory_space<semaphore_mem>>
      %dma_start3A_221 = arith.constant 0 : i32
      %dma_start3A_222 = arith.constant 0 : i32
      %dma_start3A_223 = tpu.memref_slice %arg3[%add3A_31, %dma_start3A_221, %dma_start3A_222] : memref<1440x2x112xi32, #tpu.memory_space<hbm>> -> memref<18x2x112xi32, #tpu.memory_space<hbm>>
      %dma_start3A_224 = arith.constant 0 : i32
      %dma_start3A_225 = arith.constant 0 : i32
      %dma_start3A_226 = tpu.memref_slice %arg3[%add3A_31, %dma_start3A_224, %dma_start3A_225] : memref<1440x2x112xi32, #tpu.memory_space<hbm>> -> memref<18x2x112xi32, #tpu.memory_space<hbm>>
      tpu.enqueue_dma source(%dma_start3A_226 : memref<18x2x112xi32, #tpu.memory_space<hbm>>) target(%arg6 : memref<18x2x112xi32, #tpu.memory_space<vmem>>) target_semaphore(%run_scoped3A : memref<!tpu.dma_semaphore, #tpu.memory_space<semaphore_mem>>)
      %dma_wait3A_227 = arith.constant 0 : i32
      %dma_wait3A_228 = arith.constant 0 : i32
      %dma_wait3A_229 = tpu.memref_slice %arg3[%add3A_31, %dma_wait3A_227, %dma_wait3A_228] : memref<1440x2x112xi32, #tpu.memory_space<hbm>> -> memref<18x2x112xi32, #tpu.memory_space<hbm>>
      %dma_wait3A_230 = arith.constant 0 : i32
      %dma_wait3A_231 = arith.constant 0 : i32
      %dma_wait3A_232 = tpu.memref_slice %arg3[%add3A_31, %dma_wait3A_230, %dma_wait3A_231] : memref<1440x2x112xi32, #tpu.memory_space<hbm>> -> memref<18x2x112xi32, #tpu.memory_space<hbm>>
      tpu.wait_dma2 semaphore(%run_scoped3A : memref<!tpu.dma_semaphore, #tpu.memory_space<semaphore_mem>>) src(%dma_wait3A_232 : memref<18x2x112xi32, #tpu.memory_space<hbm>>) dst(%arg6 : memref<18x2x112xi32, #tpu.memory_space<vmem>>)
      tpu.yield
    }) : () -> ()
    %scan3A_32 = arith.constant 0 : i32
    %scan3A_33 = arith.constant 18 : i32
    %scan3A_34 = arith.addi %scan3A_32, %scan3A_33 : i32
    %scan3A_35 = arith.constant 1 : i32
    scf.for %scan3A_221 = %scan3A_32 to %scan3A_34 step %scan3A_35  : i32 {
      %mul3A_222 = arith.constant 1 : i32
      %mul3A_223 = arith.muli %scan3A_221, %mul3A_222 : i32
      %add3A_224 = arith.constant 0 : i32
      %add3A_225 = arith.addi %add3A_224, %mul3A_223 : i32
      %get3A = arith.constant 0 : i32
      %get3A_226 = arith.index_cast %add3A_225 : i32 to index
      %get3A_227 = arith.index_cast %get3A : i32 to index
      %get3A_228 = arith.constant 0 : index
      %get3A_229 = tpu.vector_load %arg6[%get3A_226, %get3A_227, %get3A_228] {strides = array<i32>} : memref<18x2x112xi32, #tpu.memory_space<vmem>>, vector<1x1x16xi32>,
      %get3A_230 = vector.shape_cast %get3A_229 : vector<1x1x16xi32> to vector<16xi32>
      %mul3A_231 = arith.constant 2 : i32
      %mul3A_232 = vector.broadcast %mul3A_231 : i32 to vector<16xi32>
      %mul3A_233 = arith.muli %get3A_230, %mul3A_232 : vector<16xi32>
      %add3A_234 = arith.addi %mul3A_233, %broadcast_in_dim3A_27 : vector<16xi32>
      %swap3A = arith.constant 0 : i32
      %swap3A_235 = arith.index_cast %add3A_225 : i32 to index
      %swap3A_236 = arith.index_cast %swap3A : i32 to index
      %swap3A_237 = arith.constant 0 : index
      %swap3A_238 = tpu.vector_load %arg6[%swap3A_235, %swap3A_236, %swap3A_237] {strides = array<i32>} : memref<18x2x112xi32, #tpu.memory_space<vmem>>, vector<1x1x16xi32>,
      %swap3A_239 = vector.shape_cast %swap3A_238 : vector<1x1x16xi32> to vector<16xi32>
      %swap3A_240 = vector.shape_cast %add3A_234 : vector<16xi32> to vector<1x1x16xi32>
      tpu.vector_store %arg6[%swap3A_235, %swap3A_236, %swap3A_237], %swap3A_240 {strides = array<i32>} : memref<18x2x112xi32, #tpu.memory_space<vmem>>, vector<1x1x16xi32>,
      %get3A_241 = arith.constant 0 : i32
      %get3A_242 = arith.index_cast %add3A_225 : i32 to index
      %get3A_243 = arith.index_cast %get3A_241 : i32 to index
      %get3A_244 = arith.constant 16 : index
      %get3A_245 = tpu.vector_load %arg6[%get3A_242, %get3A_243, %get3A_244] {strides = array<i32>} : memref<18x2x112xi32, #tpu.memory_space<vmem>>, vector<1x1x16xi32>,
      %get3A_246 = vector.shape_cast %get3A_245 : vector<1x1x16xi32> to vector<16xi32>
      %mul3A_247 = arith.constant 2 : i32
      %mul3A_248 = vector.broadcast %mul3A_247 : i32 to vector<16xi32>
      %mul3A_249 = arith.muli %get3A_246, %mul3A_248 : vector<16xi32>
      %add3A_250 = arith.addi %mul3A_249, %broadcast_in_dim3A_27 : vector<16xi32>
      %swap3A_251 = arith.constant 0 : i32
      %swap3A_252 = arith.index_cast %add3A_225 : i32 to index
      %swap3A_253 = arith.index_cast %swap3A_251 : i32 to index
      %swap3A_254 = arith.constant 16 : index
      %swap3A_255 = tpu.vector_load %arg6[%swap3A_252, %swap3A_253, %swap3A_254] {strides = array<i32>} : memref<18x2x112xi32, #tpu.memory_space<vmem>>, vector<1x1x16xi32>,
      %swap3A_256 = vector.shape_cast %swap3A_255 : vector<1x1x16xi32> to vector<16xi32>
      %swap3A_257 = vector.shape_cast %add3A_250 : vector<16xi32> to vector<1x1x16xi32>
      tpu.vector_store %arg6[%swap3A_252, %swap3A_253, %swap3A_254], %swap3A_257 {strides = array<i32>} : memref<18x2x112xi32, #tpu.memory_space<vmem>>, vector<1x1x16xi32>,
      %get3A_258 = arith.constant 0 : i32
      %get3A_259 = arith.index_cast %add3A_225 : i32 to index
      %get3A_260 = arith.index_cast %get3A_258 : i32 to index
      %get3A_261 = arith.constant 32 : index
      %get3A_262 = tpu.vector_load %arg6[%get3A_259, %get3A_260, %get3A_261] {strides = array<i32>} : memref<18x2x112xi32, #tpu.memory_space<vmem>>, vector<1x1x16xi32>,
      %get3A_263 = vector.shape_cast %get3A_262 : vector<1x1x16xi32> to vector<16xi32>
      %mul3A_264 = arith.constant 2 : i32
      %mul3A_265 = vector.broadcast %mul3A_264 : i32 to vector<16xi32>
      %mul3A_266 = arith.muli %get3A_263, %mul3A_265 : vector<16xi32>
      %add3A_267 = arith.addi %mul3A_266, %broadcast_in_dim3A_27 : vector<16xi32>
      %swap3A_268 = arith.constant 0 : i32
      %swap3A_269 = arith.index_cast %add3A_225 : i32 to index
      %swap3A_270 = arith.index_cast %swap3A_268 : i32 to index
      %swap3A_271 = arith.constant 32 : index
      %swap3A_272 = tpu.vector_load %arg6[%swap3A_269, %swap3A_270, %swap3A_271] {strides = array<i32>} : memref<18x2x112xi32, #tpu.memory_space<vmem>>, vector<1x1x16xi32>,
      %swap3A_273 = vector.shape_cast %swap3A_272 : vector<1x1x16xi32> to vector<16xi32>
      %swap3A_274 = vector.shape_cast %add3A_267 : vector<16xi32> to vector<1x1x16xi32>
      tpu.vector_store %arg6[%swap3A_269, %swap3A_270, %swap3A_271], %swap3A_274 {strides = array<i32>} : memref<18x2x112xi32, #tpu.memory_space<vmem>>, vector<1x1x16xi32>,
      %get3A_275 = arith.constant 0 : i32
      %get3A_276 = arith.index_cast %add3A_225 : i32 to index
      %get3A_277 = arith.index_cast %get3A_275 : i32 to index
      %get3A_278 = arith.constant 48 : index
      %get3A_279 = tpu.vector_load %arg6[%get3A_276, %get3A_277, %get3A_278] {strides = array<i32>} : memref<18x2x112xi32, #tpu.memory_space<vmem>>, vector<1x1x16xi32>,
      %get3A_280 = vector.shape_cast %get3A_279 : vector<1x1x16xi32> to vector<16xi32>
      %mul3A_281 = arith.constant 2 : i32
      %mul3A_282 = vector.broadcast %mul3A_281 : i32 to vector<16xi32>
      %mul3A_283 = arith.muli %get3A_280, %mul3A_282 : vector<16xi32>
      %add3A_284 = arith.addi %mul3A_283, %broadcast_in_dim3A_27 : vector<16xi32>
      %swap3A_285 = arith.constant 0 : i32
      %swap3A_286 = arith.index_cast %add3A_225 : i32 to index
      %swap3A_287 = arith.index_cast %swap3A_285 : i32 to index
      %swap3A_288 = arith.constant 48 : index
      %swap3A_289 = tpu.vector_load %arg6[%swap3A_286, %swap3A_287, %swap3A_288] {strides = array<i32>} : memref<18x2x112xi32, #tpu.memory_space<vmem>>, vector<1x1x16xi32>,
      %swap3A_290 = vector.shape_cast %swap3A_289 : vector<1x1x16xi32> to vector<16xi32>
      %swap3A_291 = vector.shape_cast %add3A_284 : vector<16xi32> to vector<1x1x16xi32>
      tpu.vector_store %arg6[%swap3A_286, %swap3A_287, %swap3A_288], %swap3A_291 {strides = array<i32>} : memref<18x2x112xi32, #tpu.memory_space<vmem>>, vector<1x1x16xi32>,
      %get3A_292 = arith.constant 0 : i32
      %get3A_293 = arith.index_cast %add3A_225 : i32 to index
      %get3A_294 = arith.index_cast %get3A_292 : i32 to index
      %get3A_295 = arith.constant 64 : index
      %get3A_296 = tpu.vector_load %arg6[%get3A_293, %get3A_294, %get3A_295] {strides = array<i32>} : memref<18x2x112xi32, #tpu.memory_space<vmem>>, vector<1x1x16xi32>,
      %get3A_297 = vector.shape_cast %get3A_296 : vector<1x1x16xi32> to vector<16xi32>
      %mul3A_298 = arith.constant 2 : i32
      %mul3A_299 = vector.broadcast %mul3A_298 : i32 to vector<16xi32>
      %mul3A_300 = arith.muli %get3A_297, %mul3A_299 : vector<16xi32>
      %add3A_301 = arith.addi %mul3A_300, %broadcast_in_dim3A_27 : vector<16xi32>
      %swap3A_302 = arith.constant 0 : i32
      %swap3A_303 = arith.index_cast %add3A_225 : i32 to index
      %swap3A_304 = arith.index_cast %swap3A_302 : i32 to index
      %swap3A_305 = arith.constant 64 : index
      %swap3A_306 = tpu.vector_load %arg6[%swap3A_303, %swap3A_304, %swap3A_305] {strides = array<i32>} : memref<18x2x112xi32, #tpu.memory_space<vmem>>, vector<1x1x16xi32>,
      %swap3A_307 = vector.shape_cast %swap3A_306 : vector<1x1x16xi32> to vector<16xi32>
      %swap3A_308 = vector.shape_cast %add3A_301 : vector<16xi32> to vector<1x1x16xi32>
      tpu.vector_store %arg6[%swap3A_303, %swap3A_304, %swap3A_305], %swap3A_308 {strides = array<i32>} : memref<18x2x112xi32, #tpu.memory_space<vmem>>, vector<1x1x16xi32>,
      %get3A_309 = arith.constant 0 : i32
      %get3A_310 = arith.index_cast %add3A_225 : i32 to index
      %get3A_311 = arith.index_cast %get3A_309 : i32 to index
      %get3A_312 = arith.constant 80 : index
      %get3A_313 = tpu.vector_load %arg6[%get3A_310, %get3A_311, %get3A_312] {strides = array<i32>} : memref<18x2x112xi32, #tpu.memory_space<vmem>>, vector<1x1x16xi32>,
      %get3A_314 = vector.shape_cast %get3A_313 : vector<1x1x16xi32> to vector<16xi32>
      %mul3A_315 = arith.constant 2 : i32
      %mul3A_316 = vector.broadcast %mul3A_315 : i32 to vector<16xi32>
      %mul3A_317 = arith.muli %get3A_314, %mul3A_316 : vector<16xi32>
      %add3A_318 = arith.addi %mul3A_317, %broadcast_in_dim3A_27 : vector<16xi32>
      %swap3A_319 = arith.constant 0 : i32
      %swap3A_320 = arith.index_cast %add3A_225 : i32 to index
      %swap3A_321 = arith.index_cast %swap3A_319 : i32 to index
      %swap3A_322 = arith.constant 80 : index
      %swap3A_323 = tpu.vector_load %arg6[%swap3A_320, %swap3A_321, %swap3A_322] {strides = array<i32>} : memref<18x2x112xi32, #tpu.memory_space<vmem>>, vector<1x1x16xi32>,
      %swap3A_324 = vector.shape_cast %swap3A_323 : vector<1x1x16xi32> to vector<16xi32>
      %swap3A_325 = vector.shape_cast %add3A_318 : vector<16xi32> to vector<1x1x16xi32>
      tpu.vector_store %arg6[%swap3A_320, %swap3A_321, %swap3A_322], %swap3A_325 {strides = array<i32>} : memref<18x2x112xi32, #tpu.memory_space<vmem>>, vector<1x1x16xi32>,
      %get3A_326 = arith.constant 0 : i32
      %get3A_327 = arith.index_cast %add3A_225 : i32 to index
      %get3A_328 = arith.index_cast %get3A_326 : i32 to index
      %get3A_329 = arith.constant 96 : index
      %get3A_330 = tpu.vector_load %arg6[%get3A_327, %get3A_328, %get3A_329] {strides = array<i32>} : memref<18x2x112xi32, #tpu.memory_space<vmem>>, vector<1x1x16xi32>,
      %get3A_331 = vector.shape_cast %get3A_330 : vector<1x1x16xi32> to vector<16xi32>
      %mul3A_332 = arith.constant 2 : i32
      %mul3A_333 = vector.broadcast %mul3A_332 : i32 to vector<16xi32>
      %mul3A_334 = arith.muli %get3A_331, %mul3A_333 : vector<16xi32>
      %add3A_335 = arith.addi %mul3A_334, %broadcast_in_dim3A_27 : vector<16xi32>
      %swap3A_336 = arith.constant 0 : i32
      %swap3A_337 = arith.index_cast %add3A_225 : i32 to index
      %swap3A_338 = arith.index_cast %swap3A_336 : i32 to index
      %swap3A_339 = arith.constant 96 : index
      %swap3A_340 = tpu.vector_load %arg6[%swap3A_337, %swap3A_338, %swap3A_339] {strides = array<i32>} : memref<18x2x112xi32, #tpu.memory_space<vmem>>, vector<1x1x16xi32>,
      %swap3A_341 = vector.shape_cast %swap3A_340 : vector<1x1x16xi32> to vector<16xi32>
      %swap3A_342 = vector.shape_cast %add3A_335 : vector<16xi32> to vector<1x1x16xi32>
      tpu.vector_store %arg6[%swap3A_337, %swap3A_338, %swap3A_339], %swap3A_342 {strides = array<i32>} : memref<18x2x112xi32, #tpu.memory_space<vmem>>, vector<1x1x16xi32>,
    }
    %scan3A_36 = arith.constant 18 : i32
    %dma_start3A = arith.constant 0 : i32
    %dma_start3A_37 = arith.constant 0 : i32
    %dma_start3A_38 = arith.constant 0 : i32
    %dma_start3A_39 = tpu.memref_slice %arg6[%dma_start3A, %dma_start3A_37, %dma_start3A_38] : memref<18x2x112xi32, #tpu.memory_space<vmem>> -> memref<1x1x112xi32, #tpu.memory_space<vmem>>
    %dma_start3A_40 = tpu.memref_squeeze %dma_start3A_39 : memref<1x1x112xi32, #tpu.memory_space<vmem>> -> memref<112xi32, #tpu.memory_space<vmem>>
    %dma_start3A_41 = arith.constant 0 : i32
    %dma_start3A_42 = arith.constant 0 : i32
    %dma_start3A_43 = tpu.memref_slice %arg2[%dma_start3A_41, %dma_start3A_42] : memref<20000x128xf32, #tpu.memory_space<hbm>> -> memref<20000x128xf32, #tpu.memory_space<hbm>>
    tpu.enqueue_indirect_dma source(%dma_start3A_43 : memref<20000x128xf32, #tpu.memory_space<hbm>>) target(%arg7 : memref<112x128xf32, #tpu.memory_space<vmem>>) offsets(%dma_start3A_40 : memref<112xi32, #tpu.memory_space<vmem>>) semaphore(%arg10 : memref<!tpu.dma_semaphore, #tpu.memory_space<semaphore_mem>>)
    %dma_start3A_44 = arith.constant 1 : i32
    %dma_start3A_45 = arith.constant 0 : i32
    %dma_start3A_46 = arith.constant 0 : i32
    %dma_start3A_47 = tpu.memref_slice %arg6[%dma_start3A_44, %dma_start3A_45, %dma_start3A_46] : memref<18x2x112xi32, #tpu.memory_space<vmem>> -> memref<1x1x112xi32, #tpu.memory_space<vmem>>
    %dma_start3A_48 = tpu.memref_squeeze %dma_start3A_47 : memref<1x1x112xi32, #tpu.memory_space<vmem>> -> memref<112xi32, #tpu.memory_space<vmem>>
    %dma_start3A_49 = arith.constant 0 : i32
    %dma_start3A_50 = arith.constant 0 : i32
    %dma_start3A_51 = tpu.memref_slice %arg2[%dma_start3A_49, %dma_start3A_50] : memref<20000x128xf32, #tpu.memory_space<hbm>> -> memref<20000x128xf32, #tpu.memory_space<hbm>>
    tpu.enqueue_indirect_dma source(%dma_start3A_51 : memref<20000x128xf32, #tpu.memory_space<hbm>>) target(%arg8 : memref<112x128xf32, #tpu.memory_space<vmem>>) offsets(%dma_start3A_48 : memref<112xi32, #tpu.memory_space<vmem>>) semaphore(%arg11 : memref<!tpu.dma_semaphore, #tpu.memory_space<semaphore_mem>>)
    %scan3A_52 = arith.constant 0 : i32
    %scan3A_53 = arith.constant 6 : i32
    %scan3A_54 = arith.addi %scan3A_52, %scan3A_53 : i32
    %scan3A_55 = arith.constant 1 : i32
    scf.for %scan3A_221 = %scan3A_52 to %scan3A_54 step %scan3A_55  : i32 {
      %mul3A_222 = arith.constant 3 : i32
      %mul3A_223 = arith.muli %scan3A_221, %mul3A_222 : i32
      %add3A_224 = arith.constant 0 : i32
      %add3A_225 = arith.addi %add3A_224, %mul3A_223 : i32
      %add3A_226 = arith.constant 0 : i32
      %add3A_227 = arith.addi %add3A_225, %add3A_226 : i32
      %dma_wait3A_228 = arith.constant 0 : i32
      %dma_wait3A_229 = arith.constant 0 : i32
      %dma_wait3A_230 = tpu.memref_slice %arg6[%add3A_227, %dma_wait3A_228, %dma_wait3A_229] : memref<18x2x112xi32, #tpu.memory_space<vmem>> -> memref<1x1x112xi32, #tpu.memory_space<vmem>>
      %dma_wait3A_231 = tpu.memref_squeeze %dma_wait3A_230 : memref<1x1x112xi32, #tpu.memory_space<vmem>> -> memref<112xi32, #tpu.memory_space<vmem>>
      %dma_wait3A_232 = arith.constant 0 : i32
      %dma_wait3A_233 = arith.constant 0 : i32
      %dma_wait3A_234 = tpu.memref_slice %arg2[%dma_wait3A_232, %dma_wait3A_233] : memref<20000x128xf32, #tpu.memory_space<hbm>> -> memref<20000x128xf32, #tpu.memory_space<hbm>>
      tpu.wait_indirect_dma semaphore(%arg10 : memref<!tpu.dma_semaphore, #tpu.memory_space<semaphore_mem>>) src(%dma_wait3A_234 : memref<20000x128xf32, #tpu.memory_space<hbm>>) dst(%arg7 : memref<112x128xf32, #tpu.memory_space<vmem>>)
      %dma_start3A_235 = arith.constant 1 : i32
      %dma_start3A_236 = arith.constant 0 : i32
      %dma_start3A_237 = tpu.memref_slice %arg6[%add3A_227, %dma_start3A_235, %dma_start3A_236] : memref<18x2x112xi32, #tpu.memory_space<vmem>> -> memref<1x1x112xi32, #tpu.memory_space<vmem>>
      %dma_start3A_238 = tpu.memref_squeeze %dma_start3A_237 : memref<1x1x112xi32, #tpu.memory_space<vmem>> -> memref<112xi32, #tpu.memory_space<vmem>>
      %dma_start3A_239 = arith.constant 0 : i32
      %dma_start3A_240 = arith.constant 0 : i32
      %dma_start3A_241 = tpu.memref_slice %arg5[%dma_start3A_239, %dma_start3A_240] : memref<10112x128xf32, #tpu.memory_space<vmem_shared>> -> memref<10112x128xf32, #tpu.memory_space<vmem_shared>>
      tpu.enqueue_indirect_dma source(%arg7 : memref<112x128xf32, #tpu.memory_space<vmem>>) target(%dma_start3A_241 : memref<10112x128xf32, #tpu.memory_space<vmem_shared>>) offsets(%dma_start3A_238 : memref<112xi32, #tpu.memory_space<vmem>>) semaphore(%arg13 : memref<!tpu.dma_semaphore, #tpu.memory_space<semaphore_mem>>) {add = true}
      %ge3A = arith.constant 1 : i32
      %ge3A_242 = arith.cmpi sge, %add3A_227, %ge3A : i32
      %convert_element_type3A = arith.extui %ge3A_242 : i1 to i32
      %cond3A = arith.constant 0 : i32
      %cond3A_243 = arith.cmpi ne, %convert_element_type3A, %cond3A : i32
      scf.if %cond3A_243 {
        %sub3A = arith.constant 1 : i32
        %sub3A_306 = arith.subi %add3A_227, %sub3A : i32
        %dma_wait3A_307 = arith.constant 1 : i32
        %dma_wait3A_308 = arith.constant 0 : i32
        %dma_wait3A_309 = tpu.memref_slice %arg6[%sub3A_306, %dma_wait3A_307, %dma_wait3A_308] : memref<18x2x112xi32, #tpu.memory_space<vmem>> -> memref<1x1x112xi32, #tpu.memory_space<vmem>>
        %dma_wait3A_310 = tpu.memref_squeeze %dma_wait3A_309 : memref<1x1x112xi32, #tpu.memory_space<vmem>> -> memref<112xi32, #tpu.memory_space<vmem>>
        %dma_wait3A_311 = arith.constant 0 : i32
        %dma_wait3A_312 = arith.constant 0 : i32
        %dma_wait3A_313 = tpu.memref_slice %arg5[%dma_wait3A_311, %dma_wait3A_312] : memref<10112x128xf32, #tpu.memory_space<vmem_shared>> -> memref<10112x128xf32, #tpu.memory_space<vmem_shared>>
        tpu.wait_indirect_dma semaphore(%arg15 : memref<!tpu.dma_semaphore, #tpu.memory_space<semaphore_mem>>) src(%arg9 : memref<112x128xf32, #tpu.memory_space<vmem>>) dst(%dma_wait3A_313 : memref<10112x128xf32, #tpu.memory_space<vmem_shared>>)
      } else {
      }
      %add3A_244 = arith.constant 2 : i32
      %add3A_245 = arith.addi %add3A_227, %add3A_244 : i32
      %lt3A = arith.constant 18 : i32
      %lt3A_246 = arith.cmpi slt, %add3A_245, %lt3A : i32
      %convert_element_type3A_247 = arith.extui %lt3A_246 : i1 to i32
      %cond3A_248 = arith.constant 0 : i32
      %cond3A_249 = arith.cmpi ne, %convert_element_type3A_247, %cond3A_248 : i32
      scf.if %cond3A_249 {
        %add3A_306 = arith.constant 2 : i32
        %add3A_307 = arith.addi %add3A_227, %add3A_306 : i32
        %dma_start3A_308 = arith.constant 0 : i32
        %dma_start3A_309 = arith.constant 0 : i32
        %dma_start3A_310 = tpu.memref_slice %arg6[%add3A_307, %dma_start3A_308, %dma_start3A_309] : memref<18x2x112xi32, #tpu.memory_space<vmem>> -> memref<1x1x112xi32, #tpu.memory_space<vmem>>
        %dma_start3A_311 = tpu.memref_squeeze %dma_start3A_310 : memref<1x1x112xi32, #tpu.memory_space<vmem>> -> memref<112xi32, #tpu.memory_space<vmem>>
        %dma_start3A_312 = arith.constant 0 : i32
        %dma_start3A_313 = arith.constant 0 : i32
        %dma_start3A_314 = tpu.memref_slice %arg2[%dma_start3A_312, %dma_start3A_313] : memref<20000x128xf32, #tpu.memory_space<hbm>> -> memref<20000x128xf32, #tpu.memory_space<hbm>>
        tpu.enqueue_indirect_dma source(%dma_start3A_314 : memref<20000x128xf32, #tpu.memory_space<hbm>>) target(%arg9 : memref<112x128xf32, #tpu.memory_space<vmem>>) offsets(%dma_start3A_311 : memref<112xi32, #tpu.memory_space<vmem>>) semaphore(%arg12 : memref<!tpu.dma_semaphore, #tpu.memory_space<semaphore_mem>>)
      } else {
      }
      %add3A_250 = arith.constant 1 : i32
      %add3A_251 = arith.addi %add3A_225, %add3A_250 : i32
      %dma_wait3A_252 = arith.constant 0 : i32
      %dma_wait3A_253 = arith.constant 0 : i32
      %dma_wait3A_254 = tpu.memref_slice %arg6[%add3A_251, %dma_wait3A_252, %dma_wait3A_253] : memref<18x2x112xi32, #tpu.memory_space<vmem>> -> memref<1x1x112xi32, #tpu.memory_space<vmem>>
      %dma_wait3A_255 = tpu.memref_squeeze %dma_wait3A_254 : memref<1x1x112xi32, #tpu.memory_space<vmem>> -> memref<112xi32, #tpu.memory_space<vmem>>
      %dma_wait3A_256 = arith.constant 0 : i32
      %dma_wait3A_257 = arith.constant 0 : i32
      %dma_wait3A_258 = tpu.memref_slice %arg2[%dma_wait3A_256, %dma_wait3A_257] : memref<20000x128xf32, #tpu.memory_space<hbm>> -> memref<20000x128xf32, #tpu.memory_space<hbm>>
      tpu.wait_indirect_dma semaphore(%arg11 : memref<!tpu.dma_semaphore, #tpu.memory_space<semaphore_mem>>) src(%dma_wait3A_258 : memref<20000x128xf32, #tpu.memory_space<hbm>>) dst(%arg8 : memref<112x128xf32, #tpu.memory_space<vmem>>)
      %dma_start3A_259 = arith.constant 1 : i32
      %dma_start3A_260 = arith.constant 0 : i32
      %dma_start3A_261 = tpu.memref_slice %arg6[%add3A_251, %dma_start3A_259, %dma_start3A_260] : memref<18x2x112xi32, #tpu.memory_space<vmem>> -> memref<1x1x112xi32, #tpu.memory_space<vmem>>
      %dma_start3A_262 = tpu.memref_squeeze %dma_start3A_261 : memref<1x1x112xi32, #tpu.memory_space<vmem>> -> memref<112xi32, #tpu.memory_space<vmem>>
      %dma_start3A_263 = arith.constant 0 : i32
      %dma_start3A_264 = arith.constant 0 : i32
      %dma_start3A_265 = tpu.memref_slice %arg5[%dma_start3A_263, %dma_start3A_264] : memref<10112x128xf32, #tpu.memory_space<vmem_shared>> -> memref<10112x128xf32, #tpu.memory_space<vmem_shared>>
      tpu.enqueue_indirect_dma source(%arg8 : memref<112x128xf32, #tpu.memory_space<vmem>>) target(%dma_start3A_265 : memref<10112x128xf32, #tpu.memory_space<vmem_shared>>) offsets(%dma_start3A_262 : memref<112xi32, #tpu.memory_space<vmem>>) semaphore(%arg14 : memref<!tpu.dma_semaphore, #tpu.memory_space<semaphore_mem>>) {add = true}
      %ge3A_266 = arith.constant 1 : i32
      %ge3A_267 = arith.cmpi sge, %add3A_251, %ge3A_266 : i32
      %convert_element_type3A_268 = arith.extui %ge3A_267 : i1 to i32
      %cond3A_269 = arith.constant 0 : i32
      %cond3A_270 = arith.cmpi ne, %convert_element_type3A_268, %cond3A_269 : i32
      scf.if %cond3A_270 {
        %sub3A = arith.constant 1 : i32
        %sub3A_306 = arith.subi %add3A_251, %sub3A : i32
        %dma_wait3A_307 = arith.constant 1 : i32
        %dma_wait3A_308 = arith.constant 0 : i32
        %dma_wait3A_309 = tpu.memref_slice %arg6[%sub3A_306, %dma_wait3A_307, %dma_wait3A_308] : memref<18x2x112xi32, #tpu.memory_space<vmem>> -> memref<1x1x112xi32, #tpu.memory_space<vmem>>
        %dma_wait3A_310 = tpu.memref_squeeze %dma_wait3A_309 : memref<1x1x112xi32, #tpu.memory_space<vmem>> -> memref<112xi32, #tpu.memory_space<vmem>>
        %dma_wait3A_311 = arith.constant 0 : i32
        %dma_wait3A_312 = arith.constant 0 : i32
        %dma_wait3A_313 = tpu.memref_slice %arg5[%dma_wait3A_311, %dma_wait3A_312] : memref<10112x128xf32, #tpu.memory_space<vmem_shared>> -> memref<10112x128xf32, #tpu.memory_space<vmem_shared>>
        tpu.wait_indirect_dma semaphore(%arg13 : memref<!tpu.dma_semaphore, #tpu.memory_space<semaphore_mem>>) src(%arg7 : memref<112x128xf32, #tpu.memory_space<vmem>>) dst(%dma_wait3A_313 : memref<10112x128xf32, #tpu.memory_space<vmem_shared>>)
      } else {
      }
      %add3A_271 = arith.constant 2 : i32
      %add3A_272 = arith.addi %add3A_251, %add3A_271 : i32
      %lt3A_273 = arith.constant 18 : i32
      %lt3A_274 = arith.cmpi slt, %add3A_272, %lt3A_273 : i32
      %convert_element_type3A_275 = arith.extui %lt3A_274 : i1 to i32
      %cond3A_276 = arith.constant 0 : i32
      %cond3A_277 = arith.cmpi ne, %convert_element_type3A_275, %cond3A_276 : i32
      scf.if %cond3A_277 {
        %add3A_306 = arith.constant 2 : i32
        %add3A_307 = arith.addi %add3A_251, %add3A_306 : i32
        %dma_start3A_308 = arith.constant 0 : i32
        %dma_start3A_309 = arith.constant 0 : i32
        %dma_start3A_310 = tpu.memref_slice %arg6[%add3A_307, %dma_start3A_308, %dma_start3A_309] : memref<18x2x112xi32, #tpu.memory_space<vmem>> -> memref<1x1x112xi32, #tpu.memory_space<vmem>>
        %dma_start3A_311 = tpu.memref_squeeze %dma_start3A_310 : memref<1x1x112xi32, #tpu.memory_space<vmem>> -> memref<112xi32, #tpu.memory_space<vmem>>
        %dma_start3A_312 = arith.constant 0 : i32
        %dma_start3A_313 = arith.constant 0 : i32
        %dma_start3A_314 = tpu.memref_slice %arg2[%dma_start3A_312, %dma_start3A_313] : memref<20000x128xf32, #tpu.memory_space<hbm>> -> memref<20000x128xf32, #tpu.memory_space<hbm>>
        tpu.enqueue_indirect_dma source(%dma_start3A_314 : memref<20000x128xf32, #tpu.memory_space<hbm>>) target(%arg7 : memref<112x128xf32, #tpu.memory_space<vmem>>) offsets(%dma_start3A_311 : memref<112xi32, #tpu.memory_space<vmem>>) semaphore(%arg10 : memref<!tpu.dma_semaphore, #tpu.memory_space<semaphore_mem>>)
      } else {
      }
      %add3A_278 = arith.constant 2 : i32
      %add3A_279 = arith.addi %add3A_225, %add3A_278 : i32
      %dma_wait3A_280 = arith.constant 0 : i32
      %dma_wait3A_281 = arith.constant 0 : i32
      %dma_wait3A_282 = tpu.memref_slice %arg6[%add3A_279, %dma_wait3A_280, %dma_wait3A_281] : memref<18x2x112xi32, #tpu.memory_space<vmem>> -> memref<1x1x112xi32, #tpu.memory_space<vmem>>
      %dma_wait3A_283 = tpu.memref_squeeze %dma_wait3A_282 : memref<1x1x112xi32, #tpu.memory_space<vmem>> -> memref<112xi32, #tpu.memory_space<vmem>>
      %dma_wait3A_284 = arith.constant 0 : i32
      %dma_wait3A_285 = arith.constant 0 : i32
      %dma_wait3A_286 = tpu.memref_slice %arg2[%dma_wait3A_284, %dma_wait3A_285] : memref<20000x128xf32, #tpu.memory_space<hbm>> -> memref<20000x128xf32, #tpu.memory_space<hbm>>
      tpu.wait_indirect_dma semaphore(%arg12 : memref<!tpu.dma_semaphore, #tpu.memory_space<semaphore_mem>>) src(%dma_wait3A_286 : memref<20000x128xf32, #tpu.memory_space<hbm>>) dst(%arg9 : memref<112x128xf32, #tpu.memory_space<vmem>>)
      %dma_start3A_287 = arith.constant 1 : i32
      %dma_start3A_288 = arith.constant 0 : i32
      %dma_start3A_289 = tpu.memref_slice %arg6[%add3A_279, %dma_start3A_287, %dma_start3A_288] : memref<18x2x112xi32, #tpu.memory_space<vmem>> -> memref<1x1x112xi32, #tpu.memory_space<vmem>>
      %dma_start3A_290 = tpu.memref_squeeze %dma_start3A_289 : memref<1x1x112xi32, #tpu.memory_space<vmem>> -> memref<112xi32, #tpu.memory_space<vmem>>
      %dma_start3A_291 = arith.constant 0 : i32
      %dma_start3A_292 = arith.constant 0 : i32
      %dma_start3A_293 = tpu.memref_slice %arg5[%dma_start3A_291, %dma_start3A_292] : memref<10112x128xf32, #tpu.memory_space<vmem_shared>> -> memref<10112x128xf32, #tpu.memory_space<vmem_shared>>
      tpu.enqueue_indirect_dma source(%arg9 : memref<112x128xf32, #tpu.memory_space<vmem>>) target(%dma_start3A_293 : memref<10112x128xf32, #tpu.memory_space<vmem_shared>>) offsets(%dma_start3A_290 : memref<112xi32, #tpu.memory_space<vmem>>) semaphore(%arg15 : memref<!tpu.dma_semaphore, #tpu.memory_space<semaphore_mem>>) {add = true}
      %ge3A_294 = arith.constant 1 : i32
      %ge3A_295 = arith.cmpi sge, %add3A_279, %ge3A_294 : i32
      %convert_element_type3A_296 = arith.extui %ge3A_295 : i1 to i32
      %cond3A_297 = arith.constant 0 : i32
      %cond3A_298 = arith.cmpi ne, %convert_element_type3A_296, %cond3A_297 : i32
      scf.if %cond3A_298 {
        %sub3A = arith.constant 1 : i32
        %sub3A_306 = arith.subi %add3A_279, %sub3A : i32
        %dma_wait3A_307 = arith.constant 1 : i32
        %dma_wait3A_308 = arith.constant 0 : i32
        %dma_wait3A_309 = tpu.memref_slice %arg6[%sub3A_306, %dma_wait3A_307, %dma_wait3A_308] : memref<18x2x112xi32, #tpu.memory_space<vmem>> -> memref<1x1x112xi32, #tpu.memory_space<vmem>>
        %dma_wait3A_310 = tpu.memref_squeeze %dma_wait3A_309 : memref<1x1x112xi32, #tpu.memory_space<vmem>> -> memref<112xi32, #tpu.memory_space<vmem>>
        %dma_wait3A_311 = arith.constant 0 : i32
        %dma_wait3A_312 = arith.constant 0 : i32
        %dma_wait3A_313 = tpu.memref_slice %arg5[%dma_wait3A_311, %dma_wait3A_312] : memref<10112x128xf32, #tpu.memory_space<vmem_shared>> -> memref<10112x128xf32, #tpu.memory_space<vmem_shared>>
        tpu.wait_indirect_dma semaphore(%arg14 : memref<!tpu.dma_semaphore, #tpu.memory_space<semaphore_mem>>) src(%arg8 : memref<112x128xf32, #tpu.memory_space<vmem>>) dst(%dma_wait3A_313 : memref<10112x128xf32, #tpu.memory_space<vmem_shared>>)
      } else {
      }
      %add3A_299 = arith.constant 2 : i32
      %add3A_300 = arith.addi %add3A_279, %add3A_299 : i32
      %lt3A_301 = arith.constant 18 : i32
      %lt3A_302 = arith.cmpi slt, %add3A_300, %lt3A_301 : i32
      %convert_element_type3A_303 = arith.extui %lt3A_302 : i1 to i32
      %cond3A_304 = arith.constant 0 : i32
      %cond3A_305 = arith.cmpi ne, %convert_element_type3A_303, %cond3A_304 : i32
      scf.if %cond3A_305 {
        %add3A_306 = arith.constant 2 : i32
        %add3A_307 = arith.addi %add3A_279, %add3A_306 : i32
        %dma_start3A_308 = arith.constant 0 : i32
        %dma_start3A_309 = arith.constant 0 : i32
        %dma_start3A_310 = tpu.memref_slice %arg6[%add3A_307, %dma_start3A_308, %dma_start3A_309] : memref<18x2x112xi32, #tpu.memory_space<vmem>> -> memref<1x1x112xi32, #tpu.memory_space<vmem>>
        %dma_start3A_311 = tpu.memref_squeeze %dma_start3A_310 : memref<1x1x112xi32, #tpu.memory_space<vmem>> -> memref<112xi32, #tpu.memory_space<vmem>>
        %dma_start3A_312 = arith.constant 0 : i32
        %dma_start3A_313 = arith.constant 0 : i32
        %dma_start3A_314 = tpu.memref_slice %arg2[%dma_start3A_312, %dma_start3A_313] : memref<20000x128xf32, #tpu.memory_space<hbm>> -> memref<20000x128xf32, #tpu.memory_space<hbm>>
        tpu.enqueue_indirect_dma source(%dma_start3A_314 : memref<20000x128xf32, #tpu.memory_space<hbm>>) target(%arg8 : memref<112x128xf32, #tpu.memory_space<vmem>>) offsets(%dma_start3A_311 : memref<112xi32, #tpu.memory_space<vmem>>) semaphore(%arg11 : memref<!tpu.dma_semaphore, #tpu.memory_space<semaphore_mem>>)
      } else {
      }
    }
    %scan3A_56 = arith.constant 6 : i32
    %dma_wait3A = arith.constant 17 : i32
    %dma_wait3A_57 = arith.constant 1 : i32
    %dma_wait3A_58 = arith.constant 0 : i32
    %dma_wait3A_59 = tpu.memref_slice %arg6[%dma_wait3A, %dma_wait3A_57, %dma_wait3A_58] : memref<18x2x112xi32, #tpu.memory_space<vmem>> -> memref<1x1x112xi32, #tpu.memory_space<vmem>>
    %dma_wait3A_60 = tpu.memref_squeeze %dma_wait3A_59 : memref<1x1x112xi32, #tpu.memory_space<vmem>> -> memref<112xi32, #tpu.memory_space<vmem>>
    %dma_wait3A_61 = arith.constant 0 : i32
    %dma_wait3A_62 = arith.constant 0 : i32
    %dma_wait3A_63 = tpu.memref_slice %arg5[%dma_wait3A_61, %dma_wait3A_62] : memref<10112x128xf32, #tpu.memory_space<vmem_shared>> -> memref<10112x128xf32, #tpu.memory_space<vmem_shared>>
    tpu.wait_indirect_dma semaphore(%arg15 : memref<!tpu.dma_semaphore, #tpu.memory_space<semaphore_mem>>) src(%arg9 : memref<112x128xf32, #tpu.memory_space<vmem>>) dst(%dma_wait3A_63 : memref<10112x128xf32, #tpu.memory_space<vmem_shared>>)
    %mul3A_64 = arith.constant 90 : i32
    %mul3A_65 = arith.muli %arg1, %mul3A_64 : i32
    %add3A_66 = arith.constant 18 : i32
    %add3A_67 = arith.addi %mul3A_65, %add3A_66 : i32
    "tpu.region"() ({
      %run_scoped3A = tpu.sem_alloc : memref<!tpu.dma_semaphore, #tpu.memory_space<semaphore_mem>>
      %dma_start3A_221 = arith.constant 0 : i32
      %dma_start3A_222 = arith.constant 0 : i32
      %dma_start3A_223 = tpu.memref_slice %arg3[%add3A_67, %dma_start3A_221, %dma_start3A_222] : memref<1440x2x112xi32, #tpu.memory_space<hbm>> -> memref<18x2x112xi32, #tpu.memory_space<hbm>>
      %dma_start3A_224 = arith.constant 0 : i32
      %dma_start3A_225 = arith.constant 0 : i32
      %dma_start3A_226 = tpu.memref_slice %arg3[%add3A_67, %dma_start3A_224, %dma_start3A_225] : memref<1440x2x112xi32, #tpu.memory_space<hbm>> -> memref<18x2x112xi32, #tpu.memory_space<hbm>>
      tpu.enqueue_dma source(%dma_start3A_226 : memref<18x2x112xi32, #tpu.memory_space<hbm>>) target(%arg6 : memref<18x2x112xi32, #tpu.memory_space<vmem>>) target_semaphore(%run_scoped3A : memref<!tpu.dma_semaphore, #tpu.memory_space<semaphore_mem>>)
      %dma_wait3A_227 = arith.constant 0 : i32
      %dma_wait3A_228 = arith.constant 0 : i32
      %dma_wait3A_229 = tpu.memref_slice %arg3[%add3A_67, %dma_wait3A_227, %dma_wait3A_228] : memref<1440x2x112xi32, #tpu.memory_space<hbm>> -> memref<18x2x112xi32, #tpu.memory_space<hbm>>
      %dma_wait3A_230 = arith.constant 0 : i32
      %dma_wait3A_231 = arith.constant 0 : i32
      %dma_wait3A_232 = tpu.memref_slice %arg3[%add3A_67, %dma_wait3A_230, %dma_wait3A_231] : memref<1440x2x112xi32, #tpu.memory_space<hbm>> -> memref<18x2x112xi32, #tpu.memory_space<hbm>>
      tpu.wait_dma2 semaphore(%run_scoped3A : memref<!tpu.dma_semaphore, #tpu.memory_space<semaphore_mem>>) src(%dma_wait3A_232 : memref<18x2x112xi32, #tpu.memory_space<hbm>>) dst(%arg6 : memref<18x2x112xi32, #tpu.memory_space<vmem>>)
      tpu.yield
    }) : () -> ()
    %scan3A_68 = arith.constant 0 : i32
    %scan3A_69 = arith.constant 18 : i32
    %scan3A_70 = arith.addi %scan3A_68, %scan3A_69 : i32
    %scan3A_71 = arith.constant 1 : i32
    scf.for %scan3A_221 = %scan3A_68 to %scan3A_70 step %scan3A_71  : i32 {
      %mul3A_222 = arith.constant 1 : i32
      %mul3A_223 = arith.muli %scan3A_221, %mul3A_222 : i32
      %add3A_224 = arith.constant 0 : i32
      %add3A_225 = arith.addi %add3A_224, %mul3A_223 : i32
      %get3A = arith.constant 0 : i32
      %get3A_226 = arith.index_cast %add3A_225 : i32 to index
      %get3A_227 = arith.index_cast %get3A : i32 to index
      %get3A_228 = arith.constant 0 : index
      %get3A_229 = tpu.vector_load %arg6[%get3A_226, %get3A_227, %get3A_228] {strides = array<i32>} : memref<18x2x112xi32, #tpu.memory_space<vmem>>, vector<1x1x16xi32>,
      %get3A_230 = vector.shape_cast %get3A_229 : vector<1x1x16xi32> to vector<16xi32>
      %mul3A_231 = arith.constant 2 : i32
      %mul3A_232 = vector.broadcast %mul3A_231 : i32 to vector<16xi32>
      %mul3A_233 = arith.muli %get3A_230, %mul3A_232 : vector<16xi32>
      %add3A_234 = arith.addi %mul3A_233, %broadcast_in_dim3A_27 : vector<16xi32>
      %swap3A = arith.constant 0 : i32
      %swap3A_235 = arith.index_cast %add3A_225 : i32 to index
      %swap3A_236 = arith.index_cast %swap3A : i32 to index
      %swap3A_237 = arith.constant 0 : index
      %swap3A_238 = tpu.vector_load %arg6[%swap3A_235, %swap3A_236, %swap3A_237] {strides = array<i32>} : memref<18x2x112xi32, #tpu.memory_space<vmem>>, vector<1x1x16xi32>,
      %swap3A_239 = vector.shape_cast %swap3A_238 : vector<1x1x16xi32> to vector<16xi32>
      %swap3A_240 = vector.shape_cast %add3A_234 : vector<16xi32> to vector<1x1x16xi32>
      tpu.vector_store %arg6[%swap3A_235, %swap3A_236, %swap3A_237], %swap3A_240 {strides = array<i32>} : memref<18x2x112xi32, #tpu.memory_space<vmem>>, vector<1x1x16xi32>,
      %get3A_241 = arith.constant 0 : i32
      %get3A_242 = arith.index_cast %add3A_225 : i32 to index
      %get3A_243 = arith.index_cast %get3A_241 : i32 to index
      %get3A_244 = arith.constant 16 : index
      %get3A_245 = tpu.vector_load %arg6[%get3A_242, %get3A_243, %get3A_244] {strides = array<i32>} : memref<18x2x112xi32, #tpu.memory_space<vmem>>, vector<1x1x16xi32>,
      %get3A_246 = vector.shape_cast %get3A_245 : vector<1x1x16xi32> to vector<16xi32>
      %mul3A_247 = arith.constant 2 : i32
      %mul3A_248 = vector.broadcast %mul3A_247 : i32 to vector<16xi32>
      %mul3A_249 = arith.muli %get3A_246, %mul3A_248 : vector<16xi32>
      %add3A_250 = arith.addi %mul3A_249, %broadcast_in_dim3A_27 : vector<16xi32>
      %swap3A_251 = arith.constant 0 : i32
      %swap3A_252 = arith.index_cast %add3A_225 : i32 to index
      %swap3A_253 = arith.index_cast %swap3A_251 : i32 to index
      %swap3A_254 = arith.constant 16 : index
      %swap3A_255 = tpu.vector_load %arg6[%swap3A_252, %swap3A_253, %swap3A_254] {strides = array<i32>} : memref<18x2x112xi32, #tpu.memory_space<vmem>>, vector<1x1x16xi32>,
      %swap3A_256 = vector.shape_cast %swap3A_255 : vector<1x1x16xi32> to vector<16xi32>
      %swap3A_257 = vector.shape_cast %add3A_250 : vector<16xi32> to vector<1x1x16xi32>
      tpu.vector_store %arg6[%swap3A_252, %swap3A_253, %swap3A_254], %swap3A_257 {strides = array<i32>} : memref<18x2x112xi32, #tpu.memory_space<vmem>>, vector<1x1x16xi32>,
      %get3A_258 = arith.constant 0 : i32
      %get3A_259 = arith.index_cast %add3A_225 : i32 to index
      %get3A_260 = arith.index_cast %get3A_258 : i32 to index
      %get3A_261 = arith.constant 32 : index
      %get3A_262 = tpu.vector_load %arg6[%get3A_259, %get3A_260, %get3A_261] {strides = array<i32>} : memref<18x2x112xi32, #tpu.memory_space<vmem>>, vector<1x1x16xi32>,
      %get3A_263 = vector.shape_cast %get3A_262 : vector<1x1x16xi32> to vector<16xi32>
      %mul3A_264 = arith.constant 2 : i32
      %mul3A_265 = vector.broadcast %mul3A_264 : i32 to vector<16xi32>
      %mul3A_266 = arith.muli %get3A_263, %mul3A_265 : vector<16xi32>
      %add3A_267 = arith.addi %mul3A_266, %broadcast_in_dim3A_27 : vector<16xi32>
      %swap3A_268 = arith.constant 0 : i32
      %swap3A_269 = arith.index_cast %add3A_225 : i32 to index
      %swap3A_270 = arith.index_cast %swap3A_268 : i32 to index
      %swap3A_271 = arith.constant 32 : index
      %swap3A_272 = tpu.vector_load %arg6[%swap3A_269, %swap3A_270, %swap3A_271] {strides = array<i32>} : memref<18x2x112xi32, #tpu.memory_space<vmem>>, vector<1x1x16xi32>,
      %swap3A_273 = vector.shape_cast %swap3A_272 : vector<1x1x16xi32> to vector<16xi32>
      %swap3A_274 = vector.shape_cast %add3A_267 : vector<16xi32> to vector<1x1x16xi32>
      tpu.vector_store %arg6[%swap3A_269, %swap3A_270, %swap3A_271], %swap3A_274 {strides = array<i32>} : memref<18x2x112xi32, #tpu.memory_space<vmem>>, vector<1x1x16xi32>,
      %get3A_275 = arith.constant 0 : i32
      %get3A_276 = arith.index_cast %add3A_225 : i32 to index
      %get3A_277 = arith.index_cast %get3A_275 : i32 to index
      %get3A_278 = arith.constant 48 : index
      %get3A_279 = tpu.vector_load %arg6[%get3A_276, %get3A_277, %get3A_278] {strides = array<i32>} : memref<18x2x112xi32, #tpu.memory_space<vmem>>, vector<1x1x16xi32>,
      %get3A_280 = vector.shape_cast %get3A_279 : vector<1x1x16xi32> to vector<16xi32>
      %mul3A_281 = arith.constant 2 : i32
      %mul3A_282 = vector.broadcast %mul3A_281 : i32 to vector<16xi32>
      %mul3A_283 = arith.muli %get3A_280, %mul3A_282 : vector<16xi32>
      %add3A_284 = arith.addi %mul3A_283, %broadcast_in_dim3A_27 : vector<16xi32>
      %swap3A_285 = arith.constant 0 : i32
      %swap3A_286 = arith.index_cast %add3A_225 : i32 to index
      %swap3A_287 = arith.index_cast %swap3A_285 : i32 to index
      %swap3A_288 = arith.constant 48 : index
      %swap3A_289 = tpu.vector_load %arg6[%swap3A_286, %swap3A_287, %swap3A_288] {strides = array<i32>} : memref<18x2x112xi32, #tpu.memory_space<vmem>>, vector<1x1x16xi32>,
      %swap3A_290 = vector.shape_cast %swap3A_289 : vector<1x1x16xi32> to vector<16xi32>
      %swap3A_291 = vector.shape_cast %add3A_284 : vector<16xi32> to vector<1x1x16xi32>
      tpu.vector_store %arg6[%swap3A_286, %swap3A_287, %swap3A_288], %swap3A_291 {strides = array<i32>} : memref<18x2x112xi32, #tpu.memory_space<vmem>>, vector<1x1x16xi32>,
      %get3A_292 = arith.constant 0 : i32
      %get3A_293 = arith.index_cast %add3A_225 : i32 to index
      %get3A_294 = arith.index_cast %get3A_292 : i32 to index
      %get3A_295 = arith.constant 64 : index
      %get3A_296 = tpu.vector_load %arg6[%get3A_293, %get3A_294, %get3A_295] {strides = array<i32>} : memref<18x2x112xi32, #tpu.memory_space<vmem>>, vector<1x1x16xi32>,
      %get3A_297 = vector.shape_cast %get3A_296 : vector<1x1x16xi32> to vector<16xi32>
      %mul3A_298 = arith.constant 2 : i32
      %mul3A_299 = vector.broadcast %mul3A_298 : i32 to vector<16xi32>
      %mul3A_300 = arith.muli %get3A_297, %mul3A_299 : vector<16xi32>
      %add3A_301 = arith.addi %mul3A_300, %broadcast_in_dim3A_27 : vector<16xi32>
      %swap3A_302 = arith.constant 0 : i32
      %swap3A_303 = arith.index_cast %add3A_225 : i32 to index
      %swap3A_304 = arith.index_cast %swap3A_302 : i32 to index
      %swap3A_305 = arith.constant 64 : index
      %swap3A_306 = tpu.vector_load %arg6[%swap3A_303, %swap3A_304, %swap3A_305] {strides = array<i32>} : memref<18x2x112xi32, #tpu.memory_space<vmem>>, vector<1x1x16xi32>,
      %swap3A_307 = vector.shape_cast %swap3A_306 : vector<1x1x16xi32> to vector<16xi32>
      %swap3A_308 = vector.shape_cast %add3A_301 : vector<16xi32> to vector<1x1x16xi32>
      tpu.vector_store %arg6[%swap3A_303, %swap3A_304, %swap3A_305], %swap3A_308 {strides = array<i32>} : memref<18x2x112xi32, #tpu.memory_space<vmem>>, vector<1x1x16xi32>,
      %get3A_309 = arith.constant 0 : i32
      %get3A_310 = arith.index_cast %add3A_225 : i32 to index
      %get3A_311 = arith.index_cast %get3A_309 : i32 to index
      %get3A_312 = arith.constant 80 : index
      %get3A_313 = tpu.vector_load %arg6[%get3A_310, %get3A_311, %get3A_312] {strides = array<i32>} : memref<18x2x112xi32, #tpu.memory_space<vmem>>, vector<1x1x16xi32>,
      %get3A_314 = vector.shape_cast %get3A_313 : vector<1x1x16xi32> to vector<16xi32>
      %mul3A_315 = arith.constant 2 : i32
      %mul3A_316 = vector.broadcast %mul3A_315 : i32 to vector<16xi32>
      %mul3A_317 = arith.muli %get3A_314, %mul3A_316 : vector<16xi32>
      %add3A_318 = arith.addi %mul3A_317, %broadcast_in_dim3A_27 : vector<16xi32>
      %swap3A_319 = arith.constant 0 : i32
      %swap3A_320 = arith.index_cast %add3A_225 : i32 to index
      %swap3A_321 = arith.index_cast %swap3A_319 : i32 to index
      %swap3A_322 = arith.constant 80 : index
      %swap3A_323 = tpu.vector_load %arg6[%swap3A_320, %swap3A_321, %swap3A_322] {strides = array<i32>} : memref<18x2x112xi32, #tpu.memory_space<vmem>>, vector<1x1x16xi32>,
      %swap3A_324 = vector.shape_cast %swap3A_323 : vector<1x1x16xi32> to vector<16xi32>
      %swap3A_325 = vector.shape_cast %add3A_318 : vector<16xi32> to vector<1x1x16xi32>
      tpu.vector_store %arg6[%swap3A_320, %swap3A_321, %swap3A_322], %swap3A_325 {strides = array<i32>} : memref<18x2x112xi32, #tpu.memory_space<vmem>>, vector<1x1x16xi32>,
      %get3A_326 = arith.constant 0 : i32
      %get3A_327 = arith.index_cast %add3A_225 : i32 to index
      %get3A_328 = arith.index_cast %get3A_326 : i32 to index
      %get3A_329 = arith.constant 96 : index
      %get3A_330 = tpu.vector_load %arg6[%get3A_327, %get3A_328, %get3A_329] {strides = array<i32>} : memref<18x2x112xi32, #tpu.memory_space<vmem>>, vector<1x1x16xi32>,
      %get3A_331 = vector.shape_cast %get3A_330 : vector<1x1x16xi32> to vector<16xi32>
      %mul3A_332 = arith.constant 2 : i32
      %mul3A_333 = vector.broadcast %mul3A_332 : i32 to vector<16xi32>
      %mul3A_334 = arith.muli %get3A_331, %mul3A_333 : vector<16xi32>
      %add3A_335 = arith.addi %mul3A_334, %broadcast_in_dim3A_27 : vector<16xi32>
      %swap3A_336 = arith.constant 0 : i32
      %swap3A_337 = arith.index_cast %add3A_225 : i32 to index
      %swap3A_338 = arith.index_cast %swap3A_336 : i32 to index
      %swap3A_339 = arith.constant 96 : index
      %swap3A_340 = tpu.vector_load %arg6[%swap3A_337, %swap3A_338, %swap3A_339] {strides = array<i32>} : memref<18x2x112xi32, #tpu.memory_space<vmem>>, vector<1x1x16xi32>,
      %swap3A_341 = vector.shape_cast %swap3A_340 : vector<1x1x16xi32> to vector<16xi32>
      %swap3A_342 = vector.shape_cast %add3A_335 : vector<16xi32> to vector<1x1x16xi32>
      tpu.vector_store %arg6[%swap3A_337, %swap3A_338, %swap3A_339], %swap3A_342 {strides = array<i32>} : memref<18x2x112xi32, #tpu.memory_space<vmem>>, vector<1x1x16xi32>,
    }
    %scan3A_72 = arith.constant 18 : i32
    %dma_start3A_73 = arith.constant 0 : i32
    %dma_start3A_74 = arith.constant 0 : i32
    %dma_start3A_75 = arith.constant 0 : i32
    %dma_start3A_76 = tpu.memref_slice %arg6[%dma_start3A_73, %dma_start3A_74, %dma_start3A_75] : memref<18x2x112xi32, #tpu.memory_space<vmem>> -> memref<1x1x112xi32, #tpu.memory_space<vmem>>
    %dma_start3A_77 = tpu.memref_squeeze %dma_start3A_76 : memref<1x1x112xi32, #tpu.memory_space<vmem>> -> memref<112xi32, #tpu.memory_space<vmem>>
    %dma_start3A_78 = arith.constant 0 : i32
    %dma_start3A_79 = arith.constant 0 : i32
    %dma_start3A_80 = tpu.memref_slice %arg2[%dma_start3A_78, %dma_start3A_79] : memref<20000x128xf32, #tpu.memory_space<hbm>> -> memref<20000x128xf32, #tpu.memory_space<hbm>>
    tpu.enqueue_indirect_dma source(%dma_start3A_80 : memref<20000x128xf32, #tpu.memory_space<hbm>>) target(%arg7 : memref<112x128xf32, #tpu.memory_space<vmem>>) offsets(%dma_start3A_77 : memref<112xi32, #tpu.memory_space<vmem>>) semaphore(%arg10 : memref<!tpu.dma_semaphore, #tpu.memory_space<semaphore_mem>>)
    %dma_start3A_81 = arith.constant 1 : i32
    %dma_start3A_82 = arith.constant 0 : i32
    %dma_start3A_83 = arith.constant 0 : i32
    %dma_start3A_84 = tpu.memref_slice %arg6[%dma_start3A_81, %dma_start3A_82, %dma_start3A_83] : memref<18x2x112xi32, #tpu.memory_space<vmem>> -> memref<1x1x112xi32, #tpu.memory_space<vmem>>
    %dma_start3A_85 = tpu.memref_squeeze %dma_start3A_84 : memref<1x1x112xi32, #tpu.memory_space<vmem>> -> memref<112xi32, #tpu.memory_space<vmem>>
    %dma_start3A_86 = arith.constant 0 : i32
    %dma_start3A_87 = arith.constant 0 : i32
    %dma_start3A_88 = tpu.memref_slice %arg2[%dma_start3A_86, %dma_start3A_87] : memref<20000x128xf32, #tpu.memory_space<hbm>> -> memref<20000x128xf32, #tpu.memory_space<hbm>>
    tpu.enqueue_indirect_dma source(%dma_start3A_88 : memref<20000x128xf32, #tpu.memory_space<hbm>>) target(%arg8 : memref<112x128xf32, #tpu.memory_space<vmem>>) offsets(%dma_start3A_85 : memref<112xi32, #tpu.memory_space<vmem>>) semaphore(%arg11 : memref<!tpu.dma_semaphore, #tpu.memory_space<semaphore_mem>>)
    %scan3A_89 = arith.constant 0 : i32
    %scan3A_90 = arith.constant 6 : i32
    %scan3A_91 = arith.addi %scan3A_89, %scan3A_90 : i32
    %scan3A_92 = arith.constant 1 : i32
    scf.for %scan3A_221 = %scan3A_89 to %scan3A_91 step %scan3A_92  : i32 {
      %mul3A_222 = arith.constant 3 : i32
      %mul3A_223 = arith.muli %scan3A_221, %mul3A_222 : i32
      %add3A_224 = arith.constant 0 : i32
      %add3A_225 = arith.addi %add3A_224, %mul3A_223 : i32
      %add3A_226 = arith.constant 0 : i32
      %add3A_227 = arith.addi %add3A_225, %add3A_226 : i32
      %dma_wait3A_228 = arith.constant 0 : i32
      %dma_wait3A_229 = arith.constant 0 : i32
      %dma_wait3A_230 = tpu.memref_slice %arg6[%add3A_227, %dma_wait3A_228, %dma_wait3A_229] : memref<18x2x112xi32, #tpu.memory_space<vmem>> -> memref<1x1x112xi32, #tpu.memory_space<vmem>>
      %dma_wait3A_231 = tpu.memref_squeeze %dma_wait3A_230 : memref<1x1x112xi32, #tpu.memory_space<vmem>> -> memref<112xi32, #tpu.memory_space<vmem>>
      %dma_wait3A_232 = arith.constant 0 : i32
      %dma_wait3A_233 = arith.constant 0 : i32
      %dma_wait3A_234 = tpu.memref_slice %arg2[%dma_wait3A_232, %dma_wait3A_233] : memref<20000x128xf32, #tpu.memory_space<hbm>> -> memref<20000x128xf32, #tpu.memory_space<hbm>>
      tpu.wait_indirect_dma semaphore(%arg10 : memref<!tpu.dma_semaphore, #tpu.memory_space<semaphore_mem>>) src(%dma_wait3A_234 : memref<20000x128xf32, #tpu.memory_space<hbm>>) dst(%arg7 : memref<112x128xf32, #tpu.memory_space<vmem>>)
      %dma_start3A_235 = arith.constant 1 : i32
      %dma_start3A_236 = arith.constant 0 : i32
      %dma_start3A_237 = tpu.memref_slice %arg6[%add3A_227, %dma_start3A_235, %dma_start3A_236] : memref<18x2x112xi32, #tpu.memory_space<vmem>> -> memref<1x1x112xi32, #tpu.memory_space<vmem>>
      %dma_start3A_238 = tpu.memref_squeeze %dma_start3A_237 : memref<1x1x112xi32, #tpu.memory_space<vmem>> -> memref<112xi32, #tpu.memory_space<vmem>>
      %dma_start3A_239 = arith.constant 0 : i32
      %dma_start3A_240 = arith.constant 0 : i32
      %dma_start3A_241 = tpu.memref_slice %arg5[%dma_start3A_239, %dma_start3A_240] : memref<10112x128xf32, #tpu.memory_space<vmem_shared>> -> memref<10112x128xf32, #tpu.memory_space<vmem_shared>>
      tpu.enqueue_indirect_dma source(%arg7 : memref<112x128xf32, #tpu.memory_space<vmem>>) target(%dma_start3A_241 : memref<10112x128xf32, #tpu.memory_space<vmem_shared>>) offsets(%dma_start3A_238 : memref<112xi32, #tpu.memory_space<vmem>>) semaphore(%arg13 : memref<!tpu.dma_semaphore, #tpu.memory_space<semaphore_mem>>) {add = true}
      %ge3A = arith.constant 1 : i32
      %ge3A_242 = arith.cmpi sge, %add3A_227, %ge3A : i32
      %convert_element_type3A = arith.extui %ge3A_242 : i1 to i32
      %cond3A = arith.constant 0 : i32
      %cond3A_243 = arith.cmpi ne, %convert_element_type3A, %cond3A : i32
      scf.if %cond3A_243 {
        %sub3A = arith.constant 1 : i32
        %sub3A_306 = arith.subi %add3A_227, %sub3A : i32
        %dma_wait3A_307 = arith.constant 1 : i32
        %dma_wait3A_308 = arith.constant 0 : i32
        %dma_wait3A_309 = tpu.memref_slice %arg6[%sub3A_306, %dma_wait3A_307, %dma_wait3A_308] : memref<18x2x112xi32, #tpu.memory_space<vmem>> -> memref<1x1x112xi32, #tpu.memory_space<vmem>>
        %dma_wait3A_310 = tpu.memref_squeeze %dma_wait3A_309 : memref<1x1x112xi32, #tpu.memory_space<vmem>> -> memref<112xi32, #tpu.memory_space<vmem>>
        %dma_wait3A_311 = arith.constant 0 : i32
        %dma_wait3A_312 = arith.constant 0 : i32
        %dma_wait3A_313 = tpu.memref_slice %arg5[%dma_wait3A_311, %dma_wait3A_312] : memref<10112x128xf32, #tpu.memory_space<vmem_shared>> -> memref<10112x128xf32, #tpu.memory_space<vmem_shared>>
        tpu.wait_indirect_dma semaphore(%arg15 : memref<!tpu.dma_semaphore, #tpu.memory_space<semaphore_mem>>) src(%arg9 : memref<112x128xf32, #tpu.memory_space<vmem>>) dst(%dma_wait3A_313 : memref<10112x128xf32, #tpu.memory_space<vmem_shared>>)
      } else {
      }
      %add3A_244 = arith.constant 2 : i32
      %add3A_245 = arith.addi %add3A_227, %add3A_244 : i32
      %lt3A = arith.constant 18 : i32
      %lt3A_246 = arith.cmpi slt, %add3A_245, %lt3A : i32
      %convert_element_type3A_247 = arith.extui %lt3A_246 : i1 to i32
      %cond3A_248 = arith.constant 0 : i32
      %cond3A_249 = arith.cmpi ne, %convert_element_type3A_247, %cond3A_248 : i32
      scf.if %cond3A_249 {
        %add3A_306 = arith.constant 2 : i32
        %add3A_307 = arith.addi %add3A_227, %add3A_306 : i32
        %dma_start3A_308 = arith.constant 0 : i32
        %dma_start3A_309 = arith.constant 0 : i32
        %dma_start3A_310 = tpu.memref_slice %arg6[%add3A_307, %dma_start3A_308, %dma_start3A_309] : memref<18x2x112xi32, #tpu.memory_space<vmem>> -> memref<1x1x112xi32, #tpu.memory_space<vmem>>
        %dma_start3A_311 = tpu.memref_squeeze %dma_start3A_310 : memref<1x1x112xi32, #tpu.memory_space<vmem>> -> memref<112xi32, #tpu.memory_space<vmem>>
        %dma_start3A_312 = arith.constant 0 : i32
        %dma_start3A_313 = arith.constant 0 : i32
        %dma_start3A_314 = tpu.memref_slice %arg2[%dma_start3A_312, %dma_start3A_313] : memref<20000x128xf32, #tpu.memory_space<hbm>> -> memref<20000x128xf32, #tpu.memory_space<hbm>>
        tpu.enqueue_indirect_dma source(%dma_start3A_314 : memref<20000x128xf32, #tpu.memory_space<hbm>>) target(%arg9 : memref<112x128xf32, #tpu.memory_space<vmem>>) offsets(%dma_start3A_311 : memref<112xi32, #tpu.memory_space<vmem>>) semaphore(%arg12 : memref<!tpu.dma_semaphore, #tpu.memory_space<semaphore_mem>>)
      } else {
      }
      %add3A_250 = arith.constant 1 : i32
      %add3A_251 = arith.addi %add3A_225, %add3A_250 : i32
      %dma_wait3A_252 = arith.constant 0 : i32
      %dma_wait3A_253 = arith.constant 0 : i32
      %dma_wait3A_254 = tpu.memref_slice %arg6[%add3A_251, %dma_wait3A_252, %dma_wait3A_253] : memref<18x2x112xi32, #tpu.memory_space<vmem>> -> memref<1x1x112xi32, #tpu.memory_space<vmem>>
      %dma_wait3A_255 = tpu.memref_squeeze %dma_wait3A_254 : memref<1x1x112xi32, #tpu.memory_space<vmem>> -> memref<112xi32, #tpu.memory_space<vmem>>
      %dma_wait3A_256 = arith.constant 0 : i32
      %dma_wait3A_257 = arith.constant 0 : i32
      %dma_wait3A_258 = tpu.memref_slice %arg2[%dma_wait3A_256, %dma_wait3A_257] : memref<20000x128xf32, #tpu.memory_space<hbm>> -> memref<20000x128xf32, #tpu.memory_space<hbm>>
      tpu.wait_indirect_dma semaphore(%arg11 : memref<!tpu.dma_semaphore, #tpu.memory_space<semaphore_mem>>) src(%dma_wait3A_258 : memref<20000x128xf32, #tpu.memory_space<hbm>>) dst(%arg8 : memref<112x128xf32, #tpu.memory_space<vmem>>)
      %dma_start3A_259 = arith.constant 1 : i32
      %dma_start3A_260 = arith.constant 0 : i32
      %dma_start3A_261 = tpu.memref_slice %arg6[%add3A_251, %dma_start3A_259, %dma_start3A_260] : memref<18x2x112xi32, #tpu.memory_space<vmem>> -> memref<1x1x112xi32, #tpu.memory_space<vmem>>
      %dma_start3A_262 = tpu.memref_squeeze %dma_start3A_261 : memref<1x1x112xi32, #tpu.memory_space<vmem>> -> memref<112xi32, #tpu.memory_space<vmem>>
      %dma_start3A_263 = arith.constant 0 : i32
      %dma_start3A_264 = arith.constant 0 : i32
      %dma_start3A_265 = tpu.memref_slice %arg5[%dma_start3A_263, %dma_start3A_264] : memref<10112x128xf32, #tpu.memory_space<vmem_shared>> -> memref<10112x128xf32, #tpu.memory_space<vmem_shared>>
      tpu.enqueue_indirect_dma source(%arg8 : memref<112x128xf32, #tpu.memory_space<vmem>>) target(%dma_start3A_265 : memref<10112x128xf32, #tpu.memory_space<vmem_shared>>) offsets(%dma_start3A_262 : memref<112xi32, #tpu.memory_space<vmem>>) semaphore(%arg14 : memref<!tpu.dma_semaphore, #tpu.memory_space<semaphore_mem>>) {add = true}
      %ge3A_266 = arith.constant 1 : i32
      %ge3A_267 = arith.cmpi sge, %add3A_251, %ge3A_266 : i32
      %convert_element_type3A_268 = arith.extui %ge3A_267 : i1 to i32
      %cond3A_269 = arith.constant 0 : i32
      %cond3A_270 = arith.cmpi ne, %convert_element_type3A_268, %cond3A_269 : i32
      scf.if %cond3A_270 {
        %sub3A = arith.constant 1 : i32
        %sub3A_306 = arith.subi %add3A_251, %sub3A : i32
        %dma_wait3A_307 = arith.constant 1 : i32
        %dma_wait3A_308 = arith.constant 0 : i32
        %dma_wait3A_309 = tpu.memref_slice %arg6[%sub3A_306, %dma_wait3A_307, %dma_wait3A_308] : memref<18x2x112xi32, #tpu.memory_space<vmem>> -> memref<1x1x112xi32, #tpu.memory_space<vmem>>
        %dma_wait3A_310 = tpu.memref_squeeze %dma_wait3A_309 : memref<1x1x112xi32, #tpu.memory_space<vmem>> -> memref<112xi32, #tpu.memory_space<vmem>>
        %dma_wait3A_311 = arith.constant 0 : i32
        %dma_wait3A_312 = arith.constant 0 : i32
        %dma_wait3A_313 = tpu.memref_slice %arg5[%dma_wait3A_311, %dma_wait3A_312] : memref<10112x128xf32, #tpu.memory_space<vmem_shared>> -> memref<10112x128xf32, #tpu.memory_space<vmem_shared>>
        tpu.wait_indirect_dma semaphore(%arg13 : memref<!tpu.dma_semaphore, #tpu.memory_space<semaphore_mem>>) src(%arg7 : memref<112x128xf32, #tpu.memory_space<vmem>>) dst(%dma_wait3A_313 : memref<10112x128xf32, #tpu.memory_space<vmem_shared>>)
      } else {
      }
      %add3A_271 = arith.constant 2 : i32
      %add3A_272 = arith.addi %add3A_251, %add3A_271 : i32
      %lt3A_273 = arith.constant 18 : i32
      %lt3A_274 = arith.cmpi slt, %add3A_272, %lt3A_273 : i32
      %convert_element_type3A_275 = arith.extui %lt3A_274 : i1 to i32
      %cond3A_276 = arith.constant 0 : i32
      %cond3A_277 = arith.cmpi ne, %convert_element_type3A_275, %cond3A_276 : i32
      scf.if %cond3A_277 {
        %add3A_306 = arith.constant 2 : i32
        %add3A_307 = arith.addi %add3A_251, %add3A_306 : i32
        %dma_start3A_308 = arith.constant 0 : i32
        %dma_start3A_309 = arith.constant 0 : i32
        %dma_start3A_310 = tpu.memref_slice %arg6[%add3A_307, %dma_start3A_308, %dma_start3A_309] : memref<18x2x112xi32, #tpu.memory_space<vmem>> -> memref<1x1x112xi32, #tpu.memory_space<vmem>>
        %dma_start3A_311 = tpu.memref_squeeze %dma_start3A_310 : memref<1x1x112xi32, #tpu.memory_space<vmem>> -> memref<112xi32, #tpu.memory_space<vmem>>
        %dma_start3A_312 = arith.constant 0 : i32
        %dma_start3A_313 = arith.constant 0 : i32
        %dma_start3A_314 = tpu.memref_slice %arg2[%dma_start3A_312, %dma_start3A_313] : memref<20000x128xf32, #tpu.memory_space<hbm>> -> memref<20000x128xf32, #tpu.memory_space<hbm>>
        tpu.enqueue_indirect_dma source(%dma_start3A_314 : memref<20000x128xf32, #tpu.memory_space<hbm>>) target(%arg7 : memref<112x128xf32, #tpu.memory_space<vmem>>) offsets(%dma_start3A_311 : memref<112xi32, #tpu.memory_space<vmem>>) semaphore(%arg10 : memref<!tpu.dma_semaphore, #tpu.memory_space<semaphore_mem>>)
      } else {
      }
      %add3A_278 = arith.constant 2 : i32
      %add3A_279 = arith.addi %add3A_225, %add3A_278 : i32
      %dma_wait3A_280 = arith.constant 0 : i32
      %dma_wait3A_281 = arith.constant 0 : i32
      %dma_wait3A_282 = tpu.memref_slice %arg6[%add3A_279, %dma_wait3A_280, %dma_wait3A_281] : memref<18x2x112xi32, #tpu.memory_space<vmem>> -> memref<1x1x112xi32, #tpu.memory_space<vmem>>
      %dma_wait3A_283 = tpu.memref_squeeze %dma_wait3A_282 : memref<1x1x112xi32, #tpu.memory_space<vmem>> -> memref<112xi32, #tpu.memory_space<vmem>>
      %dma_wait3A_284 = arith.constant 0 : i32
      %dma_wait3A_285 = arith.constant 0 : i32
      %dma_wait3A_286 = tpu.memref_slice %arg2[%dma_wait3A_284, %dma_wait3A_285] : memref<20000x128xf32, #tpu.memory_space<hbm>> -> memref<20000x128xf32, #tpu.memory_space<hbm>>
      tpu.wait_indirect_dma semaphore(%arg12 : memref<!tpu.dma_semaphore, #tpu.memory_space<semaphore_mem>>) src(%dma_wait3A_286 : memref<20000x128xf32, #tpu.memory_space<hbm>>) dst(%arg9 : memref<112x128xf32, #tpu.memory_space<vmem>>)
      %dma_start3A_287 = arith.constant 1 : i32
      %dma_start3A_288 = arith.constant 0 : i32
      %dma_start3A_289 = tpu.memref_slice %arg6[%add3A_279, %dma_start3A_287, %dma_start3A_288] : memref<18x2x112xi32, #tpu.memory_space<vmem>> -> memref<1x1x112xi32, #tpu.memory_space<vmem>>
      %dma_start3A_290 = tpu.memref_squeeze %dma_start3A_289 : memref<1x1x112xi32, #tpu.memory_space<vmem>> -> memref<112xi32, #tpu.memory_space<vmem>>
      %dma_start3A_291 = arith.constant 0 : i32
      %dma_start3A_292 = arith.constant 0 : i32
      %dma_start3A_293 = tpu.memref_slice %arg5[%dma_start3A_291, %dma_start3A_292] : memref<10112x128xf32, #tpu.memory_space<vmem_shared>> -> memref<10112x128xf32, #tpu.memory_space<vmem_shared>>
      tpu.enqueue_indirect_dma source(%arg9 : memref<112x128xf32, #tpu.memory_space<vmem>>) target(%dma_start3A_293 : memref<10112x128xf32, #tpu.memory_space<vmem_shared>>) offsets(%dma_start3A_290 : memref<112xi32, #tpu.memory_space<vmem>>) semaphore(%arg15 : memref<!tpu.dma_semaphore, #tpu.memory_space<semaphore_mem>>) {add = true}
      %ge3A_294 = arith.constant 1 : i32
      %ge3A_295 = arith.cmpi sge, %add3A_279, %ge3A_294 : i32
      %convert_element_type3A_296 = arith.extui %ge3A_295 : i1 to i32
      %cond3A_297 = arith.constant 0 : i32
      %cond3A_298 = arith.cmpi ne, %convert_element_type3A_296, %cond3A_297 : i32
      scf.if %cond3A_298 {
        %sub3A = arith.constant 1 : i32
        %sub3A_306 = arith.subi %add3A_279, %sub3A : i32
        %dma_wait3A_307 = arith.constant 1 : i32
        %dma_wait3A_308 = arith.constant 0 : i32
        %dma_wait3A_309 = tpu.memref_slice %arg6[%sub3A_306, %dma_wait3A_307, %dma_wait3A_308] : memref<18x2x112xi32, #tpu.memory_space<vmem>> -> memref<1x1x112xi32, #tpu.memory_space<vmem>>
        %dma_wait3A_310 = tpu.memref_squeeze %dma_wait3A_309 : memref<1x1x112xi32, #tpu.memory_space<vmem>> -> memref<112xi32, #tpu.memory_space<vmem>>
        %dma_wait3A_311 = arith.constant 0 : i32
        %dma_wait3A_312 = arith.constant 0 : i32
        %dma_wait3A_313 = tpu.memref_slice %arg5[%dma_wait3A_311, %dma_wait3A_312] : memref<10112x128xf32, #tpu.memory_space<vmem_shared>> -> memref<10112x128xf32, #tpu.memory_space<vmem_shared>>
        tpu.wait_indirect_dma semaphore(%arg14 : memref<!tpu.dma_semaphore, #tpu.memory_space<semaphore_mem>>) src(%arg8 : memref<112x128xf32, #tpu.memory_space<vmem>>) dst(%dma_wait3A_313 : memref<10112x128xf32, #tpu.memory_space<vmem_shared>>)
      } else {
      }
      %add3A_299 = arith.constant 2 : i32
      %add3A_300 = arith.addi %add3A_279, %add3A_299 : i32
      %lt3A_301 = arith.constant 18 : i32
      %lt3A_302 = arith.cmpi slt, %add3A_300, %lt3A_301 : i32
      %convert_element_type3A_303 = arith.extui %lt3A_302 : i1 to i32
      %cond3A_304 = arith.constant 0 : i32
      %cond3A_305 = arith.cmpi ne, %convert_element_type3A_303, %cond3A_304 : i32
      scf.if %cond3A_305 {
        %add3A_306 = arith.constant 2 : i32
        %add3A_307 = arith.addi %add3A_279, %add3A_306 : i32
        %dma_start3A_308 = arith.constant 0 : i32
        %dma_start3A_309 = arith.constant 0 : i32
        %dma_start3A_310 = tpu.memref_slice %arg6[%add3A_307, %dma_start3A_308, %dma_start3A_309] : memref<18x2x112xi32, #tpu.memory_space<vmem>> -> memref<1x1x112xi32, #tpu.memory_space<vmem>>
        %dma_start3A_311 = tpu.memref_squeeze %dma_start3A_310 : memref<1x1x112xi32, #tpu.memory_space<vmem>> -> memref<112xi32, #tpu.memory_space<vmem>>
        %dma_start3A_312 = arith.constant 0 : i32
        %dma_start3A_313 = arith.constant 0 : i32
        %dma_start3A_314 = tpu.memref_slice %arg2[%dma_start3A_312, %dma_start3A_313] : memref<20000x128xf32, #tpu.memory_space<hbm>> -> memref<20000x128xf32, #tpu.memory_space<hbm>>
        tpu.enqueue_indirect_dma source(%dma_start3A_314 : memref<20000x128xf32, #tpu.memory_space<hbm>>) target(%arg8 : memref<112x128xf32, #tpu.memory_space<vmem>>) offsets(%dma_start3A_311 : memref<112xi32, #tpu.memory_space<vmem>>) semaphore(%arg11 : memref<!tpu.dma_semaphore, #tpu.memory_space<semaphore_mem>>)
      } else {
      }
    }
    %scan3A_93 = arith.constant 6 : i32
    %dma_wait3A_94 = arith.constant 17 : i32
    %dma_wait3A_95 = arith.constant 1 : i32
    %dma_wait3A_96 = arith.constant 0 : i32
    %dma_wait3A_97 = tpu.memref_slice %arg6[%dma_wait3A_94, %dma_wait3A_95, %dma_wait3A_96] : memref<18x2x112xi32, #tpu.memory_space<vmem>> -> memref<1x1x112xi32, #tpu.memory_space<vmem>>
    %dma_wait3A_98 = tpu.memref_squeeze %dma_wait3A_97 : memref<1x1x112xi32, #tpu.memory_space<vmem>> -> memref<112xi32, #tpu.memory_space<vmem>>
    %dma_wait3A_99 = arith.constant 0 : i32
    %dma_wait3A_100 = arith.constant 0 : i32
    %dma_wait3A_101 = tpu.memref_slice %arg5[%dma_wait3A_99, %dma_wait3A_100] : memref<10112x128xf32, #tpu.memory_space<vmem_shared>> -> memref<10112x128xf32, #tpu.memory_space<vmem_shared>>
    tpu.wait_indirect_dma semaphore(%arg15 : memref<!tpu.dma_semaphore, #tpu.memory_space<semaphore_mem>>) src(%arg9 : memref<112x128xf32, #tpu.memory_space<vmem>>) dst(%dma_wait3A_101 : memref<10112x128xf32, #tpu.memory_space<vmem_shared>>)
    %mul3A_102 = arith.constant 90 : i32
    %mul3A_103 = arith.muli %arg1, %mul3A_102 : i32
    %add3A_104 = arith.constant 36 : i32
    %add3A_105 = arith.addi %mul3A_103, %add3A_104 : i32
    "tpu.region"() ({
      %run_scoped3A = tpu.sem_alloc : memref<!tpu.dma_semaphore, #tpu.memory_space<semaphore_mem>>
      %dma_start3A_221 = arith.constant 0 : i32
      %dma_start3A_222 = arith.constant 0 : i32
      %dma_start3A_223 = tpu.memref_slice %arg3[%add3A_105, %dma_start3A_221, %dma_start3A_222] : memref<1440x2x112xi32, #tpu.memory_space<hbm>> -> memref<18x2x112xi32, #tpu.memory_space<hbm>>
      %dma_start3A_224 = arith.constant 0 : i32
      %dma_start3A_225 = arith.constant 0 : i32
      %dma_start3A_226 = tpu.memref_slice %arg3[%add3A_105, %dma_start3A_224, %dma_start3A_225] : memref<1440x2x112xi32, #tpu.memory_space<hbm>> -> memref<18x2x112xi32, #tpu.memory_space<hbm>>
      tpu.enqueue_dma source(%dma_start3A_226 : memref<18x2x112xi32, #tpu.memory_space<hbm>>) target(%arg6 : memref<18x2x112xi32, #tpu.memory_space<vmem>>) target_semaphore(%run_scoped3A : memref<!tpu.dma_semaphore, #tpu.memory_space<semaphore_mem>>)
      %dma_wait3A_227 = arith.constant 0 : i32
      %dma_wait3A_228 = arith.constant 0 : i32
      %dma_wait3A_229 = tpu.memref_slice %arg3[%add3A_105, %dma_wait3A_227, %dma_wait3A_228] : memref<1440x2x112xi32, #tpu.memory_space<hbm>> -> memref<18x2x112xi32, #tpu.memory_space<hbm>>
      %dma_wait3A_230 = arith.constant 0 : i32
      %dma_wait3A_231 = arith.constant 0 : i32
      %dma_wait3A_232 = tpu.memref_slice %arg3[%add3A_105, %dma_wait3A_230, %dma_wait3A_231] : memref<1440x2x112xi32, #tpu.memory_space<hbm>> -> memref<18x2x112xi32, #tpu.memory_space<hbm>>
      tpu.wait_dma2 semaphore(%run_scoped3A : memref<!tpu.dma_semaphore, #tpu.memory_space<semaphore_mem>>) src(%dma_wait3A_232 : memref<18x2x112xi32, #tpu.memory_space<hbm>>) dst(%arg6 : memref<18x2x112xi32, #tpu.memory_space<vmem>>)
      tpu.yield
    }) : () -> ()
    %scan3A_106 = arith.constant 0 : i32
    %scan3A_107 = arith.constant 18 : i32
    %scan3A_108 = arith.addi %scan3A_106, %scan3A_107 : i32
    %scan3A_109 = arith.constant 1 : i32
    scf.for %scan3A_221 = %scan3A_106 to %scan3A_108 step %scan3A_109  : i32 {
      %mul3A_222 = arith.constant 1 : i32
      %mul3A_223 = arith.muli %scan3A_221, %mul3A_222 : i32
      %add3A_224 = arith.constant 0 : i32
      %add3A_225 = arith.addi %add3A_224, %mul3A_223 : i32
      %get3A = arith.constant 0 : i32
      %get3A_226 = arith.index_cast %add3A_225 : i32 to index
      %get3A_227 = arith.index_cast %get3A : i32 to index
      %get3A_228 = arith.constant 0 : index
      %get3A_229 = tpu.vector_load %arg6[%get3A_226, %get3A_227, %get3A_228] {strides = array<i32>} : memref<18x2x112xi32, #tpu.memory_space<vmem>>, vector<1x1x16xi32>,
      %get3A_230 = vector.shape_cast %get3A_229 : vector<1x1x16xi32> to vector<16xi32>
      %mul3A_231 = arith.constant 2 : i32
      %mul3A_232 = vector.broadcast %mul3A_231 : i32 to vector<16xi32>
      %mul3A_233 = arith.muli %get3A_230, %mul3A_232 : vector<16xi32>
      %add3A_234 = arith.addi %mul3A_233, %broadcast_in_dim3A_27 : vector<16xi32>
      %swap3A = arith.constant 0 : i32
      %swap3A_235 = arith.index_cast %add3A_225 : i32 to index
      %swap3A_236 = arith.index_cast %swap3A : i32 to index
      %swap3A_237 = arith.constant 0 : index
      %swap3A_238 = tpu.vector_load %arg6[%swap3A_235, %swap3A_236, %swap3A_237] {strides = array<i32>} : memref<18x2x112xi32, #tpu.memory_space<vmem>>, vector<1x1x16xi32>,
      %swap3A_239 = vector.shape_cast %swap3A_238 : vector<1x1x16xi32> to vector<16xi32>
      %swap3A_240 = vector.shape_cast %add3A_234 : vector<16xi32> to vector<1x1x16xi32>
      tpu.vector_store %arg6[%swap3A_235, %swap3A_236, %swap3A_237], %swap3A_240 {strides = array<i32>} : memref<18x2x112xi32, #tpu.memory_space<vmem>>, vector<1x1x16xi32>,
      %get3A_241 = arith.constant 0 : i32
      %get3A_242 = arith.index_cast %add3A_225 : i32 to index
      %get3A_243 = arith.index_cast %get3A_241 : i32 to index
      %get3A_244 = arith.constant 16 : index
      %get3A_245 = tpu.vector_load %arg6[%get3A_242, %get3A_243, %get3A_244] {strides = array<i32>} : memref<18x2x112xi32, #tpu.memory_space<vmem>>, vector<1x1x16xi32>,
      %get3A_246 = vector.shape_cast %get3A_245 : vector<1x1x16xi32> to vector<16xi32>
      %mul3A_247 = arith.constant 2 : i32
      %mul3A_248 = vector.broadcast %mul3A_247 : i32 to vector<16xi32>
      %mul3A_249 = arith.muli %get3A_246, %mul3A_248 : vector<16xi32>
      %add3A_250 = arith.addi %mul3A_249, %broadcast_in_dim3A_27 : vector<16xi32>
      %swap3A_251 = arith.constant 0 : i32
      %swap3A_252 = arith.index_cast %add3A_225 : i32 to index
      %swap3A_253 = arith.index_cast %swap3A_251 : i32 to index
      %swap3A_254 = arith.constant 16 : index
      %swap3A_255 = tpu.vector_load %arg6[%swap3A_252, %swap3A_253, %swap3A_254] {strides = array<i32>} : memref<18x2x112xi32, #tpu.memory_space<vmem>>, vector<1x1x16xi32>,
      %swap3A_256 = vector.shape_cast %swap3A_255 : vector<1x1x16xi32> to vector<16xi32>
      %swap3A_257 = vector.shape_cast %add3A_250 : vector<16xi32> to vector<1x1x16xi32>
      tpu.vector_store %arg6[%swap3A_252, %swap3A_253, %swap3A_254], %swap3A_257 {strides = array<i32>} : memref<18x2x112xi32, #tpu.memory_space<vmem>>, vector<1x1x16xi32>,
      %get3A_258 = arith.constant 0 : i32
      %get3A_259 = arith.index_cast %add3A_225 : i32 to index
      %get3A_260 = arith.index_cast %get3A_258 : i32 to index
      %get3A_261 = arith.constant 32 : index
      %get3A_262 = tpu.vector_load %arg6[%get3A_259, %get3A_260, %get3A_261] {strides = array<i32>} : memref<18x2x112xi32, #tpu.memory_space<vmem>>, vector<1x1x16xi32>,
      %get3A_263 = vector.shape_cast %get3A_262 : vector<1x1x16xi32> to vector<16xi32>
      %mul3A_264 = arith.constant 2 : i32
      %mul3A_265 = vector.broadcast %mul3A_264 : i32 to vector<16xi32>
      %mul3A_266 = arith.muli %get3A_263, %mul3A_265 : vector<16xi32>
      %add3A_267 = arith.addi %mul3A_266, %broadcast_in_dim3A_27 : vector<16xi32>
      %swap3A_268 = arith.constant 0 : i32
      %swap3A_269 = arith.index_cast %add3A_225 : i32 to index
      %swap3A_270 = arith.index_cast %swap3A_268 : i32 to index
      %swap3A_271 = arith.constant 32 : index
      %swap3A_272 = tpu.vector_load %arg6[%swap3A_269, %swap3A_270, %swap3A_271] {strides = array<i32>} : memref<18x2x112xi32, #tpu.memory_space<vmem>>, vector<1x1x16xi32>,
      %swap3A_273 = vector.shape_cast %swap3A_272 : vector<1x1x16xi32> to vector<16xi32>
      %swap3A_274 = vector.shape_cast %add3A_267 : vector<16xi32> to vector<1x1x16xi32>
      tpu.vector_store %arg6[%swap3A_269, %swap3A_270, %swap3A_271], %swap3A_274 {strides = array<i32>} : memref<18x2x112xi32, #tpu.memory_space<vmem>>, vector<1x1x16xi32>,
      %get3A_275 = arith.constant 0 : i32
      %get3A_276 = arith.index_cast %add3A_225 : i32 to index
      %get3A_277 = arith.index_cast %get3A_275 : i32 to index
      %get3A_278 = arith.constant 48 : index
      %get3A_279 = tpu.vector_load %arg6[%get3A_276, %get3A_277, %get3A_278] {strides = array<i32>} : memref<18x2x112xi32, #tpu.memory_space<vmem>>, vector<1x1x16xi32>,
      %get3A_280 = vector.shape_cast %get3A_279 : vector<1x1x16xi32> to vector<16xi32>
      %mul3A_281 = arith.constant 2 : i32
      %mul3A_282 = vector.broadcast %mul3A_281 : i32 to vector<16xi32>
      %mul3A_283 = arith.muli %get3A_280, %mul3A_282 : vector<16xi32>
      %add3A_284 = arith.addi %mul3A_283, %broadcast_in_dim3A_27 : vector<16xi32>
      %swap3A_285 = arith.constant 0 : i32
      %swap3A_286 = arith.index_cast %add3A_225 : i32 to index
      %swap3A_287 = arith.index_cast %swap3A_285 : i32 to index
      %swap3A_288 = arith.constant 48 : index
      %swap3A_289 = tpu.vector_load %arg6[%swap3A_286, %swap3A_287, %swap3A_288] {strides = array<i32>} : memref<18x2x112xi32, #tpu.memory_space<vmem>>, vector<1x1x16xi32>,
      %swap3A_290 = vector.shape_cast %swap3A_289 : vector<1x1x16xi32> to vector<16xi32>
      %swap3A_291 = vector.shape_cast %add3A_284 : vector<16xi32> to vector<1x1x16xi32>
      tpu.vector_store %arg6[%swap3A_286, %swap3A_287, %swap3A_288], %swap3A_291 {strides = array<i32>} : memref<18x2x112xi32, #tpu.memory_space<vmem>>, vector<1x1x16xi32>,
      %get3A_292 = arith.constant 0 : i32
      %get3A_293 = arith.index_cast %add3A_225 : i32 to index
      %get3A_294 = arith.index_cast %get3A_292 : i32 to index
      %get3A_295 = arith.constant 64 : index
      %get3A_296 = tpu.vector_load %arg6[%get3A_293, %get3A_294, %get3A_295] {strides = array<i32>} : memref<18x2x112xi32, #tpu.memory_space<vmem>>, vector<1x1x16xi32>,
      %get3A_297 = vector.shape_cast %get3A_296 : vector<1x1x16xi32> to vector<16xi32>
      %mul3A_298 = arith.constant 2 : i32
      %mul3A_299 = vector.broadcast %mul3A_298 : i32 to vector<16xi32>
      %mul3A_300 = arith.muli %get3A_297, %mul3A_299 : vector<16xi32>
      %add3A_301 = arith.addi %mul3A_300, %broadcast_in_dim3A_27 : vector<16xi32>
      %swap3A_302 = arith.constant 0 : i32
      %swap3A_303 = arith.index_cast %add3A_225 : i32 to index
      %swap3A_304 = arith.index_cast %swap3A_302 : i32 to index
      %swap3A_305 = arith.constant 64 : index
      %swap3A_306 = tpu.vector_load %arg6[%swap3A_303, %swap3A_304, %swap3A_305] {strides = array<i32>} : memref<18x2x112xi32, #tpu.memory_space<vmem>>, vector<1x1x16xi32>,
      %swap3A_307 = vector.shape_cast %swap3A_306 : vector<1x1x16xi32> to vector<16xi32>
      %swap3A_308 = vector.shape_cast %add3A_301 : vector<16xi32> to vector<1x1x16xi32>
      tpu.vector_store %arg6[%swap3A_303, %swap3A_304, %swap3A_305], %swap3A_308 {strides = array<i32>} : memref<18x2x112xi32, #tpu.memory_space<vmem>>, vector<1x1x16xi32>,
      %get3A_309 = arith.constant 0 : i32
      %get3A_310 = arith.index_cast %add3A_225 : i32 to index
      %get3A_311 = arith.index_cast %get3A_309 : i32 to index
      %get3A_312 = arith.constant 80 : index
      %get3A_313 = tpu.vector_load %arg6[%get3A_310, %get3A_311, %get3A_312] {strides = array<i32>} : memref<18x2x112xi32, #tpu.memory_space<vmem>>, vector<1x1x16xi32>,
      %get3A_314 = vector.shape_cast %get3A_313 : vector<1x1x16xi32> to vector<16xi32>
      %mul3A_315 = arith.constant 2 : i32
      %mul3A_316 = vector.broadcast %mul3A_315 : i32 to vector<16xi32>
      %mul3A_317 = arith.muli %get3A_314, %mul3A_316 : vector<16xi32>
      %add3A_318 = arith.addi %mul3A_317, %broadcast_in_dim3A_27 : vector<16xi32>
      %swap3A_319 = arith.constant 0 : i32
      %swap3A_320 = arith.index_cast %add3A_225 : i32 to index
      %swap3A_321 = arith.index_cast %swap3A_319 : i32 to index
      %swap3A_322 = arith.constant 80 : index
      %swap3A_323 = tpu.vector_load %arg6[%swap3A_320, %swap3A_321, %swap3A_322] {strides = array<i32>} : memref<18x2x112xi32, #tpu.memory_space<vmem>>, vector<1x1x16xi32>,
      %swap3A_324 = vector.shape_cast %swap3A_323 : vector<1x1x16xi32> to vector<16xi32>
      %swap3A_325 = vector.shape_cast %add3A_318 : vector<16xi32> to vector<1x1x16xi32>
      tpu.vector_store %arg6[%swap3A_320, %swap3A_321, %swap3A_322], %swap3A_325 {strides = array<i32>} : memref<18x2x112xi32, #tpu.memory_space<vmem>>, vector<1x1x16xi32>,
      %get3A_326 = arith.constant 0 : i32
      %get3A_327 = arith.index_cast %add3A_225 : i32 to index
      %get3A_328 = arith.index_cast %get3A_326 : i32 to index
      %get3A_329 = arith.constant 96 : index
      %get3A_330 = tpu.vector_load %arg6[%get3A_327, %get3A_328, %get3A_329] {strides = array<i32>} : memref<18x2x112xi32, #tpu.memory_space<vmem>>, vector<1x1x16xi32>,
      %get3A_331 = vector.shape_cast %get3A_330 : vector<1x1x16xi32> to vector<16xi32>
      %mul3A_332 = arith.constant 2 : i32
      %mul3A_333 = vector.broadcast %mul3A_332 : i32 to vector<16xi32>
      %mul3A_334 = arith.muli %get3A_331, %mul3A_333 : vector<16xi32>
      %add3A_335 = arith.addi %mul3A_334, %broadcast_in_dim3A_27 : vector<16xi32>
      %swap3A_336 = arith.constant 0 : i32
      %swap3A_337 = arith.index_cast %add3A_225 : i32 to index
      %swap3A_338 = arith.index_cast %swap3A_336 : i32 to index
      %swap3A_339 = arith.constant 96 : index
      %swap3A_340 = tpu.vector_load %arg6[%swap3A_337, %swap3A_338, %swap3A_339] {strides = array<i32>} : memref<18x2x112xi32, #tpu.memory_space<vmem>>, vector<1x1x16xi32>,
      %swap3A_341 = vector.shape_cast %swap3A_340 : vector<1x1x16xi32> to vector<16xi32>
      %swap3A_342 = vector.shape_cast %add3A_335 : vector<16xi32> to vector<1x1x16xi32>
      tpu.vector_store %arg6[%swap3A_337, %swap3A_338, %swap3A_339], %swap3A_342 {strides = array<i32>} : memref<18x2x112xi32, #tpu.memory_space<vmem>>, vector<1x1x16xi32>,
    }
    %scan3A_110 = arith.constant 18 : i32
    %dma_start3A_111 = arith.constant 0 : i32
    %dma_start3A_112 = arith.constant 0 : i32
    %dma_start3A_113 = arith.constant 0 : i32
    %dma_start3A_114 = tpu.memref_slice %arg6[%dma_start3A_111, %dma_start3A_112, %dma_start3A_113] : memref<18x2x112xi32, #tpu.memory_space<vmem>> -> memref<1x1x112xi32, #tpu.memory_space<vmem>>
    %dma_start3A_115 = tpu.memref_squeeze %dma_start3A_114 : memref<1x1x112xi32, #tpu.memory_space<vmem>> -> memref<112xi32, #tpu.memory_space<vmem>>
    %dma_start3A_116 = arith.constant 0 : i32
    %dma_start3A_117 = arith.constant 0 : i32
    %dma_start3A_118 = tpu.memref_slice %arg2[%dma_start3A_116, %dma_start3A_117] : memref<20000x128xf32, #tpu.memory_space<hbm>> -> memref<20000x128xf32, #tpu.memory_space<hbm>>
    tpu.enqueue_indirect_dma source(%dma_start3A_118 : memref<20000x128xf32, #tpu.memory_space<hbm>>) target(%arg7 : memref<112x128xf32, #tpu.memory_space<vmem>>) offsets(%dma_start3A_115 : memref<112xi32, #tpu.memory_space<vmem>>) semaphore(%arg10 : memref<!tpu.dma_semaphore, #tpu.memory_space<semaphore_mem>>)
    %dma_start3A_119 = arith.constant 1 : i32
    %dma_start3A_120 = arith.constant 0 : i32
    %dma_start3A_121 = arith.constant 0 : i32
    %dma_start3A_122 = tpu.memref_slice %arg6[%dma_start3A_119, %dma_start3A_120, %dma_start3A_121] : memref<18x2x112xi32, #tpu.memory_space<vmem>> -> memref<1x1x112xi32, #tpu.memory_space<vmem>>
    %dma_start3A_123 = tpu.memref_squeeze %dma_start3A_122 : memref<1x1x112xi32, #tpu.memory_space<vmem>> -> memref<112xi32, #tpu.memory_space<vmem>>
    %dma_start3A_124 = arith.constant 0 : i32
    %dma_start3A_125 = arith.constant 0 : i32
    %dma_start3A_126 = tpu.memref_slice %arg2[%dma_start3A_124, %dma_start3A_125] : memref<20000x128xf32, #tpu.memory_space<hbm>> -> memref<20000x128xf32, #tpu.memory_space<hbm>>
    tpu.enqueue_indirect_dma source(%dma_start3A_126 : memref<20000x128xf32, #tpu.memory_space<hbm>>) target(%arg8 : memref<112x128xf32, #tpu.memory_space<vmem>>) offsets(%dma_start3A_123 : memref<112xi32, #tpu.memory_space<vmem>>) semaphore(%arg11 : memref<!tpu.dma_semaphore, #tpu.memory_space<semaphore_mem>>)
    %scan3A_127 = arith.constant 0 : i32
    %scan3A_128 = arith.constant 6 : i32
    %scan3A_129 = arith.addi %scan3A_127, %scan3A_128 : i32
    %scan3A_130 = arith.constant 1 : i32
    scf.for %scan3A_221 = %scan3A_127 to %scan3A_129 step %scan3A_130  : i32 {
      %mul3A_222 = arith.constant 3 : i32
      %mul3A_223 = arith.muli %scan3A_221, %mul3A_222 : i32
      %add3A_224 = arith.constant 0 : i32
      %add3A_225 = arith.addi %add3A_224, %mul3A_223 : i32
      %add3A_226 = arith.constant 0 : i32
      %add3A_227 = arith.addi %add3A_225, %add3A_226 : i32
      %dma_wait3A_228 = arith.constant 0 : i32
      %dma_wait3A_229 = arith.constant 0 : i32
      %dma_wait3A_230 = tpu.memref_slice %arg6[%add3A_227, %dma_wait3A_228, %dma_wait3A_229] : memref<18x2x112xi32, #tpu.memory_space<vmem>> -> memref<1x1x112xi32, #tpu.memory_space<vmem>>
      %dma_wait3A_231 = tpu.memref_squeeze %dma_wait3A_230 : memref<1x1x112xi32, #tpu.memory_space<vmem>> -> memref<112xi32, #tpu.memory_space<vmem>>
      %dma_wait3A_232 = arith.constant 0 : i32
      %dma_wait3A_233 = arith.constant 0 : i32
      %dma_wait3A_234 = tpu.memref_slice %arg2[%dma_wait3A_232, %dma_wait3A_233] : memref<20000x128xf32, #tpu.memory_space<hbm>> -> memref<20000x128xf32, #tpu.memory_space<hbm>>
      tpu.wait_indirect_dma semaphore(%arg10 : memref<!tpu.dma_semaphore, #tpu.memory_space<semaphore_mem>>) src(%dma_wait3A_234 : memref<20000x128xf32, #tpu.memory_space<hbm>>) dst(%arg7 : memref<112x128xf32, #tpu.memory_space<vmem>>)
      %dma_start3A_235 = arith.constant 1 : i32
      %dma_start3A_236 = arith.constant 0 : i32
      %dma_start3A_237 = tpu.memref_slice %arg6[%add3A_227, %dma_start3A_235, %dma_start3A_236] : memref<18x2x112xi32, #tpu.memory_space<vmem>> -> memref<1x1x112xi32, #tpu.memory_space<vmem>>
      %dma_start3A_238 = tpu.memref_squeeze %dma_start3A_237 : memref<1x1x112xi32, #tpu.memory_space<vmem>> -> memref<112xi32, #tpu.memory_space<vmem>>
      %dma_start3A_239 = arith.constant 0 : i32
      %dma_start3A_240 = arith.constant 0 : i32
      %dma_start3A_241 = tpu.memref_slice %arg5[%dma_start3A_239, %dma_start3A_240] : memref<10112x128xf32, #tpu.memory_space<vmem_shared>> -> memref<10112x128xf32, #tpu.memory_space<vmem_shared>>
      tpu.enqueue_indirect_dma source(%arg7 : memref<112x128xf32, #tpu.memory_space<vmem>>) target(%dma_start3A_241 : memref<10112x128xf32, #tpu.memory_space<vmem_shared>>) offsets(%dma_start3A_238 : memref<112xi32, #tpu.memory_space<vmem>>) semaphore(%arg13 : memref<!tpu.dma_semaphore, #tpu.memory_space<semaphore_mem>>) {add = true}
      %ge3A = arith.constant 1 : i32
      %ge3A_242 = arith.cmpi sge, %add3A_227, %ge3A : i32
      %convert_element_type3A = arith.extui %ge3A_242 : i1 to i32
      %cond3A = arith.constant 0 : i32
      %cond3A_243 = arith.cmpi ne, %convert_element_type3A, %cond3A : i32
      scf.if %cond3A_243 {
        %sub3A = arith.constant 1 : i32
        %sub3A_306 = arith.subi %add3A_227, %sub3A : i32
        %dma_wait3A_307 = arith.constant 1 : i32
        %dma_wait3A_308 = arith.constant 0 : i32
        %dma_wait3A_309 = tpu.memref_slice %arg6[%sub3A_306, %dma_wait3A_307, %dma_wait3A_308] : memref<18x2x112xi32, #tpu.memory_space<vmem>> -> memref<1x1x112xi32, #tpu.memory_space<vmem>>
        %dma_wait3A_310 = tpu.memref_squeeze %dma_wait3A_309 : memref<1x1x112xi32, #tpu.memory_space<vmem>> -> memref<112xi32, #tpu.memory_space<vmem>>
        %dma_wait3A_311 = arith.constant 0 : i32
        %dma_wait3A_312 = arith.constant 0 : i32
        %dma_wait3A_313 = tpu.memref_slice %arg5[%dma_wait3A_311, %dma_wait3A_312] : memref<10112x128xf32, #tpu.memory_space<vmem_shared>> -> memref<10112x128xf32, #tpu.memory_space<vmem_shared>>
        tpu.wait_indirect_dma semaphore(%arg15 : memref<!tpu.dma_semaphore, #tpu.memory_space<semaphore_mem>>) src(%arg9 : memref<112x128xf32, #tpu.memory_space<vmem>>) dst(%dma_wait3A_313 : memref<10112x128xf32, #tpu.memory_space<vmem_shared>>)
      } else {
      }
      %add3A_244 = arith.constant 2 : i32
      %add3A_245 = arith.addi %add3A_227, %add3A_244 : i32
      %lt3A = arith.constant 18 : i32
      %lt3A_246 = arith.cmpi slt, %add3A_245, %lt3A : i32
      %convert_element_type3A_247 = arith.extui %lt3A_246 : i1 to i32
      %cond3A_248 = arith.constant 0 : i32
      %cond3A_249 = arith.cmpi ne, %convert_element_type3A_247, %cond3A_248 : i32
      scf.if %cond3A_249 {
        %add3A_306 = arith.constant 2 : i32
        %add3A_307 = arith.addi %add3A_227, %add3A_306 : i32
        %dma_start3A_308 = arith.constant 0 : i32
        %dma_start3A_309 = arith.constant 0 : i32
        %dma_start3A_310 = tpu.memref_slice %arg6[%add3A_307, %dma_start3A_308, %dma_start3A_309] : memref<18x2x112xi32, #tpu.memory_space<vmem>> -> memref<1x1x112xi32, #tpu.memory_space<vmem>>
        %dma_start3A_311 = tpu.memref_squeeze %dma_start3A_310 : memref<1x1x112xi32, #tpu.memory_space<vmem>> -> memref<112xi32, #tpu.memory_space<vmem>>
        %dma_start3A_312 = arith.constant 0 : i32
        %dma_start3A_313 = arith.constant 0 : i32
        %dma_start3A_314 = tpu.memref_slice %arg2[%dma_start3A_312, %dma_start3A_313] : memref<20000x128xf32, #tpu.memory_space<hbm>> -> memref<20000x128xf32, #tpu.memory_space<hbm>>
        tpu.enqueue_indirect_dma source(%dma_start3A_314 : memref<20000x128xf32, #tpu.memory_space<hbm>>) target(%arg9 : memref<112x128xf32, #tpu.memory_space<vmem>>) offsets(%dma_start3A_311 : memref<112xi32, #tpu.memory_space<vmem>>) semaphore(%arg12 : memref<!tpu.dma_semaphore, #tpu.memory_space<semaphore_mem>>)
      } else {
      }
      %add3A_250 = arith.constant 1 : i32
      %add3A_251 = arith.addi %add3A_225, %add3A_250 : i32
      %dma_wait3A_252 = arith.constant 0 : i32
      %dma_wait3A_253 = arith.constant 0 : i32
      %dma_wait3A_254 = tpu.memref_slice %arg6[%add3A_251, %dma_wait3A_252, %dma_wait3A_253] : memref<18x2x112xi32, #tpu.memory_space<vmem>> -> memref<1x1x112xi32, #tpu.memory_space<vmem>>
      %dma_wait3A_255 = tpu.memref_squeeze %dma_wait3A_254 : memref<1x1x112xi32, #tpu.memory_space<vmem>> -> memref<112xi32, #tpu.memory_space<vmem>>
      %dma_wait3A_256 = arith.constant 0 : i32
      %dma_wait3A_257 = arith.constant 0 : i32
      %dma_wait3A_258 = tpu.memref_slice %arg2[%dma_wait3A_256, %dma_wait3A_257] : memref<20000x128xf32, #tpu.memory_space<hbm>> -> memref<20000x128xf32, #tpu.memory_space<hbm>>
      tpu.wait_indirect_dma semaphore(%arg11 : memref<!tpu.dma_semaphore, #tpu.memory_space<semaphore_mem>>) src(%dma_wait3A_258 : memref<20000x128xf32, #tpu.memory_space<hbm>>) dst(%arg8 : memref<112x128xf32, #tpu.memory_space<vmem>>)
      %dma_start3A_259 = arith.constant 1 : i32
      %dma_start3A_260 = arith.constant 0 : i32
      %dma_start3A_261 = tpu.memref_slice %arg6[%add3A_251, %dma_start3A_259, %dma_start3A_260] : memref<18x2x112xi32, #tpu.memory_space<vmem>> -> memref<1x1x112xi32, #tpu.memory_space<vmem>>
      %dma_start3A_262 = tpu.memref_squeeze %dma_start3A_261 : memref<1x1x112xi32, #tpu.memory_space<vmem>> -> memref<112xi32, #tpu.memory_space<vmem>>
      %dma_start3A_263 = arith.constant 0 : i32
      %dma_start3A_264 = arith.constant 0 : i32
      %dma_start3A_265 = tpu.memref_slice %arg5[%dma_start3A_263, %dma_start3A_264] : memref<10112x128xf32, #tpu.memory_space<vmem_shared>> -> memref<10112x128xf32, #tpu.memory_space<vmem_shared>>
      tpu.enqueue_indirect_dma source(%arg8 : memref<112x128xf32, #tpu.memory_space<vmem>>) target(%dma_start3A_265 : memref<10112x128xf32, #tpu.memory_space<vmem_shared>>) offsets(%dma_start3A_262 : memref<112xi32, #tpu.memory_space<vmem>>) semaphore(%arg14 : memref<!tpu.dma_semaphore, #tpu.memory_space<semaphore_mem>>) {add = true}
      %ge3A_266 = arith.constant 1 : i32
      %ge3A_267 = arith.cmpi sge, %add3A_251, %ge3A_266 : i32
      %convert_element_type3A_268 = arith.extui %ge3A_267 : i1 to i32
      %cond3A_269 = arith.constant 0 : i32
      %cond3A_270 = arith.cmpi ne, %convert_element_type3A_268, %cond3A_269 : i32
      scf.if %cond3A_270 {
        %sub3A = arith.constant 1 : i32
        %sub3A_306 = arith.subi %add3A_251, %sub3A : i32
        %dma_wait3A_307 = arith.constant 1 : i32
        %dma_wait3A_308 = arith.constant 0 : i32
        %dma_wait3A_309 = tpu.memref_slice %arg6[%sub3A_306, %dma_wait3A_307, %dma_wait3A_308] : memref<18x2x112xi32, #tpu.memory_space<vmem>> -> memref<1x1x112xi32, #tpu.memory_space<vmem>>
        %dma_wait3A_310 = tpu.memref_squeeze %dma_wait3A_309 : memref<1x1x112xi32, #tpu.memory_space<vmem>> -> memref<112xi32, #tpu.memory_space<vmem>>
        %dma_wait3A_311 = arith.constant 0 : i32
        %dma_wait3A_312 = arith.constant 0 : i32
        %dma_wait3A_313 = tpu.memref_slice %arg5[%dma_wait3A_311, %dma_wait3A_312] : memref<10112x128xf32, #tpu.memory_space<vmem_shared>> -> memref<10112x128xf32, #tpu.memory_space<vmem_shared>>
        tpu.wait_indirect_dma semaphore(%arg13 : memref<!tpu.dma_semaphore, #tpu.memory_space<semaphore_mem>>) src(%arg7 : memref<112x128xf32, #tpu.memory_space<vmem>>) dst(%dma_wait3A_313 : memref<10112x128xf32, #tpu.memory_space<vmem_shared>>)
      } else {
      }
      %add3A_271 = arith.constant 2 : i32
      %add3A_272 = arith.addi %add3A_251, %add3A_271 : i32
      %lt3A_273 = arith.constant 18 : i32
      %lt3A_274 = arith.cmpi slt, %add3A_272, %lt3A_273 : i32
      %convert_element_type3A_275 = arith.extui %lt3A_274 : i1 to i32
      %cond3A_276 = arith.constant 0 : i32
      %cond3A_277 = arith.cmpi ne, %convert_element_type3A_275, %cond3A_276 : i32
      scf.if %cond3A_277 {
        %add3A_306 = arith.constant 2 : i32
        %add3A_307 = arith.addi %add3A_251, %add3A_306 : i32
        %dma_start3A_308 = arith.constant 0 : i32
        %dma_start3A_309 = arith.constant 0 : i32
        %dma_start3A_310 = tpu.memref_slice %arg6[%add3A_307, %dma_start3A_308, %dma_start3A_309] : memref<18x2x112xi32, #tpu.memory_space<vmem>> -> memref<1x1x112xi32, #tpu.memory_space<vmem>>
        %dma_start3A_311 = tpu.memref_squeeze %dma_start3A_310 : memref<1x1x112xi32, #tpu.memory_space<vmem>> -> memref<112xi32, #tpu.memory_space<vmem>>
        %dma_start3A_312 = arith.constant 0 : i32
        %dma_start3A_313 = arith.constant 0 : i32
        %dma_start3A_314 = tpu.memref_slice %arg2[%dma_start3A_312, %dma_start3A_313] : memref<20000x128xf32, #tpu.memory_space<hbm>> -> memref<20000x128xf32, #tpu.memory_space<hbm>>
        tpu.enqueue_indirect_dma source(%dma_start3A_314 : memref<20000x128xf32, #tpu.memory_space<hbm>>) target(%arg7 : memref<112x128xf32, #tpu.memory_space<vmem>>) offsets(%dma_start3A_311 : memref<112xi32, #tpu.memory_space<vmem>>) semaphore(%arg10 : memref<!tpu.dma_semaphore, #tpu.memory_space<semaphore_mem>>)
      } else {
      }
      %add3A_278 = arith.constant 2 : i32
      %add3A_279 = arith.addi %add3A_225, %add3A_278 : i32
      %dma_wait3A_280 = arith.constant 0 : i32
      %dma_wait3A_281 = arith.constant 0 : i32
      %dma_wait3A_282 = tpu.memref_slice %arg6[%add3A_279, %dma_wait3A_280, %dma_wait3A_281] : memref<18x2x112xi32, #tpu.memory_space<vmem>> -> memref<1x1x112xi32, #tpu.memory_space<vmem>>
      %dma_wait3A_283 = tpu.memref_squeeze %dma_wait3A_282 : memref<1x1x112xi32, #tpu.memory_space<vmem>> -> memref<112xi32, #tpu.memory_space<vmem>>
      %dma_wait3A_284 = arith.constant 0 : i32
      %dma_wait3A_285 = arith.constant 0 : i32
      %dma_wait3A_286 = tpu.memref_slice %arg2[%dma_wait3A_284, %dma_wait3A_285] : memref<20000x128xf32, #tpu.memory_space<hbm>> -> memref<20000x128xf32, #tpu.memory_space<hbm>>
      tpu.wait_indirect_dma semaphore(%arg12 : memref<!tpu.dma_semaphore, #tpu.memory_space<semaphore_mem>>) src(%dma_wait3A_286 : memref<20000x128xf32, #tpu.memory_space<hbm>>) dst(%arg9 : memref<112x128xf32, #tpu.memory_space<vmem>>)
      %dma_start3A_287 = arith.constant 1 : i32
      %dma_start3A_288 = arith.constant 0 : i32
      %dma_start3A_289 = tpu.memref_slice %arg6[%add3A_279, %dma_start3A_287, %dma_start3A_288] : memref<18x2x112xi32, #tpu.memory_space<vmem>> -> memref<1x1x112xi32, #tpu.memory_space<vmem>>
      %dma_start3A_290 = tpu.memref_squeeze %dma_start3A_289 : memref<1x1x112xi32, #tpu.memory_space<vmem>> -> memref<112xi32, #tpu.memory_space<vmem>>
      %dma_start3A_291 = arith.constant 0 : i32
      %dma_start3A_292 = arith.constant 0 : i32
      %dma_start3A_293 = tpu.memref_slice %arg5[%dma_start3A_291, %dma_start3A_292] : memref<10112x128xf32, #tpu.memory_space<vmem_shared>> -> memref<10112x128xf32, #tpu.memory_space<vmem_shared>>
      tpu.enqueue_indirect_dma source(%arg9 : memref<112x128xf32, #tpu.memory_space<vmem>>) target(%dma_start3A_293 : memref<10112x128xf32, #tpu.memory_space<vmem_shared>>) offsets(%dma_start3A_290 : memref<112xi32, #tpu.memory_space<vmem>>) semaphore(%arg15 : memref<!tpu.dma_semaphore, #tpu.memory_space<semaphore_mem>>) {add = true}
      %ge3A_294 = arith.constant 1 : i32
      %ge3A_295 = arith.cmpi sge, %add3A_279, %ge3A_294 : i32
      %convert_element_type3A_296 = arith.extui %ge3A_295 : i1 to i32
      %cond3A_297 = arith.constant 0 : i32
      %cond3A_298 = arith.cmpi ne, %convert_element_type3A_296, %cond3A_297 : i32
      scf.if %cond3A_298 {
        %sub3A = arith.constant 1 : i32
        %sub3A_306 = arith.subi %add3A_279, %sub3A : i32
        %dma_wait3A_307 = arith.constant 1 : i32
        %dma_wait3A_308 = arith.constant 0 : i32
        %dma_wait3A_309 = tpu.memref_slice %arg6[%sub3A_306, %dma_wait3A_307, %dma_wait3A_308] : memref<18x2x112xi32, #tpu.memory_space<vmem>> -> memref<1x1x112xi32, #tpu.memory_space<vmem>>
        %dma_wait3A_310 = tpu.memref_squeeze %dma_wait3A_309 : memref<1x1x112xi32, #tpu.memory_space<vmem>> -> memref<112xi32, #tpu.memory_space<vmem>>
        %dma_wait3A_311 = arith.constant 0 : i32
        %dma_wait3A_312 = arith.constant 0 : i32
        %dma_wait3A_313 = tpu.memref_slice %arg5[%dma_wait3A_311, %dma_wait3A_312] : memref<10112x128xf32, #tpu.memory_space<vmem_shared>> -> memref<10112x128xf32, #tpu.memory_space<vmem_shared>>
        tpu.wait_indirect_dma semaphore(%arg14 : memref<!tpu.dma_semaphore, #tpu.memory_space<semaphore_mem>>) src(%arg8 : memref<112x128xf32, #tpu.memory_space<vmem>>) dst(%dma_wait3A_313 : memref<10112x128xf32, #tpu.memory_space<vmem_shared>>)
      } else {
      }
      %add3A_299 = arith.constant 2 : i32
      %add3A_300 = arith.addi %add3A_279, %add3A_299 : i32
      %lt3A_301 = arith.constant 18 : i32
      %lt3A_302 = arith.cmpi slt, %add3A_300, %lt3A_301 : i32
      %convert_element_type3A_303 = arith.extui %lt3A_302 : i1 to i32
      %cond3A_304 = arith.constant 0 : i32
      %cond3A_305 = arith.cmpi ne, %convert_element_type3A_303, %cond3A_304 : i32
      scf.if %cond3A_305 {
        %add3A_306 = arith.constant 2 : i32
        %add3A_307 = arith.addi %add3A_279, %add3A_306 : i32
        %dma_start3A_308 = arith.constant 0 : i32
        %dma_start3A_309 = arith.constant 0 : i32
        %dma_start3A_310 = tpu.memref_slice %arg6[%add3A_307, %dma_start3A_308, %dma_start3A_309] : memref<18x2x112xi32, #tpu.memory_space<vmem>> -> memref<1x1x112xi32, #tpu.memory_space<vmem>>
        %dma_start3A_311 = tpu.memref_squeeze %dma_start3A_310 : memref<1x1x112xi32, #tpu.memory_space<vmem>> -> memref<112xi32, #tpu.memory_space<vmem>>
        %dma_start3A_312 = arith.constant 0 : i32
        %dma_start3A_313 = arith.constant 0 : i32
        %dma_start3A_314 = tpu.memref_slice %arg2[%dma_start3A_312, %dma_start3A_313] : memref<20000x128xf32, #tpu.memory_space<hbm>> -> memref<20000x128xf32, #tpu.memory_space<hbm>>
        tpu.enqueue_indirect_dma source(%dma_start3A_314 : memref<20000x128xf32, #tpu.memory_space<hbm>>) target(%arg8 : memref<112x128xf32, #tpu.memory_space<vmem>>) offsets(%dma_start3A_311 : memref<112xi32, #tpu.memory_space<vmem>>) semaphore(%arg11 : memref<!tpu.dma_semaphore, #tpu.memory_space<semaphore_mem>>)
      } else {
      }
    }
    %scan3A_131 = arith.constant 6 : i32
    %dma_wait3A_132 = arith.constant 17 : i32
    %dma_wait3A_133 = arith.constant 1 : i32
    %dma_wait3A_134 = arith.constant 0 : i32
    %dma_wait3A_135 = tpu.memref_slice %arg6[%dma_wait3A_132, %dma_wait3A_133, %dma_wait3A_134] : memref<18x2x112xi32, #tpu.memory_space<vmem>> -> memref<1x1x112xi32, #tpu.memory_space<vmem>>
    %dma_wait3A_136 = tpu.memref_squeeze %dma_wait3A_135 : memref<1x1x112xi32, #tpu.memory_space<vmem>> -> memref<112xi32, #tpu.memory_space<vmem>>
    %dma_wait3A_137 = arith.constant 0 : i32
    %dma_wait3A_138 = arith.constant 0 : i32
    %dma_wait3A_139 = tpu.memref_slice %arg5[%dma_wait3A_137, %dma_wait3A_138] : memref<10112x128xf32, #tpu.memory_space<vmem_shared>> -> memref<10112x128xf32, #tpu.memory_space<vmem_shared>>
    tpu.wait_indirect_dma semaphore(%arg15 : memref<!tpu.dma_semaphore, #tpu.memory_space<semaphore_mem>>) src(%arg9 : memref<112x128xf32, #tpu.memory_space<vmem>>) dst(%dma_wait3A_139 : memref<10112x128xf32, #tpu.memory_space<vmem_shared>>)
    %mul3A_140 = arith.constant 90 : i32
    %mul3A_141 = arith.muli %arg1, %mul3A_140 : i32
    %add3A_142 = arith.constant 54 : i32
    %add3A_143 = arith.addi %mul3A_141, %add3A_142 : i32
    "tpu.region"() ({
      %run_scoped3A = tpu.sem_alloc : memref<!tpu.dma_semaphore, #tpu.memory_space<semaphore_mem>>
      %dma_start3A_221 = arith.constant 0 : i32
      %dma_start3A_222 = arith.constant 0 : i32
      %dma_start3A_223 = tpu.memref_slice %arg3[%add3A_143, %dma_start3A_221, %dma_start3A_222] : memref<1440x2x112xi32, #tpu.memory_space<hbm>> -> memref<18x2x112xi32, #tpu.memory_space<hbm>>
      %dma_start3A_224 = arith.constant 0 : i32
      %dma_start3A_225 = arith.constant 0 : i32
      %dma_start3A_226 = tpu.memref_slice %arg3[%add3A_143, %dma_start3A_224, %dma_start3A_225] : memref<1440x2x112xi32, #tpu.memory_space<hbm>> -> memref<18x2x112xi32, #tpu.memory_space<hbm>>
      tpu.enqueue_dma source(%dma_start3A_226 : memref<18x2x112xi32, #tpu.memory_space<hbm>>) target(%arg6 : memref<18x2x112xi32, #tpu.memory_space<vmem>>) target_semaphore(%run_scoped3A : memref<!tpu.dma_semaphore, #tpu.memory_space<semaphore_mem>>)
      %dma_wait3A_227 = arith.constant 0 : i32
      %dma_wait3A_228 = arith.constant 0 : i32
      %dma_wait3A_229 = tpu.memref_slice %arg3[%add3A_143, %dma_wait3A_227, %dma_wait3A_228] : memref<1440x2x112xi32, #tpu.memory_space<hbm>> -> memref<18x2x112xi32, #tpu.memory_space<hbm>>
      %dma_wait3A_230 = arith.constant 0 : i32
      %dma_wait3A_231 = arith.constant 0 : i32
      %dma_wait3A_232 = tpu.memref_slice %arg3[%add3A_143, %dma_wait3A_230, %dma_wait3A_231] : memref<1440x2x112xi32, #tpu.memory_space<hbm>> -> memref<18x2x112xi32, #tpu.memory_space<hbm>>
      tpu.wait_dma2 semaphore(%run_scoped3A : memref<!tpu.dma_semaphore, #tpu.memory_space<semaphore_mem>>) src(%dma_wait3A_232 : memref<18x2x112xi32, #tpu.memory_space<hbm>>) dst(%arg6 : memref<18x2x112xi32, #tpu.memory_space<vmem>>)
      tpu.yield
    }) : () -> ()
    %scan3A_144 = arith.constant 0 : i32
    %scan3A_145 = arith.constant 18 : i32
    %scan3A_146 = arith.addi %scan3A_144, %scan3A_145 : i32
    %scan3A_147 = arith.constant 1 : i32
    scf.for %scan3A_221 = %scan3A_144 to %scan3A_146 step %scan3A_147  : i32 {
      %mul3A_222 = arith.constant 1 : i32
      %mul3A_223 = arith.muli %scan3A_221, %mul3A_222 : i32
      %add3A_224 = arith.constant 0 : i32
      %add3A_225 = arith.addi %add3A_224, %mul3A_223 : i32
      %get3A = arith.constant 0 : i32
      %get3A_226 = arith.index_cast %add3A_225 : i32 to index
      %get3A_227 = arith.index_cast %get3A : i32 to index
      %get3A_228 = arith.constant 0 : index
      %get3A_229 = tpu.vector_load %arg6[%get3A_226, %get3A_227, %get3A_228] {strides = array<i32>} : memref<18x2x112xi32, #tpu.memory_space<vmem>>, vector<1x1x16xi32>,
      %get3A_230 = vector.shape_cast %get3A_229 : vector<1x1x16xi32> to vector<16xi32>
      %mul3A_231 = arith.constant 2 : i32
      %mul3A_232 = vector.broadcast %mul3A_231 : i32 to vector<16xi32>
      %mul3A_233 = arith.muli %get3A_230, %mul3A_232 : vector<16xi32>
      %add3A_234 = arith.addi %mul3A_233, %broadcast_in_dim3A_27 : vector<16xi32>
      %swap3A = arith.constant 0 : i32
      %swap3A_235 = arith.index_cast %add3A_225 : i32 to index
      %swap3A_236 = arith.index_cast %swap3A : i32 to index
      %swap3A_237 = arith.constant 0 : index
      %swap3A_238 = tpu.vector_load %arg6[%swap3A_235, %swap3A_236, %swap3A_237] {strides = array<i32>} : memref<18x2x112xi32, #tpu.memory_space<vmem>>, vector<1x1x16xi32>,
      %swap3A_239 = vector.shape_cast %swap3A_238 : vector<1x1x16xi32> to vector<16xi32>
      %swap3A_240 = vector.shape_cast %add3A_234 : vector<16xi32> to vector<1x1x16xi32>
      tpu.vector_store %arg6[%swap3A_235, %swap3A_236, %swap3A_237], %swap3A_240 {strides = array<i32>} : memref<18x2x112xi32, #tpu.memory_space<vmem>>, vector<1x1x16xi32>,
      %get3A_241 = arith.constant 0 : i32
      %get3A_242 = arith.index_cast %add3A_225 : i32 to index
      %get3A_243 = arith.index_cast %get3A_241 : i32 to index
      %get3A_244 = arith.constant 16 : index
      %get3A_245 = tpu.vector_load %arg6[%get3A_242, %get3A_243, %get3A_244] {strides = array<i32>} : memref<18x2x112xi32, #tpu.memory_space<vmem>>, vector<1x1x16xi32>,
      %get3A_246 = vector.shape_cast %get3A_245 : vector<1x1x16xi32> to vector<16xi32>
      %mul3A_247 = arith.constant 2 : i32
      %mul3A_248 = vector.broadcast %mul3A_247 : i32 to vector<16xi32>
      %mul3A_249 = arith.muli %get3A_246, %mul3A_248 : vector<16xi32>
      %add3A_250 = arith.addi %mul3A_249, %broadcast_in_dim3A_27 : vector<16xi32>
      %swap3A_251 = arith.constant 0 : i32
      %swap3A_252 = arith.index_cast %add3A_225 : i32 to index
      %swap3A_253 = arith.index_cast %swap3A_251 : i32 to index
      %swap3A_254 = arith.constant 16 : index
      %swap3A_255 = tpu.vector_load %arg6[%swap3A_252, %swap3A_253, %swap3A_254] {strides = array<i32>} : memref<18x2x112xi32, #tpu.memory_space<vmem>>, vector<1x1x16xi32>,
      %swap3A_256 = vector.shape_cast %swap3A_255 : vector<1x1x16xi32> to vector<16xi32>
      %swap3A_257 = vector.shape_cast %add3A_250 : vector<16xi32> to vector<1x1x16xi32>
      tpu.vector_store %arg6[%swap3A_252, %swap3A_253, %swap3A_254], %swap3A_257 {strides = array<i32>} : memref<18x2x112xi32, #tpu.memory_space<vmem>>, vector<1x1x16xi32>,
      %get3A_258 = arith.constant 0 : i32
      %get3A_259 = arith.index_cast %add3A_225 : i32 to index
      %get3A_260 = arith.index_cast %get3A_258 : i32 to index
      %get3A_261 = arith.constant 32 : index
      %get3A_262 = tpu.vector_load %arg6[%get3A_259, %get3A_260, %get3A_261] {strides = array<i32>} : memref<18x2x112xi32, #tpu.memory_space<vmem>>, vector<1x1x16xi32>,
      %get3A_263 = vector.shape_cast %get3A_262 : vector<1x1x16xi32> to vector<16xi32>
      %mul3A_264 = arith.constant 2 : i32
      %mul3A_265 = vector.broadcast %mul3A_264 : i32 to vector<16xi32>
      %mul3A_266 = arith.muli %get3A_263, %mul3A_265 : vector<16xi32>
      %add3A_267 = arith.addi %mul3A_266, %broadcast_in_dim3A_27 : vector<16xi32>
      %swap3A_268 = arith.constant 0 : i32
      %swap3A_269 = arith.index_cast %add3A_225 : i32 to index
      %swap3A_270 = arith.index_cast %swap3A_268 : i32 to index
      %swap3A_271 = arith.constant 32 : index
      %swap3A_272 = tpu.vector_load %arg6[%swap3A_269, %swap3A_270, %swap3A_271] {strides = array<i32>} : memref<18x2x112xi32, #tpu.memory_space<vmem>>, vector<1x1x16xi32>,
      %swap3A_273 = vector.shape_cast %swap3A_272 : vector<1x1x16xi32> to vector<16xi32>
      %swap3A_274 = vector.shape_cast %add3A_267 : vector<16xi32> to vector<1x1x16xi32>
      tpu.vector_store %arg6[%swap3A_269, %swap3A_270, %swap3A_271], %swap3A_274 {strides = array<i32>} : memref<18x2x112xi32, #tpu.memory_space<vmem>>, vector<1x1x16xi32>,
      %get3A_275 = arith.constant 0 : i32
      %get3A_276 = arith.index_cast %add3A_225 : i32 to index
      %get3A_277 = arith.index_cast %get3A_275 : i32 to index
      %get3A_278 = arith.constant 48 : index
      %get3A_279 = tpu.vector_load %arg6[%get3A_276, %get3A_277, %get3A_278] {strides = array<i32>} : memref<18x2x112xi32, #tpu.memory_space<vmem>>, vector<1x1x16xi32>,
      %get3A_280 = vector.shape_cast %get3A_279 : vector<1x1x16xi32> to vector<16xi32>
      %mul3A_281 = arith.constant 2 : i32
      %mul3A_282 = vector.broadcast %mul3A_281 : i32 to vector<16xi32>
      %mul3A_283 = arith.muli %get3A_280, %mul3A_282 : vector<16xi32>
      %add3A_284 = arith.addi %mul3A_283, %broadcast_in_dim3A_27 : vector<16xi32>
      %swap3A_285 = arith.constant 0 : i32
      %swap3A_286 = arith.index_cast %add3A_225 : i32 to index
      %swap3A_287 = arith.index_cast %swap3A_285 : i32 to index
      %swap3A_288 = arith.constant 48 : index
      %swap3A_289 = tpu.vector_load %arg6[%swap3A_286, %swap3A_287, %swap3A_288] {strides = array<i32>} : memref<18x2x112xi32, #tpu.memory_space<vmem>>, vector<1x1x16xi32>,
      %swap3A_290 = vector.shape_cast %swap3A_289 : vector<1x1x16xi32> to vector<16xi32>
      %swap3A_291 = vector.shape_cast %add3A_284 : vector<16xi32> to vector<1x1x16xi32>
      tpu.vector_store %arg6[%swap3A_286, %swap3A_287, %swap3A_288], %swap3A_291 {strides = array<i32>} : memref<18x2x112xi32, #tpu.memory_space<vmem>>, vector<1x1x16xi32>,
      %get3A_292 = arith.constant 0 : i32
      %get3A_293 = arith.index_cast %add3A_225 : i32 to index
      %get3A_294 = arith.index_cast %get3A_292 : i32 to index
      %get3A_295 = arith.constant 64 : index
      %get3A_296 = tpu.vector_load %arg6[%get3A_293, %get3A_294, %get3A_295] {strides = array<i32>} : memref<18x2x112xi32, #tpu.memory_space<vmem>>, vector<1x1x16xi32>,
      %get3A_297 = vector.shape_cast %get3A_296 : vector<1x1x16xi32> to vector<16xi32>
      %mul3A_298 = arith.constant 2 : i32
      %mul3A_299 = vector.broadcast %mul3A_298 : i32 to vector<16xi32>
      %mul3A_300 = arith.muli %get3A_297, %mul3A_299 : vector<16xi32>
      %add3A_301 = arith.addi %mul3A_300, %broadcast_in_dim3A_27 : vector<16xi32>
      %swap3A_302 = arith.constant 0 : i32
      %swap3A_303 = arith.index_cast %add3A_225 : i32 to index
      %swap3A_304 = arith.index_cast %swap3A_302 : i32 to index
      %swap3A_305 = arith.constant 64 : index
      %swap3A_306 = tpu.vector_load %arg6[%swap3A_303, %swap3A_304, %swap3A_305] {strides = array<i32>} : memref<18x2x112xi32, #tpu.memory_space<vmem>>, vector<1x1x16xi32>,
      %swap3A_307 = vector.shape_cast %swap3A_306 : vector<1x1x16xi32> to vector<16xi32>
      %swap3A_308 = vector.shape_cast %add3A_301 : vector<16xi32> to vector<1x1x16xi32>
      tpu.vector_store %arg6[%swap3A_303, %swap3A_304, %swap3A_305], %swap3A_308 {strides = array<i32>} : memref<18x2x112xi32, #tpu.memory_space<vmem>>, vector<1x1x16xi32>,
      %get3A_309 = arith.constant 0 : i32
      %get3A_310 = arith.index_cast %add3A_225 : i32 to index
      %get3A_311 = arith.index_cast %get3A_309 : i32 to index
      %get3A_312 = arith.constant 80 : index
      %get3A_313 = tpu.vector_load %arg6[%get3A_310, %get3A_311, %get3A_312] {strides = array<i32>} : memref<18x2x112xi32, #tpu.memory_space<vmem>>, vector<1x1x16xi32>,
      %get3A_314 = vector.shape_cast %get3A_313 : vector<1x1x16xi32> to vector<16xi32>
      %mul3A_315 = arith.constant 2 : i32
      %mul3A_316 = vector.broadcast %mul3A_315 : i32 to vector<16xi32>
      %mul3A_317 = arith.muli %get3A_314, %mul3A_316 : vector<16xi32>
      %add3A_318 = arith.addi %mul3A_317, %broadcast_in_dim3A_27 : vector<16xi32>
      %swap3A_319 = arith.constant 0 : i32
      %swap3A_320 = arith.index_cast %add3A_225 : i32 to index
      %swap3A_321 = arith.index_cast %swap3A_319 : i32 to index
      %swap3A_322 = arith.constant 80 : index
      %swap3A_323 = tpu.vector_load %arg6[%swap3A_320, %swap3A_321, %swap3A_322] {strides = array<i32>} : memref<18x2x112xi32, #tpu.memory_space<vmem>>, vector<1x1x16xi32>,
      %swap3A_324 = vector.shape_cast %swap3A_323 : vector<1x1x16xi32> to vector<16xi32>
      %swap3A_325 = vector.shape_cast %add3A_318 : vector<16xi32> to vector<1x1x16xi32>
      tpu.vector_store %arg6[%swap3A_320, %swap3A_321, %swap3A_322], %swap3A_325 {strides = array<i32>} : memref<18x2x112xi32, #tpu.memory_space<vmem>>, vector<1x1x16xi32>,
      %get3A_326 = arith.constant 0 : i32
      %get3A_327 = arith.index_cast %add3A_225 : i32 to index
      %get3A_328 = arith.index_cast %get3A_326 : i32 to index
      %get3A_329 = arith.constant 96 : index
      %get3A_330 = tpu.vector_load %arg6[%get3A_327, %get3A_328, %get3A_329] {strides = array<i32>} : memref<18x2x112xi32, #tpu.memory_space<vmem>>, vector<1x1x16xi32>,
      %get3A_331 = vector.shape_cast %get3A_330 : vector<1x1x16xi32> to vector<16xi32>
      %mul3A_332 = arith.constant 2 : i32
      %mul3A_333 = vector.broadcast %mul3A_332 : i32 to vector<16xi32>
      %mul3A_334 = arith.muli %get3A_331, %mul3A_333 : vector<16xi32>
      %add3A_335 = arith.addi %mul3A_334, %broadcast_in_dim3A_27 : vector<16xi32>
      %swap3A_336 = arith.constant 0 : i32
      %swap3A_337 = arith.index_cast %add3A_225 : i32 to index
      %swap3A_338 = arith.index_cast %swap3A_336 : i32 to index
      %swap3A_339 = arith.constant 96 : index
      %swap3A_340 = tpu.vector_load %arg6[%swap3A_337, %swap3A_338, %swap3A_339] {strides = array<i32>} : memref<18x2x112xi32, #tpu.memory_space<vmem>>, vector<1x1x16xi32>,
      %swap3A_341 = vector.shape_cast %swap3A_340 : vector<1x1x16xi32> to vector<16xi32>
      %swap3A_342 = vector.shape_cast %add3A_335 : vector<16xi32> to vector<1x1x16xi32>
      tpu.vector_store %arg6[%swap3A_337, %swap3A_338, %swap3A_339], %swap3A_342 {strides = array<i32>} : memref<18x2x112xi32, #tpu.memory_space<vmem>>, vector<1x1x16xi32>,
    }
    %scan3A_148 = arith.constant 18 : i32
    %dma_start3A_149 = arith.constant 0 : i32
    %dma_start3A_150 = arith.constant 0 : i32
    %dma_start3A_151 = arith.constant 0 : i32
    %dma_start3A_152 = tpu.memref_slice %arg6[%dma_start3A_149, %dma_start3A_150, %dma_start3A_151] : memref<18x2x112xi32, #tpu.memory_space<vmem>> -> memref<1x1x112xi32, #tpu.memory_space<vmem>>
    %dma_start3A_153 = tpu.memref_squeeze %dma_start3A_152 : memref<1x1x112xi32, #tpu.memory_space<vmem>> -> memref<112xi32, #tpu.memory_space<vmem>>
    %dma_start3A_154 = arith.constant 0 : i32
    %dma_start3A_155 = arith.constant 0 : i32
    %dma_start3A_156 = tpu.memref_slice %arg2[%dma_start3A_154, %dma_start3A_155] : memref<20000x128xf32, #tpu.memory_space<hbm>> -> memref<20000x128xf32, #tpu.memory_space<hbm>>
    tpu.enqueue_indirect_dma source(%dma_start3A_156 : memref<20000x128xf32, #tpu.memory_space<hbm>>) target(%arg7 : memref<112x128xf32, #tpu.memory_space<vmem>>) offsets(%dma_start3A_153 : memref<112xi32, #tpu.memory_space<vmem>>) semaphore(%arg10 : memref<!tpu.dma_semaphore, #tpu.memory_space<semaphore_mem>>)
    %dma_start3A_157 = arith.constant 1 : i32
    %dma_start3A_158 = arith.constant 0 : i32
    %dma_start3A_159 = arith.constant 0 : i32
    %dma_start3A_160 = tpu.memref_slice %arg6[%dma_start3A_157, %dma_start3A_158, %dma_start3A_159] : memref<18x2x112xi32, #tpu.memory_space<vmem>> -> memref<1x1x112xi32, #tpu.memory_space<vmem>>
    %dma_start3A_161 = tpu.memref_squeeze %dma_start3A_160 : memref<1x1x112xi32, #tpu.memory_space<vmem>> -> memref<112xi32, #tpu.memory_space<vmem>>
    %dma_start3A_162 = arith.constant 0 : i32
    %dma_start3A_163 = arith.constant 0 : i32
    %dma_start3A_164 = tpu.memref_slice %arg2[%dma_start3A_162, %dma_start3A_163] : memref<20000x128xf32, #tpu.memory_space<hbm>> -> memref<20000x128xf32, #tpu.memory_space<hbm>>
    tpu.enqueue_indirect_dma source(%dma_start3A_164 : memref<20000x128xf32, #tpu.memory_space<hbm>>) target(%arg8 : memref<112x128xf32, #tpu.memory_space<vmem>>) offsets(%dma_start3A_161 : memref<112xi32, #tpu.memory_space<vmem>>) semaphore(%arg11 : memref<!tpu.dma_semaphore, #tpu.memory_space<semaphore_mem>>)
    %scan3A_165 = arith.constant 0 : i32
    %scan3A_166 = arith.constant 6 : i32
    %scan3A_167 = arith.addi %scan3A_165, %scan3A_166 : i32
    %scan3A_168 = arith.constant 1 : i32
    scf.for %scan3A_221 = %scan3A_165 to %scan3A_167 step %scan3A_168  : i32 {
      %mul3A_222 = arith.constant 3 : i32
      %mul3A_223 = arith.muli %scan3A_221, %mul3A_222 : i32
      %add3A_224 = arith.constant 0 : i32
      %add3A_225 = arith.addi %add3A_224, %mul3A_223 : i32
      %add3A_226 = arith.constant 0 : i32
      %add3A_227 = arith.addi %add3A_225, %add3A_226 : i32
      %dma_wait3A_228 = arith.constant 0 : i32
      %dma_wait3A_229 = arith.constant 0 : i32
      %dma_wait3A_230 = tpu.memref_slice %arg6[%add3A_227, %dma_wait3A_228, %dma_wait3A_229] : memref<18x2x112xi32, #tpu.memory_space<vmem>> -> memref<1x1x112xi32, #tpu.memory_space<vmem>>
      %dma_wait3A_231 = tpu.memref_squeeze %dma_wait3A_230 : memref<1x1x112xi32, #tpu.memory_space<vmem>> -> memref<112xi32, #tpu.memory_space<vmem>>
      %dma_wait3A_232 = arith.constant 0 : i32
      %dma_wait3A_233 = arith.constant 0 : i32
      %dma_wait3A_234 = tpu.memref_slice %arg2[%dma_wait3A_232, %dma_wait3A_233] : memref<20000x128xf32, #tpu.memory_space<hbm>> -> memref<20000x128xf32, #tpu.memory_space<hbm>>
      tpu.wait_indirect_dma semaphore(%arg10 : memref<!tpu.dma_semaphore, #tpu.memory_space<semaphore_mem>>) src(%dma_wait3A_234 : memref<20000x128xf32, #tpu.memory_space<hbm>>) dst(%arg7 : memref<112x128xf32, #tpu.memory_space<vmem>>)
      %dma_start3A_235 = arith.constant 1 : i32
      %dma_start3A_236 = arith.constant 0 : i32
      %dma_start3A_237 = tpu.memref_slice %arg6[%add3A_227, %dma_start3A_235, %dma_start3A_236] : memref<18x2x112xi32, #tpu.memory_space<vmem>> -> memref<1x1x112xi32, #tpu.memory_space<vmem>>
      %dma_start3A_238 = tpu.memref_squeeze %dma_start3A_237 : memref<1x1x112xi32, #tpu.memory_space<vmem>> -> memref<112xi32, #tpu.memory_space<vmem>>
      %dma_start3A_239 = arith.constant 0 : i32
      %dma_start3A_240 = arith.constant 0 : i32
      %dma_start3A_241 = tpu.memref_slice %arg5[%dma_start3A_239, %dma_start3A_240] : memref<10112x128xf32, #tpu.memory_space<vmem_shared>> -> memref<10112x128xf32, #tpu.memory_space<vmem_shared>>
      tpu.enqueue_indirect_dma source(%arg7 : memref<112x128xf32, #tpu.memory_space<vmem>>) target(%dma_start3A_241 : memref<10112x128xf32, #tpu.memory_space<vmem_shared>>) offsets(%dma_start3A_238 : memref<112xi32, #tpu.memory_space<vmem>>) semaphore(%arg13 : memref<!tpu.dma_semaphore, #tpu.memory_space<semaphore_mem>>) {add = true}
      %ge3A = arith.constant 1 : i32
      %ge3A_242 = arith.cmpi sge, %add3A_227, %ge3A : i32
      %convert_element_type3A = arith.extui %ge3A_242 : i1 to i32
      %cond3A = arith.constant 0 : i32
      %cond3A_243 = arith.cmpi ne, %convert_element_type3A, %cond3A : i32
      scf.if %cond3A_243 {
        %sub3A = arith.constant 1 : i32
        %sub3A_306 = arith.subi %add3A_227, %sub3A : i32
        %dma_wait3A_307 = arith.constant 1 : i32
        %dma_wait3A_308 = arith.constant 0 : i32
        %dma_wait3A_309 = tpu.memref_slice %arg6[%sub3A_306, %dma_wait3A_307, %dma_wait3A_308] : memref<18x2x112xi32, #tpu.memory_space<vmem>> -> memref<1x1x112xi32, #tpu.memory_space<vmem>>
        %dma_wait3A_310 = tpu.memref_squeeze %dma_wait3A_309 : memref<1x1x112xi32, #tpu.memory_space<vmem>> -> memref<112xi32, #tpu.memory_space<vmem>>
        %dma_wait3A_311 = arith.constant 0 : i32
        %dma_wait3A_312 = arith.constant 0 : i32
        %dma_wait3A_313 = tpu.memref_slice %arg5[%dma_wait3A_311, %dma_wait3A_312] : memref<10112x128xf32, #tpu.memory_space<vmem_shared>> -> memref<10112x128xf32, #tpu.memory_space<vmem_shared>>
        tpu.wait_indirect_dma semaphore(%arg15 : memref<!tpu.dma_semaphore, #tpu.memory_space<semaphore_mem>>) src(%arg9 : memref<112x128xf32, #tpu.memory_space<vmem>>) dst(%dma_wait3A_313 : memref<10112x128xf32, #tpu.memory_space<vmem_shared>>)
      } else {
      }
      %add3A_244 = arith.constant 2 : i32
      %add3A_245 = arith.addi %add3A_227, %add3A_244 : i32
      %lt3A = arith.constant 18 : i32
      %lt3A_246 = arith.cmpi slt, %add3A_245, %lt3A : i32
      %convert_element_type3A_247 = arith.extui %lt3A_246 : i1 to i32
      %cond3A_248 = arith.constant 0 : i32
      %cond3A_249 = arith.cmpi ne, %convert_element_type3A_247, %cond3A_248 : i32
      scf.if %cond3A_249 {
        %add3A_306 = arith.constant 2 : i32
        %add3A_307 = arith.addi %add3A_227, %add3A_306 : i32
        %dma_start3A_308 = arith.constant 0 : i32
        %dma_start3A_309 = arith.constant 0 : i32
        %dma_start3A_310 = tpu.memref_slice %arg6[%add3A_307, %dma_start3A_308, %dma_start3A_309] : memref<18x2x112xi32, #tpu.memory_space<vmem>> -> memref<1x1x112xi32, #tpu.memory_space<vmem>>
        %dma_start3A_311 = tpu.memref_squeeze %dma_start3A_310 : memref<1x1x112xi32, #tpu.memory_space<vmem>> -> memref<112xi32, #tpu.memory_space<vmem>>
        %dma_start3A_312 = arith.constant 0 : i32
        %dma_start3A_313 = arith.constant 0 : i32
        %dma_start3A_314 = tpu.memref_slice %arg2[%dma_start3A_312, %dma_start3A_313] : memref<20000x128xf32, #tpu.memory_space<hbm>> -> memref<20000x128xf32, #tpu.memory_space<hbm>>
        tpu.enqueue_indirect_dma source(%dma_start3A_314 : memref<20000x128xf32, #tpu.memory_space<hbm>>) target(%arg9 : memref<112x128xf32, #tpu.memory_space<vmem>>) offsets(%dma_start3A_311 : memref<112xi32, #tpu.memory_space<vmem>>) semaphore(%arg12 : memref<!tpu.dma_semaphore, #tpu.memory_space<semaphore_mem>>)
      } else {
      }
      %add3A_250 = arith.constant 1 : i32
      %add3A_251 = arith.addi %add3A_225, %add3A_250 : i32
      %dma_wait3A_252 = arith.constant 0 : i32
      %dma_wait3A_253 = arith.constant 0 : i32
      %dma_wait3A_254 = tpu.memref_slice %arg6[%add3A_251, %dma_wait3A_252, %dma_wait3A_253] : memref<18x2x112xi32, #tpu.memory_space<vmem>> -> memref<1x1x112xi32, #tpu.memory_space<vmem>>
      %dma_wait3A_255 = tpu.memref_squeeze %dma_wait3A_254 : memref<1x1x112xi32, #tpu.memory_space<vmem>> -> memref<112xi32, #tpu.memory_space<vmem>>
      %dma_wait3A_256 = arith.constant 0 : i32
      %dma_wait3A_257 = arith.constant 0 : i32
      %dma_wait3A_258 = tpu.memref_slice %arg2[%dma_wait3A_256, %dma_wait3A_257] : memref<20000x128xf32, #tpu.memory_space<hbm>> -> memref<20000x128xf32, #tpu.memory_space<hbm>>
      tpu.wait_indirect_dma semaphore(%arg11 : memref<!tpu.dma_semaphore, #tpu.memory_space<semaphore_mem>>) src(%dma_wait3A_258 : memref<20000x128xf32, #tpu.memory_space<hbm>>) dst(%arg8 : memref<112x128xf32, #tpu.memory_space<vmem>>)
      %dma_start3A_259 = arith.constant 1 : i32
      %dma_start3A_260 = arith.constant 0 : i32
      %dma_start3A_261 = tpu.memref_slice %arg6[%add3A_251, %dma_start3A_259, %dma_start3A_260] : memref<18x2x112xi32, #tpu.memory_space<vmem>> -> memref<1x1x112xi32, #tpu.memory_space<vmem>>
      %dma_start3A_262 = tpu.memref_squeeze %dma_start3A_261 : memref<1x1x112xi32, #tpu.memory_space<vmem>> -> memref<112xi32, #tpu.memory_space<vmem>>
      %dma_start3A_263 = arith.constant 0 : i32
      %dma_start3A_264 = arith.constant 0 : i32
      %dma_start3A_265 = tpu.memref_slice %arg5[%dma_start3A_263, %dma_start3A_264] : memref<10112x128xf32, #tpu.memory_space<vmem_shared>> -> memref<10112x128xf32, #tpu.memory_space<vmem_shared>>
      tpu.enqueue_indirect_dma source(%arg8 : memref<112x128xf32, #tpu.memory_space<vmem>>) target(%dma_start3A_265 : memref<10112x128xf32, #tpu.memory_space<vmem_shared>>) offsets(%dma_start3A_262 : memref<112xi32, #tpu.memory_space<vmem>>) semaphore(%arg14 : memref<!tpu.dma_semaphore, #tpu.memory_space<semaphore_mem>>) {add = true}
      %ge3A_266 = arith.constant 1 : i32
      %ge3A_267 = arith.cmpi sge, %add3A_251, %ge3A_266 : i32
      %convert_element_type3A_268 = arith.extui %ge3A_267 : i1 to i32
      %cond3A_269 = arith.constant 0 : i32
      %cond3A_270 = arith.cmpi ne, %convert_element_type3A_268, %cond3A_269 : i32
      scf.if %cond3A_270 {
        %sub3A = arith.constant 1 : i32
        %sub3A_306 = arith.subi %add3A_251, %sub3A : i32
        %dma_wait3A_307 = arith.constant 1 : i32
        %dma_wait3A_308 = arith.constant 0 : i32
        %dma_wait3A_309 = tpu.memref_slice %arg6[%sub3A_306, %dma_wait3A_307, %dma_wait3A_308] : memref<18x2x112xi32, #tpu.memory_space<vmem>> -> memref<1x1x112xi32, #tpu.memory_space<vmem>>
        %dma_wait3A_310 = tpu.memref_squeeze %dma_wait3A_309 : memref<1x1x112xi32, #tpu.memory_space<vmem>> -> memref<112xi32, #tpu.memory_space<vmem>>
        %dma_wait3A_311 = arith.constant 0 : i32
        %dma_wait3A_312 = arith.constant 0 : i32
        %dma_wait3A_313 = tpu.memref_slice %arg5[%dma_wait3A_311, %dma_wait3A_312] : memref<10112x128xf32, #tpu.memory_space<vmem_shared>> -> memref<10112x128xf32, #tpu.memory_space<vmem_shared>>
        tpu.wait_indirect_dma semaphore(%arg13 : memref<!tpu.dma_semaphore, #tpu.memory_space<semaphore_mem>>) src(%arg7 : memref<112x128xf32, #tpu.memory_space<vmem>>) dst(%dma_wait3A_313 : memref<10112x128xf32, #tpu.memory_space<vmem_shared>>)
      } else {
      }
      %add3A_271 = arith.constant 2 : i32
      %add3A_272 = arith.addi %add3A_251, %add3A_271 : i32
      %lt3A_273 = arith.constant 18 : i32
      %lt3A_274 = arith.cmpi slt, %add3A_272, %lt3A_273 : i32
      %convert_element_type3A_275 = arith.extui %lt3A_274 : i1 to i32
      %cond3A_276 = arith.constant 0 : i32
      %cond3A_277 = arith.cmpi ne, %convert_element_type3A_275, %cond3A_276 : i32
      scf.if %cond3A_277 {
        %add3A_306 = arith.constant 2 : i32
        %add3A_307 = arith.addi %add3A_251, %add3A_306 : i32
        %dma_start3A_308 = arith.constant 0 : i32
        %dma_start3A_309 = arith.constant 0 : i32
        %dma_start3A_310 = tpu.memref_slice %arg6[%add3A_307, %dma_start3A_308, %dma_start3A_309] : memref<18x2x112xi32, #tpu.memory_space<vmem>> -> memref<1x1x112xi32, #tpu.memory_space<vmem>>
        %dma_start3A_311 = tpu.memref_squeeze %dma_start3A_310 : memref<1x1x112xi32, #tpu.memory_space<vmem>> -> memref<112xi32, #tpu.memory_space<vmem>>
        %dma_start3A_312 = arith.constant 0 : i32
        %dma_start3A_313 = arith.constant 0 : i32
        %dma_start3A_314 = tpu.memref_slice %arg2[%dma_start3A_312, %dma_start3A_313] : memref<20000x128xf32, #tpu.memory_space<hbm>> -> memref<20000x128xf32, #tpu.memory_space<hbm>>
        tpu.enqueue_indirect_dma source(%dma_start3A_314 : memref<20000x128xf32, #tpu.memory_space<hbm>>) target(%arg7 : memref<112x128xf32, #tpu.memory_space<vmem>>) offsets(%dma_start3A_311 : memref<112xi32, #tpu.memory_space<vmem>>) semaphore(%arg10 : memref<!tpu.dma_semaphore, #tpu.memory_space<semaphore_mem>>)
      } else {
      }
      %add3A_278 = arith.constant 2 : i32
      %add3A_279 = arith.addi %add3A_225, %add3A_278 : i32
      %dma_wait3A_280 = arith.constant 0 : i32
      %dma_wait3A_281 = arith.constant 0 : i32
      %dma_wait3A_282 = tpu.memref_slice %arg6[%add3A_279, %dma_wait3A_280, %dma_wait3A_281] : memref<18x2x112xi32, #tpu.memory_space<vmem>> -> memref<1x1x112xi32, #tpu.memory_space<vmem>>
      %dma_wait3A_283 = tpu.memref_squeeze %dma_wait3A_282 : memref<1x1x112xi32, #tpu.memory_space<vmem>> -> memref<112xi32, #tpu.memory_space<vmem>>
      %dma_wait3A_284 = arith.constant 0 : i32
      %dma_wait3A_285 = arith.constant 0 : i32
      %dma_wait3A_286 = tpu.memref_slice %arg2[%dma_wait3A_284, %dma_wait3A_285] : memref<20000x128xf32, #tpu.memory_space<hbm>> -> memref<20000x128xf32, #tpu.memory_space<hbm>>
      tpu.wait_indirect_dma semaphore(%arg12 : memref<!tpu.dma_semaphore, #tpu.memory_space<semaphore_mem>>) src(%dma_wait3A_286 : memref<20000x128xf32, #tpu.memory_space<hbm>>) dst(%arg9 : memref<112x128xf32, #tpu.memory_space<vmem>>)
      %dma_start3A_287 = arith.constant 1 : i32
      %dma_start3A_288 = arith.constant 0 : i32
      %dma_start3A_289 = tpu.memref_slice %arg6[%add3A_279, %dma_start3A_287, %dma_start3A_288] : memref<18x2x112xi32, #tpu.memory_space<vmem>> -> memref<1x1x112xi32, #tpu.memory_space<vmem>>
      %dma_start3A_290 = tpu.memref_squeeze %dma_start3A_289 : memref<1x1x112xi32, #tpu.memory_space<vmem>> -> memref<112xi32, #tpu.memory_space<vmem>>
      %dma_start3A_291 = arith.constant 0 : i32
      %dma_start3A_292 = arith.constant 0 : i32
      %dma_start3A_293 = tpu.memref_slice %arg5[%dma_start3A_291, %dma_start3A_292] : memref<10112x128xf32, #tpu.memory_space<vmem_shared>> -> memref<10112x128xf32, #tpu.memory_space<vmem_shared>>
      tpu.enqueue_indirect_dma source(%arg9 : memref<112x128xf32, #tpu.memory_space<vmem>>) target(%dma_start3A_293 : memref<10112x128xf32, #tpu.memory_space<vmem_shared>>) offsets(%dma_start3A_290 : memref<112xi32, #tpu.memory_space<vmem>>) semaphore(%arg15 : memref<!tpu.dma_semaphore, #tpu.memory_space<semaphore_mem>>) {add = true}
      %ge3A_294 = arith.constant 1 : i32
      %ge3A_295 = arith.cmpi sge, %add3A_279, %ge3A_294 : i32
      %convert_element_type3A_296 = arith.extui %ge3A_295 : i1 to i32
      %cond3A_297 = arith.constant 0 : i32
      %cond3A_298 = arith.cmpi ne, %convert_element_type3A_296, %cond3A_297 : i32
      scf.if %cond3A_298 {
        %sub3A = arith.constant 1 : i32
        %sub3A_306 = arith.subi %add3A_279, %sub3A : i32
        %dma_wait3A_307 = arith.constant 1 : i32
        %dma_wait3A_308 = arith.constant 0 : i32
        %dma_wait3A_309 = tpu.memref_slice %arg6[%sub3A_306, %dma_wait3A_307, %dma_wait3A_308] : memref<18x2x112xi32, #tpu.memory_space<vmem>> -> memref<1x1x112xi32, #tpu.memory_space<vmem>>
        %dma_wait3A_310 = tpu.memref_squeeze %dma_wait3A_309 : memref<1x1x112xi32, #tpu.memory_space<vmem>> -> memref<112xi32, #tpu.memory_space<vmem>>
        %dma_wait3A_311 = arith.constant 0 : i32
        %dma_wait3A_312 = arith.constant 0 : i32
        %dma_wait3A_313 = tpu.memref_slice %arg5[%dma_wait3A_311, %dma_wait3A_312] : memref<10112x128xf32, #tpu.memory_space<vmem_shared>> -> memref<10112x128xf32, #tpu.memory_space<vmem_shared>>
        tpu.wait_indirect_dma semaphore(%arg14 : memref<!tpu.dma_semaphore, #tpu.memory_space<semaphore_mem>>) src(%arg8 : memref<112x128xf32, #tpu.memory_space<vmem>>) dst(%dma_wait3A_313 : memref<10112x128xf32, #tpu.memory_space<vmem_shared>>)
      } else {
      }
      %add3A_299 = arith.constant 2 : i32
      %add3A_300 = arith.addi %add3A_279, %add3A_299 : i32
      %lt3A_301 = arith.constant 18 : i32
      %lt3A_302 = arith.cmpi slt, %add3A_300, %lt3A_301 : i32
      %convert_element_type3A_303 = arith.extui %lt3A_302 : i1 to i32
      %cond3A_304 = arith.constant 0 : i32
      %cond3A_305 = arith.cmpi ne, %convert_element_type3A_303, %cond3A_304 : i32
      scf.if %cond3A_305 {
        %add3A_306 = arith.constant 2 : i32
        %add3A_307 = arith.addi %add3A_279, %add3A_306 : i32
        %dma_start3A_308 = arith.constant 0 : i32
        %dma_start3A_309 = arith.constant 0 : i32
        %dma_start3A_310 = tpu.memref_slice %arg6[%add3A_307, %dma_start3A_308, %dma_start3A_309] : memref<18x2x112xi32, #tpu.memory_space<vmem>> -> memref<1x1x112xi32, #tpu.memory_space<vmem>>
        %dma_start3A_311 = tpu.memref_squeeze %dma_start3A_310 : memref<1x1x112xi32, #tpu.memory_space<vmem>> -> memref<112xi32, #tpu.memory_space<vmem>>
        %dma_start3A_312 = arith.constant 0 : i32
        %dma_start3A_313 = arith.constant 0 : i32
        %dma_start3A_314 = tpu.memref_slice %arg2[%dma_start3A_312, %dma_start3A_313] : memref<20000x128xf32, #tpu.memory_space<hbm>> -> memref<20000x128xf32, #tpu.memory_space<hbm>>
        tpu.enqueue_indirect_dma source(%dma_start3A_314 : memref<20000x128xf32, #tpu.memory_space<hbm>>) target(%arg8 : memref<112x128xf32, #tpu.memory_space<vmem>>) offsets(%dma_start3A_311 : memref<112xi32, #tpu.memory_space<vmem>>) semaphore(%arg11 : memref<!tpu.dma_semaphore, #tpu.memory_space<semaphore_mem>>)
      } else {
      }
    }
    %scan3A_169 = arith.constant 6 : i32
    %dma_wait3A_170 = arith.constant 17 : i32
    %dma_wait3A_171 = arith.constant 1 : i32
    %dma_wait3A_172 = arith.constant 0 : i32
    %dma_wait3A_173 = tpu.memref_slice %arg6[%dma_wait3A_170, %dma_wait3A_171, %dma_wait3A_172] : memref<18x2x112xi32, #tpu.memory_space<vmem>> -> memref<1x1x112xi32, #tpu.memory_space<vmem>>
    %dma_wait3A_174 = tpu.memref_squeeze %dma_wait3A_173 : memref<1x1x112xi32, #tpu.memory_space<vmem>> -> memref<112xi32, #tpu.memory_space<vmem>>
    %dma_wait3A_175 = arith.constant 0 : i32
    %dma_wait3A_176 = arith.constant 0 : i32
    %dma_wait3A_177 = tpu.memref_slice %arg5[%dma_wait3A_175, %dma_wait3A_176] : memref<10112x128xf32, #tpu.memory_space<vmem_shared>> -> memref<10112x128xf32, #tpu.memory_space<vmem_shared>>
    tpu.wait_indirect_dma semaphore(%arg15 : memref<!tpu.dma_semaphore, #tpu.memory_space<semaphore_mem>>) src(%arg9 : memref<112x128xf32, #tpu.memory_space<vmem>>) dst(%dma_wait3A_177 : memref<10112x128xf32, #tpu.memory_space<vmem_shared>>)
    %mul3A_178 = arith.constant 90 : i32
    %mul3A_179 = arith.muli %arg1, %mul3A_178 : i32
    %add3A_180 = arith.constant 72 : i32
    %add3A_181 = arith.addi %mul3A_179, %add3A_180 : i32
    "tpu.region"() ({
      %run_scoped3A = tpu.sem_alloc : memref<!tpu.dma_semaphore, #tpu.memory_space<semaphore_mem>>
      %dma_start3A_221 = arith.constant 0 : i32
      %dma_start3A_222 = arith.constant 0 : i32
      %dma_start3A_223 = tpu.memref_slice %arg3[%add3A_181, %dma_start3A_221, %dma_start3A_222] : memref<1440x2x112xi32, #tpu.memory_space<hbm>> -> memref<18x2x112xi32, #tpu.memory_space<hbm>>
      %dma_start3A_224 = arith.constant 0 : i32
      %dma_start3A_225 = arith.constant 0 : i32
      %dma_start3A_226 = tpu.memref_slice %arg3[%add3A_181, %dma_start3A_224, %dma_start3A_225] : memref<1440x2x112xi32, #tpu.memory_space<hbm>> -> memref<18x2x112xi32, #tpu.memory_space<hbm>>
      tpu.enqueue_dma source(%dma_start3A_226 : memref<18x2x112xi32, #tpu.memory_space<hbm>>) target(%arg6 : memref<18x2x112xi32, #tpu.memory_space<vmem>>) target_semaphore(%run_scoped3A : memref<!tpu.dma_semaphore, #tpu.memory_space<semaphore_mem>>)
      %dma_wait3A_227 = arith.constant 0 : i32
      %dma_wait3A_228 = arith.constant 0 : i32
      %dma_wait3A_229 = tpu.memref_slice %arg3[%add3A_181, %dma_wait3A_227, %dma_wait3A_228] : memref<1440x2x112xi32, #tpu.memory_space<hbm>> -> memref<18x2x112xi32, #tpu.memory_space<hbm>>
      %dma_wait3A_230 = arith.constant 0 : i32
      %dma_wait3A_231 = arith.constant 0 : i32
      %dma_wait3A_232 = tpu.memref_slice %arg3[%add3A_181, %dma_wait3A_230, %dma_wait3A_231] : memref<1440x2x112xi32, #tpu.memory_space<hbm>> -> memref<18x2x112xi32, #tpu.memory_space<hbm>>
      tpu.wait_dma2 semaphore(%run_scoped3A : memref<!tpu.dma_semaphore, #tpu.memory_space<semaphore_mem>>) src(%dma_wait3A_232 : memref<18x2x112xi32, #tpu.memory_space<hbm>>) dst(%arg6 : memref<18x2x112xi32, #tpu.memory_space<vmem>>)
      tpu.yield
    }) : () -> ()
    %scan3A_182 = arith.constant 0 : i32
    %scan3A_183 = arith.constant 18 : i32
    %scan3A_184 = arith.addi %scan3A_182, %scan3A_183 : i32
    %scan3A_185 = arith.constant 1 : i32
    scf.for %scan3A_221 = %scan3A_182 to %scan3A_184 step %scan3A_185  : i32 {
      %mul3A_222 = arith.constant 1 : i32
      %mul3A_223 = arith.muli %scan3A_221, %mul3A_222 : i32
      %add3A_224 = arith.constant 0 : i32
      %add3A_225 = arith.addi %add3A_224, %mul3A_223 : i32
      %get3A = arith.constant 0 : i32
      %get3A_226 = arith.index_cast %add3A_225 : i32 to index
      %get3A_227 = arith.index_cast %get3A : i32 to index
      %get3A_228 = arith.constant 0 : index
      %get3A_229 = tpu.vector_load %arg6[%get3A_226, %get3A_227, %get3A_228] {strides = array<i32>} : memref<18x2x112xi32, #tpu.memory_space<vmem>>, vector<1x1x16xi32>,
      %get3A_230 = vector.shape_cast %get3A_229 : vector<1x1x16xi32> to vector<16xi32>
      %mul3A_231 = arith.constant 2 : i32
      %mul3A_232 = vector.broadcast %mul3A_231 : i32 to vector<16xi32>
      %mul3A_233 = arith.muli %get3A_230, %mul3A_232 : vector<16xi32>
      %add3A_234 = arith.addi %mul3A_233, %broadcast_in_dim3A_27 : vector<16xi32>
      %swap3A = arith.constant 0 : i32
      %swap3A_235 = arith.index_cast %add3A_225 : i32 to index
      %swap3A_236 = arith.index_cast %swap3A : i32 to index
      %swap3A_237 = arith.constant 0 : index
      %swap3A_238 = tpu.vector_load %arg6[%swap3A_235, %swap3A_236, %swap3A_237] {strides = array<i32>} : memref<18x2x112xi32, #tpu.memory_space<vmem>>, vector<1x1x16xi32>,
      %swap3A_239 = vector.shape_cast %swap3A_238 : vector<1x1x16xi32> to vector<16xi32>
      %swap3A_240 = vector.shape_cast %add3A_234 : vector<16xi32> to vector<1x1x16xi32>
      tpu.vector_store %arg6[%swap3A_235, %swap3A_236, %swap3A_237], %swap3A_240 {strides = array<i32>} : memref<18x2x112xi32, #tpu.memory_space<vmem>>, vector<1x1x16xi32>,
      %get3A_241 = arith.constant 0 : i32
      %get3A_242 = arith.index_cast %add3A_225 : i32 to index
      %get3A_243 = arith.index_cast %get3A_241 : i32 to index
      %get3A_244 = arith.constant 16 : index
      %get3A_245 = tpu.vector_load %arg6[%get3A_242, %get3A_243, %get3A_244] {strides = array<i32>} : memref<18x2x112xi32, #tpu.memory_space<vmem>>, vector<1x1x16xi32>,
      %get3A_246 = vector.shape_cast %get3A_245 : vector<1x1x16xi32> to vector<16xi32>
      %mul3A_247 = arith.constant 2 : i32
      %mul3A_248 = vector.broadcast %mul3A_247 : i32 to vector<16xi32>
      %mul3A_249 = arith.muli %get3A_246, %mul3A_248 : vector<16xi32>
      %add3A_250 = arith.addi %mul3A_249, %broadcast_in_dim3A_27 : vector<16xi32>
      %swap3A_251 = arith.constant 0 : i32
      %swap3A_252 = arith.index_cast %add3A_225 : i32 to index
      %swap3A_253 = arith.index_cast %swap3A_251 : i32 to index
      %swap3A_254 = arith.constant 16 : index
      %swap3A_255 = tpu.vector_load %arg6[%swap3A_252, %swap3A_253, %swap3A_254] {strides = array<i32>} : memref<18x2x112xi32, #tpu.memory_space<vmem>>, vector<1x1x16xi32>,
      %swap3A_256 = vector.shape_cast %swap3A_255 : vector<1x1x16xi32> to vector<16xi32>
      %swap3A_257 = vector.shape_cast %add3A_250 : vector<16xi32> to vector<1x1x16xi32>
      tpu.vector_store %arg6[%swap3A_252, %swap3A_253, %swap3A_254], %swap3A_257 {strides = array<i32>} : memref<18x2x112xi32, #tpu.memory_space<vmem>>, vector<1x1x16xi32>,
      %get3A_258 = arith.constant 0 : i32
      %get3A_259 = arith.index_cast %add3A_225 : i32 to index
      %get3A_260 = arith.index_cast %get3A_258 : i32 to index
      %get3A_261 = arith.constant 32 : index
      %get3A_262 = tpu.vector_load %arg6[%get3A_259, %get3A_260, %get3A_261] {strides = array<i32>} : memref<18x2x112xi32, #tpu.memory_space<vmem>>, vector<1x1x16xi32>,
      %get3A_263 = vector.shape_cast %get3A_262 : vector<1x1x16xi32> to vector<16xi32>
      %mul3A_264 = arith.constant 2 : i32
      %mul3A_265 = vector.broadcast %mul3A_264 : i32 to vector<16xi32>
      %mul3A_266 = arith.muli %get3A_263, %mul3A_265 : vector<16xi32>
      %add3A_267 = arith.addi %mul3A_266, %broadcast_in_dim3A_27 : vector<16xi32>
      %swap3A_268 = arith.constant 0 : i32
      %swap3A_269 = arith.index_cast %add3A_225 : i32 to index
      %swap3A_270 = arith.index_cast %swap3A_268 : i32 to index
      %swap3A_271 = arith.constant 32 : index
      %swap3A_272 = tpu.vector_load %arg6[%swap3A_269, %swap3A_270, %swap3A_271] {strides = array<i32>} : memref<18x2x112xi32, #tpu.memory_space<vmem>>, vector<1x1x16xi32>,
      %swap3A_273 = vector.shape_cast %swap3A_272 : vector<1x1x16xi32> to vector<16xi32>
      %swap3A_274 = vector.shape_cast %add3A_267 : vector<16xi32> to vector<1x1x16xi32>
      tpu.vector_store %arg6[%swap3A_269, %swap3A_270, %swap3A_271], %swap3A_274 {strides = array<i32>} : memref<18x2x112xi32, #tpu.memory_space<vmem>>, vector<1x1x16xi32>,
      %get3A_275 = arith.constant 0 : i32
      %get3A_276 = arith.index_cast %add3A_225 : i32 to index
      %get3A_277 = arith.index_cast %get3A_275 : i32 to index
      %get3A_278 = arith.constant 48 : index
      %get3A_279 = tpu.vector_load %arg6[%get3A_276, %get3A_277, %get3A_278] {strides = array<i32>} : memref<18x2x112xi32, #tpu.memory_space<vmem>>, vector<1x1x16xi32>,
      %get3A_280 = vector.shape_cast %get3A_279 : vector<1x1x16xi32> to vector<16xi32>
      %mul3A_281 = arith.constant 2 : i32
      %mul3A_282 = vector.broadcast %mul3A_281 : i32 to vector<16xi32>
      %mul3A_283 = arith.muli %get3A_280, %mul3A_282 : vector<16xi32>
      %add3A_284 = arith.addi %mul3A_283, %broadcast_in_dim3A_27 : vector<16xi32>
      %swap3A_285 = arith.constant 0 : i32
      %swap3A_286 = arith.index_cast %add3A_225 : i32 to index
      %swap3A_287 = arith.index_cast %swap3A_285 : i32 to index
      %swap3A_288 = arith.constant 48 : index
      %swap3A_289 = tpu.vector_load %arg6[%swap3A_286, %swap3A_287, %swap3A_288] {strides = array<i32>} : memref<18x2x112xi32, #tpu.memory_space<vmem>>, vector<1x1x16xi32>,
      %swap3A_290 = vector.shape_cast %swap3A_289 : vector<1x1x16xi32> to vector<16xi32>
      %swap3A_291 = vector.shape_cast %add3A_284 : vector<16xi32> to vector<1x1x16xi32>
      tpu.vector_store %arg6[%swap3A_286, %swap3A_287, %swap3A_288], %swap3A_291 {strides = array<i32>} : memref<18x2x112xi32, #tpu.memory_space<vmem>>, vector<1x1x16xi32>,
      %get3A_292 = arith.constant 0 : i32
      %get3A_293 = arith.index_cast %add3A_225 : i32 to index
      %get3A_294 = arith.index_cast %get3A_292 : i32 to index
      %get3A_295 = arith.constant 64 : index
      %get3A_296 = tpu.vector_load %arg6[%get3A_293, %get3A_294, %get3A_295] {strides = array<i32>} : memref<18x2x112xi32, #tpu.memory_space<vmem>>, vector<1x1x16xi32>,
      %get3A_297 = vector.shape_cast %get3A_296 : vector<1x1x16xi32> to vector<16xi32>
      %mul3A_298 = arith.constant 2 : i32
      %mul3A_299 = vector.broadcast %mul3A_298 : i32 to vector<16xi32>
      %mul3A_300 = arith.muli %get3A_297, %mul3A_299 : vector<16xi32>
      %add3A_301 = arith.addi %mul3A_300, %broadcast_in_dim3A_27 : vector<16xi32>
      %swap3A_302 = arith.constant 0 : i32
      %swap3A_303 = arith.index_cast %add3A_225 : i32 to index
      %swap3A_304 = arith.index_cast %swap3A_302 : i32 to index
      %swap3A_305 = arith.constant 64 : index
      %swap3A_306 = tpu.vector_load %arg6[%swap3A_303, %swap3A_304, %swap3A_305] {strides = array<i32>} : memref<18x2x112xi32, #tpu.memory_space<vmem>>, vector<1x1x16xi32>,
      %swap3A_307 = vector.shape_cast %swap3A_306 : vector<1x1x16xi32> to vector<16xi32>
      %swap3A_308 = vector.shape_cast %add3A_301 : vector<16xi32> to vector<1x1x16xi32>
      tpu.vector_store %arg6[%swap3A_303, %swap3A_304, %swap3A_305], %swap3A_308 {strides = array<i32>} : memref<18x2x112xi32, #tpu.memory_space<vmem>>, vector<1x1x16xi32>,
      %get3A_309 = arith.constant 0 : i32
      %get3A_310 = arith.index_cast %add3A_225 : i32 to index
      %get3A_311 = arith.index_cast %get3A_309 : i32 to index
      %get3A_312 = arith.constant 80 : index
      %get3A_313 = tpu.vector_load %arg6[%get3A_310, %get3A_311, %get3A_312] {strides = array<i32>} : memref<18x2x112xi32, #tpu.memory_space<vmem>>, vector<1x1x16xi32>,
      %get3A_314 = vector.shape_cast %get3A_313 : vector<1x1x16xi32> to vector<16xi32>
      %mul3A_315 = arith.constant 2 : i32
      %mul3A_316 = vector.broadcast %mul3A_315 : i32 to vector<16xi32>
      %mul3A_317 = arith.muli %get3A_314, %mul3A_316 : vector<16xi32>
      %add3A_318 = arith.addi %mul3A_317, %broadcast_in_dim3A_27 : vector<16xi32>
      %swap3A_319 = arith.constant 0 : i32
      %swap3A_320 = arith.index_cast %add3A_225 : i32 to index
      %swap3A_321 = arith.index_cast %swap3A_319 : i32 to index
      %swap3A_322 = arith.constant 80 : index
      %swap3A_323 = tpu.vector_load %arg6[%swap3A_320, %swap3A_321, %swap3A_322] {strides = array<i32>} : memref<18x2x112xi32, #tpu.memory_space<vmem>>, vector<1x1x16xi32>,
      %swap3A_324 = vector.shape_cast %swap3A_323 : vector<1x1x16xi32> to vector<16xi32>
      %swap3A_325 = vector.shape_cast %add3A_318 : vector<16xi32> to vector<1x1x16xi32>
      tpu.vector_store %arg6[%swap3A_320, %swap3A_321, %swap3A_322], %swap3A_325 {strides = array<i32>} : memref<18x2x112xi32, #tpu.memory_space<vmem>>, vector<1x1x16xi32>,
      %get3A_326 = arith.constant 0 : i32
      %get3A_327 = arith.index_cast %add3A_225 : i32 to index
      %get3A_328 = arith.index_cast %get3A_326 : i32 to index
      %get3A_329 = arith.constant 96 : index
      %get3A_330 = tpu.vector_load %arg6[%get3A_327, %get3A_328, %get3A_329] {strides = array<i32>} : memref<18x2x112xi32, #tpu.memory_space<vmem>>, vector<1x1x16xi32>,
      %get3A_331 = vector.shape_cast %get3A_330 : vector<1x1x16xi32> to vector<16xi32>
      %mul3A_332 = arith.constant 2 : i32
      %mul3A_333 = vector.broadcast %mul3A_332 : i32 to vector<16xi32>
      %mul3A_334 = arith.muli %get3A_331, %mul3A_333 : vector<16xi32>
      %add3A_335 = arith.addi %mul3A_334, %broadcast_in_dim3A_27 : vector<16xi32>
      %swap3A_336 = arith.constant 0 : i32
      %swap3A_337 = arith.index_cast %add3A_225 : i32 to index
      %swap3A_338 = arith.index_cast %swap3A_336 : i32 to index
      %swap3A_339 = arith.constant 96 : index
      %swap3A_340 = tpu.vector_load %arg6[%swap3A_337, %swap3A_338, %swap3A_339] {strides = array<i32>} : memref<18x2x112xi32, #tpu.memory_space<vmem>>, vector<1x1x16xi32>,
      %swap3A_341 = vector.shape_cast %swap3A_340 : vector<1x1x16xi32> to vector<16xi32>
      %swap3A_342 = vector.shape_cast %add3A_335 : vector<16xi32> to vector<1x1x16xi32>
      tpu.vector_store %arg6[%swap3A_337, %swap3A_338, %swap3A_339], %swap3A_342 {strides = array<i32>} : memref<18x2x112xi32, #tpu.memory_space<vmem>>, vector<1x1x16xi32>,
    }
    %scan3A_186 = arith.constant 18 : i32
    %dma_start3A_187 = arith.constant 0 : i32
    %dma_start3A_188 = arith.constant 0 : i32
    %dma_start3A_189 = arith.constant 0 : i32
    %dma_start3A_190 = tpu.memref_slice %arg6[%dma_start3A_187, %dma_start3A_188, %dma_start3A_189] : memref<18x2x112xi32, #tpu.memory_space<vmem>> -> memref<1x1x112xi32, #tpu.memory_space<vmem>>
    %dma_start3A_191 = tpu.memref_squeeze %dma_start3A_190 : memref<1x1x112xi32, #tpu.memory_space<vmem>> -> memref<112xi32, #tpu.memory_space<vmem>>
    %dma_start3A_192 = arith.constant 0 : i32
    %dma_start3A_193 = arith.constant 0 : i32
    %dma_start3A_194 = tpu.memref_slice %arg2[%dma_start3A_192, %dma_start3A_193] : memref<20000x128xf32, #tpu.memory_space<hbm>> -> memref<20000x128xf32, #tpu.memory_space<hbm>>
    tpu.enqueue_indirect_dma source(%dma_start3A_194 : memref<20000x128xf32, #tpu.memory_space<hbm>>) target(%arg7 : memref<112x128xf32, #tpu.memory_space<vmem>>) offsets(%dma_start3A_191 : memref<112xi32, #tpu.memory_space<vmem>>) semaphore(%arg10 : memref<!tpu.dma_semaphore, #tpu.memory_space<semaphore_mem>>)
    %dma_start3A_195 = arith.constant 1 : i32
    %dma_start3A_196 = arith.constant 0 : i32
    %dma_start3A_197 = arith.constant 0 : i32
    %dma_start3A_198 = tpu.memref_slice %arg6[%dma_start3A_195, %dma_start3A_196, %dma_start3A_197] : memref<18x2x112xi32, #tpu.memory_space<vmem>> -> memref<1x1x112xi32, #tpu.memory_space<vmem>>
    %dma_start3A_199 = tpu.memref_squeeze %dma_start3A_198 : memref<1x1x112xi32, #tpu.memory_space<vmem>> -> memref<112xi32, #tpu.memory_space<vmem>>
    %dma_start3A_200 = arith.constant 0 : i32
    %dma_start3A_201 = arith.constant 0 : i32
    %dma_start3A_202 = tpu.memref_slice %arg2[%dma_start3A_200, %dma_start3A_201] : memref<20000x128xf32, #tpu.memory_space<hbm>> -> memref<20000x128xf32, #tpu.memory_space<hbm>>
    tpu.enqueue_indirect_dma source(%dma_start3A_202 : memref<20000x128xf32, #tpu.memory_space<hbm>>) target(%arg8 : memref<112x128xf32, #tpu.memory_space<vmem>>) offsets(%dma_start3A_199 : memref<112xi32, #tpu.memory_space<vmem>>) semaphore(%arg11 : memref<!tpu.dma_semaphore, #tpu.memory_space<semaphore_mem>>)
    %scan3A_203 = arith.constant 0 : i32
    %scan3A_204 = arith.constant 6 : i32
    %scan3A_205 = arith.addi %scan3A_203, %scan3A_204 : i32
    %scan3A_206 = arith.constant 1 : i32
    scf.for %scan3A_221 = %scan3A_203 to %scan3A_205 step %scan3A_206  : i32 {
      %mul3A_222 = arith.constant 3 : i32
      %mul3A_223 = arith.muli %scan3A_221, %mul3A_222 : i32
      %add3A_224 = arith.constant 0 : i32
      %add3A_225 = arith.addi %add3A_224, %mul3A_223 : i32
      %add3A_226 = arith.constant 0 : i32
      %add3A_227 = arith.addi %add3A_225, %add3A_226 : i32
      %dma_wait3A_228 = arith.constant 0 : i32
      %dma_wait3A_229 = arith.constant 0 : i32
      %dma_wait3A_230 = tpu.memref_slice %arg6[%add3A_227, %dma_wait3A_228, %dma_wait3A_229] : memref<18x2x112xi32, #tpu.memory_space<vmem>> -> memref<1x1x112xi32, #tpu.memory_space<vmem>>
      %dma_wait3A_231 = tpu.memref_squeeze %dma_wait3A_230 : memref<1x1x112xi32, #tpu.memory_space<vmem>> -> memref<112xi32, #tpu.memory_space<vmem>>
      %dma_wait3A_232 = arith.constant 0 : i32
      %dma_wait3A_233 = arith.constant 0 : i32
      %dma_wait3A_234 = tpu.memref_slice %arg2[%dma_wait3A_232, %dma_wait3A_233] : memref<20000x128xf32, #tpu.memory_space<hbm>> -> memref<20000x128xf32, #tpu.memory_space<hbm>>
      tpu.wait_indirect_dma semaphore(%arg10 : memref<!tpu.dma_semaphore, #tpu.memory_space<semaphore_mem>>) src(%dma_wait3A_234 : memref<20000x128xf32, #tpu.memory_space<hbm>>) dst(%arg7 : memref<112x128xf32, #tpu.memory_space<vmem>>)
      %dma_start3A_235 = arith.constant 1 : i32
      %dma_start3A_236 = arith.constant 0 : i32
      %dma_start3A_237 = tpu.memref_slice %arg6[%add3A_227, %dma_start3A_235, %dma_start3A_236] : memref<18x2x112xi32, #tpu.memory_space<vmem>> -> memref<1x1x112xi32, #tpu.memory_space<vmem>>
      %dma_start3A_238 = tpu.memref_squeeze %dma_start3A_237 : memref<1x1x112xi32, #tpu.memory_space<vmem>> -> memref<112xi32, #tpu.memory_space<vmem>>
      %dma_start3A_239 = arith.constant 0 : i32
      %dma_start3A_240 = arith.constant 0 : i32
      %dma_start3A_241 = tpu.memref_slice %arg5[%dma_start3A_239, %dma_start3A_240] : memref<10112x128xf32, #tpu.memory_space<vmem_shared>> -> memref<10112x128xf32, #tpu.memory_space<vmem_shared>>
      tpu.enqueue_indirect_dma source(%arg7 : memref<112x128xf32, #tpu.memory_space<vmem>>) target(%dma_start3A_241 : memref<10112x128xf32, #tpu.memory_space<vmem_shared>>) offsets(%dma_start3A_238 : memref<112xi32, #tpu.memory_space<vmem>>) semaphore(%arg13 : memref<!tpu.dma_semaphore, #tpu.memory_space<semaphore_mem>>) {add = true}
      %ge3A = arith.constant 1 : i32
      %ge3A_242 = arith.cmpi sge, %add3A_227, %ge3A : i32
      %convert_element_type3A = arith.extui %ge3A_242 : i1 to i32
      %cond3A = arith.constant 0 : i32
      %cond3A_243 = arith.cmpi ne, %convert_element_type3A, %cond3A : i32
      scf.if %cond3A_243 {
        %sub3A = arith.constant 1 : i32
        %sub3A_306 = arith.subi %add3A_227, %sub3A : i32
        %dma_wait3A_307 = arith.constant 1 : i32
        %dma_wait3A_308 = arith.constant 0 : i32
        %dma_wait3A_309 = tpu.memref_slice %arg6[%sub3A_306, %dma_wait3A_307, %dma_wait3A_308] : memref<18x2x112xi32, #tpu.memory_space<vmem>> -> memref<1x1x112xi32, #tpu.memory_space<vmem>>
        %dma_wait3A_310 = tpu.memref_squeeze %dma_wait3A_309 : memref<1x1x112xi32, #tpu.memory_space<vmem>> -> memref<112xi32, #tpu.memory_space<vmem>>
        %dma_wait3A_311 = arith.constant 0 : i32
        %dma_wait3A_312 = arith.constant 0 : i32
        %dma_wait3A_313 = tpu.memref_slice %arg5[%dma_wait3A_311, %dma_wait3A_312] : memref<10112x128xf32, #tpu.memory_space<vmem_shared>> -> memref<10112x128xf32, #tpu.memory_space<vmem_shared>>
        tpu.wait_indirect_dma semaphore(%arg15 : memref<!tpu.dma_semaphore, #tpu.memory_space<semaphore_mem>>) src(%arg9 : memref<112x128xf32, #tpu.memory_space<vmem>>) dst(%dma_wait3A_313 : memref<10112x128xf32, #tpu.memory_space<vmem_shared>>)
      } else {
      }
      %add3A_244 = arith.constant 2 : i32
      %add3A_245 = arith.addi %add3A_227, %add3A_244 : i32
      %lt3A = arith.constant 18 : i32
      %lt3A_246 = arith.cmpi slt, %add3A_245, %lt3A : i32
      %convert_element_type3A_247 = arith.extui %lt3A_246 : i1 to i32
      %cond3A_248 = arith.constant 0 : i32
      %cond3A_249 = arith.cmpi ne, %convert_element_type3A_247, %cond3A_248 : i32
      scf.if %cond3A_249 {
        %add3A_306 = arith.constant 2 : i32
        %add3A_307 = arith.addi %add3A_227, %add3A_306 : i32
        %dma_start3A_308 = arith.constant 0 : i32
        %dma_start3A_309 = arith.constant 0 : i32
        %dma_start3A_310 = tpu.memref_slice %arg6[%add3A_307, %dma_start3A_308, %dma_start3A_309] : memref<18x2x112xi32, #tpu.memory_space<vmem>> -> memref<1x1x112xi32, #tpu.memory_space<vmem>>
        %dma_start3A_311 = tpu.memref_squeeze %dma_start3A_310 : memref<1x1x112xi32, #tpu.memory_space<vmem>> -> memref<112xi32, #tpu.memory_space<vmem>>
        %dma_start3A_312 = arith.constant 0 : i32
        %dma_start3A_313 = arith.constant 0 : i32
        %dma_start3A_314 = tpu.memref_slice %arg2[%dma_start3A_312, %dma_start3A_313] : memref<20000x128xf32, #tpu.memory_space<hbm>> -> memref<20000x128xf32, #tpu.memory_space<hbm>>
        tpu.enqueue_indirect_dma source(%dma_start3A_314 : memref<20000x128xf32, #tpu.memory_space<hbm>>) target(%arg9 : memref<112x128xf32, #tpu.memory_space<vmem>>) offsets(%dma_start3A_311 : memref<112xi32, #tpu.memory_space<vmem>>) semaphore(%arg12 : memref<!tpu.dma_semaphore, #tpu.memory_space<semaphore_mem>>)
      } else {
      }
      %add3A_250 = arith.constant 1 : i32
      %add3A_251 = arith.addi %add3A_225, %add3A_250 : i32
      %dma_wait3A_252 = arith.constant 0 : i32
      %dma_wait3A_253 = arith.constant 0 : i32
      %dma_wait3A_254 = tpu.memref_slice %arg6[%add3A_251, %dma_wait3A_252, %dma_wait3A_253] : memref<18x2x112xi32, #tpu.memory_space<vmem>> -> memref<1x1x112xi32, #tpu.memory_space<vmem>>
      %dma_wait3A_255 = tpu.memref_squeeze %dma_wait3A_254 : memref<1x1x112xi32, #tpu.memory_space<vmem>> -> memref<112xi32, #tpu.memory_space<vmem>>
      %dma_wait3A_256 = arith.constant 0 : i32
      %dma_wait3A_257 = arith.constant 0 : i32
      %dma_wait3A_258 = tpu.memref_slice %arg2[%dma_wait3A_256, %dma_wait3A_257] : memref<20000x128xf32, #tpu.memory_space<hbm>> -> memref<20000x128xf32, #tpu.memory_space<hbm>>
      tpu.wait_indirect_dma semaphore(%arg11 : memref<!tpu.dma_semaphore, #tpu.memory_space<semaphore_mem>>) src(%dma_wait3A_258 : memref<20000x128xf32, #tpu.memory_space<hbm>>) dst(%arg8 : memref<112x128xf32, #tpu.memory_space<vmem>>)
      %dma_start3A_259 = arith.constant 1 : i32
      %dma_start3A_260 = arith.constant 0 : i32
      %dma_start3A_261 = tpu.memref_slice %arg6[%add3A_251, %dma_start3A_259, %dma_start3A_260] : memref<18x2x112xi32, #tpu.memory_space<vmem>> -> memref<1x1x112xi32, #tpu.memory_space<vmem>>
      %dma_start3A_262 = tpu.memref_squeeze %dma_start3A_261 : memref<1x1x112xi32, #tpu.memory_space<vmem>> -> memref<112xi32, #tpu.memory_space<vmem>>
      %dma_start3A_263 = arith.constant 0 : i32
      %dma_start3A_264 = arith.constant 0 : i32
      %dma_start3A_265 = tpu.memref_slice %arg5[%dma_start3A_263, %dma_start3A_264] : memref<10112x128xf32, #tpu.memory_space<vmem_shared>> -> memref<10112x128xf32, #tpu.memory_space<vmem_shared>>
      tpu.enqueue_indirect_dma source(%arg8 : memref<112x128xf32, #tpu.memory_space<vmem>>) target(%dma_start3A_265 : memref<10112x128xf32, #tpu.memory_space<vmem_shared>>) offsets(%dma_start3A_262 : memref<112xi32, #tpu.memory_space<vmem>>) semaphore(%arg14 : memref<!tpu.dma_semaphore, #tpu.memory_space<semaphore_mem>>) {add = true}
      %ge3A_266 = arith.constant 1 : i32
      %ge3A_267 = arith.cmpi sge, %add3A_251, %ge3A_266 : i32
      %convert_element_type3A_268 = arith.extui %ge3A_267 : i1 to i32
      %cond3A_269 = arith.constant 0 : i32
      %cond3A_270 = arith.cmpi ne, %convert_element_type3A_268, %cond3A_269 : i32
      scf.if %cond3A_270 {
        %sub3A = arith.constant 1 : i32
        %sub3A_306 = arith.subi %add3A_251, %sub3A : i32
        %dma_wait3A_307 = arith.constant 1 : i32
        %dma_wait3A_308 = arith.constant 0 : i32
        %dma_wait3A_309 = tpu.memref_slice %arg6[%sub3A_306, %dma_wait3A_307, %dma_wait3A_308] : memref<18x2x112xi32, #tpu.memory_space<vmem>> -> memref<1x1x112xi32, #tpu.memory_space<vmem>>
        %dma_wait3A_310 = tpu.memref_squeeze %dma_wait3A_309 : memref<1x1x112xi32, #tpu.memory_space<vmem>> -> memref<112xi32, #tpu.memory_space<vmem>>
        %dma_wait3A_311 = arith.constant 0 : i32
        %dma_wait3A_312 = arith.constant 0 : i32
        %dma_wait3A_313 = tpu.memref_slice %arg5[%dma_wait3A_311, %dma_wait3A_312] : memref<10112x128xf32, #tpu.memory_space<vmem_shared>> -> memref<10112x128xf32, #tpu.memory_space<vmem_shared>>
        tpu.wait_indirect_dma semaphore(%arg13 : memref<!tpu.dma_semaphore, #tpu.memory_space<semaphore_mem>>) src(%arg7 : memref<112x128xf32, #tpu.memory_space<vmem>>) dst(%dma_wait3A_313 : memref<10112x128xf32, #tpu.memory_space<vmem_shared>>)
      } else {
      }
      %add3A_271 = arith.constant 2 : i32
      %add3A_272 = arith.addi %add3A_251, %add3A_271 : i32
      %lt3A_273 = arith.constant 18 : i32
      %lt3A_274 = arith.cmpi slt, %add3A_272, %lt3A_273 : i32
      %convert_element_type3A_275 = arith.extui %lt3A_274 : i1 to i32
      %cond3A_276 = arith.constant 0 : i32
      %cond3A_277 = arith.cmpi ne, %convert_element_type3A_275, %cond3A_276 : i32
      scf.if %cond3A_277 {
        %add3A_306 = arith.constant 2 : i32
        %add3A_307 = arith.addi %add3A_251, %add3A_306 : i32
        %dma_start3A_308 = arith.constant 0 : i32
        %dma_start3A_309 = arith.constant 0 : i32
        %dma_start3A_310 = tpu.memref_slice %arg6[%add3A_307, %dma_start3A_308, %dma_start3A_309] : memref<18x2x112xi32, #tpu.memory_space<vmem>> -> memref<1x1x112xi32, #tpu.memory_space<vmem>>
        %dma_start3A_311 = tpu.memref_squeeze %dma_start3A_310 : memref<1x1x112xi32, #tpu.memory_space<vmem>> -> memref<112xi32, #tpu.memory_space<vmem>>
        %dma_start3A_312 = arith.constant 0 : i32
        %dma_start3A_313 = arith.constant 0 : i32
        %dma_start3A_314 = tpu.memref_slice %arg2[%dma_start3A_312, %dma_start3A_313] : memref<20000x128xf32, #tpu.memory_space<hbm>> -> memref<20000x128xf32, #tpu.memory_space<hbm>>
        tpu.enqueue_indirect_dma source(%dma_start3A_314 : memref<20000x128xf32, #tpu.memory_space<hbm>>) target(%arg7 : memref<112x128xf32, #tpu.memory_space<vmem>>) offsets(%dma_start3A_311 : memref<112xi32, #tpu.memory_space<vmem>>) semaphore(%arg10 : memref<!tpu.dma_semaphore, #tpu.memory_space<semaphore_mem>>)
      } else {
      }
      %add3A_278 = arith.constant 2 : i32
      %add3A_279 = arith.addi %add3A_225, %add3A_278 : i32
      %dma_wait3A_280 = arith.constant 0 : i32
      %dma_wait3A_281 = arith.constant 0 : i32
      %dma_wait3A_282 = tpu.memref_slice %arg6[%add3A_279, %dma_wait3A_280, %dma_wait3A_281] : memref<18x2x112xi32, #tpu.memory_space<vmem>> -> memref<1x1x112xi32, #tpu.memory_space<vmem>>
      %dma_wait3A_283 = tpu.memref_squeeze %dma_wait3A_282 : memref<1x1x112xi32, #tpu.memory_space<vmem>> -> memref<112xi32, #tpu.memory_space<vmem>>
      %dma_wait3A_284 = arith.constant 0 : i32
      %dma_wait3A_285 = arith.constant 0 : i32
      %dma_wait3A_286 = tpu.memref_slice %arg2[%dma_wait3A_284, %dma_wait3A_285] : memref<20000x128xf32, #tpu.memory_space<hbm>> -> memref<20000x128xf32, #tpu.memory_space<hbm>>
      tpu.wait_indirect_dma semaphore(%arg12 : memref<!tpu.dma_semaphore, #tpu.memory_space<semaphore_mem>>) src(%dma_wait3A_286 : memref<20000x128xf32, #tpu.memory_space<hbm>>) dst(%arg9 : memref<112x128xf32, #tpu.memory_space<vmem>>)
      %dma_start3A_287 = arith.constant 1 : i32
      %dma_start3A_288 = arith.constant 0 : i32
      %dma_start3A_289 = tpu.memref_slice %arg6[%add3A_279, %dma_start3A_287, %dma_start3A_288] : memref<18x2x112xi32, #tpu.memory_space<vmem>> -> memref<1x1x112xi32, #tpu.memory_space<vmem>>
      %dma_start3A_290 = tpu.memref_squeeze %dma_start3A_289 : memref<1x1x112xi32, #tpu.memory_space<vmem>> -> memref<112xi32, #tpu.memory_space<vmem>>
      %dma_start3A_291 = arith.constant 0 : i32
      %dma_start3A_292 = arith.constant 0 : i32
      %dma_start3A_293 = tpu.memref_slice %arg5[%dma_start3A_291, %dma_start3A_292] : memref<10112x128xf32, #tpu.memory_space<vmem_shared>> -> memref<10112x128xf32, #tpu.memory_space<vmem_shared>>
      tpu.enqueue_indirect_dma source(%arg9 : memref<112x128xf32, #tpu.memory_space<vmem>>) target(%dma_start3A_293 : memref<10112x128xf32, #tpu.memory_space<vmem_shared>>) offsets(%dma_start3A_290 : memref<112xi32, #tpu.memory_space<vmem>>) semaphore(%arg15 : memref<!tpu.dma_semaphore, #tpu.memory_space<semaphore_mem>>) {add = true}
      %ge3A_294 = arith.constant 1 : i32
      %ge3A_295 = arith.cmpi sge, %add3A_279, %ge3A_294 : i32
      %convert_element_type3A_296 = arith.extui %ge3A_295 : i1 to i32
      %cond3A_297 = arith.constant 0 : i32
      %cond3A_298 = arith.cmpi ne, %convert_element_type3A_296, %cond3A_297 : i32
      scf.if %cond3A_298 {
        %sub3A = arith.constant 1 : i32
        %sub3A_306 = arith.subi %add3A_279, %sub3A : i32
        %dma_wait3A_307 = arith.constant 1 : i32
        %dma_wait3A_308 = arith.constant 0 : i32
        %dma_wait3A_309 = tpu.memref_slice %arg6[%sub3A_306, %dma_wait3A_307, %dma_wait3A_308] : memref<18x2x112xi32, #tpu.memory_space<vmem>> -> memref<1x1x112xi32, #tpu.memory_space<vmem>>
        %dma_wait3A_310 = tpu.memref_squeeze %dma_wait3A_309 : memref<1x1x112xi32, #tpu.memory_space<vmem>> -> memref<112xi32, #tpu.memory_space<vmem>>
        %dma_wait3A_311 = arith.constant 0 : i32
        %dma_wait3A_312 = arith.constant 0 : i32
        %dma_wait3A_313 = tpu.memref_slice %arg5[%dma_wait3A_311, %dma_wait3A_312] : memref<10112x128xf32, #tpu.memory_space<vmem_shared>> -> memref<10112x128xf32, #tpu.memory_space<vmem_shared>>
        tpu.wait_indirect_dma semaphore(%arg14 : memref<!tpu.dma_semaphore, #tpu.memory_space<semaphore_mem>>) src(%arg8 : memref<112x128xf32, #tpu.memory_space<vmem>>) dst(%dma_wait3A_313 : memref<10112x128xf32, #tpu.memory_space<vmem_shared>>)
      } else {
      }
      %add3A_299 = arith.constant 2 : i32
      %add3A_300 = arith.addi %add3A_279, %add3A_299 : i32
      %lt3A_301 = arith.constant 18 : i32
      %lt3A_302 = arith.cmpi slt, %add3A_300, %lt3A_301 : i32
      %convert_element_type3A_303 = arith.extui %lt3A_302 : i1 to i32
      %cond3A_304 = arith.constant 0 : i32
      %cond3A_305 = arith.cmpi ne, %convert_element_type3A_303, %cond3A_304 : i32
      scf.if %cond3A_305 {
        %add3A_306 = arith.constant 2 : i32
        %add3A_307 = arith.addi %add3A_279, %add3A_306 : i32
        %dma_start3A_308 = arith.constant 0 : i32
        %dma_start3A_309 = arith.constant 0 : i32
        %dma_start3A_310 = tpu.memref_slice %arg6[%add3A_307, %dma_start3A_308, %dma_start3A_309] : memref<18x2x112xi32, #tpu.memory_space<vmem>> -> memref<1x1x112xi32, #tpu.memory_space<vmem>>
        %dma_start3A_311 = tpu.memref_squeeze %dma_start3A_310 : memref<1x1x112xi32, #tpu.memory_space<vmem>> -> memref<112xi32, #tpu.memory_space<vmem>>
        %dma_start3A_312 = arith.constant 0 : i32
        %dma_start3A_313 = arith.constant 0 : i32
        %dma_start3A_314 = tpu.memref_slice %arg2[%dma_start3A_312, %dma_start3A_313] : memref<20000x128xf32, #tpu.memory_space<hbm>> -> memref<20000x128xf32, #tpu.memory_space<hbm>>
        tpu.enqueue_indirect_dma source(%dma_start3A_314 : memref<20000x128xf32, #tpu.memory_space<hbm>>) target(%arg8 : memref<112x128xf32, #tpu.memory_space<vmem>>) offsets(%dma_start3A_311 : memref<112xi32, #tpu.memory_space<vmem>>) semaphore(%arg11 : memref<!tpu.dma_semaphore, #tpu.memory_space<semaphore_mem>>)
      } else {
      }
    }
    %scan3A_207 = arith.constant 6 : i32
    %dma_wait3A_208 = arith.constant 17 : i32
    %dma_wait3A_209 = arith.constant 1 : i32
    %dma_wait3A_210 = arith.constant 0 : i32
    %dma_wait3A_211 = tpu.memref_slice %arg6[%dma_wait3A_208, %dma_wait3A_209, %dma_wait3A_210] : memref<18x2x112xi32, #tpu.memory_space<vmem>> -> memref<1x1x112xi32, #tpu.memory_space<vmem>>
    %dma_wait3A_212 = tpu.memref_squeeze %dma_wait3A_211 : memref<1x1x112xi32, #tpu.memory_space<vmem>> -> memref<112xi32, #tpu.memory_space<vmem>>
    %dma_wait3A_213 = arith.constant 0 : i32
    %dma_wait3A_214 = arith.constant 0 : i32
    %dma_wait3A_215 = tpu.memref_slice %arg5[%dma_wait3A_213, %dma_wait3A_214] : memref<10112x128xf32, #tpu.memory_space<vmem_shared>> -> memref<10112x128xf32, #tpu.memory_space<vmem_shared>>
    tpu.wait_indirect_dma semaphore(%arg15 : memref<!tpu.dma_semaphore, #tpu.memory_space<semaphore_mem>>) src(%arg9 : memref<112x128xf32, #tpu.memory_space<vmem>>) dst(%dma_wait3A_215 : memref<10112x128xf32, #tpu.memory_space<vmem_shared>>)
    %barrier3A_216 = arith.constant 0 : index
    tpu.barrier barrier_id(%barrier3A_216)
    %mul3A_217 = arith.constant 632 : i32
    %mul3A_218 = arith.muli %arg1, %mul3A_217 : i32
    %mul3A_219 = arith.constant 632 : i32
    %mul3A_220 = arith.muli %arg1, %mul3A_219 : i32
    "tpu.region"() ({
      %run_scoped3A = tpu.sem_alloc : memref<!tpu.dma_semaphore, #tpu.memory_space<semaphore_mem>>
      %dma_start3A_221 = arith.constant 0 : i32
      %dma_start3A_222 = tpu.memref_slice %arg4[%arg0, %mul3A_220, %dma_start3A_221] : memref<2x10112x128xf32, #tpu.memory_space<hbm>> -> memref<1x632x128xf32, #tpu.memory_space<hbm>>
      %dma_start3A_223 = tpu.memref_squeeze %dma_start3A_222 : memref<1x632x128xf32, #tpu.memory_space<hbm>> -> memref<632x128xf32, #tpu.memory_space<hbm>>
      %dma_start3A_224 = arith.constant 0 : i32
      %dma_start3A_225 = tpu.memref_slice %arg5[%mul3A_218, %dma_start3A_224] : memref<10112x128xf32, #tpu.memory_space<vmem_shared>> -> memref<632x128xf32, #tpu.memory_space<vmem_shared>>
      tpu.enqueue_dma source(%dma_start3A_225 : memref<632x128xf32, #tpu.memory_space<vmem_shared>>) target(%dma_start3A_223 : memref<632x128xf32, #tpu.memory_space<hbm>>) target_semaphore(%run_scoped3A : memref<!tpu.dma_semaphore, #tpu.memory_space<semaphore_mem>>)
      %dma_wait3A_226 = arith.constant 0 : i32
      %dma_wait3A_227 = tpu.memref_slice %arg4[%arg0, %mul3A_220, %dma_wait3A_226] : memref<2x10112x128xf32, #tpu.memory_space<hbm>> -> memref<1x632x128xf32, #tpu.memory_space<hbm>>
      %dma_wait3A_228 = tpu.memref_squeeze %dma_wait3A_227 : memref<1x632x128xf32, #tpu.memory_space<hbm>> -> memref<632x128xf32, #tpu.memory_space<hbm>>
      %dma_wait3A_229 = arith.constant 0 : i32
      %dma_wait3A_230 = tpu.memref_slice %arg5[%mul3A_218, %dma_wait3A_229] : memref<10112x128xf32, #tpu.memory_space<vmem_shared>> -> memref<632x128xf32, #tpu.memory_space<vmem_shared>>
      tpu.wait_dma2 semaphore(%run_scoped3A : memref<!tpu.dma_semaphore, #tpu.memory_space<semaphore_mem>>) src(%dma_wait3A_230 : memref<632x128xf32, #tpu.memory_space<vmem_shared>>) dst(%dma_wait3A_228 : memref<632x128xf32, #tpu.memory_space<hbm>>)
      tpu.yield
    }) : () -> ()
    return
  }
}

#map = affine_map<(d0, d1) -> (0, 0)>
#map1 = affine_map<(d0, d1) -> (0, 0, 0, 0)>
#map2 = affine_map<(d0, d1) -> (0, 0, 0)>
module attributes {stable_mosaic.version = 14 : i64} {
  func.func @seg(%arg0: i32, %arg1: i32, %arg2: memref<10000x128xf32, #tpu.memory_space<hbm>>, %arg3: memref<2x720x2x112xi32, #tpu.memory_space<hbm>>, %arg4: memref<2x10112x128xf32, #tpu.memory_space<hbm>>, %arg5: memref<10112x128xf32, #tpu.memory_space<vmem_shared>>, %arg6: memref<15x2x112xi32, #tpu.memory_space<vmem>>, %arg7: memref<112x128xf32, #tpu.memory_space<vmem>>, %arg8: memref<112x128xf32, #tpu.memory_space<vmem>>, %arg9: memref<112x128xf32, #tpu.memory_space<vmem>>, %arg10: memref<!tpu.dma_semaphore, #tpu.memory_space<semaphore_mem>>, %arg11: memref<!tpu.dma_semaphore, #tpu.memory_space<semaphore_mem>>, %arg12: memref<!tpu.dma_semaphore, #tpu.memory_space<semaphore_mem>>, %arg13: memref<!tpu.dma_semaphore, #tpu.memory_space<semaphore_mem>>, %arg14: memref<!tpu.dma_semaphore, #tpu.memory_space<semaphore_mem>>, %arg15: memref<!tpu.dma_semaphore, #tpu.memory_space<semaphore_mem>>) attributes {dimension_semantics = [#tpu.dimension_semantics<core_parallel>, #tpu.dimension_semantics<subcore_parallel>], iteration_bounds = array<i64: 2, 16>, scalar_prefetch = 0 : i64, scratch_operands = 11 : i64, tpu.core_type = #tpu.core_type<sc_vector_subcore>, window_params = [{transform_indices = #map}, {transform_indices = #map1}, {transform_indices = #map2}]} {
    %broadcast_in_dim3A = arith.constant 0.000000e+00 : f32
    %broadcast_in_dim3A_0 = vector.broadcast %broadcast_in_dim3A : f32 to vector<16xf32>
    %scan3A = arith.constant 0 : i32
    %scan3A_1 = arith.constant 112 : i32
    %scan3A_2 = arith.addi %scan3A, %scan3A_1 : i32
    %scan3A_3 = arith.constant 1 : i32
    scf.for %scan3A_130 = %scan3A to %scan3A_2 step %scan3A_3  : i32 {
      %mul3A_131 = arith.constant 1 : i32
      %mul3A_132 = arith.muli %scan3A_130, %mul3A_131 : i32
      %add3A_133 = arith.constant 0 : i32
      %add3A_134 = arith.addi %add3A_133, %mul3A_132 : i32
      %swap3A = arith.index_cast %add3A_134 : i32 to index
      %swap3A_135 = arith.constant 0 : index
      %swap3A_136 = tpu.vector_load %arg7[%swap3A, %swap3A_135] {strides = array<i32>} : memref<112x128xf32, #tpu.memory_space<vmem>>, vector<1x16xf32>,
      %swap3A_137 = vector.shape_cast %swap3A_136 : vector<1x16xf32> to vector<16xf32>
      %swap3A_138 = vector.shape_cast %broadcast_in_dim3A_0 : vector<16xf32> to vector<1x16xf32>
      tpu.vector_store %arg7[%swap3A, %swap3A_135], %swap3A_138 {strides = array<i32>} : memref<112x128xf32, #tpu.memory_space<vmem>>, vector<1x16xf32>,
      %swap3A_139 = arith.index_cast %add3A_134 : i32 to index
      %swap3A_140 = arith.constant 16 : index
      %swap3A_141 = tpu.vector_load %arg7[%swap3A_139, %swap3A_140] {strides = array<i32>} : memref<112x128xf32, #tpu.memory_space<vmem>>, vector<1x16xf32>,
      %swap3A_142 = vector.shape_cast %swap3A_141 : vector<1x16xf32> to vector<16xf32>
      %swap3A_143 = vector.shape_cast %broadcast_in_dim3A_0 : vector<16xf32> to vector<1x16xf32>
      tpu.vector_store %arg7[%swap3A_139, %swap3A_140], %swap3A_143 {strides = array<i32>} : memref<112x128xf32, #tpu.memory_space<vmem>>, vector<1x16xf32>,
      %swap3A_144 = arith.index_cast %add3A_134 : i32 to index
      %swap3A_145 = arith.constant 32 : index
      %swap3A_146 = tpu.vector_load %arg7[%swap3A_144, %swap3A_145] {strides = array<i32>} : memref<112x128xf32, #tpu.memory_space<vmem>>, vector<1x16xf32>,
      %swap3A_147 = vector.shape_cast %swap3A_146 : vector<1x16xf32> to vector<16xf32>
      %swap3A_148 = vector.shape_cast %broadcast_in_dim3A_0 : vector<16xf32> to vector<1x16xf32>
      tpu.vector_store %arg7[%swap3A_144, %swap3A_145], %swap3A_148 {strides = array<i32>} : memref<112x128xf32, #tpu.memory_space<vmem>>, vector<1x16xf32>,
      %swap3A_149 = arith.index_cast %add3A_134 : i32 to index
      %swap3A_150 = arith.constant 48 : index
      %swap3A_151 = tpu.vector_load %arg7[%swap3A_149, %swap3A_150] {strides = array<i32>} : memref<112x128xf32, #tpu.memory_space<vmem>>, vector<1x16xf32>,
      %swap3A_152 = vector.shape_cast %swap3A_151 : vector<1x16xf32> to vector<16xf32>
      %swap3A_153 = vector.shape_cast %broadcast_in_dim3A_0 : vector<16xf32> to vector<1x16xf32>
      tpu.vector_store %arg7[%swap3A_149, %swap3A_150], %swap3A_153 {strides = array<i32>} : memref<112x128xf32, #tpu.memory_space<vmem>>, vector<1x16xf32>,
      %swap3A_154 = arith.index_cast %add3A_134 : i32 to index
      %swap3A_155 = arith.constant 64 : index
      %swap3A_156 = tpu.vector_load %arg7[%swap3A_154, %swap3A_155] {strides = array<i32>} : memref<112x128xf32, #tpu.memory_space<vmem>>, vector<1x16xf32>,
      %swap3A_157 = vector.shape_cast %swap3A_156 : vector<1x16xf32> to vector<16xf32>
      %swap3A_158 = vector.shape_cast %broadcast_in_dim3A_0 : vector<16xf32> to vector<1x16xf32>
      tpu.vector_store %arg7[%swap3A_154, %swap3A_155], %swap3A_158 {strides = array<i32>} : memref<112x128xf32, #tpu.memory_space<vmem>>, vector<1x16xf32>,
      %swap3A_159 = arith.index_cast %add3A_134 : i32 to index
      %swap3A_160 = arith.constant 80 : index
      %swap3A_161 = tpu.vector_load %arg7[%swap3A_159, %swap3A_160] {strides = array<i32>} : memref<112x128xf32, #tpu.memory_space<vmem>>, vector<1x16xf32>,
      %swap3A_162 = vector.shape_cast %swap3A_161 : vector<1x16xf32> to vector<16xf32>
      %swap3A_163 = vector.shape_cast %broadcast_in_dim3A_0 : vector<16xf32> to vector<1x16xf32>
      tpu.vector_store %arg7[%swap3A_159, %swap3A_160], %swap3A_163 {strides = array<i32>} : memref<112x128xf32, #tpu.memory_space<vmem>>, vector<1x16xf32>,
      %swap3A_164 = arith.index_cast %add3A_134 : i32 to index
      %swap3A_165 = arith.constant 96 : index
      %swap3A_166 = tpu.vector_load %arg7[%swap3A_164, %swap3A_165] {strides = array<i32>} : memref<112x128xf32, #tpu.memory_space<vmem>>, vector<1x16xf32>,
      %swap3A_167 = vector.shape_cast %swap3A_166 : vector<1x16xf32> to vector<16xf32>
      %swap3A_168 = vector.shape_cast %broadcast_in_dim3A_0 : vector<16xf32> to vector<1x16xf32>
      tpu.vector_store %arg7[%swap3A_164, %swap3A_165], %swap3A_168 {strides = array<i32>} : memref<112x128xf32, #tpu.memory_space<vmem>>, vector<1x16xf32>,
      %swap3A_169 = arith.index_cast %add3A_134 : i32 to index
      %swap3A_170 = arith.constant 112 : index
      %swap3A_171 = tpu.vector_load %arg7[%swap3A_169, %swap3A_170] {strides = array<i32>} : memref<112x128xf32, #tpu.memory_space<vmem>>, vector<1x16xf32>,
      %swap3A_172 = vector.shape_cast %swap3A_171 : vector<1x16xf32> to vector<16xf32>
      %swap3A_173 = vector.shape_cast %broadcast_in_dim3A_0 : vector<16xf32> to vector<1x16xf32>
      tpu.vector_store %arg7[%swap3A_169, %swap3A_170], %swap3A_173 {strides = array<i32>} : memref<112x128xf32, #tpu.memory_space<vmem>>, vector<1x16xf32>,
    }
    %scan3A_4 = arith.constant 112 : i32
    %mul3A = arith.constant 632 : i32
    %mul3A_5 = arith.muli %arg1, %mul3A : i32
    %add3A = arith.constant 0 : i32
    %add3A_6 = arith.addi %mul3A_5, %add3A : i32
    "tpu.region"() ({
      %run_scoped3A = tpu.sem_alloc : memref<!tpu.dma_semaphore, #tpu.memory_space<semaphore_mem>>
      %dma_start3A_130 = arith.constant 0 : i32
      %dma_start3A_131 = tpu.memref_slice %arg5[%add3A_6, %dma_start3A_130] : memref<10112x128xf32, #tpu.memory_space<vmem_shared>> -> memref<112x128xf32, #tpu.memory_space<vmem_shared>>
      %dma_start3A_132 = arith.constant 0 : i32
      %dma_start3A_133 = tpu.memref_slice %arg5[%add3A_6, %dma_start3A_132] : memref<10112x128xf32, #tpu.memory_space<vmem_shared>> -> memref<112x128xf32, #tpu.memory_space<vmem_shared>>
      tpu.enqueue_dma source(%arg7 : memref<112x128xf32, #tpu.memory_space<vmem>>) target(%dma_start3A_133 : memref<112x128xf32, #tpu.memory_space<vmem_shared>>) target_semaphore(%run_scoped3A : memref<!tpu.dma_semaphore, #tpu.memory_space<semaphore_mem>>)
      %dma_wait3A_134 = arith.constant 0 : i32
      %dma_wait3A_135 = tpu.memref_slice %arg5[%add3A_6, %dma_wait3A_134] : memref<10112x128xf32, #tpu.memory_space<vmem_shared>> -> memref<112x128xf32, #tpu.memory_space<vmem_shared>>
      %dma_wait3A_136 = arith.constant 0 : i32
      %dma_wait3A_137 = tpu.memref_slice %arg5[%add3A_6, %dma_wait3A_136] : memref<10112x128xf32, #tpu.memory_space<vmem_shared>> -> memref<112x128xf32, #tpu.memory_space<vmem_shared>>
      tpu.wait_dma2 semaphore(%run_scoped3A : memref<!tpu.dma_semaphore, #tpu.memory_space<semaphore_mem>>) src(%arg7 : memref<112x128xf32, #tpu.memory_space<vmem>>) dst(%dma_wait3A_137 : memref<112x128xf32, #tpu.memory_space<vmem_shared>>)
      tpu.yield
    }) : () -> ()
    %mul3A_7 = arith.constant 632 : i32
    %mul3A_8 = arith.muli %arg1, %mul3A_7 : i32
    %add3A_9 = arith.constant 112 : i32
    %add3A_10 = arith.addi %mul3A_8, %add3A_9 : i32
    "tpu.region"() ({
      %run_scoped3A = tpu.sem_alloc : memref<!tpu.dma_semaphore, #tpu.memory_space<semaphore_mem>>
      %dma_start3A_130 = arith.constant 0 : i32
      %dma_start3A_131 = tpu.memref_slice %arg5[%add3A_10, %dma_start3A_130] : memref<10112x128xf32, #tpu.memory_space<vmem_shared>> -> memref<112x128xf32, #tpu.memory_space<vmem_shared>>
      %dma_start3A_132 = arith.constant 0 : i32
      %dma_start3A_133 = tpu.memref_slice %arg5[%add3A_10, %dma_start3A_132] : memref<10112x128xf32, #tpu.memory_space<vmem_shared>> -> memref<112x128xf32, #tpu.memory_space<vmem_shared>>
      tpu.enqueue_dma source(%arg7 : memref<112x128xf32, #tpu.memory_space<vmem>>) target(%dma_start3A_133 : memref<112x128xf32, #tpu.memory_space<vmem_shared>>) target_semaphore(%run_scoped3A : memref<!tpu.dma_semaphore, #tpu.memory_space<semaphore_mem>>)
      %dma_wait3A_134 = arith.constant 0 : i32
      %dma_wait3A_135 = tpu.memref_slice %arg5[%add3A_10, %dma_wait3A_134] : memref<10112x128xf32, #tpu.memory_space<vmem_shared>> -> memref<112x128xf32, #tpu.memory_space<vmem_shared>>
      %dma_wait3A_136 = arith.constant 0 : i32
      %dma_wait3A_137 = tpu.memref_slice %arg5[%add3A_10, %dma_wait3A_136] : memref<10112x128xf32, #tpu.memory_space<vmem_shared>> -> memref<112x128xf32, #tpu.memory_space<vmem_shared>>
      tpu.wait_dma2 semaphore(%run_scoped3A : memref<!tpu.dma_semaphore, #tpu.memory_space<semaphore_mem>>) src(%arg7 : memref<112x128xf32, #tpu.memory_space<vmem>>) dst(%dma_wait3A_137 : memref<112x128xf32, #tpu.memory_space<vmem_shared>>)
      tpu.yield
    }) : () -> ()
    %mul3A_11 = arith.constant 632 : i32
    %mul3A_12 = arith.muli %arg1, %mul3A_11 : i32
    %add3A_13 = arith.constant 224 : i32
    %add3A_14 = arith.addi %mul3A_12, %add3A_13 : i32
    "tpu.region"() ({
      %run_scoped3A = tpu.sem_alloc : memref<!tpu.dma_semaphore, #tpu.memory_space<semaphore_mem>>
      %dma_start3A_130 = arith.constant 0 : i32
      %dma_start3A_131 = tpu.memref_slice %arg5[%add3A_14, %dma_start3A_130] : memref<10112x128xf32, #tpu.memory_space<vmem_shared>> -> memref<112x128xf32, #tpu.memory_space<vmem_shared>>
      %dma_start3A_132 = arith.constant 0 : i32
      %dma_start3A_133 = tpu.memref_slice %arg5[%add3A_14, %dma_start3A_132] : memref<10112x128xf32, #tpu.memory_space<vmem_shared>> -> memref<112x128xf32, #tpu.memory_space<vmem_shared>>
      tpu.enqueue_dma source(%arg7 : memref<112x128xf32, #tpu.memory_space<vmem>>) target(%dma_start3A_133 : memref<112x128xf32, #tpu.memory_space<vmem_shared>>) target_semaphore(%run_scoped3A : memref<!tpu.dma_semaphore, #tpu.memory_space<semaphore_mem>>)
      %dma_wait3A_134 = arith.constant 0 : i32
      %dma_wait3A_135 = tpu.memref_slice %arg5[%add3A_14, %dma_wait3A_134] : memref<10112x128xf32, #tpu.memory_space<vmem_shared>> -> memref<112x128xf32, #tpu.memory_space<vmem_shared>>
      %dma_wait3A_136 = arith.constant 0 : i32
      %dma_wait3A_137 = tpu.memref_slice %arg5[%add3A_14, %dma_wait3A_136] : memref<10112x128xf32, #tpu.memory_space<vmem_shared>> -> memref<112x128xf32, #tpu.memory_space<vmem_shared>>
      tpu.wait_dma2 semaphore(%run_scoped3A : memref<!tpu.dma_semaphore, #tpu.memory_space<semaphore_mem>>) src(%arg7 : memref<112x128xf32, #tpu.memory_space<vmem>>) dst(%dma_wait3A_137 : memref<112x128xf32, #tpu.memory_space<vmem_shared>>)
      tpu.yield
    }) : () -> ()
    %mul3A_15 = arith.constant 632 : i32
    %mul3A_16 = arith.muli %arg1, %mul3A_15 : i32
    %add3A_17 = arith.constant 336 : i32
    %add3A_18 = arith.addi %mul3A_16, %add3A_17 : i32
    "tpu.region"() ({
      %run_scoped3A = tpu.sem_alloc : memref<!tpu.dma_semaphore, #tpu.memory_space<semaphore_mem>>
      %dma_start3A_130 = arith.constant 0 : i32
      %dma_start3A_131 = tpu.memref_slice %arg5[%add3A_18, %dma_start3A_130] : memref<10112x128xf32, #tpu.memory_space<vmem_shared>> -> memref<112x128xf32, #tpu.memory_space<vmem_shared>>
      %dma_start3A_132 = arith.constant 0 : i32
      %dma_start3A_133 = tpu.memref_slice %arg5[%add3A_18, %dma_start3A_132] : memref<10112x128xf32, #tpu.memory_space<vmem_shared>> -> memref<112x128xf32, #tpu.memory_space<vmem_shared>>
      tpu.enqueue_dma source(%arg7 : memref<112x128xf32, #tpu.memory_space<vmem>>) target(%dma_start3A_133 : memref<112x128xf32, #tpu.memory_space<vmem_shared>>) target_semaphore(%run_scoped3A : memref<!tpu.dma_semaphore, #tpu.memory_space<semaphore_mem>>)
      %dma_wait3A_134 = arith.constant 0 : i32
      %dma_wait3A_135 = tpu.memref_slice %arg5[%add3A_18, %dma_wait3A_134] : memref<10112x128xf32, #tpu.memory_space<vmem_shared>> -> memref<112x128xf32, #tpu.memory_space<vmem_shared>>
      %dma_wait3A_136 = arith.constant 0 : i32
      %dma_wait3A_137 = tpu.memref_slice %arg5[%add3A_18, %dma_wait3A_136] : memref<10112x128xf32, #tpu.memory_space<vmem_shared>> -> memref<112x128xf32, #tpu.memory_space<vmem_shared>>
      tpu.wait_dma2 semaphore(%run_scoped3A : memref<!tpu.dma_semaphore, #tpu.memory_space<semaphore_mem>>) src(%arg7 : memref<112x128xf32, #tpu.memory_space<vmem>>) dst(%dma_wait3A_137 : memref<112x128xf32, #tpu.memory_space<vmem_shared>>)
      tpu.yield
    }) : () -> ()
    %mul3A_19 = arith.constant 632 : i32
    %mul3A_20 = arith.muli %arg1, %mul3A_19 : i32
    %add3A_21 = arith.constant 448 : i32
    %add3A_22 = arith.addi %mul3A_20, %add3A_21 : i32
    "tpu.region"() ({
      %run_scoped3A = tpu.sem_alloc : memref<!tpu.dma_semaphore, #tpu.memory_space<semaphore_mem>>
      %dma_start3A_130 = arith.constant 0 : i32
      %dma_start3A_131 = tpu.memref_slice %arg5[%add3A_22, %dma_start3A_130] : memref<10112x128xf32, #tpu.memory_space<vmem_shared>> -> memref<112x128xf32, #tpu.memory_space<vmem_shared>>
      %dma_start3A_132 = arith.constant 0 : i32
      %dma_start3A_133 = tpu.memref_slice %arg5[%add3A_22, %dma_start3A_132] : memref<10112x128xf32, #tpu.memory_space<vmem_shared>> -> memref<112x128xf32, #tpu.memory_space<vmem_shared>>
      tpu.enqueue_dma source(%arg7 : memref<112x128xf32, #tpu.memory_space<vmem>>) target(%dma_start3A_133 : memref<112x128xf32, #tpu.memory_space<vmem_shared>>) target_semaphore(%run_scoped3A : memref<!tpu.dma_semaphore, #tpu.memory_space<semaphore_mem>>)
      %dma_wait3A_134 = arith.constant 0 : i32
      %dma_wait3A_135 = tpu.memref_slice %arg5[%add3A_22, %dma_wait3A_134] : memref<10112x128xf32, #tpu.memory_space<vmem_shared>> -> memref<112x128xf32, #tpu.memory_space<vmem_shared>>
      %dma_wait3A_136 = arith.constant 0 : i32
      %dma_wait3A_137 = tpu.memref_slice %arg5[%add3A_22, %dma_wait3A_136] : memref<10112x128xf32, #tpu.memory_space<vmem_shared>> -> memref<112x128xf32, #tpu.memory_space<vmem_shared>>
      tpu.wait_dma2 semaphore(%run_scoped3A : memref<!tpu.dma_semaphore, #tpu.memory_space<semaphore_mem>>) src(%arg7 : memref<112x128xf32, #tpu.memory_space<vmem>>) dst(%dma_wait3A_137 : memref<112x128xf32, #tpu.memory_space<vmem_shared>>)
      tpu.yield
    }) : () -> ()
    %mul3A_23 = arith.constant 632 : i32
    %mul3A_24 = arith.muli %arg1, %mul3A_23 : i32
    %add3A_25 = arith.constant 560 : i32
    %add3A_26 = arith.addi %mul3A_24, %add3A_25 : i32
    "tpu.region"() ({
      %run_scoped3A = tpu.sem_alloc : memref<!tpu.dma_semaphore, #tpu.memory_space<semaphore_mem>>
      %dma_start3A_130 = arith.constant 0 : i32
      %dma_start3A_131 = arith.constant 0 : i32
      %dma_start3A_132 = tpu.memref_slice %arg7[%dma_start3A_130, %dma_start3A_131] : memref<112x128xf32, #tpu.memory_space<vmem>> -> memref<72x128xf32, #tpu.memory_space<vmem>>
      %dma_start3A_133 = arith.constant 0 : i32
      %dma_start3A_134 = tpu.memref_slice %arg5[%add3A_26, %dma_start3A_133] : memref<10112x128xf32, #tpu.memory_space<vmem_shared>> -> memref<72x128xf32, #tpu.memory_space<vmem_shared>>
      %dma_start3A_135 = arith.constant 0 : i32
      %dma_start3A_136 = tpu.memref_slice %arg5[%add3A_26, %dma_start3A_135] : memref<10112x128xf32, #tpu.memory_space<vmem_shared>> -> memref<72x128xf32, #tpu.memory_space<vmem_shared>>
      %dma_start3A_137 = arith.constant 0 : i32
      %dma_start3A_138 = arith.constant 0 : i32
      %dma_start3A_139 = tpu.memref_slice %arg7[%dma_start3A_137, %dma_start3A_138] : memref<112x128xf32, #tpu.memory_space<vmem>> -> memref<72x128xf32, #tpu.memory_space<vmem>>
      tpu.enqueue_dma source(%dma_start3A_139 : memref<72x128xf32, #tpu.memory_space<vmem>>) target(%dma_start3A_136 : memref<72x128xf32, #tpu.memory_space<vmem_shared>>) target_semaphore(%run_scoped3A : memref<!tpu.dma_semaphore, #tpu.memory_space<semaphore_mem>>)
      %dma_wait3A_140 = arith.constant 0 : i32
      %dma_wait3A_141 = arith.constant 0 : i32
      %dma_wait3A_142 = tpu.memref_slice %arg7[%dma_wait3A_140, %dma_wait3A_141] : memref<112x128xf32, #tpu.memory_space<vmem>> -> memref<72x128xf32, #tpu.memory_space<vmem>>
      %dma_wait3A_143 = arith.constant 0 : i32
      %dma_wait3A_144 = tpu.memref_slice %arg5[%add3A_26, %dma_wait3A_143] : memref<10112x128xf32, #tpu.memory_space<vmem_shared>> -> memref<72x128xf32, #tpu.memory_space<vmem_shared>>
      %dma_wait3A_145 = arith.constant 0 : i32
      %dma_wait3A_146 = tpu.memref_slice %arg5[%add3A_26, %dma_wait3A_145] : memref<10112x128xf32, #tpu.memory_space<vmem_shared>> -> memref<72x128xf32, #tpu.memory_space<vmem_shared>>
      %dma_wait3A_147 = arith.constant 0 : i32
      %dma_wait3A_148 = arith.constant 0 : i32
      %dma_wait3A_149 = tpu.memref_slice %arg7[%dma_wait3A_147, %dma_wait3A_148] : memref<112x128xf32, #tpu.memory_space<vmem>> -> memref<72x128xf32, #tpu.memory_space<vmem>>
      tpu.wait_dma2 semaphore(%run_scoped3A : memref<!tpu.dma_semaphore, #tpu.memory_space<semaphore_mem>>) src(%dma_wait3A_149 : memref<72x128xf32, #tpu.memory_space<vmem>>) dst(%dma_wait3A_146 : memref<72x128xf32, #tpu.memory_space<vmem_shared>>)
      tpu.yield
    }) : () -> ()
    %barrier3A = arith.constant 0 : index
    tpu.barrier barrier_id(%barrier3A)
    %broadcast_in_dim3A_27 = vector.broadcast %arg0 : i32 to vector<16xi32>
    %mul3A_28 = arith.constant 45 : i32
    %mul3A_29 = arith.muli %arg1, %mul3A_28 : i32
    %add3A_30 = arith.constant 0 : i32
    %add3A_31 = arith.addi %mul3A_29, %add3A_30 : i32
    "tpu.region"() ({
      %run_scoped3A = tpu.sem_alloc : memref<!tpu.dma_semaphore, #tpu.memory_space<semaphore_mem>>
      %dma_start3A_130 = arith.constant 0 : i32
      %dma_start3A_131 = arith.constant 0 : i32
      %dma_start3A_132 = tpu.memref_slice %arg3[%arg0, %add3A_31, %dma_start3A_130, %dma_start3A_131] : memref<2x720x2x112xi32, #tpu.memory_space<hbm>> -> memref<1x15x2x112xi32, #tpu.memory_space<hbm>>
      %dma_start3A_133 = tpu.memref_squeeze %dma_start3A_132 : memref<1x15x2x112xi32, #tpu.memory_space<hbm>> -> memref<15x2x112xi32, #tpu.memory_space<hbm>>
      %dma_start3A_134 = arith.constant 0 : i32
      %dma_start3A_135 = arith.constant 0 : i32
      %dma_start3A_136 = tpu.memref_slice %arg3[%arg0, %add3A_31, %dma_start3A_134, %dma_start3A_135] : memref<2x720x2x112xi32, #tpu.memory_space<hbm>> -> memref<1x15x2x112xi32, #tpu.memory_space<hbm>>
      %dma_start3A_137 = tpu.memref_squeeze %dma_start3A_136 : memref<1x15x2x112xi32, #tpu.memory_space<hbm>> -> memref<15x2x112xi32, #tpu.memory_space<hbm>>
      tpu.enqueue_dma source(%dma_start3A_137 : memref<15x2x112xi32, #tpu.memory_space<hbm>>) target(%arg6 : memref<15x2x112xi32, #tpu.memory_space<vmem>>) target_semaphore(%run_scoped3A : memref<!tpu.dma_semaphore, #tpu.memory_space<semaphore_mem>>)
      %dma_wait3A_138 = arith.constant 0 : i32
      %dma_wait3A_139 = arith.constant 0 : i32
      %dma_wait3A_140 = tpu.memref_slice %arg3[%arg0, %add3A_31, %dma_wait3A_138, %dma_wait3A_139] : memref<2x720x2x112xi32, #tpu.memory_space<hbm>> -> memref<1x15x2x112xi32, #tpu.memory_space<hbm>>
      %dma_wait3A_141 = tpu.memref_squeeze %dma_wait3A_140 : memref<1x15x2x112xi32, #tpu.memory_space<hbm>> -> memref<15x2x112xi32, #tpu.memory_space<hbm>>
      %dma_wait3A_142 = arith.constant 0 : i32
      %dma_wait3A_143 = arith.constant 0 : i32
      %dma_wait3A_144 = tpu.memref_slice %arg3[%arg0, %add3A_31, %dma_wait3A_142, %dma_wait3A_143] : memref<2x720x2x112xi32, #tpu.memory_space<hbm>> -> memref<1x15x2x112xi32, #tpu.memory_space<hbm>>
      %dma_wait3A_145 = tpu.memref_squeeze %dma_wait3A_144 : memref<1x15x2x112xi32, #tpu.memory_space<hbm>> -> memref<15x2x112xi32, #tpu.memory_space<hbm>>
      tpu.wait_dma2 semaphore(%run_scoped3A : memref<!tpu.dma_semaphore, #tpu.memory_space<semaphore_mem>>) src(%dma_wait3A_145 : memref<15x2x112xi32, #tpu.memory_space<hbm>>) dst(%arg6 : memref<15x2x112xi32, #tpu.memory_space<vmem>>)
      tpu.yield
    }) : () -> ()
    %dma_start3A = arith.constant 0 : i32
    %dma_start3A_32 = arith.constant 0 : i32
    %dma_start3A_33 = arith.constant 0 : i32
    %dma_start3A_34 = tpu.memref_slice %arg6[%dma_start3A, %dma_start3A_32, %dma_start3A_33] : memref<15x2x112xi32, #tpu.memory_space<vmem>> -> memref<1x1x112xi32, #tpu.memory_space<vmem>>
    %dma_start3A_35 = tpu.memref_squeeze %dma_start3A_34 : memref<1x1x112xi32, #tpu.memory_space<vmem>> -> memref<112xi32, #tpu.memory_space<vmem>>
    %dma_start3A_36 = arith.constant 0 : i32
    %dma_start3A_37 = arith.constant 0 : i32
    %dma_start3A_38 = tpu.memref_slice %arg2[%dma_start3A_36, %dma_start3A_37] : memref<10000x128xf32, #tpu.memory_space<hbm>> -> memref<10000x128xf32, #tpu.memory_space<hbm>>
    tpu.enqueue_indirect_dma source(%dma_start3A_38 : memref<10000x128xf32, #tpu.memory_space<hbm>>) target(%arg7 : memref<112x128xf32, #tpu.memory_space<vmem>>) offsets(%dma_start3A_35 : memref<112xi32, #tpu.memory_space<vmem>>) semaphore(%arg10 : memref<!tpu.dma_semaphore, #tpu.memory_space<semaphore_mem>>)
    %dma_start3A_39 = arith.constant 1 : i32
    %dma_start3A_40 = arith.constant 0 : i32
    %dma_start3A_41 = arith.constant 0 : i32
    %dma_start3A_42 = tpu.memref_slice %arg6[%dma_start3A_39, %dma_start3A_40, %dma_start3A_41] : memref<15x2x112xi32, #tpu.memory_space<vmem>> -> memref<1x1x112xi32, #tpu.memory_space<vmem>>
    %dma_start3A_43 = tpu.memref_squeeze %dma_start3A_42 : memref<1x1x112xi32, #tpu.memory_space<vmem>> -> memref<112xi32, #tpu.memory_space<vmem>>
    %dma_start3A_44 = arith.constant 0 : i32
    %dma_start3A_45 = arith.constant 0 : i32
    %dma_start3A_46 = tpu.memref_slice %arg2[%dma_start3A_44, %dma_start3A_45] : memref<10000x128xf32, #tpu.memory_space<hbm>> -> memref<10000x128xf32, #tpu.memory_space<hbm>>
    tpu.enqueue_indirect_dma source(%dma_start3A_46 : memref<10000x128xf32, #tpu.memory_space<hbm>>) target(%arg8 : memref<112x128xf32, #tpu.memory_space<vmem>>) offsets(%dma_start3A_43 : memref<112xi32, #tpu.memory_space<vmem>>) semaphore(%arg11 : memref<!tpu.dma_semaphore, #tpu.memory_space<semaphore_mem>>)
    %scan3A_47 = arith.constant 0 : i32
    %scan3A_48 = arith.constant 5 : i32
    %scan3A_49 = arith.addi %scan3A_47, %scan3A_48 : i32
    %scan3A_50 = arith.constant 1 : i32
    scf.for %scan3A_130 = %scan3A_47 to %scan3A_49 step %scan3A_50  : i32 {
      %mul3A_131 = arith.constant 3 : i32
      %mul3A_132 = arith.muli %scan3A_130, %mul3A_131 : i32
      %add3A_133 = arith.constant 0 : i32
      %add3A_134 = arith.addi %add3A_133, %mul3A_132 : i32
      %add3A_135 = arith.constant 0 : i32
      %add3A_136 = arith.addi %add3A_134, %add3A_135 : i32
      %dma_wait3A_137 = arith.constant 0 : i32
      %dma_wait3A_138 = arith.constant 0 : i32
      %dma_wait3A_139 = tpu.memref_slice %arg6[%add3A_136, %dma_wait3A_137, %dma_wait3A_138] : memref<15x2x112xi32, #tpu.memory_space<vmem>> -> memref<1x1x112xi32, #tpu.memory_space<vmem>>
      %dma_wait3A_140 = tpu.memref_squeeze %dma_wait3A_139 : memref<1x1x112xi32, #tpu.memory_space<vmem>> -> memref<112xi32, #tpu.memory_space<vmem>>
      %dma_wait3A_141 = arith.constant 0 : i32
      %dma_wait3A_142 = arith.constant 0 : i32
      %dma_wait3A_143 = tpu.memref_slice %arg2[%dma_wait3A_141, %dma_wait3A_142] : memref<10000x128xf32, #tpu.memory_space<hbm>> -> memref<10000x128xf32, #tpu.memory_space<hbm>>
      tpu.wait_indirect_dma semaphore(%arg10 : memref<!tpu.dma_semaphore, #tpu.memory_space<semaphore_mem>>) src(%dma_wait3A_143 : memref<10000x128xf32, #tpu.memory_space<hbm>>) dst(%arg7 : memref<112x128xf32, #tpu.memory_space<vmem>>)
      %dma_start3A_144 = arith.constant 1 : i32
      %dma_start3A_145 = arith.constant 0 : i32
      %dma_start3A_146 = tpu.memref_slice %arg6[%add3A_136, %dma_start3A_144, %dma_start3A_145] : memref<15x2x112xi32, #tpu.memory_space<vmem>> -> memref<1x1x112xi32, #tpu.memory_space<vmem>>
      %dma_start3A_147 = tpu.memref_squeeze %dma_start3A_146 : memref<1x1x112xi32, #tpu.memory_space<vmem>> -> memref<112xi32, #tpu.memory_space<vmem>>
      %dma_start3A_148 = arith.constant 0 : i32
      %dma_start3A_149 = arith.constant 0 : i32
      %dma_start3A_150 = tpu.memref_slice %arg5[%dma_start3A_148, %dma_start3A_149] : memref<10112x128xf32, #tpu.memory_space<vmem_shared>> -> memref<10112x128xf32, #tpu.memory_space<vmem_shared>>
      tpu.enqueue_indirect_dma source(%arg7 : memref<112x128xf32, #tpu.memory_space<vmem>>) target(%dma_start3A_150 : memref<10112x128xf32, #tpu.memory_space<vmem_shared>>) offsets(%dma_start3A_147 : memref<112xi32, #tpu.memory_space<vmem>>) semaphore(%arg13 : memref<!tpu.dma_semaphore, #tpu.memory_space<semaphore_mem>>) {add = true}
      %ge3A = arith.constant 1 : i32
      %ge3A_151 = arith.cmpi sge, %add3A_136, %ge3A : i32
      %convert_element_type3A = arith.extui %ge3A_151 : i1 to i32
      %cond3A = arith.constant 0 : i32
      %cond3A_152 = arith.cmpi ne, %convert_element_type3A, %cond3A : i32
      scf.if %cond3A_152 {
        %sub3A = arith.constant 1 : i32
        %sub3A_215 = arith.subi %add3A_136, %sub3A : i32
        %dma_wait3A_216 = arith.constant 1 : i32
        %dma_wait3A_217 = arith.constant 0 : i32
        %dma_wait3A_218 = tpu.memref_slice %arg6[%sub3A_215, %dma_wait3A_216, %dma_wait3A_217] : memref<15x2x112xi32, #tpu.memory_space<vmem>> -> memref<1x1x112xi32, #tpu.memory_space<vmem>>
        %dma_wait3A_219 = tpu.memref_squeeze %dma_wait3A_218 : memref<1x1x112xi32, #tpu.memory_space<vmem>> -> memref<112xi32, #tpu.memory_space<vmem>>
        %dma_wait3A_220 = arith.constant 0 : i32
        %dma_wait3A_221 = arith.constant 0 : i32
        %dma_wait3A_222 = tpu.memref_slice %arg5[%dma_wait3A_220, %dma_wait3A_221] : memref<10112x128xf32, #tpu.memory_space<vmem_shared>> -> memref<10112x128xf32, #tpu.memory_space<vmem_shared>>
        tpu.wait_indirect_dma semaphore(%arg15 : memref<!tpu.dma_semaphore, #tpu.memory_space<semaphore_mem>>) src(%arg9 : memref<112x128xf32, #tpu.memory_space<vmem>>) dst(%dma_wait3A_222 : memref<10112x128xf32, #tpu.memory_space<vmem_shared>>)
      } else {
      }
      %add3A_153 = arith.constant 2 : i32
      %add3A_154 = arith.addi %add3A_136, %add3A_153 : i32
      %lt3A = arith.constant 15 : i32
      %lt3A_155 = arith.cmpi slt, %add3A_154, %lt3A : i32
      %convert_element_type3A_156 = arith.extui %lt3A_155 : i1 to i32
      %cond3A_157 = arith.constant 0 : i32
      %cond3A_158 = arith.cmpi ne, %convert_element_type3A_156, %cond3A_157 : i32
      scf.if %cond3A_158 {
        %add3A_215 = arith.constant 2 : i32
        %add3A_216 = arith.addi %add3A_136, %add3A_215 : i32
        %dma_start3A_217 = arith.constant 0 : i32
        %dma_start3A_218 = arith.constant 0 : i32
        %dma_start3A_219 = tpu.memref_slice %arg6[%add3A_216, %dma_start3A_217, %dma_start3A_218] : memref<15x2x112xi32, #tpu.memory_space<vmem>> -> memref<1x1x112xi32, #tpu.memory_space<vmem>>
        %dma_start3A_220 = tpu.memref_squeeze %dma_start3A_219 : memref<1x1x112xi32, #tpu.memory_space<vmem>> -> memref<112xi32, #tpu.memory_space<vmem>>
        %dma_start3A_221 = arith.constant 0 : i32
        %dma_start3A_222 = arith.constant 0 : i32
        %dma_start3A_223 = tpu.memref_slice %arg2[%dma_start3A_221, %dma_start3A_222] : memref<10000x128xf32, #tpu.memory_space<hbm>> -> memref<10000x128xf32, #tpu.memory_space<hbm>>
        tpu.enqueue_indirect_dma source(%dma_start3A_223 : memref<10000x128xf32, #tpu.memory_space<hbm>>) target(%arg9 : memref<112x128xf32, #tpu.memory_space<vmem>>) offsets(%dma_start3A_220 : memref<112xi32, #tpu.memory_space<vmem>>) semaphore(%arg12 : memref<!tpu.dma_semaphore, #tpu.memory_space<semaphore_mem>>)
      } else {
      }
      %add3A_159 = arith.constant 1 : i32
      %add3A_160 = arith.addi %add3A_134, %add3A_159 : i32
      %dma_wait3A_161 = arith.constant 0 : i32
      %dma_wait3A_162 = arith.constant 0 : i32
      %dma_wait3A_163 = tpu.memref_slice %arg6[%add3A_160, %dma_wait3A_161, %dma_wait3A_162] : memref<15x2x112xi32, #tpu.memory_space<vmem>> -> memref<1x1x112xi32, #tpu.memory_space<vmem>>
      %dma_wait3A_164 = tpu.memref_squeeze %dma_wait3A_163 : memref<1x1x112xi32, #tpu.memory_space<vmem>> -> memref<112xi32, #tpu.memory_space<vmem>>
      %dma_wait3A_165 = arith.constant 0 : i32
      %dma_wait3A_166 = arith.constant 0 : i32
      %dma_wait3A_167 = tpu.memref_slice %arg2[%dma_wait3A_165, %dma_wait3A_166] : memref<10000x128xf32, #tpu.memory_space<hbm>> -> memref<10000x128xf32, #tpu.memory_space<hbm>>
      tpu.wait_indirect_dma semaphore(%arg11 : memref<!tpu.dma_semaphore, #tpu.memory_space<semaphore_mem>>) src(%dma_wait3A_167 : memref<10000x128xf32, #tpu.memory_space<hbm>>) dst(%arg8 : memref<112x128xf32, #tpu.memory_space<vmem>>)
      %dma_start3A_168 = arith.constant 1 : i32
      %dma_start3A_169 = arith.constant 0 : i32
      %dma_start3A_170 = tpu.memref_slice %arg6[%add3A_160, %dma_start3A_168, %dma_start3A_169] : memref<15x2x112xi32, #tpu.memory_space<vmem>> -> memref<1x1x112xi32, #tpu.memory_space<vmem>>
      %dma_start3A_171 = tpu.memref_squeeze %dma_start3A_170 : memref<1x1x112xi32, #tpu.memory_space<vmem>> -> memref<112xi32, #tpu.memory_space<vmem>>
      %dma_start3A_172 = arith.constant 0 : i32
      %dma_start3A_173 = arith.constant 0 : i32
      %dma_start3A_174 = tpu.memref_slice %arg5[%dma_start3A_172, %dma_start3A_173] : memref<10112x128xf32, #tpu.memory_space<vmem_shared>> -> memref<10112x128xf32, #tpu.memory_space<vmem_shared>>
      tpu.enqueue_indirect_dma source(%arg8 : memref<112x128xf32, #tpu.memory_space<vmem>>) target(%dma_start3A_174 : memref<10112x128xf32, #tpu.memory_space<vmem_shared>>) offsets(%dma_start3A_171 : memref<112xi32, #tpu.memory_space<vmem>>) semaphore(%arg14 : memref<!tpu.dma_semaphore, #tpu.memory_space<semaphore_mem>>) {add = true}
      %ge3A_175 = arith.constant 1 : i32
      %ge3A_176 = arith.cmpi sge, %add3A_160, %ge3A_175 : i32
      %convert_element_type3A_177 = arith.extui %ge3A_176 : i1 to i32
      %cond3A_178 = arith.constant 0 : i32
      %cond3A_179 = arith.cmpi ne, %convert_element_type3A_177, %cond3A_178 : i32
      scf.if %cond3A_179 {
        %sub3A = arith.constant 1 : i32
        %sub3A_215 = arith.subi %add3A_160, %sub3A : i32
        %dma_wait3A_216 = arith.constant 1 : i32
        %dma_wait3A_217 = arith.constant 0 : i32
        %dma_wait3A_218 = tpu.memref_slice %arg6[%sub3A_215, %dma_wait3A_216, %dma_wait3A_217] : memref<15x2x112xi32, #tpu.memory_space<vmem>> -> memref<1x1x112xi32, #tpu.memory_space<vmem>>
        %dma_wait3A_219 = tpu.memref_squeeze %dma_wait3A_218 : memref<1x1x112xi32, #tpu.memory_space<vmem>> -> memref<112xi32, #tpu.memory_space<vmem>>
        %dma_wait3A_220 = arith.constant 0 : i32
        %dma_wait3A_221 = arith.constant 0 : i32
        %dma_wait3A_222 = tpu.memref_slice %arg5[%dma_wait3A_220, %dma_wait3A_221] : memref<10112x128xf32, #tpu.memory_space<vmem_shared>> -> memref<10112x128xf32, #tpu.memory_space<vmem_shared>>
        tpu.wait_indirect_dma semaphore(%arg13 : memref<!tpu.dma_semaphore, #tpu.memory_space<semaphore_mem>>) src(%arg7 : memref<112x128xf32, #tpu.memory_space<vmem>>) dst(%dma_wait3A_222 : memref<10112x128xf32, #tpu.memory_space<vmem_shared>>)
      } else {
      }
      %add3A_180 = arith.constant 2 : i32
      %add3A_181 = arith.addi %add3A_160, %add3A_180 : i32
      %lt3A_182 = arith.constant 15 : i32
      %lt3A_183 = arith.cmpi slt, %add3A_181, %lt3A_182 : i32
      %convert_element_type3A_184 = arith.extui %lt3A_183 : i1 to i32
      %cond3A_185 = arith.constant 0 : i32
      %cond3A_186 = arith.cmpi ne, %convert_element_type3A_184, %cond3A_185 : i32
      scf.if %cond3A_186 {
        %add3A_215 = arith.constant 2 : i32
        %add3A_216 = arith.addi %add3A_160, %add3A_215 : i32
        %dma_start3A_217 = arith.constant 0 : i32
        %dma_start3A_218 = arith.constant 0 : i32
        %dma_start3A_219 = tpu.memref_slice %arg6[%add3A_216, %dma_start3A_217, %dma_start3A_218] : memref<15x2x112xi32, #tpu.memory_space<vmem>> -> memref<1x1x112xi32, #tpu.memory_space<vmem>>
        %dma_start3A_220 = tpu.memref_squeeze %dma_start3A_219 : memref<1x1x112xi32, #tpu.memory_space<vmem>> -> memref<112xi32, #tpu.memory_space<vmem>>
        %dma_start3A_221 = arith.constant 0 : i32
        %dma_start3A_222 = arith.constant 0 : i32
        %dma_start3A_223 = tpu.memref_slice %arg2[%dma_start3A_221, %dma_start3A_222] : memref<10000x128xf32, #tpu.memory_space<hbm>> -> memref<10000x128xf32, #tpu.memory_space<hbm>>
        tpu.enqueue_indirect_dma source(%dma_start3A_223 : memref<10000x128xf32, #tpu.memory_space<hbm>>) target(%arg7 : memref<112x128xf32, #tpu.memory_space<vmem>>) offsets(%dma_start3A_220 : memref<112xi32, #tpu.memory_space<vmem>>) semaphore(%arg10 : memref<!tpu.dma_semaphore, #tpu.memory_space<semaphore_mem>>)
      } else {
      }
      %add3A_187 = arith.constant 2 : i32
      %add3A_188 = arith.addi %add3A_134, %add3A_187 : i32
      %dma_wait3A_189 = arith.constant 0 : i32
      %dma_wait3A_190 = arith.constant 0 : i32
      %dma_wait3A_191 = tpu.memref_slice %arg6[%add3A_188, %dma_wait3A_189, %dma_wait3A_190] : memref<15x2x112xi32, #tpu.memory_space<vmem>> -> memref<1x1x112xi32, #tpu.memory_space<vmem>>
      %dma_wait3A_192 = tpu.memref_squeeze %dma_wait3A_191 : memref<1x1x112xi32, #tpu.memory_space<vmem>> -> memref<112xi32, #tpu.memory_space<vmem>>
      %dma_wait3A_193 = arith.constant 0 : i32
      %dma_wait3A_194 = arith.constant 0 : i32
      %dma_wait3A_195 = tpu.memref_slice %arg2[%dma_wait3A_193, %dma_wait3A_194] : memref<10000x128xf32, #tpu.memory_space<hbm>> -> memref<10000x128xf32, #tpu.memory_space<hbm>>
      tpu.wait_indirect_dma semaphore(%arg12 : memref<!tpu.dma_semaphore, #tpu.memory_space<semaphore_mem>>) src(%dma_wait3A_195 : memref<10000x128xf32, #tpu.memory_space<hbm>>) dst(%arg9 : memref<112x128xf32, #tpu.memory_space<vmem>>)
      %dma_start3A_196 = arith.constant 1 : i32
      %dma_start3A_197 = arith.constant 0 : i32
      %dma_start3A_198 = tpu.memref_slice %arg6[%add3A_188, %dma_start3A_196, %dma_start3A_197] : memref<15x2x112xi32, #tpu.memory_space<vmem>> -> memref<1x1x112xi32, #tpu.memory_space<vmem>>
      %dma_start3A_199 = tpu.memref_squeeze %dma_start3A_198 : memref<1x1x112xi32, #tpu.memory_space<vmem>> -> memref<112xi32, #tpu.memory_space<vmem>>
      %dma_start3A_200 = arith.constant 0 : i32
      %dma_start3A_201 = arith.constant 0 : i32
      %dma_start3A_202 = tpu.memref_slice %arg5[%dma_start3A_200, %dma_start3A_201] : memref<10112x128xf32, #tpu.memory_space<vmem_shared>> -> memref<10112x128xf32, #tpu.memory_space<vmem_shared>>
      tpu.enqueue_indirect_dma source(%arg9 : memref<112x128xf32, #tpu.memory_space<vmem>>) target(%dma_start3A_202 : memref<10112x128xf32, #tpu.memory_space<vmem_shared>>) offsets(%dma_start3A_199 : memref<112xi32, #tpu.memory_space<vmem>>) semaphore(%arg15 : memref<!tpu.dma_semaphore, #tpu.memory_space<semaphore_mem>>) {add = true}
      %ge3A_203 = arith.constant 1 : i32
      %ge3A_204 = arith.cmpi sge, %add3A_188, %ge3A_203 : i32
      %convert_element_type3A_205 = arith.extui %ge3A_204 : i1 to i32
      %cond3A_206 = arith.constant 0 : i32
      %cond3A_207 = arith.cmpi ne, %convert_element_type3A_205, %cond3A_206 : i32
      scf.if %cond3A_207 {
        %sub3A = arith.constant 1 : i32
        %sub3A_215 = arith.subi %add3A_188, %sub3A : i32
        %dma_wait3A_216 = arith.constant 1 : i32
        %dma_wait3A_217 = arith.constant 0 : i32
        %dma_wait3A_218 = tpu.memref_slice %arg6[%sub3A_215, %dma_wait3A_216, %dma_wait3A_217] : memref<15x2x112xi32, #tpu.memory_space<vmem>> -> memref<1x1x112xi32, #tpu.memory_space<vmem>>
        %dma_wait3A_219 = tpu.memref_squeeze %dma_wait3A_218 : memref<1x1x112xi32, #tpu.memory_space<vmem>> -> memref<112xi32, #tpu.memory_space<vmem>>
        %dma_wait3A_220 = arith.constant 0 : i32
        %dma_wait3A_221 = arith.constant 0 : i32
        %dma_wait3A_222 = tpu.memref_slice %arg5[%dma_wait3A_220, %dma_wait3A_221] : memref<10112x128xf32, #tpu.memory_space<vmem_shared>> -> memref<10112x128xf32, #tpu.memory_space<vmem_shared>>
        tpu.wait_indirect_dma semaphore(%arg14 : memref<!tpu.dma_semaphore, #tpu.memory_space<semaphore_mem>>) src(%arg8 : memref<112x128xf32, #tpu.memory_space<vmem>>) dst(%dma_wait3A_222 : memref<10112x128xf32, #tpu.memory_space<vmem_shared>>)
      } else {
      }
      %add3A_208 = arith.constant 2 : i32
      %add3A_209 = arith.addi %add3A_188, %add3A_208 : i32
      %lt3A_210 = arith.constant 15 : i32
      %lt3A_211 = arith.cmpi slt, %add3A_209, %lt3A_210 : i32
      %convert_element_type3A_212 = arith.extui %lt3A_211 : i1 to i32
      %cond3A_213 = arith.constant 0 : i32
      %cond3A_214 = arith.cmpi ne, %convert_element_type3A_212, %cond3A_213 : i32
      scf.if %cond3A_214 {
        %add3A_215 = arith.constant 2 : i32
        %add3A_216 = arith.addi %add3A_188, %add3A_215 : i32
        %dma_start3A_217 = arith.constant 0 : i32
        %dma_start3A_218 = arith.constant 0 : i32
        %dma_start3A_219 = tpu.memref_slice %arg6[%add3A_216, %dma_start3A_217, %dma_start3A_218] : memref<15x2x112xi32, #tpu.memory_space<vmem>> -> memref<1x1x112xi32, #tpu.memory_space<vmem>>
        %dma_start3A_220 = tpu.memref_squeeze %dma_start3A_219 : memref<1x1x112xi32, #tpu.memory_space<vmem>> -> memref<112xi32, #tpu.memory_space<vmem>>
        %dma_start3A_221 = arith.constant 0 : i32
        %dma_start3A_222 = arith.constant 0 : i32
        %dma_start3A_223 = tpu.memref_slice %arg2[%dma_start3A_221, %dma_start3A_222] : memref<10000x128xf32, #tpu.memory_space<hbm>> -> memref<10000x128xf32, #tpu.memory_space<hbm>>
        tpu.enqueue_indirect_dma source(%dma_start3A_223 : memref<10000x128xf32, #tpu.memory_space<hbm>>) target(%arg8 : memref<112x128xf32, #tpu.memory_space<vmem>>) offsets(%dma_start3A_220 : memref<112xi32, #tpu.memory_space<vmem>>) semaphore(%arg11 : memref<!tpu.dma_semaphore, #tpu.memory_space<semaphore_mem>>)
      } else {
      }
    }
    %scan3A_51 = arith.constant 5 : i32
    %dma_wait3A = arith.constant 14 : i32
    %dma_wait3A_52 = arith.constant 1 : i32
    %dma_wait3A_53 = arith.constant 0 : i32
    %dma_wait3A_54 = tpu.memref_slice %arg6[%dma_wait3A, %dma_wait3A_52, %dma_wait3A_53] : memref<15x2x112xi32, #tpu.memory_space<vmem>> -> memref<1x1x112xi32, #tpu.memory_space<vmem>>
    %dma_wait3A_55 = tpu.memref_squeeze %dma_wait3A_54 : memref<1x1x112xi32, #tpu.memory_space<vmem>> -> memref<112xi32, #tpu.memory_space<vmem>>
    %dma_wait3A_56 = arith.constant 0 : i32
    %dma_wait3A_57 = arith.constant 0 : i32
    %dma_wait3A_58 = tpu.memref_slice %arg5[%dma_wait3A_56, %dma_wait3A_57] : memref<10112x128xf32, #tpu.memory_space<vmem_shared>> -> memref<10112x128xf32, #tpu.memory_space<vmem_shared>>
    tpu.wait_indirect_dma semaphore(%arg15 : memref<!tpu.dma_semaphore, #tpu.memory_space<semaphore_mem>>) src(%arg9 : memref<112x128xf32, #tpu.memory_space<vmem>>) dst(%dma_wait3A_58 : memref<10112x128xf32, #tpu.memory_space<vmem_shared>>)
    %mul3A_59 = arith.constant 45 : i32
    %mul3A_60 = arith.muli %arg1, %mul3A_59 : i32
    %add3A_61 = arith.constant 15 : i32
    %add3A_62 = arith.addi %mul3A_60, %add3A_61 : i32
    "tpu.region"() ({
      %run_scoped3A = tpu.sem_alloc : memref<!tpu.dma_semaphore, #tpu.memory_space<semaphore_mem>>
      %dma_start3A_130 = arith.constant 0 : i32
      %dma_start3A_131 = arith.constant 0 : i32
      %dma_start3A_132 = tpu.memref_slice %arg3[%arg0, %add3A_62, %dma_start3A_130, %dma_start3A_131] : memref<2x720x2x112xi32, #tpu.memory_space<hbm>> -> memref<1x15x2x112xi32, #tpu.memory_space<hbm>>
      %dma_start3A_133 = tpu.memref_squeeze %dma_start3A_132 : memref<1x15x2x112xi32, #tpu.memory_space<hbm>> -> memref<15x2x112xi32, #tpu.memory_space<hbm>>
      %dma_start3A_134 = arith.constant 0 : i32
      %dma_start3A_135 = arith.constant 0 : i32
      %dma_start3A_136 = tpu.memref_slice %arg3[%arg0, %add3A_62, %dma_start3A_134, %dma_start3A_135] : memref<2x720x2x112xi32, #tpu.memory_space<hbm>> -> memref<1x15x2x112xi32, #tpu.memory_space<hbm>>
      %dma_start3A_137 = tpu.memref_squeeze %dma_start3A_136 : memref<1x15x2x112xi32, #tpu.memory_space<hbm>> -> memref<15x2x112xi32, #tpu.memory_space<hbm>>
      tpu.enqueue_dma source(%dma_start3A_137 : memref<15x2x112xi32, #tpu.memory_space<hbm>>) target(%arg6 : memref<15x2x112xi32, #tpu.memory_space<vmem>>) target_semaphore(%run_scoped3A : memref<!tpu.dma_semaphore, #tpu.memory_space<semaphore_mem>>)
      %dma_wait3A_138 = arith.constant 0 : i32
      %dma_wait3A_139 = arith.constant 0 : i32
      %dma_wait3A_140 = tpu.memref_slice %arg3[%arg0, %add3A_62, %dma_wait3A_138, %dma_wait3A_139] : memref<2x720x2x112xi32, #tpu.memory_space<hbm>> -> memref<1x15x2x112xi32, #tpu.memory_space<hbm>>
      %dma_wait3A_141 = tpu.memref_squeeze %dma_wait3A_140 : memref<1x15x2x112xi32, #tpu.memory_space<hbm>> -> memref<15x2x112xi32, #tpu.memory_space<hbm>>
      %dma_wait3A_142 = arith.constant 0 : i32
      %dma_wait3A_143 = arith.constant 0 : i32
      %dma_wait3A_144 = tpu.memref_slice %arg3[%arg0, %add3A_62, %dma_wait3A_142, %dma_wait3A_143] : memref<2x720x2x112xi32, #tpu.memory_space<hbm>> -> memref<1x15x2x112xi32, #tpu.memory_space<hbm>>
      %dma_wait3A_145 = tpu.memref_squeeze %dma_wait3A_144 : memref<1x15x2x112xi32, #tpu.memory_space<hbm>> -> memref<15x2x112xi32, #tpu.memory_space<hbm>>
      tpu.wait_dma2 semaphore(%run_scoped3A : memref<!tpu.dma_semaphore, #tpu.memory_space<semaphore_mem>>) src(%dma_wait3A_145 : memref<15x2x112xi32, #tpu.memory_space<hbm>>) dst(%arg6 : memref<15x2x112xi32, #tpu.memory_space<vmem>>)
      tpu.yield
    }) : () -> ()
    %dma_start3A_63 = arith.constant 0 : i32
    %dma_start3A_64 = arith.constant 0 : i32
    %dma_start3A_65 = arith.constant 0 : i32
    %dma_start3A_66 = tpu.memref_slice %arg6[%dma_start3A_63, %dma_start3A_64, %dma_start3A_65] : memref<15x2x112xi32, #tpu.memory_space<vmem>> -> memref<1x1x112xi32, #tpu.memory_space<vmem>>
    %dma_start3A_67 = tpu.memref_squeeze %dma_start3A_66 : memref<1x1x112xi32, #tpu.memory_space<vmem>> -> memref<112xi32, #tpu.memory_space<vmem>>
    %dma_start3A_68 = arith.constant 0 : i32
    %dma_start3A_69 = arith.constant 0 : i32
    %dma_start3A_70 = tpu.memref_slice %arg2[%dma_start3A_68, %dma_start3A_69] : memref<10000x128xf32, #tpu.memory_space<hbm>> -> memref<10000x128xf32, #tpu.memory_space<hbm>>
    tpu.enqueue_indirect_dma source(%dma_start3A_70 : memref<10000x128xf32, #tpu.memory_space<hbm>>) target(%arg7 : memref<112x128xf32, #tpu.memory_space<vmem>>) offsets(%dma_start3A_67 : memref<112xi32, #tpu.memory_space<vmem>>) semaphore(%arg10 : memref<!tpu.dma_semaphore, #tpu.memory_space<semaphore_mem>>)
    %dma_start3A_71 = arith.constant 1 : i32
    %dma_start3A_72 = arith.constant 0 : i32
    %dma_start3A_73 = arith.constant 0 : i32
    %dma_start3A_74 = tpu.memref_slice %arg6[%dma_start3A_71, %dma_start3A_72, %dma_start3A_73] : memref<15x2x112xi32, #tpu.memory_space<vmem>> -> memref<1x1x112xi32, #tpu.memory_space<vmem>>
    %dma_start3A_75 = tpu.memref_squeeze %dma_start3A_74 : memref<1x1x112xi32, #tpu.memory_space<vmem>> -> memref<112xi32, #tpu.memory_space<vmem>>
    %dma_start3A_76 = arith.constant 0 : i32
    %dma_start3A_77 = arith.constant 0 : i32
    %dma_start3A_78 = tpu.memref_slice %arg2[%dma_start3A_76, %dma_start3A_77] : memref<10000x128xf32, #tpu.memory_space<hbm>> -> memref<10000x128xf32, #tpu.memory_space<hbm>>
    tpu.enqueue_indirect_dma source(%dma_start3A_78 : memref<10000x128xf32, #tpu.memory_space<hbm>>) target(%arg8 : memref<112x128xf32, #tpu.memory_space<vmem>>) offsets(%dma_start3A_75 : memref<112xi32, #tpu.memory_space<vmem>>) semaphore(%arg11 : memref<!tpu.dma_semaphore, #tpu.memory_space<semaphore_mem>>)
    %scan3A_79 = arith.constant 0 : i32
    %scan3A_80 = arith.constant 5 : i32
    %scan3A_81 = arith.addi %scan3A_79, %scan3A_80 : i32
    %scan3A_82 = arith.constant 1 : i32
    scf.for %scan3A_130 = %scan3A_79 to %scan3A_81 step %scan3A_82  : i32 {
      %mul3A_131 = arith.constant 3 : i32
      %mul3A_132 = arith.muli %scan3A_130, %mul3A_131 : i32
      %add3A_133 = arith.constant 0 : i32
      %add3A_134 = arith.addi %add3A_133, %mul3A_132 : i32
      %add3A_135 = arith.constant 0 : i32
      %add3A_136 = arith.addi %add3A_134, %add3A_135 : i32
      %dma_wait3A_137 = arith.constant 0 : i32
      %dma_wait3A_138 = arith.constant 0 : i32
      %dma_wait3A_139 = tpu.memref_slice %arg6[%add3A_136, %dma_wait3A_137, %dma_wait3A_138] : memref<15x2x112xi32, #tpu.memory_space<vmem>> -> memref<1x1x112xi32, #tpu.memory_space<vmem>>
      %dma_wait3A_140 = tpu.memref_squeeze %dma_wait3A_139 : memref<1x1x112xi32, #tpu.memory_space<vmem>> -> memref<112xi32, #tpu.memory_space<vmem>>
      %dma_wait3A_141 = arith.constant 0 : i32
      %dma_wait3A_142 = arith.constant 0 : i32
      %dma_wait3A_143 = tpu.memref_slice %arg2[%dma_wait3A_141, %dma_wait3A_142] : memref<10000x128xf32, #tpu.memory_space<hbm>> -> memref<10000x128xf32, #tpu.memory_space<hbm>>
      tpu.wait_indirect_dma semaphore(%arg10 : memref<!tpu.dma_semaphore, #tpu.memory_space<semaphore_mem>>) src(%dma_wait3A_143 : memref<10000x128xf32, #tpu.memory_space<hbm>>) dst(%arg7 : memref<112x128xf32, #tpu.memory_space<vmem>>)
      %dma_start3A_144 = arith.constant 1 : i32
      %dma_start3A_145 = arith.constant 0 : i32
      %dma_start3A_146 = tpu.memref_slice %arg6[%add3A_136, %dma_start3A_144, %dma_start3A_145] : memref<15x2x112xi32, #tpu.memory_space<vmem>> -> memref<1x1x112xi32, #tpu.memory_space<vmem>>
      %dma_start3A_147 = tpu.memref_squeeze %dma_start3A_146 : memref<1x1x112xi32, #tpu.memory_space<vmem>> -> memref<112xi32, #tpu.memory_space<vmem>>
      %dma_start3A_148 = arith.constant 0 : i32
      %dma_start3A_149 = arith.constant 0 : i32
      %dma_start3A_150 = tpu.memref_slice %arg5[%dma_start3A_148, %dma_start3A_149] : memref<10112x128xf32, #tpu.memory_space<vmem_shared>> -> memref<10112x128xf32, #tpu.memory_space<vmem_shared>>
      tpu.enqueue_indirect_dma source(%arg7 : memref<112x128xf32, #tpu.memory_space<vmem>>) target(%dma_start3A_150 : memref<10112x128xf32, #tpu.memory_space<vmem_shared>>) offsets(%dma_start3A_147 : memref<112xi32, #tpu.memory_space<vmem>>) semaphore(%arg13 : memref<!tpu.dma_semaphore, #tpu.memory_space<semaphore_mem>>) {add = true}
      %ge3A = arith.constant 1 : i32
      %ge3A_151 = arith.cmpi sge, %add3A_136, %ge3A : i32
      %convert_element_type3A = arith.extui %ge3A_151 : i1 to i32
      %cond3A = arith.constant 0 : i32
      %cond3A_152 = arith.cmpi ne, %convert_element_type3A, %cond3A : i32
      scf.if %cond3A_152 {
        %sub3A = arith.constant 1 : i32
        %sub3A_215 = arith.subi %add3A_136, %sub3A : i32
        %dma_wait3A_216 = arith.constant 1 : i32
        %dma_wait3A_217 = arith.constant 0 : i32
        %dma_wait3A_218 = tpu.memref_slice %arg6[%sub3A_215, %dma_wait3A_216, %dma_wait3A_217] : memref<15x2x112xi32, #tpu.memory_space<vmem>> -> memref<1x1x112xi32, #tpu.memory_space<vmem>>
        %dma_wait3A_219 = tpu.memref_squeeze %dma_wait3A_218 : memref<1x1x112xi32, #tpu.memory_space<vmem>> -> memref<112xi32, #tpu.memory_space<vmem>>
        %dma_wait3A_220 = arith.constant 0 : i32
        %dma_wait3A_221 = arith.constant 0 : i32
        %dma_wait3A_222 = tpu.memref_slice %arg5[%dma_wait3A_220, %dma_wait3A_221] : memref<10112x128xf32, #tpu.memory_space<vmem_shared>> -> memref<10112x128xf32, #tpu.memory_space<vmem_shared>>
        tpu.wait_indirect_dma semaphore(%arg15 : memref<!tpu.dma_semaphore, #tpu.memory_space<semaphore_mem>>) src(%arg9 : memref<112x128xf32, #tpu.memory_space<vmem>>) dst(%dma_wait3A_222 : memref<10112x128xf32, #tpu.memory_space<vmem_shared>>)
      } else {
      }
      %add3A_153 = arith.constant 2 : i32
      %add3A_154 = arith.addi %add3A_136, %add3A_153 : i32
      %lt3A = arith.constant 15 : i32
      %lt3A_155 = arith.cmpi slt, %add3A_154, %lt3A : i32
      %convert_element_type3A_156 = arith.extui %lt3A_155 : i1 to i32
      %cond3A_157 = arith.constant 0 : i32
      %cond3A_158 = arith.cmpi ne, %convert_element_type3A_156, %cond3A_157 : i32
      scf.if %cond3A_158 {
        %add3A_215 = arith.constant 2 : i32
        %add3A_216 = arith.addi %add3A_136, %add3A_215 : i32
        %dma_start3A_217 = arith.constant 0 : i32
        %dma_start3A_218 = arith.constant 0 : i32
        %dma_start3A_219 = tpu.memref_slice %arg6[%add3A_216, %dma_start3A_217, %dma_start3A_218] : memref<15x2x112xi32, #tpu.memory_space<vmem>> -> memref<1x1x112xi32, #tpu.memory_space<vmem>>
        %dma_start3A_220 = tpu.memref_squeeze %dma_start3A_219 : memref<1x1x112xi32, #tpu.memory_space<vmem>> -> memref<112xi32, #tpu.memory_space<vmem>>
        %dma_start3A_221 = arith.constant 0 : i32
        %dma_start3A_222 = arith.constant 0 : i32
        %dma_start3A_223 = tpu.memref_slice %arg2[%dma_start3A_221, %dma_start3A_222] : memref<10000x128xf32, #tpu.memory_space<hbm>> -> memref<10000x128xf32, #tpu.memory_space<hbm>>
        tpu.enqueue_indirect_dma source(%dma_start3A_223 : memref<10000x128xf32, #tpu.memory_space<hbm>>) target(%arg9 : memref<112x128xf32, #tpu.memory_space<vmem>>) offsets(%dma_start3A_220 : memref<112xi32, #tpu.memory_space<vmem>>) semaphore(%arg12 : memref<!tpu.dma_semaphore, #tpu.memory_space<semaphore_mem>>)
      } else {
      }
      %add3A_159 = arith.constant 1 : i32
      %add3A_160 = arith.addi %add3A_134, %add3A_159 : i32
      %dma_wait3A_161 = arith.constant 0 : i32
      %dma_wait3A_162 = arith.constant 0 : i32
      %dma_wait3A_163 = tpu.memref_slice %arg6[%add3A_160, %dma_wait3A_161, %dma_wait3A_162] : memref<15x2x112xi32, #tpu.memory_space<vmem>> -> memref<1x1x112xi32, #tpu.memory_space<vmem>>
      %dma_wait3A_164 = tpu.memref_squeeze %dma_wait3A_163 : memref<1x1x112xi32, #tpu.memory_space<vmem>> -> memref<112xi32, #tpu.memory_space<vmem>>
      %dma_wait3A_165 = arith.constant 0 : i32
      %dma_wait3A_166 = arith.constant 0 : i32
      %dma_wait3A_167 = tpu.memref_slice %arg2[%dma_wait3A_165, %dma_wait3A_166] : memref<10000x128xf32, #tpu.memory_space<hbm>> -> memref<10000x128xf32, #tpu.memory_space<hbm>>
      tpu.wait_indirect_dma semaphore(%arg11 : memref<!tpu.dma_semaphore, #tpu.memory_space<semaphore_mem>>) src(%dma_wait3A_167 : memref<10000x128xf32, #tpu.memory_space<hbm>>) dst(%arg8 : memref<112x128xf32, #tpu.memory_space<vmem>>)
      %dma_start3A_168 = arith.constant 1 : i32
      %dma_start3A_169 = arith.constant 0 : i32
      %dma_start3A_170 = tpu.memref_slice %arg6[%add3A_160, %dma_start3A_168, %dma_start3A_169] : memref<15x2x112xi32, #tpu.memory_space<vmem>> -> memref<1x1x112xi32, #tpu.memory_space<vmem>>
      %dma_start3A_171 = tpu.memref_squeeze %dma_start3A_170 : memref<1x1x112xi32, #tpu.memory_space<vmem>> -> memref<112xi32, #tpu.memory_space<vmem>>
      %dma_start3A_172 = arith.constant 0 : i32
      %dma_start3A_173 = arith.constant 0 : i32
      %dma_start3A_174 = tpu.memref_slice %arg5[%dma_start3A_172, %dma_start3A_173] : memref<10112x128xf32, #tpu.memory_space<vmem_shared>> -> memref<10112x128xf32, #tpu.memory_space<vmem_shared>>
      tpu.enqueue_indirect_dma source(%arg8 : memref<112x128xf32, #tpu.memory_space<vmem>>) target(%dma_start3A_174 : memref<10112x128xf32, #tpu.memory_space<vmem_shared>>) offsets(%dma_start3A_171 : memref<112xi32, #tpu.memory_space<vmem>>) semaphore(%arg14 : memref<!tpu.dma_semaphore, #tpu.memory_space<semaphore_mem>>) {add = true}
      %ge3A_175 = arith.constant 1 : i32
      %ge3A_176 = arith.cmpi sge, %add3A_160, %ge3A_175 : i32
      %convert_element_type3A_177 = arith.extui %ge3A_176 : i1 to i32
      %cond3A_178 = arith.constant 0 : i32
      %cond3A_179 = arith.cmpi ne, %convert_element_type3A_177, %cond3A_178 : i32
      scf.if %cond3A_179 {
        %sub3A = arith.constant 1 : i32
        %sub3A_215 = arith.subi %add3A_160, %sub3A : i32
        %dma_wait3A_216 = arith.constant 1 : i32
        %dma_wait3A_217 = arith.constant 0 : i32
        %dma_wait3A_218 = tpu.memref_slice %arg6[%sub3A_215, %dma_wait3A_216, %dma_wait3A_217] : memref<15x2x112xi32, #tpu.memory_space<vmem>> -> memref<1x1x112xi32, #tpu.memory_space<vmem>>
        %dma_wait3A_219 = tpu.memref_squeeze %dma_wait3A_218 : memref<1x1x112xi32, #tpu.memory_space<vmem>> -> memref<112xi32, #tpu.memory_space<vmem>>
        %dma_wait3A_220 = arith.constant 0 : i32
        %dma_wait3A_221 = arith.constant 0 : i32
        %dma_wait3A_222 = tpu.memref_slice %arg5[%dma_wait3A_220, %dma_wait3A_221] : memref<10112x128xf32, #tpu.memory_space<vmem_shared>> -> memref<10112x128xf32, #tpu.memory_space<vmem_shared>>
        tpu.wait_indirect_dma semaphore(%arg13 : memref<!tpu.dma_semaphore, #tpu.memory_space<semaphore_mem>>) src(%arg7 : memref<112x128xf32, #tpu.memory_space<vmem>>) dst(%dma_wait3A_222 : memref<10112x128xf32, #tpu.memory_space<vmem_shared>>)
      } else {
      }
      %add3A_180 = arith.constant 2 : i32
      %add3A_181 = arith.addi %add3A_160, %add3A_180 : i32
      %lt3A_182 = arith.constant 15 : i32
      %lt3A_183 = arith.cmpi slt, %add3A_181, %lt3A_182 : i32
      %convert_element_type3A_184 = arith.extui %lt3A_183 : i1 to i32
      %cond3A_185 = arith.constant 0 : i32
      %cond3A_186 = arith.cmpi ne, %convert_element_type3A_184, %cond3A_185 : i32
      scf.if %cond3A_186 {
        %add3A_215 = arith.constant 2 : i32
        %add3A_216 = arith.addi %add3A_160, %add3A_215 : i32
        %dma_start3A_217 = arith.constant 0 : i32
        %dma_start3A_218 = arith.constant 0 : i32
        %dma_start3A_219 = tpu.memref_slice %arg6[%add3A_216, %dma_start3A_217, %dma_start3A_218] : memref<15x2x112xi32, #tpu.memory_space<vmem>> -> memref<1x1x112xi32, #tpu.memory_space<vmem>>
        %dma_start3A_220 = tpu.memref_squeeze %dma_start3A_219 : memref<1x1x112xi32, #tpu.memory_space<vmem>> -> memref<112xi32, #tpu.memory_space<vmem>>
        %dma_start3A_221 = arith.constant 0 : i32
        %dma_start3A_222 = arith.constant 0 : i32
        %dma_start3A_223 = tpu.memref_slice %arg2[%dma_start3A_221, %dma_start3A_222] : memref<10000x128xf32, #tpu.memory_space<hbm>> -> memref<10000x128xf32, #tpu.memory_space<hbm>>
        tpu.enqueue_indirect_dma source(%dma_start3A_223 : memref<10000x128xf32, #tpu.memory_space<hbm>>) target(%arg7 : memref<112x128xf32, #tpu.memory_space<vmem>>) offsets(%dma_start3A_220 : memref<112xi32, #tpu.memory_space<vmem>>) semaphore(%arg10 : memref<!tpu.dma_semaphore, #tpu.memory_space<semaphore_mem>>)
      } else {
      }
      %add3A_187 = arith.constant 2 : i32
      %add3A_188 = arith.addi %add3A_134, %add3A_187 : i32
      %dma_wait3A_189 = arith.constant 0 : i32
      %dma_wait3A_190 = arith.constant 0 : i32
      %dma_wait3A_191 = tpu.memref_slice %arg6[%add3A_188, %dma_wait3A_189, %dma_wait3A_190] : memref<15x2x112xi32, #tpu.memory_space<vmem>> -> memref<1x1x112xi32, #tpu.memory_space<vmem>>
      %dma_wait3A_192 = tpu.memref_squeeze %dma_wait3A_191 : memref<1x1x112xi32, #tpu.memory_space<vmem>> -> memref<112xi32, #tpu.memory_space<vmem>>
      %dma_wait3A_193 = arith.constant 0 : i32
      %dma_wait3A_194 = arith.constant 0 : i32
      %dma_wait3A_195 = tpu.memref_slice %arg2[%dma_wait3A_193, %dma_wait3A_194] : memref<10000x128xf32, #tpu.memory_space<hbm>> -> memref<10000x128xf32, #tpu.memory_space<hbm>>
      tpu.wait_indirect_dma semaphore(%arg12 : memref<!tpu.dma_semaphore, #tpu.memory_space<semaphore_mem>>) src(%dma_wait3A_195 : memref<10000x128xf32, #tpu.memory_space<hbm>>) dst(%arg9 : memref<112x128xf32, #tpu.memory_space<vmem>>)
      %dma_start3A_196 = arith.constant 1 : i32
      %dma_start3A_197 = arith.constant 0 : i32
      %dma_start3A_198 = tpu.memref_slice %arg6[%add3A_188, %dma_start3A_196, %dma_start3A_197] : memref<15x2x112xi32, #tpu.memory_space<vmem>> -> memref<1x1x112xi32, #tpu.memory_space<vmem>>
      %dma_start3A_199 = tpu.memref_squeeze %dma_start3A_198 : memref<1x1x112xi32, #tpu.memory_space<vmem>> -> memref<112xi32, #tpu.memory_space<vmem>>
      %dma_start3A_200 = arith.constant 0 : i32
      %dma_start3A_201 = arith.constant 0 : i32
      %dma_start3A_202 = tpu.memref_slice %arg5[%dma_start3A_200, %dma_start3A_201] : memref<10112x128xf32, #tpu.memory_space<vmem_shared>> -> memref<10112x128xf32, #tpu.memory_space<vmem_shared>>
      tpu.enqueue_indirect_dma source(%arg9 : memref<112x128xf32, #tpu.memory_space<vmem>>) target(%dma_start3A_202 : memref<10112x128xf32, #tpu.memory_space<vmem_shared>>) offsets(%dma_start3A_199 : memref<112xi32, #tpu.memory_space<vmem>>) semaphore(%arg15 : memref<!tpu.dma_semaphore, #tpu.memory_space<semaphore_mem>>) {add = true}
      %ge3A_203 = arith.constant 1 : i32
      %ge3A_204 = arith.cmpi sge, %add3A_188, %ge3A_203 : i32
      %convert_element_type3A_205 = arith.extui %ge3A_204 : i1 to i32
      %cond3A_206 = arith.constant 0 : i32
      %cond3A_207 = arith.cmpi ne, %convert_element_type3A_205, %cond3A_206 : i32
      scf.if %cond3A_207 {
        %sub3A = arith.constant 1 : i32
        %sub3A_215 = arith.subi %add3A_188, %sub3A : i32
        %dma_wait3A_216 = arith.constant 1 : i32
        %dma_wait3A_217 = arith.constant 0 : i32
        %dma_wait3A_218 = tpu.memref_slice %arg6[%sub3A_215, %dma_wait3A_216, %dma_wait3A_217] : memref<15x2x112xi32, #tpu.memory_space<vmem>> -> memref<1x1x112xi32, #tpu.memory_space<vmem>>
        %dma_wait3A_219 = tpu.memref_squeeze %dma_wait3A_218 : memref<1x1x112xi32, #tpu.memory_space<vmem>> -> memref<112xi32, #tpu.memory_space<vmem>>
        %dma_wait3A_220 = arith.constant 0 : i32
        %dma_wait3A_221 = arith.constant 0 : i32
        %dma_wait3A_222 = tpu.memref_slice %arg5[%dma_wait3A_220, %dma_wait3A_221] : memref<10112x128xf32, #tpu.memory_space<vmem_shared>> -> memref<10112x128xf32, #tpu.memory_space<vmem_shared>>
        tpu.wait_indirect_dma semaphore(%arg14 : memref<!tpu.dma_semaphore, #tpu.memory_space<semaphore_mem>>) src(%arg8 : memref<112x128xf32, #tpu.memory_space<vmem>>) dst(%dma_wait3A_222 : memref<10112x128xf32, #tpu.memory_space<vmem_shared>>)
      } else {
      }
      %add3A_208 = arith.constant 2 : i32
      %add3A_209 = arith.addi %add3A_188, %add3A_208 : i32
      %lt3A_210 = arith.constant 15 : i32
      %lt3A_211 = arith.cmpi slt, %add3A_209, %lt3A_210 : i32
      %convert_element_type3A_212 = arith.extui %lt3A_211 : i1 to i32
      %cond3A_213 = arith.constant 0 : i32
      %cond3A_214 = arith.cmpi ne, %convert_element_type3A_212, %cond3A_213 : i32
      scf.if %cond3A_214 {
        %add3A_215 = arith.constant 2 : i32
        %add3A_216 = arith.addi %add3A_188, %add3A_215 : i32
        %dma_start3A_217 = arith.constant 0 : i32
        %dma_start3A_218 = arith.constant 0 : i32
        %dma_start3A_219 = tpu.memref_slice %arg6[%add3A_216, %dma_start3A_217, %dma_start3A_218] : memref<15x2x112xi32, #tpu.memory_space<vmem>> -> memref<1x1x112xi32, #tpu.memory_space<vmem>>
        %dma_start3A_220 = tpu.memref_squeeze %dma_start3A_219 : memref<1x1x112xi32, #tpu.memory_space<vmem>> -> memref<112xi32, #tpu.memory_space<vmem>>
        %dma_start3A_221 = arith.constant 0 : i32
        %dma_start3A_222 = arith.constant 0 : i32
        %dma_start3A_223 = tpu.memref_slice %arg2[%dma_start3A_221, %dma_start3A_222] : memref<10000x128xf32, #tpu.memory_space<hbm>> -> memref<10000x128xf32, #tpu.memory_space<hbm>>
        tpu.enqueue_indirect_dma source(%dma_start3A_223 : memref<10000x128xf32, #tpu.memory_space<hbm>>) target(%arg8 : memref<112x128xf32, #tpu.memory_space<vmem>>) offsets(%dma_start3A_220 : memref<112xi32, #tpu.memory_space<vmem>>) semaphore(%arg11 : memref<!tpu.dma_semaphore, #tpu.memory_space<semaphore_mem>>)
      } else {
      }
    }
    %scan3A_83 = arith.constant 5 : i32
    %dma_wait3A_84 = arith.constant 14 : i32
    %dma_wait3A_85 = arith.constant 1 : i32
    %dma_wait3A_86 = arith.constant 0 : i32
    %dma_wait3A_87 = tpu.memref_slice %arg6[%dma_wait3A_84, %dma_wait3A_85, %dma_wait3A_86] : memref<15x2x112xi32, #tpu.memory_space<vmem>> -> memref<1x1x112xi32, #tpu.memory_space<vmem>>
    %dma_wait3A_88 = tpu.memref_squeeze %dma_wait3A_87 : memref<1x1x112xi32, #tpu.memory_space<vmem>> -> memref<112xi32, #tpu.memory_space<vmem>>
    %dma_wait3A_89 = arith.constant 0 : i32
    %dma_wait3A_90 = arith.constant 0 : i32
    %dma_wait3A_91 = tpu.memref_slice %arg5[%dma_wait3A_89, %dma_wait3A_90] : memref<10112x128xf32, #tpu.memory_space<vmem_shared>> -> memref<10112x128xf32, #tpu.memory_space<vmem_shared>>
    tpu.wait_indirect_dma semaphore(%arg15 : memref<!tpu.dma_semaphore, #tpu.memory_space<semaphore_mem>>) src(%arg9 : memref<112x128xf32, #tpu.memory_space<vmem>>) dst(%dma_wait3A_91 : memref<10112x128xf32, #tpu.memory_space<vmem_shared>>)
    %mul3A_92 = arith.constant 45 : i32
    %mul3A_93 = arith.muli %arg1, %mul3A_92 : i32
    %add3A_94 = arith.constant 30 : i32
    %add3A_95 = arith.addi %mul3A_93, %add3A_94 : i32
    "tpu.region"() ({
      %run_scoped3A = tpu.sem_alloc : memref<!tpu.dma_semaphore, #tpu.memory_space<semaphore_mem>>
      %dma_start3A_130 = arith.constant 0 : i32
      %dma_start3A_131 = arith.constant 0 : i32
      %dma_start3A_132 = tpu.memref_slice %arg3[%arg0, %add3A_95, %dma_start3A_130, %dma_start3A_131] : memref<2x720x2x112xi32, #tpu.memory_space<hbm>> -> memref<1x15x2x112xi32, #tpu.memory_space<hbm>>
      %dma_start3A_133 = tpu.memref_squeeze %dma_start3A_132 : memref<1x15x2x112xi32, #tpu.memory_space<hbm>> -> memref<15x2x112xi32, #tpu.memory_space<hbm>>
      %dma_start3A_134 = arith.constant 0 : i32
      %dma_start3A_135 = arith.constant 0 : i32
      %dma_start3A_136 = tpu.memref_slice %arg3[%arg0, %add3A_95, %dma_start3A_134, %dma_start3A_135] : memref<2x720x2x112xi32, #tpu.memory_space<hbm>> -> memref<1x15x2x112xi32, #tpu.memory_space<hbm>>
      %dma_start3A_137 = tpu.memref_squeeze %dma_start3A_136 : memref<1x15x2x112xi32, #tpu.memory_space<hbm>> -> memref<15x2x112xi32, #tpu.memory_space<hbm>>
      tpu.enqueue_dma source(%dma_start3A_137 : memref<15x2x112xi32, #tpu.memory_space<hbm>>) target(%arg6 : memref<15x2x112xi32, #tpu.memory_space<vmem>>) target_semaphore(%run_scoped3A : memref<!tpu.dma_semaphore, #tpu.memory_space<semaphore_mem>>)
      %dma_wait3A_138 = arith.constant 0 : i32
      %dma_wait3A_139 = arith.constant 0 : i32
      %dma_wait3A_140 = tpu.memref_slice %arg3[%arg0, %add3A_95, %dma_wait3A_138, %dma_wait3A_139] : memref<2x720x2x112xi32, #tpu.memory_space<hbm>> -> memref<1x15x2x112xi32, #tpu.memory_space<hbm>>
      %dma_wait3A_141 = tpu.memref_squeeze %dma_wait3A_140 : memref<1x15x2x112xi32, #tpu.memory_space<hbm>> -> memref<15x2x112xi32, #tpu.memory_space<hbm>>
      %dma_wait3A_142 = arith.constant 0 : i32
      %dma_wait3A_143 = arith.constant 0 : i32
      %dma_wait3A_144 = tpu.memref_slice %arg3[%arg0, %add3A_95, %dma_wait3A_142, %dma_wait3A_143] : memref<2x720x2x112xi32, #tpu.memory_space<hbm>> -> memref<1x15x2x112xi32, #tpu.memory_space<hbm>>
      %dma_wait3A_145 = tpu.memref_squeeze %dma_wait3A_144 : memref<1x15x2x112xi32, #tpu.memory_space<hbm>> -> memref<15x2x112xi32, #tpu.memory_space<hbm>>
      tpu.wait_dma2 semaphore(%run_scoped3A : memref<!tpu.dma_semaphore, #tpu.memory_space<semaphore_mem>>) src(%dma_wait3A_145 : memref<15x2x112xi32, #tpu.memory_space<hbm>>) dst(%arg6 : memref<15x2x112xi32, #tpu.memory_space<vmem>>)
      tpu.yield
    }) : () -> ()
    %dma_start3A_96 = arith.constant 0 : i32
    %dma_start3A_97 = arith.constant 0 : i32
    %dma_start3A_98 = arith.constant 0 : i32
    %dma_start3A_99 = tpu.memref_slice %arg6[%dma_start3A_96, %dma_start3A_97, %dma_start3A_98] : memref<15x2x112xi32, #tpu.memory_space<vmem>> -> memref<1x1x112xi32, #tpu.memory_space<vmem>>
    %dma_start3A_100 = tpu.memref_squeeze %dma_start3A_99 : memref<1x1x112xi32, #tpu.memory_space<vmem>> -> memref<112xi32, #tpu.memory_space<vmem>>
    %dma_start3A_101 = arith.constant 0 : i32
    %dma_start3A_102 = arith.constant 0 : i32
    %dma_start3A_103 = tpu.memref_slice %arg2[%dma_start3A_101, %dma_start3A_102] : memref<10000x128xf32, #tpu.memory_space<hbm>> -> memref<10000x128xf32, #tpu.memory_space<hbm>>
    tpu.enqueue_indirect_dma source(%dma_start3A_103 : memref<10000x128xf32, #tpu.memory_space<hbm>>) target(%arg7 : memref<112x128xf32, #tpu.memory_space<vmem>>) offsets(%dma_start3A_100 : memref<112xi32, #tpu.memory_space<vmem>>) semaphore(%arg10 : memref<!tpu.dma_semaphore, #tpu.memory_space<semaphore_mem>>)
    %dma_start3A_104 = arith.constant 1 : i32
    %dma_start3A_105 = arith.constant 0 : i32
    %dma_start3A_106 = arith.constant 0 : i32
    %dma_start3A_107 = tpu.memref_slice %arg6[%dma_start3A_104, %dma_start3A_105, %dma_start3A_106] : memref<15x2x112xi32, #tpu.memory_space<vmem>> -> memref<1x1x112xi32, #tpu.memory_space<vmem>>
    %dma_start3A_108 = tpu.memref_squeeze %dma_start3A_107 : memref<1x1x112xi32, #tpu.memory_space<vmem>> -> memref<112xi32, #tpu.memory_space<vmem>>
    %dma_start3A_109 = arith.constant 0 : i32
    %dma_start3A_110 = arith.constant 0 : i32
    %dma_start3A_111 = tpu.memref_slice %arg2[%dma_start3A_109, %dma_start3A_110] : memref<10000x128xf32, #tpu.memory_space<hbm>> -> memref<10000x128xf32, #tpu.memory_space<hbm>>
    tpu.enqueue_indirect_dma source(%dma_start3A_111 : memref<10000x128xf32, #tpu.memory_space<hbm>>) target(%arg8 : memref<112x128xf32, #tpu.memory_space<vmem>>) offsets(%dma_start3A_108 : memref<112xi32, #tpu.memory_space<vmem>>) semaphore(%arg11 : memref<!tpu.dma_semaphore, #tpu.memory_space<semaphore_mem>>)
    %scan3A_112 = arith.constant 0 : i32
    %scan3A_113 = arith.constant 5 : i32
    %scan3A_114 = arith.addi %scan3A_112, %scan3A_113 : i32
    %scan3A_115 = arith.constant 1 : i32
    scf.for %scan3A_130 = %scan3A_112 to %scan3A_114 step %scan3A_115  : i32 {
      %mul3A_131 = arith.constant 3 : i32
      %mul3A_132 = arith.muli %scan3A_130, %mul3A_131 : i32
      %add3A_133 = arith.constant 0 : i32
      %add3A_134 = arith.addi %add3A_133, %mul3A_132 : i32
      %add3A_135 = arith.constant 0 : i32
      %add3A_136 = arith.addi %add3A_134, %add3A_135 : i32
      %dma_wait3A_137 = arith.constant 0 : i32
      %dma_wait3A_138 = arith.constant 0 : i32
      %dma_wait3A_139 = tpu.memref_slice %arg6[%add3A_136, %dma_wait3A_137, %dma_wait3A_138] : memref<15x2x112xi32, #tpu.memory_space<vmem>> -> memref<1x1x112xi32, #tpu.memory_space<vmem>>
      %dma_wait3A_140 = tpu.memref_squeeze %dma_wait3A_139 : memref<1x1x112xi32, #tpu.memory_space<vmem>> -> memref<112xi32, #tpu.memory_space<vmem>>
      %dma_wait3A_141 = arith.constant 0 : i32
      %dma_wait3A_142 = arith.constant 0 : i32
      %dma_wait3A_143 = tpu.memref_slice %arg2[%dma_wait3A_141, %dma_wait3A_142] : memref<10000x128xf32, #tpu.memory_space<hbm>> -> memref<10000x128xf32, #tpu.memory_space<hbm>>
      tpu.wait_indirect_dma semaphore(%arg10 : memref<!tpu.dma_semaphore, #tpu.memory_space<semaphore_mem>>) src(%dma_wait3A_143 : memref<10000x128xf32, #tpu.memory_space<hbm>>) dst(%arg7 : memref<112x128xf32, #tpu.memory_space<vmem>>)
      %dma_start3A_144 = arith.constant 1 : i32
      %dma_start3A_145 = arith.constant 0 : i32
      %dma_start3A_146 = tpu.memref_slice %arg6[%add3A_136, %dma_start3A_144, %dma_start3A_145] : memref<15x2x112xi32, #tpu.memory_space<vmem>> -> memref<1x1x112xi32, #tpu.memory_space<vmem>>
      %dma_start3A_147 = tpu.memref_squeeze %dma_start3A_146 : memref<1x1x112xi32, #tpu.memory_space<vmem>> -> memref<112xi32, #tpu.memory_space<vmem>>
      %dma_start3A_148 = arith.constant 0 : i32
      %dma_start3A_149 = arith.constant 0 : i32
      %dma_start3A_150 = tpu.memref_slice %arg5[%dma_start3A_148, %dma_start3A_149] : memref<10112x128xf32, #tpu.memory_space<vmem_shared>> -> memref<10112x128xf32, #tpu.memory_space<vmem_shared>>
      tpu.enqueue_indirect_dma source(%arg7 : memref<112x128xf32, #tpu.memory_space<vmem>>) target(%dma_start3A_150 : memref<10112x128xf32, #tpu.memory_space<vmem_shared>>) offsets(%dma_start3A_147 : memref<112xi32, #tpu.memory_space<vmem>>) semaphore(%arg13 : memref<!tpu.dma_semaphore, #tpu.memory_space<semaphore_mem>>) {add = true}
      %ge3A = arith.constant 1 : i32
      %ge3A_151 = arith.cmpi sge, %add3A_136, %ge3A : i32
      %convert_element_type3A = arith.extui %ge3A_151 : i1 to i32
      %cond3A = arith.constant 0 : i32
      %cond3A_152 = arith.cmpi ne, %convert_element_type3A, %cond3A : i32
      scf.if %cond3A_152 {
        %sub3A = arith.constant 1 : i32
        %sub3A_215 = arith.subi %add3A_136, %sub3A : i32
        %dma_wait3A_216 = arith.constant 1 : i32
        %dma_wait3A_217 = arith.constant 0 : i32
        %dma_wait3A_218 = tpu.memref_slice %arg6[%sub3A_215, %dma_wait3A_216, %dma_wait3A_217] : memref<15x2x112xi32, #tpu.memory_space<vmem>> -> memref<1x1x112xi32, #tpu.memory_space<vmem>>
        %dma_wait3A_219 = tpu.memref_squeeze %dma_wait3A_218 : memref<1x1x112xi32, #tpu.memory_space<vmem>> -> memref<112xi32, #tpu.memory_space<vmem>>
        %dma_wait3A_220 = arith.constant 0 : i32
        %dma_wait3A_221 = arith.constant 0 : i32
        %dma_wait3A_222 = tpu.memref_slice %arg5[%dma_wait3A_220, %dma_wait3A_221] : memref<10112x128xf32, #tpu.memory_space<vmem_shared>> -> memref<10112x128xf32, #tpu.memory_space<vmem_shared>>
        tpu.wait_indirect_dma semaphore(%arg15 : memref<!tpu.dma_semaphore, #tpu.memory_space<semaphore_mem>>) src(%arg9 : memref<112x128xf32, #tpu.memory_space<vmem>>) dst(%dma_wait3A_222 : memref<10112x128xf32, #tpu.memory_space<vmem_shared>>)
      } else {
      }
      %add3A_153 = arith.constant 2 : i32
      %add3A_154 = arith.addi %add3A_136, %add3A_153 : i32
      %lt3A = arith.constant 15 : i32
      %lt3A_155 = arith.cmpi slt, %add3A_154, %lt3A : i32
      %convert_element_type3A_156 = arith.extui %lt3A_155 : i1 to i32
      %cond3A_157 = arith.constant 0 : i32
      %cond3A_158 = arith.cmpi ne, %convert_element_type3A_156, %cond3A_157 : i32
      scf.if %cond3A_158 {
        %add3A_215 = arith.constant 2 : i32
        %add3A_216 = arith.addi %add3A_136, %add3A_215 : i32
        %dma_start3A_217 = arith.constant 0 : i32
        %dma_start3A_218 = arith.constant 0 : i32
        %dma_start3A_219 = tpu.memref_slice %arg6[%add3A_216, %dma_start3A_217, %dma_start3A_218] : memref<15x2x112xi32, #tpu.memory_space<vmem>> -> memref<1x1x112xi32, #tpu.memory_space<vmem>>
        %dma_start3A_220 = tpu.memref_squeeze %dma_start3A_219 : memref<1x1x112xi32, #tpu.memory_space<vmem>> -> memref<112xi32, #tpu.memory_space<vmem>>
        %dma_start3A_221 = arith.constant 0 : i32
        %dma_start3A_222 = arith.constant 0 : i32
        %dma_start3A_223 = tpu.memref_slice %arg2[%dma_start3A_221, %dma_start3A_222] : memref<10000x128xf32, #tpu.memory_space<hbm>> -> memref<10000x128xf32, #tpu.memory_space<hbm>>
        tpu.enqueue_indirect_dma source(%dma_start3A_223 : memref<10000x128xf32, #tpu.memory_space<hbm>>) target(%arg9 : memref<112x128xf32, #tpu.memory_space<vmem>>) offsets(%dma_start3A_220 : memref<112xi32, #tpu.memory_space<vmem>>) semaphore(%arg12 : memref<!tpu.dma_semaphore, #tpu.memory_space<semaphore_mem>>)
      } else {
      }
      %add3A_159 = arith.constant 1 : i32
      %add3A_160 = arith.addi %add3A_134, %add3A_159 : i32
      %dma_wait3A_161 = arith.constant 0 : i32
      %dma_wait3A_162 = arith.constant 0 : i32
      %dma_wait3A_163 = tpu.memref_slice %arg6[%add3A_160, %dma_wait3A_161, %dma_wait3A_162] : memref<15x2x112xi32, #tpu.memory_space<vmem>> -> memref<1x1x112xi32, #tpu.memory_space<vmem>>
      %dma_wait3A_164 = tpu.memref_squeeze %dma_wait3A_163 : memref<1x1x112xi32, #tpu.memory_space<vmem>> -> memref<112xi32, #tpu.memory_space<vmem>>
      %dma_wait3A_165 = arith.constant 0 : i32
      %dma_wait3A_166 = arith.constant 0 : i32
      %dma_wait3A_167 = tpu.memref_slice %arg2[%dma_wait3A_165, %dma_wait3A_166] : memref<10000x128xf32, #tpu.memory_space<hbm>> -> memref<10000x128xf32, #tpu.memory_space<hbm>>
      tpu.wait_indirect_dma semaphore(%arg11 : memref<!tpu.dma_semaphore, #tpu.memory_space<semaphore_mem>>) src(%dma_wait3A_167 : memref<10000x128xf32, #tpu.memory_space<hbm>>) dst(%arg8 : memref<112x128xf32, #tpu.memory_space<vmem>>)
      %dma_start3A_168 = arith.constant 1 : i32
      %dma_start3A_169 = arith.constant 0 : i32
      %dma_start3A_170 = tpu.memref_slice %arg6[%add3A_160, %dma_start3A_168, %dma_start3A_169] : memref<15x2x112xi32, #tpu.memory_space<vmem>> -> memref<1x1x112xi32, #tpu.memory_space<vmem>>
      %dma_start3A_171 = tpu.memref_squeeze %dma_start3A_170 : memref<1x1x112xi32, #tpu.memory_space<vmem>> -> memref<112xi32, #tpu.memory_space<vmem>>
      %dma_start3A_172 = arith.constant 0 : i32
      %dma_start3A_173 = arith.constant 0 : i32
      %dma_start3A_174 = tpu.memref_slice %arg5[%dma_start3A_172, %dma_start3A_173] : memref<10112x128xf32, #tpu.memory_space<vmem_shared>> -> memref<10112x128xf32, #tpu.memory_space<vmem_shared>>
      tpu.enqueue_indirect_dma source(%arg8 : memref<112x128xf32, #tpu.memory_space<vmem>>) target(%dma_start3A_174 : memref<10112x128xf32, #tpu.memory_space<vmem_shared>>) offsets(%dma_start3A_171 : memref<112xi32, #tpu.memory_space<vmem>>) semaphore(%arg14 : memref<!tpu.dma_semaphore, #tpu.memory_space<semaphore_mem>>) {add = true}
      %ge3A_175 = arith.constant 1 : i32
      %ge3A_176 = arith.cmpi sge, %add3A_160, %ge3A_175 : i32
      %convert_element_type3A_177 = arith.extui %ge3A_176 : i1 to i32
      %cond3A_178 = arith.constant 0 : i32
      %cond3A_179 = arith.cmpi ne, %convert_element_type3A_177, %cond3A_178 : i32
      scf.if %cond3A_179 {
        %sub3A = arith.constant 1 : i32
        %sub3A_215 = arith.subi %add3A_160, %sub3A : i32
        %dma_wait3A_216 = arith.constant 1 : i32
        %dma_wait3A_217 = arith.constant 0 : i32
        %dma_wait3A_218 = tpu.memref_slice %arg6[%sub3A_215, %dma_wait3A_216, %dma_wait3A_217] : memref<15x2x112xi32, #tpu.memory_space<vmem>> -> memref<1x1x112xi32, #tpu.memory_space<vmem>>
        %dma_wait3A_219 = tpu.memref_squeeze %dma_wait3A_218 : memref<1x1x112xi32, #tpu.memory_space<vmem>> -> memref<112xi32, #tpu.memory_space<vmem>>
        %dma_wait3A_220 = arith.constant 0 : i32
        %dma_wait3A_221 = arith.constant 0 : i32
        %dma_wait3A_222 = tpu.memref_slice %arg5[%dma_wait3A_220, %dma_wait3A_221] : memref<10112x128xf32, #tpu.memory_space<vmem_shared>> -> memref<10112x128xf32, #tpu.memory_space<vmem_shared>>
        tpu.wait_indirect_dma semaphore(%arg13 : memref<!tpu.dma_semaphore, #tpu.memory_space<semaphore_mem>>) src(%arg7 : memref<112x128xf32, #tpu.memory_space<vmem>>) dst(%dma_wait3A_222 : memref<10112x128xf32, #tpu.memory_space<vmem_shared>>)
      } else {
      }
      %add3A_180 = arith.constant 2 : i32
      %add3A_181 = arith.addi %add3A_160, %add3A_180 : i32
      %lt3A_182 = arith.constant 15 : i32
      %lt3A_183 = arith.cmpi slt, %add3A_181, %lt3A_182 : i32
      %convert_element_type3A_184 = arith.extui %lt3A_183 : i1 to i32
      %cond3A_185 = arith.constant 0 : i32
      %cond3A_186 = arith.cmpi ne, %convert_element_type3A_184, %cond3A_185 : i32
      scf.if %cond3A_186 {
        %add3A_215 = arith.constant 2 : i32
        %add3A_216 = arith.addi %add3A_160, %add3A_215 : i32
        %dma_start3A_217 = arith.constant 0 : i32
        %dma_start3A_218 = arith.constant 0 : i32
        %dma_start3A_219 = tpu.memref_slice %arg6[%add3A_216, %dma_start3A_217, %dma_start3A_218] : memref<15x2x112xi32, #tpu.memory_space<vmem>> -> memref<1x1x112xi32, #tpu.memory_space<vmem>>
        %dma_start3A_220 = tpu.memref_squeeze %dma_start3A_219 : memref<1x1x112xi32, #tpu.memory_space<vmem>> -> memref<112xi32, #tpu.memory_space<vmem>>
        %dma_start3A_221 = arith.constant 0 : i32
        %dma_start3A_222 = arith.constant 0 : i32
        %dma_start3A_223 = tpu.memref_slice %arg2[%dma_start3A_221, %dma_start3A_222] : memref<10000x128xf32, #tpu.memory_space<hbm>> -> memref<10000x128xf32, #tpu.memory_space<hbm>>
        tpu.enqueue_indirect_dma source(%dma_start3A_223 : memref<10000x128xf32, #tpu.memory_space<hbm>>) target(%arg7 : memref<112x128xf32, #tpu.memory_space<vmem>>) offsets(%dma_start3A_220 : memref<112xi32, #tpu.memory_space<vmem>>) semaphore(%arg10 : memref<!tpu.dma_semaphore, #tpu.memory_space<semaphore_mem>>)
      } else {
      }
      %add3A_187 = arith.constant 2 : i32
      %add3A_188 = arith.addi %add3A_134, %add3A_187 : i32
      %dma_wait3A_189 = arith.constant 0 : i32
      %dma_wait3A_190 = arith.constant 0 : i32
      %dma_wait3A_191 = tpu.memref_slice %arg6[%add3A_188, %dma_wait3A_189, %dma_wait3A_190] : memref<15x2x112xi32, #tpu.memory_space<vmem>> -> memref<1x1x112xi32, #tpu.memory_space<vmem>>
      %dma_wait3A_192 = tpu.memref_squeeze %dma_wait3A_191 : memref<1x1x112xi32, #tpu.memory_space<vmem>> -> memref<112xi32, #tpu.memory_space<vmem>>
      %dma_wait3A_193 = arith.constant 0 : i32
      %dma_wait3A_194 = arith.constant 0 : i32
      %dma_wait3A_195 = tpu.memref_slice %arg2[%dma_wait3A_193, %dma_wait3A_194] : memref<10000x128xf32, #tpu.memory_space<hbm>> -> memref<10000x128xf32, #tpu.memory_space<hbm>>
      tpu.wait_indirect_dma semaphore(%arg12 : memref<!tpu.dma_semaphore, #tpu.memory_space<semaphore_mem>>) src(%dma_wait3A_195 : memref<10000x128xf32, #tpu.memory_space<hbm>>) dst(%arg9 : memref<112x128xf32, #tpu.memory_space<vmem>>)
      %dma_start3A_196 = arith.constant 1 : i32
      %dma_start3A_197 = arith.constant 0 : i32
      %dma_start3A_198 = tpu.memref_slice %arg6[%add3A_188, %dma_start3A_196, %dma_start3A_197] : memref<15x2x112xi32, #tpu.memory_space<vmem>> -> memref<1x1x112xi32, #tpu.memory_space<vmem>>
      %dma_start3A_199 = tpu.memref_squeeze %dma_start3A_198 : memref<1x1x112xi32, #tpu.memory_space<vmem>> -> memref<112xi32, #tpu.memory_space<vmem>>
      %dma_start3A_200 = arith.constant 0 : i32
      %dma_start3A_201 = arith.constant 0 : i32
      %dma_start3A_202 = tpu.memref_slice %arg5[%dma_start3A_200, %dma_start3A_201] : memref<10112x128xf32, #tpu.memory_space<vmem_shared>> -> memref<10112x128xf32, #tpu.memory_space<vmem_shared>>
      tpu.enqueue_indirect_dma source(%arg9 : memref<112x128xf32, #tpu.memory_space<vmem>>) target(%dma_start3A_202 : memref<10112x128xf32, #tpu.memory_space<vmem_shared>>) offsets(%dma_start3A_199 : memref<112xi32, #tpu.memory_space<vmem>>) semaphore(%arg15 : memref<!tpu.dma_semaphore, #tpu.memory_space<semaphore_mem>>) {add = true}
      %ge3A_203 = arith.constant 1 : i32
      %ge3A_204 = arith.cmpi sge, %add3A_188, %ge3A_203 : i32
      %convert_element_type3A_205 = arith.extui %ge3A_204 : i1 to i32
      %cond3A_206 = arith.constant 0 : i32
      %cond3A_207 = arith.cmpi ne, %convert_element_type3A_205, %cond3A_206 : i32
      scf.if %cond3A_207 {
        %sub3A = arith.constant 1 : i32
        %sub3A_215 = arith.subi %add3A_188, %sub3A : i32
        %dma_wait3A_216 = arith.constant 1 : i32
        %dma_wait3A_217 = arith.constant 0 : i32
        %dma_wait3A_218 = tpu.memref_slice %arg6[%sub3A_215, %dma_wait3A_216, %dma_wait3A_217] : memref<15x2x112xi32, #tpu.memory_space<vmem>> -> memref<1x1x112xi32, #tpu.memory_space<vmem>>
        %dma_wait3A_219 = tpu.memref_squeeze %dma_wait3A_218 : memref<1x1x112xi32, #tpu.memory_space<vmem>> -> memref<112xi32, #tpu.memory_space<vmem>>
        %dma_wait3A_220 = arith.constant 0 : i32
        %dma_wait3A_221 = arith.constant 0 : i32
        %dma_wait3A_222 = tpu.memref_slice %arg5[%dma_wait3A_220, %dma_wait3A_221] : memref<10112x128xf32, #tpu.memory_space<vmem_shared>> -> memref<10112x128xf32, #tpu.memory_space<vmem_shared>>
        tpu.wait_indirect_dma semaphore(%arg14 : memref<!tpu.dma_semaphore, #tpu.memory_space<semaphore_mem>>) src(%arg8 : memref<112x128xf32, #tpu.memory_space<vmem>>) dst(%dma_wait3A_222 : memref<10112x128xf32, #tpu.memory_space<vmem_shared>>)
      } else {
      }
      %add3A_208 = arith.constant 2 : i32
      %add3A_209 = arith.addi %add3A_188, %add3A_208 : i32
      %lt3A_210 = arith.constant 15 : i32
      %lt3A_211 = arith.cmpi slt, %add3A_209, %lt3A_210 : i32
      %convert_element_type3A_212 = arith.extui %lt3A_211 : i1 to i32
      %cond3A_213 = arith.constant 0 : i32
      %cond3A_214 = arith.cmpi ne, %convert_element_type3A_212, %cond3A_213 : i32
      scf.if %cond3A_214 {
        %add3A_215 = arith.constant 2 : i32
        %add3A_216 = arith.addi %add3A_188, %add3A_215 : i32
        %dma_start3A_217 = arith.constant 0 : i32
        %dma_start3A_218 = arith.constant 0 : i32
        %dma_start3A_219 = tpu.memref_slice %arg6[%add3A_216, %dma_start3A_217, %dma_start3A_218] : memref<15x2x112xi32, #tpu.memory_space<vmem>> -> memref<1x1x112xi32, #tpu.memory_space<vmem>>
        %dma_start3A_220 = tpu.memref_squeeze %dma_start3A_219 : memref<1x1x112xi32, #tpu.memory_space<vmem>> -> memref<112xi32, #tpu.memory_space<vmem>>
        %dma_start3A_221 = arith.constant 0 : i32
        %dma_start3A_222 = arith.constant 0 : i32
        %dma_start3A_223 = tpu.memref_slice %arg2[%dma_start3A_221, %dma_start3A_222] : memref<10000x128xf32, #tpu.memory_space<hbm>> -> memref<10000x128xf32, #tpu.memory_space<hbm>>
        tpu.enqueue_indirect_dma source(%dma_start3A_223 : memref<10000x128xf32, #tpu.memory_space<hbm>>) target(%arg8 : memref<112x128xf32, #tpu.memory_space<vmem>>) offsets(%dma_start3A_220 : memref<112xi32, #tpu.memory_space<vmem>>) semaphore(%arg11 : memref<!tpu.dma_semaphore, #tpu.memory_space<semaphore_mem>>)
      } else {
      }
    }
    %scan3A_116 = arith.constant 5 : i32
    %dma_wait3A_117 = arith.constant 14 : i32
    %dma_wait3A_118 = arith.constant 1 : i32
    %dma_wait3A_119 = arith.constant 0 : i32
    %dma_wait3A_120 = tpu.memref_slice %arg6[%dma_wait3A_117, %dma_wait3A_118, %dma_wait3A_119] : memref<15x2x112xi32, #tpu.memory_space<vmem>> -> memref<1x1x112xi32, #tpu.memory_space<vmem>>
    %dma_wait3A_121 = tpu.memref_squeeze %dma_wait3A_120 : memref<1x1x112xi32, #tpu.memory_space<vmem>> -> memref<112xi32, #tpu.memory_space<vmem>>
    %dma_wait3A_122 = arith.constant 0 : i32
    %dma_wait3A_123 = arith.constant 0 : i32
    %dma_wait3A_124 = tpu.memref_slice %arg5[%dma_wait3A_122, %dma_wait3A_123] : memref<10112x128xf32, #tpu.memory_space<vmem_shared>> -> memref<10112x128xf32, #tpu.memory_space<vmem_shared>>
    tpu.wait_indirect_dma semaphore(%arg15 : memref<!tpu.dma_semaphore, #tpu.memory_space<semaphore_mem>>) src(%arg9 : memref<112x128xf32, #tpu.memory_space<vmem>>) dst(%dma_wait3A_124 : memref<10112x128xf32, #tpu.memory_space<vmem_shared>>)
    %barrier3A_125 = arith.constant 0 : index
    tpu.barrier barrier_id(%barrier3A_125)
    %mul3A_126 = arith.constant 632 : i32
    %mul3A_127 = arith.muli %arg1, %mul3A_126 : i32
    %mul3A_128 = arith.constant 632 : i32
    %mul3A_129 = arith.muli %arg1, %mul3A_128 : i32
    "tpu.region"() ({
      %run_scoped3A = tpu.sem_alloc : memref<!tpu.dma_semaphore, #tpu.memory_space<semaphore_mem>>
      %dma_start3A_130 = arith.constant 0 : i32
      %dma_start3A_131 = tpu.memref_slice %arg4[%arg0, %mul3A_129, %dma_start3A_130] : memref<2x10112x128xf32, #tpu.memory_space<hbm>> -> memref<1x632x128xf32, #tpu.memory_space<hbm>>
      %dma_start3A_132 = tpu.memref_squeeze %dma_start3A_131 : memref<1x632x128xf32, #tpu.memory_space<hbm>> -> memref<632x128xf32, #tpu.memory_space<hbm>>
      %dma_start3A_133 = arith.constant 0 : i32
      %dma_start3A_134 = tpu.memref_slice %arg5[%mul3A_127, %dma_start3A_133] : memref<10112x128xf32, #tpu.memory_space<vmem_shared>> -> memref<632x128xf32, #tpu.memory_space<vmem_shared>>
      tpu.enqueue_dma source(%dma_start3A_134 : memref<632x128xf32, #tpu.memory_space<vmem_shared>>) target(%dma_start3A_132 : memref<632x128xf32, #tpu.memory_space<hbm>>) target_semaphore(%run_scoped3A : memref<!tpu.dma_semaphore, #tpu.memory_space<semaphore_mem>>)
      %dma_wait3A_135 = arith.constant 0 : i32
      %dma_wait3A_136 = tpu.memref_slice %arg4[%arg0, %mul3A_129, %dma_wait3A_135] : memref<2x10112x128xf32, #tpu.memory_space<hbm>> -> memref<1x632x128xf32, #tpu.memory_space<hbm>>
      %dma_wait3A_137 = tpu.memref_squeeze %dma_wait3A_136 : memref<1x632x128xf32, #tpu.memory_space<hbm>> -> memref<632x128xf32, #tpu.memory_space<hbm>>
      %dma_wait3A_138 = arith.constant 0 : i32
      %dma_wait3A_139 = tpu.memref_slice %arg5[%mul3A_127, %dma_wait3A_138] : memref<10112x128xf32, #tpu.memory_space<vmem_shared>> -> memref<632x128xf32, #tpu.memory_space<vmem_shared>>
      tpu.wait_dma2 semaphore(%run_scoped3A : memref<!tpu.dma_semaphore, #tpu.memory_space<semaphore_mem>>) src(%dma_wait3A_139 : memref<632x128xf32, #tpu.memory_space<vmem_shared>>) dst(%dma_wait3A_137 : memref<632x128xf32, #tpu.memory_space<hbm>>)
      tpu.yield
    }) : () -> ()
    return
  }
}

module attributes {stable_mosaic.version = 14 : i64} {
  func.func @body(%arg0: i32, %arg1: memref<400x256xf32, #tpu.memory_space<vmem>>, %arg2: memref<256x256xf32, #tpu.memory_space<vmem>>, %arg3: memref<256x128xf32, #tpu.memory_space<vmem>>, %arg4: memref<400x256xf32, #tpu.memory_space<vmem>>, %arg5: memref<400x128xf32, #tpu.memory_space<vmem>>) attributes {dimension_semantics = [#tpu.dimension_semantics<arbitrary>], iteration_bounds = array<i64: 25>, scalar_prefetch = 0 : i64, scratch_operands = 0 : i64, tpu.core_type = #tpu.core_type<tc>, window_params = [{transform_indices = @transform_0, window_bounds = array<i64: 400, 256>}, {pipeline_mode = #tpu.pipeline_mode<synchronous>, transform_indices = @transform_1, window_bounds = array<i64: 256, 256>}, {pipeline_mode = #tpu.pipeline_mode<synchronous>, transform_indices = @transform_2, window_bounds = array<i64: 256, 128>}, {transform_indices = @transform_3, window_bounds = array<i64: 400, 256>}, {transform_indices = @transform_4, window_bounds = array<i64: 400, 128>}]} {
    %get3A = arith.constant 0 : index
    %get3A_0 = arith.constant 0 : index
    %get3A_1 = vector.load %arg1[%get3A, %get3A_0] : memref<400x256xf32, #tpu.memory_space<vmem>>, vector<400x256xf32>
    %get3A_2 = arith.constant 0 : index
    %get3A_3 = arith.constant 0 : index
    %get3A_4 = vector.load %arg2[%get3A_2, %get3A_3] : memref<256x256xf32, #tpu.memory_space<vmem>>, vector<256x256xf32>
    %dot_general3A = arith.constant dense<0.000000e+00> : vector<400x256xf32>
    %dot_general3A_5 = tpu.matmul %get3A_1, %get3A_4, %dot_general3A {dimension_numbers = #tpu.dot_dimension_numbers<[1], [0], [0], [1], [0, 0, 1, 1], [], []>, transpose_lhs_hint = false} : vector<400x256xf32>, vector<256x256xf32>, vector<400x256xf32> -> vector<400x256xf32>
    %swap3A = arith.constant 0 : index
    %swap3A_6 = arith.constant 0 : index
    %swap3A_7 = vector.load %arg4[%swap3A, %swap3A_6] : memref<400x256xf32, #tpu.memory_space<vmem>>, vector<400x256xf32>
    tpu.vector_store %arg4[%swap3A, %swap3A_6], %dot_general3A_5 {strides = array<i32>} : memref<400x256xf32, #tpu.memory_space<vmem>>, vector<400x256xf32>,
    %get3A_8 = arith.constant 0 : index
    %get3A_9 = arith.constant 0 : index
    %get3A_10 = vector.load %arg3[%get3A_8, %get3A_9] : memref<256x128xf32, #tpu.memory_space<vmem>>, vector<256x128xf32>
    %dot_general3A_11 = arith.constant dense<0.000000e+00> : vector<400x128xf32>
    %dot_general3A_12 = tpu.matmul %get3A_1, %get3A_10, %dot_general3A_11 {dimension_numbers = #tpu.dot_dimension_numbers<[1], [0], [0], [1], [0, 0, 1, 1], [], []>, transpose_lhs_hint = false} : vector<400x256xf32>, vector<256x128xf32>, vector<400x128xf32> -> vector<400x128xf32>
    %swap3A_13 = arith.constant 0 : index
    %swap3A_14 = arith.constant 0 : index
    %swap3A_15 = vector.load %arg5[%swap3A_13, %swap3A_14] : memref<400x128xf32, #tpu.memory_space<vmem>>, vector<400x128xf32>
    tpu.vector_store %arg5[%swap3A_13, %swap3A_14], %dot_general3A_12 {strides = array<i32>} : memref<400x128xf32, #tpu.memory_space<vmem>>, vector<400x128xf32>,
    return
  }
  func.func @transform_0(%arg0: i32) -> (i32, i32) {
    %c0_i32 = arith.constant 0 : i32
    %c0_i32_0 = arith.constant 0 : i32
    return %arg0, %c0_i32 : i32, i32
  }
  func.func @transform_1(%arg0: i32) -> (i32, i32) {
    %c0_i32 = arith.constant 0 : i32
    %c0_i32_0 = arith.constant 0 : i32
    %c0_i32_1 = arith.constant 0 : i32
    return %c0_i32, %c0_i32_0 : i32, i32
  }
  func.func @transform_2(%arg0: i32) -> (i32, i32) {
    %c0_i32 = arith.constant 0 : i32
    %c0_i32_0 = arith.constant 0 : i32
    %c0_i32_1 = arith.constant 0 : i32
    return %c0_i32, %c0_i32_0 : i32, i32
  }
  func.func @transform_3(%arg0: i32) -> (i32, i32) {
    %c0_i32 = arith.constant 0 : i32
    %c0_i32_0 = arith.constant 0 : i32
    return %arg0, %c0_i32 : i32, i32
  }
  func.func @transform_4(%arg0: i32) -> (i32, i32) {
    %c0_i32 = arith.constant 0 : i32
    %c0_i32_0 = arith.constant 0 : i32
    return %arg0, %c0_i32 : i32, i32
  }
}

module attributes {stable_mosaic.version = 14 : i64} {
  func.func @body(%arg0: i32, %arg1: memref<1x400x128xf32, #tpu.memory_space<vmem>>, %arg2: memref<1x400x128xf32, #tpu.memory_space<vmem>>, %arg3: memref<400x256xf32, #tpu.memory_space<vmem>>, %arg4: memref<256x256xf32, #tpu.memory_space<vmem>>, %arg5: memref<256x128xf32, #tpu.memory_space<vmem>>, %arg6: memref<400x128xf32, #tpu.memory_space<vmem>>) attributes {dimension_semantics = [#tpu.dimension_semantics<arbitrary>], iteration_bounds = array<i64: 25>, scalar_prefetch = 0 : i64, scratch_operands = 0 : i64, tpu.core_type = #tpu.core_type<tc>, window_params = [{transform_indices = @transform_0, window_bounds = array<i64: 1, 400, 128>}, {transform_indices = @transform_1, window_bounds = array<i64: 1, 400, 128>}, {transform_indices = @transform_2, window_bounds = array<i64: 400, 256>}, {pipeline_mode = #tpu.pipeline_mode<synchronous>, transform_indices = @transform_3, window_bounds = array<i64: 256, 256>}, {pipeline_mode = #tpu.pipeline_mode<synchronous>, transform_indices = @transform_4, window_bounds = array<i64: 256, 128>}, {transform_indices = @transform_5, window_bounds = array<i64: 400, 128>}]} {
    %get3A = arith.constant 0 : index
    %get3A_0 = arith.constant 0 : index
    %get3A_1 = arith.constant 0 : index
    %get3A_2 = vector.load %arg1[%get3A, %get3A_0, %get3A_1] : memref<1x400x128xf32, #tpu.memory_space<vmem>>, vector<1x400x128xf32>
    %get3A_3 = vector.shape_cast %get3A_2 : vector<1x400x128xf32> to vector<400x128xf32>
    %get3A_4 = arith.constant 0 : index
    %get3A_5 = arith.constant 0 : index
    %get3A_6 = vector.load %arg4[%get3A_4, %get3A_5] : memref<256x256xf32, #tpu.memory_space<vmem>>, vector<128x256xf32>
    %dot_general3A = arith.constant dense<0.000000e+00> : vector<400x256xf32>
    %dot_general3A_7 = tpu.matmul %get3A_3, %get3A_6, %dot_general3A {dimension_numbers = #tpu.dot_dimension_numbers<[1], [0], [0], [1], [0, 0, 1, 1], [], []>, transpose_lhs_hint = false} : vector<400x128xf32>, vector<128x256xf32>, vector<400x256xf32> -> vector<400x256xf32>
    %get3A_8 = arith.constant 0 : index
    %get3A_9 = arith.constant 0 : index
    %get3A_10 = arith.constant 0 : index
    %get3A_11 = vector.load %arg2[%get3A_8, %get3A_9, %get3A_10] : memref<1x400x128xf32, #tpu.memory_space<vmem>>, vector<1x400x128xf32>
    %get3A_12 = vector.shape_cast %get3A_11 : vector<1x400x128xf32> to vector<400x128xf32>
    %get3A_13 = arith.constant 128 : index
    %get3A_14 = arith.constant 0 : index
    %get3A_15 = vector.load %arg4[%get3A_13, %get3A_14] : memref<256x256xf32, #tpu.memory_space<vmem>>, vector<128x256xf32>
    %dot_general3A_16 = arith.constant dense<0.000000e+00> : vector<400x256xf32>
    %dot_general3A_17 = tpu.matmul %get3A_12, %get3A_15, %dot_general3A_16 {dimension_numbers = #tpu.dot_dimension_numbers<[1], [0], [0], [1], [0, 0, 1, 1], [], []>, transpose_lhs_hint = false} : vector<400x128xf32>, vector<128x256xf32>, vector<400x256xf32> -> vector<400x256xf32>
    %add3A = arith.addf %dot_general3A_7, %dot_general3A_17 : vector<400x256xf32>
    %get3A_18 = arith.constant 0 : index
    %get3A_19 = arith.constant 0 : index
    %get3A_20 = vector.load %arg3[%get3A_18, %get3A_19] : memref<400x256xf32, #tpu.memory_space<vmem>>, vector<400x256xf32>
    %add3A_21 = arith.addf %add3A, %get3A_20 : vector<400x256xf32>
    %max3A = arith.constant 0.000000e+00 : f32
    %max3A_22 = vector.broadcast %max3A : f32 to vector<400x256xf32>
    %max3A_23 = arith.maximumf %add3A_21, %max3A_22 : vector<400x256xf32>
    %get3A_24 = arith.constant 0 : index
    %get3A_25 = arith.constant 0 : index
    %get3A_26 = vector.load %arg5[%get3A_24, %get3A_25] : memref<256x128xf32, #tpu.memory_space<vmem>>, vector<256x128xf32>
    %dot_general3A_27 = arith.constant dense<0.000000e+00> : vector<400x128xf32>
    %dot_general3A_28 = tpu.matmul %max3A_23, %get3A_26, %dot_general3A_27 {dimension_numbers = #tpu.dot_dimension_numbers<[1], [0], [0], [1], [0, 0, 1, 1], [], []>, transpose_lhs_hint = false} : vector<400x256xf32>, vector<256x128xf32>, vector<400x128xf32> -> vector<400x128xf32>
    %swap3A = arith.constant 0 : index
    %swap3A_29 = arith.constant 0 : index
    %swap3A_30 = vector.load %arg6[%swap3A, %swap3A_29] : memref<400x128xf32, #tpu.memory_space<vmem>>, vector<400x128xf32>
    tpu.vector_store %arg6[%swap3A, %swap3A_29], %dot_general3A_28 {strides = array<i32>} : memref<400x128xf32, #tpu.memory_space<vmem>>, vector<400x128xf32>,
    return
  }
  func.func @transform_0(%arg0: i32) -> (i32, i32, i32) {
    %c0_i32 = arith.constant 0 : i32
    %c0_i32_0 = arith.constant 0 : i32
    %c0_i32_1 = arith.constant 0 : i32
    return %c0_i32, %arg0, %c0_i32_0 : i32, i32, i32
  }
  func.func @transform_1(%arg0: i32) -> (i32, i32, i32) {
    %c1_i32 = arith.constant 1 : i32
    %c0_i32 = arith.constant 0 : i32
    %c0_i32_0 = arith.constant 0 : i32
    return %c1_i32, %arg0, %c0_i32 : i32, i32, i32
  }
  func.func @transform_2(%arg0: i32) -> (i32, i32) {
    %c0_i32 = arith.constant 0 : i32
    %c0_i32_0 = arith.constant 0 : i32
    return %arg0, %c0_i32 : i32, i32
  }
  func.func @transform_3(%arg0: i32) -> (i32, i32) {
    %c0_i32 = arith.constant 0 : i32
    %c0_i32_0 = arith.constant 0 : i32
    %c0_i32_1 = arith.constant 0 : i32
    return %c0_i32, %c0_i32_0 : i32, i32
  }
  func.func @transform_4(%arg0: i32) -> (i32, i32) {
    %c0_i32 = arith.constant 0 : i32
    %c0_i32_0 = arith.constant 0 : i32
    %c0_i32_1 = arith.constant 0 : i32
    return %c0_i32, %c0_i32_0 : i32, i32
  }
  func.func @transform_5(%arg0: i32) -> (i32, i32) {
    %c0_i32 = arith.constant 0 : i32
    %c0_i32_0 = arith.constant 0 : i32
    return %arg0, %c0_i32 : i32, i32
  }
}

module attributes {stable_mosaic.version = 14 : i64} {
  func.func @body(%arg0: i32, %arg1: memref<1x400x128xf32, #tpu.memory_space<vmem>>, %arg2: memref<1x400x128xf32, #tpu.memory_space<vmem>>, %arg3: memref<400x128xf32, #tpu.memory_space<vmem>>, %arg4: memref<400x128xf32, #tpu.memory_space<vmem>>) attributes {dimension_semantics = [#tpu.dimension_semantics<arbitrary>], iteration_bounds = array<i64: 25>, scalar_prefetch = 0 : i64, scratch_operands = 0 : i64, tpu.core_type = #tpu.core_type<tc>, window_params = [{transform_indices = @transform_0, window_bounds = array<i64: 1, 400, 128>}, {transform_indices = @transform_1, window_bounds = array<i64: 1, 400, 128>}, {transform_indices = @transform_2, window_bounds = array<i64: 400, 128>}, {transform_indices = @transform_3, window_bounds = array<i64: 400, 128>}]} {
    %get3A = arith.constant 0 : index
    %get3A_0 = arith.constant 0 : index
    %get3A_1 = arith.constant 0 : index
    %get3A_2 = vector.load %arg1[%get3A, %get3A_0, %get3A_1] : memref<1x400x128xf32, #tpu.memory_space<vmem>>, vector<1x400x128xf32>
    %get3A_3 = vector.shape_cast %get3A_2 : vector<1x400x128xf32> to vector<400x128xf32>
    %get3A_4 = arith.constant 0 : index
    %get3A_5 = arith.constant 0 : index
    %get3A_6 = arith.constant 0 : index
    %get3A_7 = vector.load %arg2[%get3A_4, %get3A_5, %get3A_6] : memref<1x400x128xf32, #tpu.memory_space<vmem>>, vector<1x400x128xf32>
    %get3A_8 = vector.shape_cast %get3A_7 : vector<1x400x128xf32> to vector<400x128xf32>
    %add3A = arith.addf %get3A_3, %get3A_8 : vector<400x128xf32>
    %get3A_9 = arith.constant 0 : index
    %get3A_10 = arith.constant 0 : index
    %get3A_11 = vector.load %arg3[%get3A_9, %get3A_10] : memref<400x128xf32, #tpu.memory_space<vmem>>, vector<400x128xf32>
    %add3A_12 = arith.addf %add3A, %get3A_11 : vector<400x128xf32>
    %reduce_max3A = arith.constant dense<0xFF800000> : vector<400xf32>
    %reduce_max3A_13 = vector.multi_reduction <maximumf>, %add3A_12, %reduce_max3A [1] : vector<400x128xf32> to vector<400xf32>
    %broadcast_in_dim3A = vector.shape_cast %reduce_max3A_13 : vector<400xf32> to vector<400x1xf32>
    %sub3A = vector.broadcast %broadcast_in_dim3A : vector<400x1xf32> to vector<400x128xf32>
    %sub3A_14 = arith.subf %add3A_12, %sub3A : vector<400x128xf32>
    %exp3A = math.exp %sub3A_14 : vector<400x128xf32>
    %reduce_sum3A = arith.constant dense<0.000000e+00> : vector<400xf32>
    %reduce_sum3A_15 = vector.multi_reduction <add>, %exp3A, %reduce_sum3A [1] : vector<400x128xf32> to vector<400xf32>
    %broadcast_in_dim3A_16 = vector.shape_cast %reduce_sum3A_15 : vector<400xf32> to vector<400x1xf32>
    %log3A = math.log %broadcast_in_dim3A_16 : vector<400x1xf32>
    %add3A_17 = arith.addf %log3A, %broadcast_in_dim3A : vector<400x1xf32>
    %sub3A_18 = vector.broadcast %add3A_17 : vector<400x1xf32> to vector<400x128xf32>
    %sub3A_19 = arith.subf %add3A_12, %sub3A_18 : vector<400x128xf32>
    %swap3A = arith.constant 0 : index
    %swap3A_20 = arith.constant 0 : index
    %swap3A_21 = vector.load %arg4[%swap3A, %swap3A_20] : memref<400x128xf32, #tpu.memory_space<vmem>>, vector<400x128xf32>
    tpu.vector_store %arg4[%swap3A, %swap3A_20], %sub3A_19 {strides = array<i32>} : memref<400x128xf32, #tpu.memory_space<vmem>>, vector<400x128xf32>,
    return
  }
  func.func @transform_0(%arg0: i32) -> (i32, i32, i32) {
    %c0_i32 = arith.constant 0 : i32
    %c0_i32_0 = arith.constant 0 : i32
    %c0_i32_1 = arith.constant 0 : i32
    return %c0_i32, %arg0, %c0_i32_0 : i32, i32, i32
  }
  func.func @transform_1(%arg0: i32) -> (i32, i32, i32) {
    %c1_i32 = arith.constant 1 : i32
    %c0_i32 = arith.constant 0 : i32
    %c0_i32_0 = arith.constant 0 : i32
    return %c1_i32, %arg0, %c0_i32 : i32, i32, i32
  }
  func.func @transform_2(%arg0: i32) -> (i32, i32) {
    %c0_i32 = arith.constant 0 : i32
    %c0_i32_0 = arith.constant 0 : i32
    return %arg0, %c0_i32 : i32, i32
  }
  func.func @transform_3(%arg0: i32) -> (i32, i32) {
    %c0_i32 = arith.constant 0 : i32
    %c0_i32_0 = arith.constant 0 : i32
    return %arg0, %c0_i32 : i32, i32
  }
}

</mosaic_0001>

<sc_bundles>
// kernel: kernel.10.cloned.1.call-start
scs
__scs_entry_jumppad:
0x0: {  	(pc) =	sbr.rel $0x88, $3  }
0x1: {  	(tag) =	ssettag $0x0;
	lr =	simm.s32 $0x1  }
0x2: {  	[smem:$0x3F9B] =	sst lr;
	_ =	strace $0xD0000000  }
0x3: {  	_ = 	snop  }
0x4: {  	_ = 	snop  }
0x5: {  	_ = 	snop  }
0x6: {  	_ = 	snop  }
0x7: {  	_ = 	snop  }
__scs_overlays_trampoline_lowered:
0x8: {  	[smem:$0x3FAA] =	sst s0  }
0x9: {  	[smem:$0x3FAB] =	sst s1  }
0xa: {  	[smem:$0x3FAC] =	sst s2  }
0xb: {  	[smem:$0x3FAD] =	sst s3  }
0xc: {  	[smem:$0x3FAE] =	sst s4  }
0xd: {  	[smem:$0x3FAF] =	sst s5  }
0xe: {  	[smem:$0x3FB0] =	sst s6  }
0xf: {  	[smem:$0x3FB1] =	sst s7  }
0x10: {  	[smem:$0x3FB2] =	sst s8  }
0x11: {  	[smem:$0x3FB3] =	sst s9;
	s0 =	simm.s32 @!p0 $0x0  }
0x12: {  	s1 =	sld [smem:$0x3F99];
	s0 =	simm.s32 @p0 $0x1  }
0x13: {  	[smem:$0x3FB4] =	sst s0;
	s0 =	simm.s32 @!p1 $0x0  }
0x14: {  	s2 =	sld [smem:$0x3F98];
	s0 =	simm.s32 @p1 $0x1  }
0x15: {  	[smem:$0x3FB5] =	sst s0;
	s0 =	simm.s32 @!p2 $0x0  }
0x16: {  	s3 =	sld [smem:$0x3FDB];
	s0 =	simm.s32 @p2 $0x1  }
0x17: {  	s4 =	simm.s32 $0x1BF5;
	[smem:$0x3FB7] =	sst s0  }
0x18: {  	s0 =	sld [smem:$0x3F9A];
	_ =	swait.ge [sflag:s4], $0x0  }
0x19: {  	s7 =	sld [smem:$0x3F9B]  }
0x1a: {  	s8 =	sadd.s32 $0xFFFFE003, lr  }
0x1b: {  	s9 =	sadd.s32 $0xFFFFFEF7, lr;
	s5 =	simm.s32 $0xFFFFFFFF;
	p2 =	slt.u32 s8, $0xFFFFF086  }
0x1c: {  	p1 =	slt.u32 s9, $0xF7A;
	s5 =	simm.s32 @!p2 $0x0  }
0x1d: {  	s5 =	simm.s32 @p1 $0x1;
	p0 =	seq.s32 s7, s2  }
0x1e: {  	s7 =	smul.u32 @!p0 $0xF7A, s2;
	p2 =	seq.s32 @!p0 s5, $0x0  }
0x1f: {  	s9 =	smul.u32 $0xF7A, s1;
	s8 =	simm.s32 @!p0 $0x1BF5;
	p2 =	por !p2, p0  }
0x20: {  	[sflag:s8] =	ssyncset.s32 @!p0 $0xFFFFF086;
	s6 =	sadd.s32 @!p0 s3, s7;
	s7 =	simm.s32 @!p0 $0x108  }
0x21: {  	s3 =	sadd.s32 s3, s9;
	s6 =	sadd.s32 @!p0 $0x88, s6;
	s7 =	simm.s32 @p2 $0x1082  }
0x22: {  	[simem:s7], [sflag:s8] =	dma.local @!p0 [hbm:s6], $0xF7A  }
0x23: {  	s9 =	sor.u32 $0xD0000000, s2;
	s6 =	simm.s32 $0x108;
	_ =	swait.ge @!p0 [sflag:s8], $0x0  }
0x24: {  	s3 =	sadd.s32 $0x88, s3;
	s6 =	simm.s32 @!p1 $0x1082;
	[sflag:s4] =	ssyncset.s32 $0xFFFFF086  }
0x25: {  	[simem:s6], [sflag:s4] =	dma.local [hbm:s3], $0xF7A  }
0x26: {  	[smem:$0x3F9B] =	sst s1;
	(tag) =	ssettag s2;
	_ =	strace s9  }
0x27: {  	s1 =	sld [smem:$0x3FAB]  }
0x28: {  	s2 =	sld [smem:$0x3FAC]  }
0x29: {  	s4 =	sld [smem:$0x3FAE]  }
0x2a: {  	p0 =	seq.s32 s5, $0x0;
	s5 =	sld [smem:$0x3FAF]  }
0x2b: {  	s6 =	sld [smem:$0x3FB0]  }
0x2c: {  	s7 =	sld [smem:$0x3FB1]  }
0x2d: {  	s3 =	simm.s32 $0x108;
	s8 =	sld [smem:$0x3FB2]  }
0x2e: {  	s3 =	simm.s32 @!p0 $0x1082;
	s9 =	sld [smem:$0x3FB3]  }
0x2f: {  	lr =	sadd.s32 s0, s3;
	s0 =	sld [smem:$0x3FAA]  }
0x30: {  	s3 =	sld [smem:$0x3FAD]  }
0x31: {  	[smem:$0x3FB6] =	sst s10  }
0x32: {  	s10 =	sld [smem:$0x3FB4];
	_ =	sdelay $0x3  }
0x33: {  	p0 =	seq.s32 s10, $0x1;
	s10 =	sld [smem:$0x3FB6];
	_ =	sdelay $0x3  }
0x34: {  	[smem:$0x3FB6] =	sst s10  }
0x35: {  	s10 =	sld [smem:$0x3FB5];
	_ =	sdelay $0x3  }
0x36: {  	p1 =	seq.s32 s10, $0x1;
	s10 =	sld [smem:$0x3FB6];
	_ =	sdelay $0x3  }
0x37: {  	[smem:$0x3FB6] =	sst s10  }
0x38: {  	s10 =	sld [smem:$0x3FB7]  }
0x39: {  	_ = 	snop;
	(pc) =	sbr.ind lr, $3  }
0x3a: {  	_ = 	snop  }
0x3b: {  	_ = 	snop  }
0x3c: {  	p2 =	seq.s32 s10, $0x1;
	s10 =	sld [smem:$0x3FB6]  }
0x3d: {  	_ =	shalt  }
0x3e: {  	_ =	shalt  }
0x3f: {  	_ =	shalt  }
0x40: {  	_ =	shalt  }
0x41: {  	_ =	shalt  }
0x42: {  	_ =	shalt  }
0x43: {  	_ =	shalt  }
0x44: {  	_ =	shalt  }
0x45: {  	_ =	shalt  }
0x46: {  	_ =	shalt  }
0x47: {  	_ =	shalt  }
0x48: {  	_ =	shalt  }
0x49: {  	_ =	shalt  }
0x4a: {  	_ =	shalt  }
0x4b: {  	_ =	shalt  }
0x4c: {  	_ =	shalt  }
0x4d: {  	_ =	shalt  }
0x4e: {  	_ =	shalt  }
0x4f: {  	_ =	shalt  }
0x50: {  	_ =	shalt  }
0x51: {  	_ =	shalt  }
0x52: {  	_ =	shalt  }
0x53: {  	_ =	shalt  }
0x54: {  	_ =	shalt  }
0x55: {  	_ =	shalt  }
0x56: {  	_ =	shalt  }
0x57: {  	_ =	shalt  }
0x58: {  	_ =	shalt  }
0x59: {  	_ =	shalt  }
0x5a: {  	_ =	shalt  }
0x5b: {  	_ =	shalt  }
0x5c: {  	_ =	shalt  }
0x5d: {  	_ =	shalt  }
0x5e: {  	_ =	shalt  }
0x5f: {  	_ =	shalt  }
0x60: {  	_ =	shalt  }
0x61: {  	_ =	shalt  }
0x62: {  	_ =	shalt  }
0x63: {  	_ =	shalt  }
0x64: {  	_ =	shalt  }
0x65: {  	_ =	shalt  }
0x66: {  	_ =	shalt  }
0x67: {  	_ =	shalt  }
0x68: {  	_ =	shalt  }
0x69: {  	_ =	shalt  }
0x6a: {  	_ =	shalt  }
0x6b: {  	_ =	shalt  }
0x6c: {  	_ =	shalt  }
0x6d: {  	_ =	shalt  }
0x6e: {  	_ =	shalt  }
0x6f: {  	_ =	shalt  }
0x70: {  	_ =	shalt  }
0x71: {  	_ =	shalt  }
0x72: {  	_ =	shalt  }
0x73: {  	_ =	shalt  }
0x74: {  	_ =	shalt  }
0x75: {  	_ =	shalt  }
0x76: {  	_ =	shalt  }
0x77: {  	_ =	shalt  }
0x78: {  	_ =	shalt  }
0x79: {  	_ =	shalt  }
0x7a: {  	_ =	shalt  }
0x7b: {  	_ =	shalt  }
0x7c: {  	_ =	shalt  }
0x7d: {  	_ =	shalt  }
0x7e: {  	_ =	shalt  }
0x7f: {  	_ =	shalt  }
0x80: {  	_ =	shalt  }
0x81: {  	_ =	shalt  }
0x82: {  	_ =	shalt  }
0x83: {  	_ =	shalt  }
0x84: {  	_ =	shalt  }
0x85: {  	_ =	shalt  }
0x86: {  	_ =	shalt  }
0x87: {  	_ =	shalt  }
.Lfunc_end0:
.L_simem_size_0:
called_computation.1_lowered:
.L_overlay_start_0:
0x88: {  	s2 =	sld [smem:$0x3FD9]  }
0x89: {  	s3 =	sld [smem:$0x3FFE];
	_ =	sdelay $0x1  }
0x8a: {  	s1 =	srdreg.scid  }
0x8b: {  	s0 =	sand.u32 $0x1, s1  }
0x8c: {  	s17 =	sshll.u32 s0, $0xA;
	s2 =	sadd.s32 s3, s2  }
0x8d: {  	s2 =	sadd.s32 s2, s17  }
0x8e: {  	[smem:$0x3FC2] =	sst s2  }
0x8f: {  	_ = 	snop  }
0x90: {  	s2 =	sld [smem:$0x3FD0];
	(tm) =	ssettm $0x1  }
0x91: {  	s18 =	sld [smem:$0x3FFB];
	_ =	sdelay $0x3  }
0x92: {  	_ =	strace s18  }
0x93: {  	s3 =	sld [smem:$0x3FFC];
	_ =	sdelay $0x3  }
0x94: {  	_ =	strace s3  }
0x95: {  	s3 =	sld [smem:$0x3FFD];
	_ =	sdelay $0x3  }
0x96: {  	_ =	strace s3  }
0x97: {  	_ =	strace $0x8FFFFFFF  }
0x98: {  	s19 =	sld [smem:$0x3FDB];
	_ =	sdelay $0x1  }
0x99: {  	s4 =	simm.s32 $_scs_section_size  }
0x9a: {  	s5 =	simm.s32 $_size__tile_overlayer_lowered;
	s6 =	simm.s32 $_tile_overlayer_lowered  }
0x9b: {  	s22 =	simm.s32 $0x1BFF;
	s21 =	sshll.u32 s6, $0x1;
	s3 =	sadd.s32 s4, s19  }
0x9c: {  	s7 =	simm.s32 $0x0;
	s20 =	sshll.u32 s5, $0x1;
	s5 =	sadd.s32 s21, s3  }
0x9d: {  	[timem:s7], [sflag:s22] =	dma.local [hbm:s5], s20  }
0x9e: {  	_ =	swait.ge [sflag:s22], s20  }
0x9f: {  	s4 =	ssub.s32 $0x0, s20;
	[sflag:s22] =	ssyncset.done $0x0  }
0xa0: {  	[sflag:s22] =	ssyncadd.s32 s4;
	_ =	sdelay $0x1  }
0xa1: {  	s23 =	simm.s32 $0x1B8B  }
0xa2: {  	_ =	swait.ge [sflag:s23], $0x1  }
0xa3: {  	[sflag:s23] =	ssyncset.done $0x0  }
0xa4: {  	s25 =	simm.s32 $0x1B8E;
	s24 =	sld [smem:$0x3FFE];
	[sflag:s23] =	ssyncadd.s32 $0xFFFFFFFF  }
0xa5: {  	s26 =	simm.s32 $execute0_lowered;
	[smem:$0x3FD2] =	sst s25  }
0xa6: {  	s5 =	sshll.u32 s26, $0x1;
	_ =	strace $0x80000049;
	[dreg:$0x1] =	wrdreg $0xFFFFFFFF  }
0xa7: {  	s28 =	simm.s32 $_size_execute0_lowered;
	s3 =	sadd.s32 s3, s5;
	[dreg:$0x0] =	wrdreg $0x0  }
0xa8: {  	s5 =	sshll.u32 s28, $0x1;
	[dreg:$0x2] =	wrdreg s3  }
0xa9: {  	[dreg:$0x3] =	wrdreg s5  }
0xaa: {  	[dreg:$0x4] =	wrdreg $0xC0  }
0xab: {  	_ =	task [dreg:s7], $0x5FFFF  }
0xac: {  	[dreg:$0x1] =	wrdreg $0xFFFFFFFF  }
0xad: {  	[dreg:$0x0] =	wrdreg $0x60  }
0xae: {  	[dreg:$0x2] =	wrdreg s2  }
0xaf: {  	[dreg:$0x3] =	wrdreg s24  }
0xb0: {  	[dreg:$0x4] =	wrdreg $0x0  }
0xb1: {  	[dreg:$0x5] =	wrdreg $0x9  }
0xb2: {  	_ =	task.clear_ibuf [dreg:s7], $0x6FFFF;
	_ =	strace $0x90000049  }
0xb3: {  	s29 =	simm.s32 $0x9;
	_ =	strace $0x8000004B  }
0xb4: {  	_ =	swait.ge [sflag:s29], $0x1  }
0xb5: {  	[sflag:s29] =	ssyncadd.s32 $0xFFFFFFFF  }
0xb6: {  	_ =	strace $0x9000004B  }
0xb7: {  	_ =	sfence  }
0xb8: {  	s30 =	sld [smem:$0x0];
	_ =	sdelay $0x2  }
0xb9: {  	s31 =	sshll.u32 s1, $0xD;
	s1 =	sshrl.u32 s1, $0x2  }
0xba: {  	s3 =	sand.u32 $0x4000, s31;
	s1 =	sadd.s32 s1, s30  }
0xbb: {  	s0 =	sor.u32 s3, s0;
	s1 =	sshll.u32 s1, $0x11  }
0xbc: {  	s0 =	sor.u32 s1, s0  }
0xbd: {  	s0 =	sadd.s32 $0x8F2B, s0  }
0xbe: {  	[sflag:s0] =	ssyncadd.remote.s32 $0x1  }
0xbf: {  	_ =	sfence.sel $0xFFFF  }
0xc0: {  	[dreg:$0x0] =	wrdreg $0xFFFFFFFF;
	(pc) =	sbr.abs _section_cstart, $3  }
0xc1: {  	[dreg:$0x1] =	wrdreg $0xFFFFFFFF  }
0xc2: {  	_ =	task.clear_ibuf [dreg:s7], $0x2FFFF;
	_ =	strace $0x9FFFFFFF  }
0xc3: {  	(tm) =	ssettm $0x7FFFFFFF  }
tec
execute0_lowered:
.L_overlay_start_1:
0x0: {  	(tag) =	ssettag $0x1  }
0x1: {  	s1 =	rddreg [dreg:$0x0]  }
0x2: {  	s0 =	srdreg.scid;
	s2 =	rddreg [dreg:$0x1]  }
0x3: {  	s7 =	stileid.u32;
	s3 =	rddreg [dreg:$0x2]  }
0x4: {  	s8 =	simm.s32 $0x0;
	s29 =	simm.s32 $0x4;
	s31 =	simm.s32 $0x3  }
0x5: {  	s14 =	simm.s32 $0x0;
	s28 =	simm.s32 $0x13D80;
	s30 =	simm.s32 $0x13F00  }
0x6: {  	s9 =	simm.s32 $0x14100;
	s10 =	simm.s32 $0x14080;
	s5 =	smul.u32 $0x2D00, s7  }
0x7: {  	s11 =	simm.s32 $0x14200;
	s12 =	simm.s32 $0x14180;
	s16 =	smul.u32 $0x13C00, s7  }
0x8: {  	s13 =	simm.s32 $0x14300;
	s0 =	sand.u32 $0x1, s0;
	s7 =	smul.u32 $0x4F000, s7  }
0x9: {  	[smem:$0x7FF] =	sst s8;
	s8 =	simm.s32 $0x6;
	s4 =	smul.u32 $0x2D000, s0  }
0xa: {  	s6 =	smul.u32 $0x13C000, s0;
	_ =	strace $0x8000004A;
	s0 =	ssub.s32 $0x2, s0  }
0xb: {  	s17 =	sshrl.u32 s7, $0x2;
	s19 =	sshrl.u32 s0, $0x1;
	s7 =	simm.s32 $0x13F80  }
0xc: {  	s4 =	sadd.s32 s5, s4;
	s5 =	sadd.s32 s16, s6;
	s20 =	sadd.s32 s17, s3  }
0xd: {  	s0 =	ssub.s32 s0, s19;
	s16 =	simm.s32 $0x14B00;
	s17 =	simm.s32 $0x7  }
0xe: {  	s19 =	simm.s32 $0x70;
	s6 =	sadd.s32 $0x3800, s20;
	[dreg:$0xe] =	wrdreg s20  }
0xf: {  	s4 =	sshrl.u32 s4, $0x3;
	s21 =	sadd.s32 $0x7000, s20;
	[dreg:$0x4] =	wrdreg s6  }
0x10: {  	s18 =	sshrl.u32 s5, $0x3;
	s22 =	sadd.s32 $0xA800, s20;
	[dreg:$0x5] =	wrdreg s21  }
0x11: {  	s23 =	sadd.s32 $0xE000, s20;
	s24 =	sadd.s32 $0x11800, s20;
	[dreg:$0x6] =	wrdreg s22  }
0x12: {  	s0 =	smax.u32 s0, $0x1;
	s5 =	simm.s32 $0x14280;
	[dreg:$0x7] =	wrdreg s23  }
0x13: {  	s4 =	sadd.s32 s4, s2;
	s2 =	sadd.s32 s18, s2;
	[dreg:$0x8] =	wrdreg s24  }
0x14: {  	[dreg:$0xd] =	wrdreg s0;
	s21 =	simm.s32 $0x18300;
	s22 =	simm.s32 $0x1  }
0x15: {  	s0 =	simm.s32 $0x5;
	s23 =	simm.s32 $0x13C80;
	s25 =	sadd.s32 $0x9E200, s4  }
0x16: {  	s24 =	simm.s32 $0x13E00;
	s26 =	sadd.s32 $0x9E3E0, s4;
	[dreg:$0x9] =	wrdreg s25  }
0x17: {  	s18 =	simm.s32 $0x13E80;
	s4 =	sadd.s32 $0x9E5C0, s4;
	[dreg:$0xa] =	wrdreg s26  }
0x18: {  	s6 =	simm.s32 $0x14000;
	s2 =	sadd.s32 $0x1000, s2;
	[dreg:$0xb] =	wrdreg s4  }
0x19: {  	v0 =	vimm.f32 $0.0e+00;
	[dreg:$0xc] =	wrdreg s2;
	s25 =	simm.s32 $0x1BB00;
	s26 =	simm.s32 $0x2  }
.LBB2_1:
0x1a: {  	s15 =	simm.s32 $0x0;
	s4 =	simm.s32 $0x200  }
.LBB2_2:
0x1b: {  	p0 =	sne.s32 s4, $0xDE00;
	[tilespmem:s15+$0x14B70] =	vst v0  }
0x1c: {  	[tilespmem:s15+$0x14B00] =	vst v0  }
0x1d: {  	[tilespmem:s15+$0x14B10] =	vst v0  }
.Ltmp0:
0x1e: {  	[tilespmem:s15+$0x14B20] =	vst v0;
	(pc) =	sbr.rel @p0 .LBB2_2-.Ltmp0, $4  }
0x1f: {  	[tilespmem:s15+$0x14B30] =	vst v0  }
0x20: {  	[tilespmem:s15+$0x14B40] =	vst v0  }
0x21: {  	[tilespmem:s15+$0x14B50] =	vst v0  }
0x22: {  	[tilespmem:s15+$0x14B60] =	vst v0;
	s15 =	sshra.s32 s4, $0x2;
	s4 =	sadd.s32 $0x200, s4  }
0x23: {  	[tilespmem:s15+$0x14B70] =	vst v0  }
0x24: {  	[tilespmem:s15+$0x14B00] =	vst v0  }
0x25: {  	[tilespmem:s15+$0x14B10] =	vst v0  }
0x26: {  	[tilespmem:s15+$0x14B20] =	vst v0  }
0x27: {  	[tilespmem:s15+$0x14B30] =	vst v0  }
0x28: {  	[tilespmem:s15+$0x14B40] =	vst v0  }
0x29: {  	[tilespmem:s15+$0x14B50] =	vst v0  }
0x2a: {  	[tilespmem:s15+$0x14B60] =	vst v0;
	s2 =	rddreg [dreg:$0xe]  }
0x2b: {  	[spmem:s2] =	stream.linear.scatter [tilespmem:s16], [sflag:$0x7], $0x3800, $0x38;
	[tilespmem:$0x1F300] =	vst v63  }
0x2c: {  	_ =	swait.ge [sflag:s17], $0x3800  }
0x2d: {  	[sflag:s17] =	ssyncset.done $0x0  }
0x2e: {  	s4 =	rddreg [dreg:$0x4];
	[sflag:s17] =	ssyncadd.s32 $0xFFFFC800  }
0x2f: {  	[spmem:s4] =	stream.linear.scatter [tilespmem:s16], [sflag:$0x7], $0x3800, $0x38;
	[tilespmem:$0x1F300] =	vst v63  }
0x30: {  	_ =	swait.ge [sflag:s17], $0x3800  }
0x31: {  	[sflag:s17] =	ssyncset.done $0x0  }
0x32: {  	s15 =	rddreg [dreg:$0x5];
	[sflag:s17] =	ssyncadd.s32 $0xFFFFC800  }
0x33: {  	[spmem:s15] =	stream.linear.scatter [tilespmem:s16], [sflag:$0x7], $0x3800, $0x38;
	[tilespmem:$0x1F300] =	vst v63  }
0x34: {  	_ =	swait.ge [sflag:s17], $0x3800  }
0x35: {  	[sflag:s17] =	ssyncset.done $0x0  }
0x36: {  	s20 =	rddreg [dreg:$0x6];
	[sflag:s17] =	ssyncadd.s32 $0xFFFFC800  }
0x37: {  	[spmem:s20] =	stream.linear.scatter [tilespmem:s16], [sflag:$0x7], $0x3800, $0x38;
	[tilespmem:$0x1F300] =	vst v63  }
0x38: {  	_ =	swait.ge [sflag:s17], $0x3800  }
0x39: {  	[sflag:s17] =	ssyncset.done $0x0  }
0x3a: {  	s2 =	rddreg [dreg:$0x7];
	[sflag:s17] =	ssyncadd.s32 $0xFFFFC800  }
0x3b: {  	[spmem:s2] =	stream.linear.scatter [tilespmem:s16], [sflag:$0x7], $0x3800, $0x38;
	[tilespmem:$0x1F300] =	vst v63  }
0x3c: {  	_ =	swait.ge [sflag:s17], $0x3800  }
0x3d: {  	[sflag:s17] =	ssyncset.done $0x0  }
0x3e: {  	s15 =	rddreg [dreg:$0x8];
	[sflag:s17] =	ssyncadd.s32 $0xFFFFC800  }
0x3f: {  	[spmem:s15] =	stream.linear.scatter [tilespmem:s16], [sflag:$0x7], $0x2400, $0x38;
	[tilespmem:$0x1F300] =	vst v63  }
0x40: {  	_ =	swait.ge [sflag:s17], $0x2400  }
0x41: {  	[sflag:s17] =	ssyncset.done $0x0  }
0x42: {  	[sflag:s17] =	ssyncadd.s32 $0xFFFFDC00  }
0x43: {  	[bflag:$0x0] =	sbarrier.arrive $0xFFFF  }
0x44: {  	s4 =	simm.s32 $0x0;
	s2 =	simm.s32 $0x13C00;
	s20 =	rddreg [dreg:$0x9]  }
0x45: {  	[tilespmem:s2], [sflag:$0x7] =	stream.linear.gather [hbm4b:s20+s4], $0xF00, $0x38;
	[tilespmem:$0x1F300] =	vst v63  }
0x46: {  	_ =	swait.ge [sflag:s17], $0xF00  }
0x47: {  	[sflag:s17] =	ssyncset.done $0x0  }
0x48: {  	[sflag:s17] =	ssyncadd.s32 $0xFFFFF100  }
0x49: {  	[tilespmem:s16], [sflag:$0x1] =	stream.indirect.gather [hbm4b:s1+s19], $0x80, s2, s19, $0xb8;
	[tilespmem:$0x1F300] =	vst v63  }
0x4a: {  	s20 =	simm.s32 $0x13D00  }
0x4b: {  	[tilespmem:s21], [sflag:$0x2] =	stream.indirect.gather [hbm4b:s1+s19], $0x80, s20, s19, $0xb8;
	[tilespmem:$0x1F300] =	vst v63  }
0x4c: {  	_ =	swait.ge [sflag:s22], $0x3800  }
0x4d: {  	[sflag:s22] =	ssyncset.done $0x0  }
0x4e: {  	[sflag:s22] =	ssyncadd.s32 $0xFFFFC800  }
0x4f: {  	[spmem:s3] =	stream.indirect.scatter.add.f32 [tilespmem:s16], [sflag:$0x4], $0x80, s23, s19, $0xb8;
	[tilespmem:$0x1F300] =	vst v63  }
0x50: {  	_ = 	snop  }
0x51: {  	[tilespmem:s25], [sflag:$0x3] =	stream.indirect.gather [hbm4b:s1+s19], $0x80, s24, s19, $0xb8;
	[tilespmem:$0x1F300] =	vst v63  }
0x52: {  	_ =	swait.ge [sflag:s26], $0x3800  }
0x53: {  	[sflag:s26] =	ssyncset.done $0x0  }
0x54: {  	[sflag:s26] =	ssyncadd.s32 $0xFFFFC800  }
0x55: {  	[spmem:s3] =	stream.indirect.scatter.add.f32 [tilespmem:s21], [sflag:$0x5], $0x80, s28, s19, $0xb8;
	[tilespmem:$0x1F300] =	vst v63  }
0x56: {  	_ =	swait.ge [sflag:s29], $0x3800  }
0x57: {  	[sflag:s29] =	ssyncset.done $0x0  }
0x58: {  	[sflag:s29] =	ssyncadd.s32 $0xFFFFC800  }
0x59: {  	[tilespmem:s16], [sflag:$0x1] =	stream.indirect.gather [hbm4b:s1+s19], $0x80, s30, s19, $0xb8;
	[tilespmem:$0x1F300] =	vst v63  }
0x5a: {  	_ =	swait.ge [sflag:s31], $0x3800  }
0x5b: {  	[sflag:s31] =	ssyncset.done $0x0  }
0x5c: {  	[sflag:s31] =	ssyncadd.s32 $0xFFFFC800  }
0x5d: {  	[spmem:s3] =	stream.indirect.scatter.add.f32 [tilespmem:s25], [sflag:$0x6], $0x80, s18, s19, $0xb8;
	[tilespmem:$0x1F300] =	vst v63  }
0x5e: {  	_ =	swait.ge [sflag:s0], $0x3800  }
0x5f: {  	[sflag:s0] =	ssyncset.done $0x0  }
0x60: {  	[sflag:s0] =	ssyncadd.s32 $0xFFFFC800  }
0x61: {  	[tilespmem:s21], [sflag:$0x2] =	stream.indirect.gather [hbm4b:s1+s19], $0x80, s6, s19, $0xb8;
	[tilespmem:$0x1F300] =	vst v63  }
0x62: {  	_ =	swait.ge [sflag:s22], $0x3800  }
0x63: {  	[sflag:s22] =	ssyncset.done $0x0  }
0x64: {  	[sflag:s22] =	ssyncadd.s32 $0xFFFFC800  }
0x65: {  	[spmem:s3] =	stream.indirect.scatter.add.f32 [tilespmem:s16], [sflag:$0x4], $0x80, s7, s19, $0xb8;
	[tilespmem:$0x1F300] =	vst v63  }
0x66: {  	_ =	swait.ge [sflag:s8], $0x3800  }
0x67: {  	[sflag:s8] =	ssyncset.done $0x0  }
0x68: {  	[sflag:s8] =	ssyncadd.s32 $0xFFFFC800  }
0x69: {  	[tilespmem:s25], [sflag:$0x3] =	stream.indirect.gather [hbm4b:s1+s19], $0x80, s9, s19, $0xb8;
	[tilespmem:$0x1F300] =	vst v63  }
0x6a: {  	_ =	swait.ge [sflag:s26], $0x3800  }
0x6b: {  	[sflag:s26] =	ssyncset.done $0x0  }
0x6c: {  	[sflag:s26] =	ssyncadd.s32 $0xFFFFC800  }
0x6d: {  	[spmem:s3] =	stream.indirect.scatter.add.f32 [tilespmem:s21], [sflag:$0x5], $0x80, s10, s19, $0xb8;
	[tilespmem:$0x1F300] =	vst v63  }
0x6e: {  	_ =	swait.ge [sflag:s29], $0x3800  }
0x6f: {  	[sflag:s29] =	ssyncset.done $0x0  }
0x70: {  	[sflag:s29] =	ssyncadd.s32 $0xFFFFC800  }
0x71: {  	[tilespmem:s16], [sflag:$0x1] =	stream.indirect.gather [hbm4b:s1+s19], $0x80, s11, s19, $0xb8;
	[tilespmem:$0x1F300] =	vst v63  }
0x72: {  	_ =	swait.ge [sflag:s31], $0x3800  }
0x73: {  	[sflag:s31] =	ssyncset.done $0x0  }
0x74: {  	[sflag:s31] =	ssyncadd.s32 $0xFFFFC800  }
0x75: {  	[spmem:s3] =	stream.indirect.scatter.add.f32 [tilespmem:s25], [sflag:$0x6], $0x80, s12, s19, $0xb8;
	[tilespmem:$0x1F300] =	vst v63  }
0x76: {  	_ =	swait.ge [sflag:s0], $0x3800  }
0x77: {  	[sflag:s0] =	ssyncset.done $0x0  }
0x78: {  	[sflag:s0] =	ssyncadd.s32 $0xFFFFC800  }
0x79: {  	[tilespmem:s21], [sflag:$0x2] =	stream.indirect.gather [hbm4b:s1+s19], $0x80, s13, s19, $0xb8;
	[tilespmem:$0x1F300] =	vst v63  }
0x7a: {  	_ =	swait.ge [sflag:s22], $0x3800  }
0x7b: {  	[sflag:s22] =	ssyncset.done $0x0  }
0x7c: {  	[sflag:s22] =	ssyncadd.s32 $0xFFFFC800  }
0x7d: {  	[spmem:s3] =	stream.indirect.scatter.add.f32 [tilespmem:s16], [sflag:$0x4], $0x80, s5, s19, $0xb8;
	[tilespmem:$0x1F300] =	vst v63  }
0x7e: {  	_ =	swait.ge [sflag:s8], $0x3800  }
0x7f: {  	[sflag:s8] =	ssyncset.done $0x0  }
0x80: {  	s15 =	simm.s32 $0x14400;
	[sflag:s8] =	ssyncadd.s32 $0xFFFFC800  }
0x81: {  	[tilespmem:s25], [sflag:$0x3] =	stream.indirect.gather [hbm4b:s1+s19], $0x80, s15, s19, $0xb8;
	[tilespmem:$0x1F300] =	vst v63  }
0x82: {  	_ =	swait.ge [sflag:s26], $0x3800  }
0x83: {  	[sflag:s26] =	ssyncset.done $0x0  }
0x84: {  	s15 =	simm.s32 $0x14380;
	[sflag:s26] =	ssyncadd.s32 $0xFFFFC800  }
0x85: {  	[spmem:s3] =	stream.indirect.scatter.add.f32 [tilespmem:s21], [sflag:$0x5], $0x80, s15, s19, $0xb8;
	[tilespmem:$0x1F300] =	vst v63  }
0x86: {  	_ =	swait.ge [sflag:s29], $0x3800  }
0x87: {  	[sflag:s29] =	ssyncset.done $0x0  }
0x88: {  	s15 =	simm.s32 $0x14500;
	[sflag:s29] =	ssyncadd.s32 $0xFFFFC800  }
0x89: {  	[tilespmem:s16], [sflag:$0x1] =	stream.indirect.gather [hbm4b:s1+s19], $0x80, s15, s19, $0xb8;
	[tilespmem:$0x1F300] =	vst v63  }
0x8a: {  	_ =	swait.ge [sflag:s31], $0x3800  }
0x8b: {  	[sflag:s31] =	ssyncset.done $0x0  }
0x8c: {  	s15 =	simm.s32 $0x14480;
	[sflag:s31] =	ssyncadd.s32 $0xFFFFC800  }
0x8d: {  	[spmem:s3] =	stream.indirect.scatter.add.f32 [tilespmem:s25], [sflag:$0x6], $0x80, s15, s19, $0xb8;
	[tilespmem:$0x1F300] =	vst v63  }
0x8e: {  	_ =	swait.ge [sflag:s0], $0x3800  }
0x8f: {  	[sflag:s0] =	ssyncset.done $0x0  }
0x90: {  	s15 =	simm.s32 $0x14600;
	[sflag:s0] =	ssyncadd.s32 $0xFFFFC800  }
0x91: {  	[tilespmem:s21], [sflag:$0x2] =	stream.indirect.gather [hbm4b:s1+s19], $0x80, s15, s19, $0xb8;
	[tilespmem:$0x1F300] =	vst v63  }
0x92: {  	_ =	swait.ge [sflag:s22], $0x3800  }
0x93: {  	[sflag:s22] =	ssyncset.done $0x0  }
0x94: {  	s15 =	simm.s32 $0x14580;
	[sflag:s22] =	ssyncadd.s32 $0xFFFFC800  }
0x95: {  	[spmem:s3] =	stream.indirect.scatter.add.f32 [tilespmem:s16], [sflag:$0x4], $0x80, s15, s19, $0xb8;
	[tilespmem:$0x1F300] =	vst v63  }
0x96: {  	_ =	swait.ge [sflag:s8], $0x3800  }
0x97: {  	[sflag:s8] =	ssyncset.done $0x0  }
0x98: {  	s15 =	simm.s32 $0x14700;
	[sflag:s8] =	ssyncadd.s32 $0xFFFFC800  }
0x99: {  	[tilespmem:s25], [sflag:$0x3] =	stream.indirect.gather [hbm4b:s1+s19], $0x80, s15, s19, $0xb8;
	[tilespmem:$0x1F300] =	vst v63  }
0x9a: {  	_ =	swait.ge [sflag:s26], $0x3800  }
0x9b: {  	[sflag:s26] =	ssyncset.done $0x0  }
0x9c: {  	s15 =	simm.s32 $0x14680;
	[sflag:s26] =	ssyncadd.s32 $0xFFFFC800  }
0x9d: {  	[spmem:s3] =	stream.indirect.scatter.add.f32 [tilespmem:s21], [sflag:$0x5], $0x80, s15, s19, $0xb8;
	[tilespmem:$0x1F300] =	vst v63  }
0x9e: {  	_ =	swait.ge [sflag:s29], $0x3800  }
0x9f: {  	[sflag:s29] =	ssyncset.done $0x0  }
0xa0: {  	s15 =	simm.s32 $0x14800;
	[sflag:s29] =	ssyncadd.s32 $0xFFFFC800  }
0xa1: {  	[tilespmem:s16], [sflag:$0x1] =	stream.indirect.gather [hbm4b:s1+s19], $0x80, s15, s19, $0xb8;
	[tilespmem:$0x1F300] =	vst v63  }
0xa2: {  	_ =	swait.ge [sflag:s31], $0x3800  }
0xa3: {  	[sflag:s31] =	ssyncset.done $0x0  }
0xa4: {  	s15 =	simm.s32 $0x14780;
	[sflag:s31] =	ssyncadd.s32 $0xFFFFC800  }
0xa5: {  	[spmem:s3] =	stream.indirect.scatter.add.f32 [tilespmem:s25], [sflag:$0x6], $0x80, s15, s19, $0xb8;
	[tilespmem:$0x1F300] =	vst v63  }
0xa6: {  	_ =	swait.ge [sflag:s0], $0x3800  }
0xa7: {  	[sflag:s0] =	ssyncset.done $0x0  }
0xa8: {  	s15 =	simm.s32 $0x14900;
	[sflag:s0] =	ssyncadd.s32 $0xFFFFC800  }
0xa9: {  	[tilespmem:s21], [sflag:$0x2] =	stream.indirect.gather [hbm4b:s1+s19], $0x80, s15, s19, $0xb8;
	[tilespmem:$0x1F300] =	vst v63  }
0xaa: {  	_ =	swait.ge [sflag:s22], $0x3800  }
0xab: {  	[sflag:s22] =	ssyncset.done $0x0  }
0xac: {  	s15 =	simm.s32 $0x14880;
	[sflag:s22] =	ssyncadd.s32 $0xFFFFC800  }
0xad: {  	[spmem:s3] =	stream.indirect.scatter.add.f32 [tilespmem:s16], [sflag:$0x4], $0x80, s15, s19, $0xb8;
	[tilespmem:$0x1F300] =	vst v63  }
0xae: {  	_ =	swait.ge [sflag:s8], $0x3800  }
0xaf: {  	[sflag:s8] =	ssyncset.done $0x0  }
0xb0: {  	s15 =	simm.s32 $0x14A00;
	[sflag:s8] =	ssyncadd.s32 $0xFFFFC800  }
0xb1: {  	[tilespmem:s25], [sflag:$0x3] =	stream.indirect.gather [hbm4b:s1+s19], $0x80, s15, s19, $0xb8;
	[tilespmem:$0x1F300] =	vst v63  }
0xb2: {  	_ =	swait.ge [sflag:s26], $0x3800  }
0xb3: {  	[sflag:s26] =	ssyncset.done $0x0  }
0xb4: {  	s15 =	simm.s32 $0x14980;
	[sflag:s26] =	ssyncadd.s32 $0xFFFFC800  }
0xb5: {  	[spmem:s3] =	stream.indirect.scatter.add.f32 [tilespmem:s21], [sflag:$0x5], $0x80, s15, s19, $0xb8;
	[tilespmem:$0x1F300] =	vst v63  }
0xb6: {  	_ =	swait.ge [sflag:s29], $0x3800  }
0xb7: {  	[sflag:s29] =	ssyncset.done $0x0  }
0xb8: {  	[sflag:s29] =	ssyncadd.s32 $0xFFFFC800  }
0xb9: {  	_ =	swait.ge [sflag:s31], $0x3800  }
0xba: {  	[sflag:s31] =	ssyncset.done $0x0  }
0xbb: {  	s15 =	simm.s32 $0x14A80;
	[sflag:s31] =	ssyncadd.s32 $0xFFFFC800  }
0xbc: {  	[spmem:s3] =	stream.indirect.scatter.add.f32 [tilespmem:s25], [sflag:$0x6], $0x80, s15, s19, $0xb8;
	[tilespmem:$0x1F300] =	vst v63  }
0xbd: {  	_ =	swait.ge [sflag:s0], $0x3800  }
0xbe: {  	[sflag:s0] =	ssyncset.done $0x0  }
0xbf: {  	[sflag:s0] =	ssyncadd.s32 $0xFFFFC800  }
0xc0: {  	_ =	swait.ge [sflag:s8], $0x3800  }
0xc1: {  	[sflag:s8] =	ssyncset.done $0x0  }
0xc2: {  	s15 =	rddreg [dreg:$0xa];
	[sflag:s8] =	ssyncadd.s32 $0xFFFFC800  }
0xc3: {  	[tilespmem:s2], [sflag:$0x7] =	stream.linear.gather [hbm4b:s15+s4], $0xF00, $0x38;
	[tilespmem:$0x1F300] =	vst v63  }
0xc4: {  	_ =	swait.ge [sflag:s17], $0xF00  }
0xc5: {  	[sflag:s17] =	ssyncset.done $0x0  }
0xc6: {  	[sflag:s17] =	ssyncadd.s32 $0xFFFFF100  }
0xc7: {  	[tilespmem:s16], [sflag:$0x1] =	stream.indirect.gather [hbm4b:s1+s19], $0x80, s2, s19, $0xb8;
	[tilespmem:$0x1F300] =	vst v63  }
0xc8: {  	_ = 	snop  }
0xc9: {  	[tilespmem:s21], [sflag:$0x2] =	stream.indirect.gather [hbm4b:s1+s19], $0x80, s20, s19, $0xb8;
	[tilespmem:$0x1F300] =	vst v63  }
0xca: {  	_ =	swait.ge [sflag:s22], $0x3800  }
0xcb: {  	[sflag:s22] =	ssyncset.done $0x0  }
0xcc: {  	[sflag:s22] =	ssyncadd.s32 $0xFFFFC800  }
0xcd: {  	[spmem:s3] =	stream.indirect.scatter.add.f32 [tilespmem:s16], [sflag:$0x4], $0x80, s23, s19, $0xb8;
	[tilespmem:$0x1F300] =	vst v63  }
0xce: {  	_ = 	snop  }
0xcf: {  	[tilespmem:s25], [sflag:$0x3] =	stream.indirect.gather [hbm4b:s1+s19], $0x80, s24, s19, $0xb8;
	[tilespmem:$0x1F300] =	vst v63  }
0xd0: {  	_ =	swait.ge [sflag:s26], $0x3800  }
0xd1: {  	[sflag:s26] =	ssyncset.done $0x0  }
0xd2: {  	[sflag:s26] =	ssyncadd.s32 $0xFFFFC800  }
0xd3: {  	[spmem:s3] =	stream.indirect.scatter.add.f32 [tilespmem:s21], [sflag:$0x5], $0x80, s28, s19, $0xb8;
	[tilespmem:$0x1F300] =	vst v63  }
0xd4: {  	_ =	swait.ge [sflag:s29], $0x3800  }
0xd5: {  	[sflag:s29] =	ssyncset.done $0x0  }
0xd6: {  	[sflag:s29] =	ssyncadd.s32 $0xFFFFC800  }
0xd7: {  	[tilespmem:s16], [sflag:$0x1] =	stream.indirect.gather [hbm4b:s1+s19], $0x80, s30, s19, $0xb8;
	[tilespmem:$0x1F300] =	vst v63  }
0xd8: {  	_ =	swait.ge [sflag:s31], $0x3800  }
0xd9: {  	[sflag:s31] =	ssyncset.done $0x0  }
0xda: {  	[sflag:s31] =	ssyncadd.s32 $0xFFFFC800  }
0xdb: {  	[spmem:s3] =	stream.indirect.scatter.add.f32 [tilespmem:s25], [sflag:$0x6], $0x80, s18, s19, $0xb8;
	[tilespmem:$0x1F300] =	vst v63  }
0xdc: {  	_ =	swait.ge [sflag:s0], $0x3800  }
0xdd: {  	[sflag:s0] =	ssyncset.done $0x0  }
0xde: {  	[sflag:s0] =	ssyncadd.s32 $0xFFFFC800  }
0xdf: {  	[tilespmem:s21], [sflag:$0x2] =	stream.indirect.gather [hbm4b:s1+s19], $0x80, s6, s19, $0xb8;
	[tilespmem:$0x1F300] =	vst v63  }
0xe0: {  	_ =	swait.ge [sflag:s22], $0x3800  }
0xe1: {  	[sflag:s22] =	ssyncset.done $0x0  }
0xe2: {  	[sflag:s22] =	ssyncadd.s32 $0xFFFFC800  }
0xe3: {  	[spmem:s3] =	stream.indirect.scatter.add.f32 [tilespmem:s16], [sflag:$0x4], $0x80, s7, s19, $0xb8;
	[tilespmem:$0x1F300] =	vst v63  }
0xe4: {  	_ =	swait.ge [sflag:s8], $0x3800  }
0xe5: {  	[sflag:s8] =	ssyncset.done $0x0  }
0xe6: {  	[sflag:s8] =	ssyncadd.s32 $0xFFFFC800  }
0xe7: {  	[tilespmem:s25], [sflag:$0x3] =	stream.indirect.gather [hbm4b:s1+s19], $0x80, s9, s19, $0xb8;
	[tilespmem:$0x1F300] =	vst v63  }
0xe8: {  	_ =	swait.ge [sflag:s26], $0x3800  }
0xe9: {  	[sflag:s26] =	ssyncset.done $0x0  }
0xea: {  	[sflag:s26] =	ssyncadd.s32 $0xFFFFC800  }
0xeb: {  	[spmem:s3] =	stream.indirect.scatter.add.f32 [tilespmem:s21], [sflag:$0x5], $0x80, s10, s19, $0xb8;
	[tilespmem:$0x1F300] =	vst v63  }
0xec: {  	_ =	swait.ge [sflag:s29], $0x3800  }
0xed: {  	[sflag:s29] =	ssyncset.done $0x0  }
0xee: {  	[sflag:s29] =	ssyncadd.s32 $0xFFFFC800  }
0xef: {  	[tilespmem:s16], [sflag:$0x1] =	stream.indirect.gather [hbm4b:s1+s19], $0x80, s11, s19, $0xb8;
	[tilespmem:$0x1F300] =	vst v63  }
0xf0: {  	_ =	swait.ge [sflag:s31], $0x3800  }
0xf1: {  	[sflag:s31] =	ssyncset.done $0x0  }
0xf2: {  	[sflag:s31] =	ssyncadd.s32 $0xFFFFC800  }
0xf3: {  	[spmem:s3] =	stream.indirect.scatter.add.f32 [tilespmem:s25], [sflag:$0x6], $0x80, s12, s19, $0xb8;
	[tilespmem:$0x1F300] =	vst v63  }
0xf4: {  	_ =	swait.ge [sflag:s0], $0x3800  }
0xf5: {  	[sflag:s0] =	ssyncset.done $0x0  }
0xf6: {  	[sflag:s0] =	ssyncadd.s32 $0xFFFFC800  }
0xf7: {  	[tilespmem:s21], [sflag:$0x2] =	stream.indirect.gather [hbm4b:s1+s19], $0x80, s13, s19, $0xb8;
	[tilespmem:$0x1F300] =	vst v63  }
0xf8: {  	_ =	swait.ge [sflag:s22], $0x3800  }
0xf9: {  	[sflag:s22] =	ssyncset.done $0x0  }
0xfa: {  	[sflag:s22] =	ssyncadd.s32 $0xFFFFC800  }
0xfb: {  	[spmem:s3] =	stream.indirect.scatter.add.f32 [tilespmem:s16], [sflag:$0x4], $0x80, s5, s19, $0xb8;
	[tilespmem:$0x1F300] =	vst v63  }
0xfc: {  	_ =	swait.ge [sflag:s8], $0x3800  }
0xfd: {  	[sflag:s8] =	ssyncset.done $0x0  }
0xfe: {  	s15 =	simm.s32 $0x14400;
	[sflag:s8] =	ssyncadd.s32 $0xFFFFC800  }
0xff: {  	[tilespmem:s25], [sflag:$0x3] =	stream.indirect.gather [hbm4b:s1+s19], $0x80, s15, s19, $0xb8;
	[tilespmem:$0x1F300] =	vst v63  }
0x100: {  	_ =	swait.ge [sflag:s26], $0x3800  }
0x101: {  	[sflag:s26] =	ssyncset.done $0x0  }
0x102: {  	s15 =	simm.s32 $0x14380;
	[sflag:s26] =	ssyncadd.s32 $0xFFFFC800  }
0x103: {  	[spmem:s3] =	stream.indirect.scatter.add.f32 [tilespmem:s21], [sflag:$0x5], $0x80, s15, s19, $0xb8;
	[tilespmem:$0x1F300] =	vst v63  }
0x104: {  	_ =	swait.ge [sflag:s29], $0x3800  }
0x105: {  	[sflag:s29] =	ssyncset.done $0x0  }
0x106: {  	s15 =	simm.s32 $0x14500;
	[sflag:s29] =	ssyncadd.s32 $0xFFFFC800  }
0x107: {  	[tilespmem:s16], [sflag:$0x1] =	stream.indirect.gather [hbm4b:s1+s19], $0x80, s15, s19, $0xb8;
	[tilespmem:$0x1F300] =	vst v63  }
0x108: {  	_ =	swait.ge [sflag:s31], $0x3800  }
0x109: {  	[sflag:s31] =	ssyncset.done $0x0  }
0x10a: {  	s15 =	simm.s32 $0x14480;
	[sflag:s31] =	ssyncadd.s32 $0xFFFFC800  }
0x10b: {  	[spmem:s3] =	stream.indirect.scatter.add.f32 [tilespmem:s25], [sflag:$0x6], $0x80, s15, s19, $0xb8;
	[tilespmem:$0x1F300] =	vst v63  }
0x10c: {  	_ =	swait.ge [sflag:s0], $0x3800  }
0x10d: {  	[sflag:s0] =	ssyncset.done $0x0  }
0x10e: {  	s15 =	simm.s32 $0x14600;
	[sflag:s0] =	ssyncadd.s32 $0xFFFFC800  }
0x10f: {  	[tilespmem:s21], [sflag:$0x2] =	stream.indirect.gather [hbm4b:s1+s19], $0x80, s15, s19, $0xb8;
	[tilespmem:$0x1F300] =	vst v63  }
0x110: {  	_ =	swait.ge [sflag:s22], $0x3800  }
0x111: {  	[sflag:s22] =	ssyncset.done $0x0  }
0x112: {  	s15 =	simm.s32 $0x14580;
	[sflag:s22] =	ssyncadd.s32 $0xFFFFC800  }
0x113: {  	[spmem:s3] =	stream.indirect.scatter.add.f32 [tilespmem:s16], [sflag:$0x4], $0x80, s15, s19, $0xb8;
	[tilespmem:$0x1F300] =	vst v63  }
0x114: {  	_ =	swait.ge [sflag:s8], $0x3800  }
0x115: {  	[sflag:s8] =	ssyncset.done $0x0  }
0x116: {  	s15 =	simm.s32 $0x14700;
	[sflag:s8] =	ssyncadd.s32 $0xFFFFC800  }
0x117: {  	[tilespmem:s25], [sflag:$0x3] =	stream.indirect.gather [hbm4b:s1+s19], $0x80, s15, s19, $0xb8;
	[tilespmem:$0x1F300] =	vst v63  }
0x118: {  	_ =	swait.ge [sflag:s26], $0x3800  }
0x119: {  	[sflag:s26] =	ssyncset.done $0x0  }
0x11a: {  	s15 =	simm.s32 $0x14680;
	[sflag:s26] =	ssyncadd.s32 $0xFFFFC800  }
0x11b: {  	[spmem:s3] =	stream.indirect.scatter.add.f32 [tilespmem:s21], [sflag:$0x5], $0x80, s15, s19, $0xb8;
	[tilespmem:$0x1F300] =	vst v63  }
0x11c: {  	_ =	swait.ge [sflag:s29], $0x3800  }
0x11d: {  	[sflag:s29] =	ssyncset.done $0x0  }
0x11e: {  	s15 =	simm.s32 $0x14800;
	[sflag:s29] =	ssyncadd.s32 $0xFFFFC800  }
0x11f: {  	[tilespmem:s16], [sflag:$0x1] =	stream.indirect.gather [hbm4b:s1+s19], $0x80, s15, s19, $0xb8;
	[tilespmem:$0x1F300] =	vst v63  }
0x120: {  	_ =	swait.ge [sflag:s31], $0x3800  }
0x121: {  	[sflag:s31] =	ssyncset.done $0x0  }
0x122: {  	s15 =	simm.s32 $0x14780;
	[sflag:s31] =	ssyncadd.s32 $0xFFFFC800  }
0x123: {  	[spmem:s3] =	stream.indirect.scatter.add.f32 [tilespmem:s25], [sflag:$0x6], $0x80, s15, s19, $0xb8;
	[tilespmem:$0x1F300] =	vst v63  }
0x124: {  	_ =	swait.ge [sflag:s0], $0x3800  }
0x125: {  	[sflag:s0] =	ssyncset.done $0x0  }
0x126: {  	s15 =	simm.s32 $0x14900;
	[sflag:s0] =	ssyncadd.s32 $0xFFFFC800  }
0x127: {  	[tilespmem:s21], [sflag:$0x2] =	stream.indirect.gather [hbm4b:s1+s19], $0x80, s15, s19, $0xb8;
	[tilespmem:$0x1F300] =	vst v63  }
0x128: {  	_ =	swait.ge [sflag:s22], $0x3800  }
0x129: {  	[sflag:s22] =	ssyncset.done $0x0  }
0x12a: {  	s15 =	simm.s32 $0x14880;
	[sflag:s22] =	ssyncadd.s32 $0xFFFFC800  }
0x12b: {  	[spmem:s3] =	stream.indirect.scatter.add.f32 [tilespmem:s16], [sflag:$0x4], $0x80, s15, s19, $0xb8;
	[tilespmem:$0x1F300] =	vst v63  }
0x12c: {  	_ =	swait.ge [sflag:s8], $0x3800  }
0x12d: {  	[sflag:s8] =	ssyncset.done $0x0  }
0x12e: {  	s15 =	simm.s32 $0x14A00;
	[sflag:s8] =	ssyncadd.s32 $0xFFFFC800  }
0x12f: {  	[tilespmem:s25], [sflag:$0x3] =	stream.indirect.gather [hbm4b:s1+s19], $0x80, s15, s19, $0xb8;
	[tilespmem:$0x1F300] =	vst v63  }
0x130: {  	_ =	swait.ge [sflag:s26], $0x3800  }
0x131: {  	[sflag:s26] =	ssyncset.done $0x0  }
0x132: {  	s15 =	simm.s32 $0x14980;
	[sflag:s26] =	ssyncadd.s32 $0xFFFFC800  }
0x133: {  	[spmem:s3] =	stream.indirect.scatter.add.f32 [tilespmem:s21], [sflag:$0x5], $0x80, s15, s19, $0xb8;
	[tilespmem:$0x1F300] =	vst v63  }
0x134: {  	_ =	swait.ge [sflag:s29], $0x3800  }
0x135: {  	[sflag:s29] =	ssyncset.done $0x0  }
0x136: {  	[sflag:s29] =	ssyncadd.s32 $0xFFFFC800  }
0x137: {  	_ =	swait.ge [sflag:s31], $0x3800  }
0x138: {  	[sflag:s31] =	ssyncset.done $0x0  }
0x139: {  	s15 =	simm.s32 $0x14A80;
	[sflag:s31] =	ssyncadd.s32 $0xFFFFC800  }
0x13a: {  	[spmem:s3] =	stream.indirect.scatter.add.f32 [tilespmem:s25], [sflag:$0x6], $0x80, s15, s19, $0xb8;
	[tilespmem:$0x1F300] =	vst v63  }
0x13b: {  	_ =	swait.ge [sflag:s0], $0x3800  }
0x13c: {  	[sflag:s0] =	ssyncset.done $0x0  }
0x13d: {  	[sflag:s0] =	ssyncadd.s32 $0xFFFFC800  }
0x13e: {  	_ =	swait.ge [sflag:s8], $0x3800  }
0x13f: {  	[sflag:s8] =	ssyncset.done $0x0  }
0x140: {  	s15 =	rddreg [dreg:$0xb];
	[sflag:s8] =	ssyncadd.s32 $0xFFFFC800  }
0x141: {  	[tilespmem:s2], [sflag:$0x7] =	stream.linear.gather [hbm4b:s15+s4], $0xF00, $0x38;
	[tilespmem:$0x1F300] =	vst v63  }
0x142: {  	_ =	swait.ge [sflag:s17], $0xF00  }
0x143: {  	[sflag:s17] =	ssyncset.done $0x0  }
0x144: {  	[sflag:s17] =	ssyncadd.s32 $0xFFFFF100  }
0x145: {  	[tilespmem:s16], [sflag:$0x1] =	stream.indirect.gather [hbm4b:s1+s19], $0x80, s2, s19, $0xb8;
	[tilespmem:$0x1F300] =	vst v63  }
0x146: {  	_ = 	snop  }
0x147: {  	[tilespmem:s21], [sflag:$0x2] =	stream.indirect.gather [hbm4b:s1+s19], $0x80, s20, s19, $0xb8;
	[tilespmem:$0x1F300] =	vst v63  }
0x148: {  	_ =	swait.ge [sflag:s22], $0x3800  }
0x149: {  	[sflag:s22] =	ssyncset.done $0x0  }
0x14a: {  	[sflag:s22] =	ssyncadd.s32 $0xFFFFC800  }
0x14b: {  	[spmem:s3] =	stream.indirect.scatter.add.f32 [tilespmem:s16], [sflag:$0x4], $0x80, s23, s19, $0xb8;
	[tilespmem:$0x1F300] =	vst v63  }
0x14c: {  	_ = 	snop  }
0x14d: {  	[tilespmem:s25], [sflag:$0x3] =	stream.indirect.gather [hbm4b:s1+s19], $0x80, s24, s19, $0xb8;
	[tilespmem:$0x1F300] =	vst v63  }
0x14e: {  	_ =	swait.ge [sflag:s26], $0x3800  }
0x14f: {  	[sflag:s26] =	ssyncset.done $0x0  }
0x150: {  	[sflag:s26] =	ssyncadd.s32 $0xFFFFC800  }
0x151: {  	[spmem:s3] =	stream.indirect.scatter.add.f32 [tilespmem:s21], [sflag:$0x5], $0x80, s28, s19, $0xb8;
	[tilespmem:$0x1F300] =	vst v63  }
0x152: {  	_ =	swait.ge [sflag:s29], $0x3800  }
0x153: {  	[sflag:s29] =	ssyncset.done $0x0  }
0x154: {  	[sflag:s29] =	ssyncadd.s32 $0xFFFFC800  }
0x155: {  	[tilespmem:s16], [sflag:$0x1] =	stream.indirect.gather [hbm4b:s1+s19], $0x80, s30, s19, $0xb8;
	[tilespmem:$0x1F300] =	vst v63  }
0x156: {  	_ =	swait.ge [sflag:s31], $0x3800  }
0x157: {  	[sflag:s31] =	ssyncset.done $0x0  }
0x158: {  	[sflag:s31] =	ssyncadd.s32 $0xFFFFC800  }
0x159: {  	[spmem:s3] =	stream.indirect.scatter.add.f32 [tilespmem:s25], [sflag:$0x6], $0x80, s18, s19, $0xb8;
	[tilespmem:$0x1F300] =	vst v63  }
0x15a: {  	_ =	swait.ge [sflag:s0], $0x3800  }
0x15b: {  	[sflag:s0] =	ssyncset.done $0x0  }
0x15c: {  	[sflag:s0] =	ssyncadd.s32 $0xFFFFC800  }
0x15d: {  	[tilespmem:s21], [sflag:$0x2] =	stream.indirect.gather [hbm4b:s1+s19], $0x80, s6, s19, $0xb8;
	[tilespmem:$0x1F300] =	vst v63  }
0x15e: {  	_ =	swait.ge [sflag:s22], $0x3800  }
0x15f: {  	[sflag:s22] =	ssyncset.done $0x0  }
0x160: {  	[sflag:s22] =	ssyncadd.s32 $0xFFFFC800  }
0x161: {  	[spmem:s3] =	stream.indirect.scatter.add.f32 [tilespmem:s16], [sflag:$0x4], $0x80, s7, s19, $0xb8;
	[tilespmem:$0x1F300] =	vst v63  }
0x162: {  	_ =	swait.ge [sflag:s8], $0x3800  }
0x163: {  	[sflag:s8] =	ssyncset.done $0x0  }
0x164: {  	[sflag:s8] =	ssyncadd.s32 $0xFFFFC800  }
0x165: {  	[tilespmem:s25], [sflag:$0x3] =	stream.indirect.gather [hbm4b:s1+s19], $0x80, s9, s19, $0xb8;
	[tilespmem:$0x1F300] =	vst v63  }
0x166: {  	_ =	swait.ge [sflag:s26], $0x3800  }
0x167: {  	[sflag:s26] =	ssyncset.done $0x0  }
0x168: {  	[sflag:s26] =	ssyncadd.s32 $0xFFFFC800  }
0x169: {  	[spmem:s3] =	stream.indirect.scatter.add.f32 [tilespmem:s21], [sflag:$0x5], $0x80, s10, s19, $0xb8;
	[tilespmem:$0x1F300] =	vst v63  }
0x16a: {  	_ =	swait.ge [sflag:s29], $0x3800  }
0x16b: {  	[sflag:s29] =	ssyncset.done $0x0  }
0x16c: {  	[sflag:s29] =	ssyncadd.s32 $0xFFFFC800  }
0x16d: {  	[tilespmem:s16], [sflag:$0x1] =	stream.indirect.gather [hbm4b:s1+s19], $0x80, s11, s19, $0xb8;
	[tilespmem:$0x1F300] =	vst v63  }
0x16e: {  	_ =	swait.ge [sflag:s31], $0x3800  }
0x16f: {  	[sflag:s31] =	ssyncset.done $0x0  }
0x170: {  	[sflag:s31] =	ssyncadd.s32 $0xFFFFC800  }
0x171: {  	[spmem:s3] =	stream.indirect.scatter.add.f32 [tilespmem:s25], [sflag:$0x6], $0x80, s12, s19, $0xb8;
	[tilespmem:$0x1F300] =	vst v63  }
0x172: {  	_ =	swait.ge [sflag:s0], $0x3800  }
0x173: {  	[sflag:s0] =	ssyncset.done $0x0  }
0x174: {  	[sflag:s0] =	ssyncadd.s32 $0xFFFFC800  }
0x175: {  	[tilespmem:s21], [sflag:$0x2] =	stream.indirect.gather [hbm4b:s1+s19], $0x80, s13, s19, $0xb8;
	[tilespmem:$0x1F300] =	vst v63  }
0x176: {  	_ =	swait.ge [sflag:s22], $0x3800  }
0x177: {  	[sflag:s22] =	ssyncset.done $0x0  }
0x178: {  	[sflag:s22] =	ssyncadd.s32 $0xFFFFC800  }
0x179: {  	[spmem:s3] =	stream.indirect.scatter.add.f32 [tilespmem:s16], [sflag:$0x4], $0x80, s5, s19, $0xb8;
	[tilespmem:$0x1F300] =	vst v63  }
0x17a: {  	_ =	swait.ge [sflag:s8], $0x3800  }
0x17b: {  	[sflag:s8] =	ssyncset.done $0x0  }
0x17c: {  	s4 =	simm.s32 $0x14400;
	[sflag:s8] =	ssyncadd.s32 $0xFFFFC800  }
0x17d: {  	[tilespmem:s25], [sflag:$0x3] =	stream.indirect.gather [hbm4b:s1+s19], $0x80, s4, s19, $0xb8;
	[tilespmem:$0x1F300] =	vst v63  }
0x17e: {  	_ =	swait.ge [sflag:s26], $0x3800  }
0x17f: {  	[sflag:s26] =	ssyncset.done $0x0  }
0x180: {  	s15 =	simm.s32 $0x14380;
	[sflag:s26] =	ssyncadd.s32 $0xFFFFC800  }
0x181: {  	[spmem:s3] =	stream.indirect.scatter.add.f32 [tilespmem:s21], [sflag:$0x5], $0x80, s15, s19, $0xb8;
	[tilespmem:$0x1F300] =	vst v63  }
0x182: {  	_ =	swait.ge [sflag:s29], $0x3800  }
0x183: {  	[sflag:s29] =	ssyncset.done $0x0  }
0x184: {  	s20 =	simm.s32 $0x14500;
	[sflag:s29] =	ssyncadd.s32 $0xFFFFC800  }
0x185: {  	[tilespmem:s16], [sflag:$0x1] =	stream.indirect.gather [hbm4b:s1+s19], $0x80, s20, s19, $0xb8;
	[tilespmem:$0x1F300] =	vst v63  }
0x186: {  	_ =	swait.ge [sflag:s31], $0x3800  }
0x187: {  	[sflag:s31] =	ssyncset.done $0x0  }
0x188: {  	s4 =	simm.s32 $0x14480;
	[sflag:s31] =	ssyncadd.s32 $0xFFFFC800  }
0x189: {  	[spmem:s3] =	stream.indirect.scatter.add.f32 [tilespmem:s25], [sflag:$0x6], $0x80, s4, s19, $0xb8;
	[tilespmem:$0x1F300] =	vst v63  }
0x18a: {  	_ =	swait.ge [sflag:s0], $0x3800  }
0x18b: {  	[sflag:s0] =	ssyncset.done $0x0  }
0x18c: {  	s15 =	simm.s32 $0x14600;
	[sflag:s0] =	ssyncadd.s32 $0xFFFFC800  }
0x18d: {  	[tilespmem:s21], [sflag:$0x2] =	stream.indirect.gather [hbm4b:s1+s19], $0x80, s15, s19, $0xb8;
	[tilespmem:$0x1F300] =	vst v63  }
0x18e: {  	_ =	swait.ge [sflag:s22], $0x3800  }
0x18f: {  	[sflag:s22] =	ssyncset.done $0x0  }
0x190: {  	s20 =	simm.s32 $0x14580;
	[sflag:s22] =	ssyncadd.s32 $0xFFFFC800  }
0x191: {  	[spmem:s3] =	stream.indirect.scatter.add.f32 [tilespmem:s16], [sflag:$0x4], $0x80, s20, s19, $0xb8;
	[tilespmem:$0x1F300] =	vst v63  }
0x192: {  	_ =	swait.ge [sflag:s8], $0x3800  }
0x193: {  	[sflag:s8] =	ssyncset.done $0x0  }
0x194: {  	s4 =	simm.s32 $0x14700;
	[sflag:s8] =	ssyncadd.s32 $0xFFFFC800  }
0x195: {  	[tilespmem:s25], [sflag:$0x3] =	stream.indirect.gather [hbm4b:s1+s19], $0x80, s4, s19, $0xb8;
	[tilespmem:$0x1F300] =	vst v63  }
0x196: {  	_ =	swait.ge [sflag:s26], $0x3800  }
0x197: {  	[sflag:s26] =	ssyncset.done $0x0  }
0x198: {  	s15 =	simm.s32 $0x14680;
	[sflag:s26] =	ssyncadd.s32 $0xFFFFC800  }
0x199: {  	[spmem:s3] =	stream.indirect.scatter.add.f32 [tilespmem:s21], [sflag:$0x5], $0x80, s15, s19, $0xb8;
	[tilespmem:$0x1F300] =	vst v63  }
0x19a: {  	_ =	swait.ge [sflag:s29], $0x3800  }
0x19b: {  	[sflag:s29] =	ssyncset.done $0x0  }
0x19c: {  	s20 =	simm.s32 $0x14800;
	[sflag:s29] =	ssyncadd.s32 $0xFFFFC800  }
0x19d: {  	[tilespmem:s16], [sflag:$0x1] =	stream.indirect.gather [hbm4b:s1+s19], $0x80, s20, s19, $0xb8;
	[tilespmem:$0x1F300] =	vst v63  }
0x19e: {  	_ =	swait.ge [sflag:s31], $0x3800  }
0x19f: {  	[sflag:s31] =	ssyncset.done $0x0  }
0x1a0: {  	s4 =	simm.s32 $0x14780;
	[sflag:s31] =	ssyncadd.s32 $0xFFFFC800  }
0x1a1: {  	[spmem:s3] =	stream.indirect.scatter.add.f32 [tilespmem:s25], [sflag:$0x6], $0x80, s4, s19, $0xb8;
	[tilespmem:$0x1F300] =	vst v63  }
0x1a2: {  	_ =	swait.ge [sflag:s0], $0x3800  }
0x1a3: {  	[sflag:s0] =	ssyncset.done $0x0  }
0x1a4: {  	s15 =	simm.s32 $0x14900;
	[sflag:s0] =	ssyncadd.s32 $0xFFFFC800  }
0x1a5: {  	[tilespmem:s21], [sflag:$0x2] =	stream.indirect.gather [hbm4b:s1+s19], $0x80, s15, s19, $0xb8;
	[tilespmem:$0x1F300] =	vst v63  }
0x1a6: {  	_ =	swait.ge [sflag:s22], $0x3800  }
0x1a7: {  	[sflag:s22] =	ssyncset.done $0x0  }
0x1a8: {  	s20 =	simm.s32 $0x14880;
	[sflag:s22] =	ssyncadd.s32 $0xFFFFC800  }
0x1a9: {  	[spmem:s3] =	stream.indirect.scatter.add.f32 [tilespmem:s16], [sflag:$0x4], $0x80, s20, s19, $0xb8;
	[tilespmem:$0x1F300] =	vst v63  }
0x1aa: {  	_ =	swait.ge [sflag:s8], $0x3800  }
0x1ab: {  	[sflag:s8] =	ssyncset.done $0x0  }
0x1ac: {  	s4 =	simm.s32 $0x14A00;
	[sflag:s8] =	ssyncadd.s32 $0xFFFFC800  }
0x1ad: {  	[tilespmem:s25], [sflag:$0x3] =	stream.indirect.gather [hbm4b:s1+s19], $0x80, s4, s19, $0xb8;
	[tilespmem:$0x1F300] =	vst v63  }
0x1ae: {  	_ =	swait.ge [sflag:s26], $0x3800  }
0x1af: {  	[sflag:s26] =	ssyncset.done $0x0  }
0x1b0: {  	s15 =	simm.s32 $0x14980;
	[sflag:s26] =	ssyncadd.s32 $0xFFFFC800  }
0x1b1: {  	[spmem:s3] =	stream.indirect.scatter.add.f32 [tilespmem:s21], [sflag:$0x5], $0x80, s15, s19, $0xb8;
	[tilespmem:$0x1F300] =	vst v63  }
0x1b2: {  	_ =	swait.ge [sflag:s29], $0x3800  }
0x1b3: {  	[sflag:s29] =	ssyncset.done $0x0  }
0x1b4: {  	[sflag:s29] =	ssyncadd.s32 $0xFFFFC800  }
0x1b5: {  	_ =	swait.ge [sflag:s31], $0x3800  }
0x1b6: {  	[sflag:s31] =	ssyncset.done $0x0  }
0x1b7: {  	s20 =	simm.s32 $0x14A80;
	[sflag:s31] =	ssyncadd.s32 $0xFFFFC800  }
0x1b8: {  	[spmem:s3] =	stream.indirect.scatter.add.f32 [tilespmem:s25], [sflag:$0x6], $0x80, s20, s19, $0xb8;
	[tilespmem:$0x1F300] =	vst v63  }
0x1b9: {  	_ =	swait.ge [sflag:s0], $0x3800  }
0x1ba: {  	[sflag:s0] =	ssyncset.done $0x0  }
0x1bb: {  	[sflag:s0] =	ssyncadd.s32 $0xFFFFC800  }
0x1bc: {  	_ =	swait.ge [sflag:s8], $0x3800  }
0x1bd: {  	[sflag:s8] =	ssyncset.done $0x0  }
0x1be: {  	[sflag:s8] =	ssyncadd.s32 $0xFFFFC800  }
0x1bf: {  	s2 =	stileid.u32;
	[bflag:$0x0] =	sbarrier.arrive $0xFFFF  }
0x1c0: {  	s4 =	sshll.u32 s2, $0x6;
	s15 =	rddreg [dreg:$0xe]  }
0x1c1: {  	s4 =	sor.u32 $0x1C07, s4;
	s2 =	rddreg [dreg:$0xc];
	s20 =	sshrl.u32 s15, $0x3  }
0x1c2: {  	[hbm:s2], [sflag:s4] =	dma.local [spmem:s20], $0x2780  }
0x1c3: {  	_ =	swait.ge [sflag:s17], $0x2780  }
0x1c4: {  	s14 =	sadd.s32 $0x1, s14;
	s20 =	rddreg [dreg:$0xd]  }
0x1c5: {  	p0 =	sne.s32 s14, s20  }
.Ltmp1:
0x1c6: {  	_ = 	snop;
	(pc) =	sbr.rel @p0 .LBB2_1-.Ltmp1, $3  }
0x1c7: {  	_ =	sdelay $0x1  }
0x1c8: {  	[sflag:s17] =	ssyncset.done $0x0  }
0x1c9: {  	[sflag:s17] =	ssyncadd.s32 $0xFFFFD880  }
0x1ca: {  	_ =	sfence.sel $0x180000  }
0x1cb: {  	[bflag:$0x0] =	sbarrier.arrive $0xFFFF  }
0x1cc: {  	_ =	strace $0x9000004A  }
0x1cd: {  	s0 =	stileid.u32;
	[bflag:$0x2] =	sbarrier.arrive $0xFFFF  }
0x1ce: {  	p0 =	sne.s32 s0, $0x0;
	s0 =	rddreg [dreg:$0x3]  }
0x1cf: {  	s0 =	sadd.s32 @!p0 $0x100000, s0  }
0x1d0: {  	[sflag:s0] =	ssyncadd.tile.s32 @!p0 $0x1;
	_ =	shalt  }
.Lfunc_end2:
_tile_overlayer_lowered:
.L_overlay_start_2:
0x1d1: {  	(tag) =	ssettag $0x2  }
0x1d2: {  	s0 =	rddreg [dreg:$0x0];
	s2 =	stileid.u32  }
0x1d3: {  	s1 =	rddreg [dreg:$0x1];
	p0 =	sne.s32 s2, $0x0  }
0x1d4: {  	s3 =	rddreg [dreg:$0x2];
	[bflag:$0x3] =	sbarrier.arrive $0xFFFF;
	s2 =	simm.s32 @!p0 $0x1C07  }
0x1d5: {  	[timem:s3], [sflag:s2] =	dma.local @!p0 [hbm:s0], s1  }
0x1d6: {  	s0 =	simm.s32 @!p0 $0x7  }
0x1d7: {  	_ =	swait.ge @!p0 [sflag:s0], s1  }
0x1d8: {  	s1 =	ssub.s32 @!p0 $0x0, s1;
	[sflag:s0] =	ssyncset.done @!p0 $0x0  }
0x1d9: {  	[sflag:s0] =	ssyncadd.s32 @!p0 s1  }
0x1da: {  	[bflag:$0x3] =	sbarrier.arrive $0xFFFF  }
0x1db: {  	_ =	shalt  }

// kernel: kernel.7.cloned.1.call-start
scs
__scs_entry_jumppad:
0x0: {  	(pc) =	sbr.rel $0x88, $3  }
0x1: {  	(tag) =	ssettag $0x0;
	lr =	simm.s32 $0x1  }
0x2: {  	[smem:$0x3F9B] =	sst lr;
	_ =	strace $0xD0000000  }
0x3: {  	_ = 	snop  }
0x4: {  	_ = 	snop  }
0x5: {  	_ = 	snop  }
0x6: {  	_ = 	snop  }
0x7: {  	_ = 	snop  }
__scs_overlays_trampoline_lowered:
0x8: {  	[smem:$0x3FAA] =	sst s0  }
0x9: {  	[smem:$0x3FAB] =	sst s1  }
0xa: {  	[smem:$0x3FAC] =	sst s2  }
0xb: {  	[smem:$0x3FAD] =	sst s3  }
0xc: {  	[smem:$0x3FAE] =	sst s4  }
0xd: {  	[smem:$0x3FAF] =	sst s5  }
0xe: {  	[smem:$0x3FB0] =	sst s6  }
0xf: {  	[smem:$0x3FB1] =	sst s7  }
0x10: {  	[smem:$0x3FB2] =	sst s8  }
0x11: {  	[smem:$0x3FB3] =	sst s9;
	s0 =	simm.s32 @!p0 $0x0  }
0x12: {  	s1 =	sld [smem:$0x3F99];
	s0 =	simm.s32 @p0 $0x1  }
0x13: {  	[smem:$0x3FB4] =	sst s0;
	s0 =	simm.s32 @!p1 $0x0  }
0x14: {  	s2 =	sld [smem:$0x3F98];
	s0 =	simm.s32 @p1 $0x1  }
0x15: {  	[smem:$0x3FB5] =	sst s0;
	s0 =	simm.s32 @!p2 $0x0  }
0x16: {  	s3 =	sld [smem:$0x3FDB];
	s0 =	simm.s32 @p2 $0x1  }
0x17: {  	s4 =	simm.s32 $0x1BF5;
	[smem:$0x3FB7] =	sst s0  }
0x18: {  	s0 =	sld [smem:$0x3F9A];
	_ =	swait.ge [sflag:s4], $0x0  }
0x19: {  	s7 =	sld [smem:$0x3F9B]  }
0x1a: {  	s8 =	sadd.s32 $0xFFFFE003, lr  }
0x1b: {  	s9 =	sadd.s32 $0xFFFFFEF7, lr;
	s5 =	simm.s32 $0xFFFFFFFF;
	p2 =	slt.u32 s8, $0xFFFFF086  }
0x1c: {  	p1 =	slt.u32 s9, $0xF7A;
	s5 =	simm.s32 @!p2 $0x0  }
0x1d: {  	s5 =	simm.s32 @p1 $0x1;
	p0 =	seq.s32 s7, s2  }
0x1e: {  	s7 =	smul.u32 @!p0 $0xF7A, s2;
	p2 =	seq.s32 @!p0 s5, $0x0  }
0x1f: {  	s9 =	smul.u32 $0xF7A, s1;
	s8 =	simm.s32 @!p0 $0x1BF5;
	p2 =	por !p2, p0  }
0x20: {  	[sflag:s8] =	ssyncset.s32 @!p0 $0xFFFFF086;
	s6 =	sadd.s32 @!p0 s3, s7;
	s7 =	simm.s32 @!p0 $0x108  }
0x21: {  	s3 =	sadd.s32 s3, s9;
	s6 =	sadd.s32 @!p0 $0x88, s6;
	s7 =	simm.s32 @p2 $0x1082  }
0x22: {  	[simem:s7], [sflag:s8] =	dma.local @!p0 [hbm:s6], $0xF7A  }
0x23: {  	s9 =	sor.u32 $0xD0000000, s2;
	s6 =	simm.s32 $0x108;
	_ =	swait.ge @!p0 [sflag:s8], $0x0  }
0x24: {  	s3 =	sadd.s32 $0x88, s3;
	s6 =	simm.s32 @!p1 $0x1082;
	[sflag:s4] =	ssyncset.s32 $0xFFFFF086  }
0x25: {  	[simem:s6], [sflag:s4] =	dma.local [hbm:s3], $0xF7A  }
0x26: {  	[smem:$0x3F9B] =	sst s1;
	(tag) =	ssettag s2;
	_ =	strace s9  }
0x27: {  	s1 =	sld [smem:$0x3FAB]  }
0x28: {  	s2 =	sld [smem:$0x3FAC]  }
0x29: {  	s4 =	sld [smem:$0x3FAE]  }
0x2a: {  	p0 =	seq.s32 s5, $0x0;
	s5 =	sld [smem:$0x3FAF]  }
0x2b: {  	s6 =	sld [smem:$0x3FB0]  }
0x2c: {  	s7 =	sld [smem:$0x3FB1]  }
0x2d: {  	s3 =	simm.s32 $0x108;
	s8 =	sld [smem:$0x3FB2]  }
0x2e: {  	s3 =	simm.s32 @!p0 $0x1082;
	s9 =	sld [smem:$0x3FB3]  }
0x2f: {  	lr =	sadd.s32 s0, s3;
	s0 =	sld [smem:$0x3FAA]  }
0x30: {  	s3 =	sld [smem:$0x3FAD]  }
0x31: {  	[smem:$0x3FB6] =	sst s10  }
0x32: {  	s10 =	sld [smem:$0x3FB4];
	_ =	sdelay $0x3  }
0x33: {  	p0 =	seq.s32 s10, $0x1;
	s10 =	sld [smem:$0x3FB6];
	_ =	sdelay $0x3  }
0x34: {  	[smem:$0x3FB6] =	sst s10  }
0x35: {  	s10 =	sld [smem:$0x3FB5];
	_ =	sdelay $0x3  }
0x36: {  	p1 =	seq.s32 s10, $0x1;
	s10 =	sld [smem:$0x3FB6];
	_ =	sdelay $0x3  }
0x37: {  	[smem:$0x3FB6] =	sst s10  }
0x38: {  	s10 =	sld [smem:$0x3FB7]  }
0x39: {  	_ = 	snop;
	(pc) =	sbr.ind lr, $3  }
0x3a: {  	_ = 	snop  }
0x3b: {  	_ = 	snop  }
0x3c: {  	p2 =	seq.s32 s10, $0x1;
	s10 =	sld [smem:$0x3FB6]  }
0x3d: {  	_ =	shalt  }
0x3e: {  	_ =	shalt  }
0x3f: {  	_ =	shalt  }
0x40: {  	_ =	shalt  }
0x41: {  	_ =	shalt  }
0x42: {  	_ =	shalt  }
0x43: {  	_ =	shalt  }
0x44: {  	_ =	shalt  }
0x45: {  	_ =	shalt  }
0x46: {  	_ =	shalt  }
0x47: {  	_ =	shalt  }
0x48: {  	_ =	shalt  }
0x49: {  	_ =	shalt  }
0x4a: {  	_ =	shalt  }
0x4b: {  	_ =	shalt  }
0x4c: {  	_ =	shalt  }
0x4d: {  	_ =	shalt  }
0x4e: {  	_ =	shalt  }
0x4f: {  	_ =	shalt  }
0x50: {  	_ =	shalt  }
0x51: {  	_ =	shalt  }
0x52: {  	_ =	shalt  }
0x53: {  	_ =	shalt  }
0x54: {  	_ =	shalt  }
0x55: {  	_ =	shalt  }
0x56: {  	_ =	shalt  }
0x57: {  	_ =	shalt  }
0x58: {  	_ =	shalt  }
0x59: {  	_ =	shalt  }
0x5a: {  	_ =	shalt  }
0x5b: {  	_ =	shalt  }
0x5c: {  	_ =	shalt  }
0x5d: {  	_ =	shalt  }
0x5e: {  	_ =	shalt  }
0x5f: {  	_ =	shalt  }
0x60: {  	_ =	shalt  }
0x61: {  	_ =	shalt  }
0x62: {  	_ =	shalt  }
0x63: {  	_ =	shalt  }
0x64: {  	_ =	shalt  }
0x65: {  	_ =	shalt  }
0x66: {  	_ =	shalt  }
0x67: {  	_ =	shalt  }
0x68: {  	_ =	shalt  }
0x69: {  	_ =	shalt  }
0x6a: {  	_ =	shalt  }
0x6b: {  	_ =	shalt  }
0x6c: {  	_ =	shalt  }
0x6d: {  	_ =	shalt  }
0x6e: {  	_ =	shalt  }
0x6f: {  	_ =	shalt  }
0x70: {  	_ =	shalt  }
0x71: {  	_ =	shalt  }
0x72: {  	_ =	shalt  }
0x73: {  	_ =	shalt  }
0x74: {  	_ =	shalt  }
0x75: {  	_ =	shalt  }
0x76: {  	_ =	shalt  }
0x77: {  	_ =	shalt  }
0x78: {  	_ =	shalt  }
0x79: {  	_ =	shalt  }
0x7a: {  	_ =	shalt  }
0x7b: {  	_ =	shalt  }
0x7c: {  	_ =	shalt  }
0x7d: {  	_ =	shalt  }
0x7e: {  	_ =	shalt  }
0x7f: {  	_ =	shalt  }
0x80: {  	_ =	shalt  }
0x81: {  	_ =	shalt  }
0x82: {  	_ =	shalt  }
0x83: {  	_ =	shalt  }
0x84: {  	_ =	shalt  }
0x85: {  	_ =	shalt  }
0x86: {  	_ =	shalt  }
0x87: {  	_ =	shalt  }
.Lfunc_end0:
.L_simem_size_0:
called_computation_lowered:
.L_overlay_start_0:
0x88: {  	s2 =	sld [smem:$0x3FD9]  }
0x89: {  	s3 =	sld [smem:$0x3FFE];
	_ =	sdelay $0x1  }
0x8a: {  	s1 =	srdreg.scid  }
0x8b: {  	s0 =	sand.u32 $0x1, s1  }
0x8c: {  	s17 =	sshll.u32 s0, $0xA;
	s2 =	sadd.s32 s3, s2  }
0x8d: {  	s2 =	sadd.s32 s2, s17  }
0x8e: {  	[smem:$0x3FC2] =	sst s2  }
0x8f: {  	_ = 	snop  }
0x90: {  	s2 =	sld [smem:$0x3FD0];
	(tm) =	ssettm $0x1  }
0x91: {  	s18 =	sld [smem:$0x3FFB];
	_ =	sdelay $0x3  }
0x92: {  	_ =	strace s18  }
0x93: {  	s3 =	sld [smem:$0x3FFC];
	_ =	sdelay $0x3  }
0x94: {  	_ =	strace s3  }
0x95: {  	s3 =	sld [smem:$0x3FFD];
	_ =	sdelay $0x3  }
0x96: {  	_ =	strace s3  }
0x97: {  	_ =	strace $0x8FFFFFFF  }
0x98: {  	s19 =	sld [smem:$0x3FDB];
	_ =	sdelay $0x1  }
0x99: {  	s4 =	simm.s32 $_scs_section_size  }
0x9a: {  	s5 =	simm.s32 $_size__tile_overlayer_lowered;
	s6 =	simm.s32 $_tile_overlayer_lowered  }
0x9b: {  	s22 =	simm.s32 $0x1BFF;
	s21 =	sshll.u32 s6, $0x1;
	s3 =	sadd.s32 s4, s19  }
0x9c: {  	s7 =	simm.s32 $0x0;
	s20 =	sshll.u32 s5, $0x1;
	s5 =	sadd.s32 s21, s3  }
0x9d: {  	[timem:s7], [sflag:s22] =	dma.local [hbm:s5], s20  }
0x9e: {  	_ =	swait.ge [sflag:s22], s20  }
0x9f: {  	s4 =	ssub.s32 $0x0, s20;
	[sflag:s22] =	ssyncset.done $0x0  }
0xa0: {  	[sflag:s22] =	ssyncadd.s32 s4;
	_ =	sdelay $0x1  }
0xa1: {  	s23 =	simm.s32 $0x1B8B  }
0xa2: {  	_ =	swait.ge [sflag:s23], $0x1  }
0xa3: {  	[sflag:s23] =	ssyncset.done $0x0  }
0xa4: {  	s25 =	simm.s32 $0x1B8E;
	s24 =	sld [smem:$0x3FFE];
	[sflag:s23] =	ssyncadd.s32 $0xFFFFFFFF  }
0xa5: {  	s26 =	simm.s32 $execute0_lowered;
	[smem:$0x3FD2] =	sst s25  }
0xa6: {  	s5 =	sshll.u32 s26, $0x1;
	_ =	strace $0x80000046;
	[dreg:$0x1] =	wrdreg $0xFFFFFFFF  }
0xa7: {  	s28 =	simm.s32 $_size_execute0_lowered;
	s3 =	sadd.s32 s3, s5;
	[dreg:$0x0] =	wrdreg $0x0  }
0xa8: {  	s5 =	sshll.u32 s28, $0x1;
	[dreg:$0x2] =	wrdreg s3  }
0xa9: {  	[dreg:$0x3] =	wrdreg s5  }
0xaa: {  	[dreg:$0x4] =	wrdreg $0xC0  }
0xab: {  	_ =	task [dreg:s7], $0x5FFFF  }
0xac: {  	[dreg:$0x1] =	wrdreg $0xFFFFFFFF  }
0xad: {  	[dreg:$0x0] =	wrdreg $0x60  }
0xae: {  	[dreg:$0x2] =	wrdreg s24  }
0xaf: {  	[dreg:$0x3] =	wrdreg s2  }
0xb0: {  	[dreg:$0x4] =	wrdreg $0x0  }
0xb1: {  	[dreg:$0x5] =	wrdreg $0x9  }
0xb2: {  	_ =	task.clear_ibuf [dreg:s7], $0x6FFFF;
	_ =	strace $0x90000046  }
0xb3: {  	s29 =	simm.s32 $0x9;
	_ =	strace $0x80000048  }
0xb4: {  	_ =	swait.ge [sflag:s29], $0x1  }
0xb5: {  	[sflag:s29] =	ssyncadd.s32 $0xFFFFFFFF  }
0xb6: {  	_ =	strace $0x90000048  }
0xb7: {  	_ =	sfence  }
0xb8: {  	s30 =	sld [smem:$0x0];
	_ =	sdelay $0x2  }
0xb9: {  	s31 =	sshll.u32 s1, $0xD;
	s1 =	sshrl.u32 s1, $0x2  }
0xba: {  	s3 =	sand.u32 $0x4000, s31;
	s1 =	sadd.s32 s1, s30  }
0xbb: {  	s0 =	sor.u32 s3, s0;
	s1 =	sshll.u32 s1, $0x11  }
0xbc: {  	s0 =	sor.u32 s1, s0  }
0xbd: {  	s0 =	sadd.s32 $0x8F2B, s0  }
0xbe: {  	[sflag:s0] =	ssyncadd.remote.s32 $0x1  }
0xbf: {  	_ =	sfence.sel $0xFFFF  }
0xc0: {  	[dreg:$0x0] =	wrdreg $0xFFFFFFFF;
	(pc) =	sbr.abs _section_cstart, $3  }
0xc1: {  	[dreg:$0x1] =	wrdreg $0xFFFFFFFF  }
0xc2: {  	_ =	task.clear_ibuf [dreg:s7], $0x2FFFF;
	_ =	strace $0x9FFFFFFF  }
0xc3: {  	(tm) =	ssettm $0x7FFFFFFF  }
tec
execute0_lowered:
.L_overlay_start_1:
0x0: {  	(tag) =	ssettag $0x1  }
0x1: {  	s0 =	rddreg [dreg:$0x0]  }
0x2: {  	s1 =	srdreg.scid;
	s5 =	rddreg [dreg:$0x1]  }
0x3: {  	s8 =	stileid.u32;
	s2 =	rddreg [dreg:$0x2];
	s3 =	simm.s32 $0x0  }
0x4: {  	s28 =	simm.s32 $0x1BE00;
	s29 =	simm.s32 $0x2;
	s4 =	smul.u32 $0x13C00, s8  }
0x5: {  	s31 =	simm.s32 $0x4;
	s10 =	simm.s32 $0x6;
	s6 =	smul.u32 $0x4F000, s8  }
0x6: {  	s11 =	simm.s32 $0x14900;
	s12 =	simm.s32 $0x14880;
	s15 =	smul.u32 $0x5A00, s8  }
0x7: {  	s13 =	simm.s32 $0x14A00;
	s22 =	sand.u32 $0x1, s1;
	s19 =	smul.u32 $0xB40, s8  }
0x8: {  	[smem:$0x7FF] =	sst s3;
	s8 =	simm.s32 $0x14800;
	s1 =	smul.u32 $0x13C000, s22  }
0x9: {  	_ =	strace $0x80000047;
	s14 =	ssub.s32 $0x2, s22;
	v0 =	vmov s22;
	s22 =	simm.s32 $0x14D00  }
0xa: {  	s6 =	sshrl.u32 s6, $0x2;
	s7 =	sshrl.u32 s14, $0x1;
	s1 =	sadd.s32 s4, s1  }
0xb: {  	s4 =	sadd.s32 $0x1000, s0;
	s9 =	sadd.s32 s6, s2;
	s6 =	sshrl.u32 s15, $0x3  }
0xc: {  	s15 =	simm.s32 $0x14B00;
	s16 =	sadd.s32 $0x3800, s9;
	[dreg:$0x4] =	wrdreg s9  }
0xd: {  	s1 =	sshrl.u32 s1, $0x3;
	s17 =	sadd.s32 $0x7000, s9;
	[dreg:$0x5] =	wrdreg s16  }
0xe: {  	s18 =	sadd.s32 $0xA800, s9;
	s20 =	sadd.s32 $0xE000, s9;
	[dreg:$0x6] =	wrdreg s17  }
0xf: {  	s21 =	sadd.s32 $0x11800, s9;
	s6 =	sadd.s32 s5, s6;
	[dreg:$0x7] =	wrdreg s18  }
0x10: {  	s5 =	sadd.s32 s5, s19;
	s19 =	simm.s32 $0x7;
	[dreg:$0x8] =	wrdreg s20  }
0x11: {  	s9 =	simm.s32 $0x14780;
	s0 =	sadd.s32 s1, s0;
	[dreg:$0x9] =	wrdreg s21  }
0x12: {  	s1 =	ssub.s32 s14, s7;
	[dreg:$0xa] =	wrdreg s5;
	s23 =	sadd.s32 $0x240, s6  }
0x13: {  	s24 =	sadd.s32 $0x480, s6;
	s25 =	sadd.s32 $0x6C0, s6;
	s26 =	sadd.s32 $0x900, s6  }
0x14: {  	s18 =	simm.s32 $0x14E00;
	s20 =	simm.s32 $0x13C00;
	[dreg:$0xb] =	wrdreg s23  }
0x15: {  	s21 =	simm.s32 $0x70;
	s7 =	simm.s32 $0x5;
	[dreg:$0xc] =	wrdreg s24  }
0x16: {  	s14 =	simm.s32 $0x14980;
	s16 =	simm.s32 $0x14A80;
	[dreg:$0xd] =	wrdreg s25  }
0x17: {  	s17 =	simm.s32 $0x14C00;
	s5 =	simm.s32 $0x14B80;
	[dreg:$0xe] =	wrdreg s26  }
0x18: {  	s0 =	sadd.s32 $0x4F200, s0;
	s30 =	smax.u32 s1, $0x1;
	s23 =	simm.s32 $0x18600  }
0x19: {  	s24 =	simm.s32 $0x1;
	s25 =	simm.s32 $0x14C80;
	[dreg:$0xf] =	wrdreg s0  }
0x1a: {  	v1 =	vimm.f32 $0.0e+00;
	s26 =	simm.s32 $0x14D80;
	[dreg:$0x10] =	wrdreg s30;
	s0 =	simm.s32 $0x3  }
.LBB2_1:
0x1b: {  	s1 =	simm.s32 $0x0;
	s30 =	simm.s32 $0x200  }
.LBB2_2:
0x1c: {  	p0 =	sne.s32 s30, $0xDE00;
	[tilespmem:s1+$0x14E70] =	vst v1  }
0x1d: {  	[tilespmem:s1+$0x14E00] =	vst v1  }
0x1e: {  	[tilespmem:s1+$0x14E10] =	vst v1  }
.Ltmp0:
0x1f: {  	[tilespmem:s1+$0x14E20] =	vst v1;
	(pc) =	sbr.rel @p0 .LBB2_2-.Ltmp0, $4  }
0x20: {  	[tilespmem:s1+$0x14E30] =	vst v1  }
0x21: {  	[tilespmem:s1+$0x14E40] =	vst v1  }
0x22: {  	[tilespmem:s1+$0x14E50] =	vst v1  }
0x23: {  	[tilespmem:s1+$0x14E60] =	vst v1;
	s1 =	sshra.s32 s30, $0x2;
	s30 =	sadd.s32 $0x200, s30  }
0x24: {  	[tilespmem:s1+$0x14E70] =	vst v1  }
0x25: {  	[tilespmem:s1+$0x14E00] =	vst v1  }
0x26: {  	[tilespmem:s1+$0x14E10] =	vst v1  }
0x27: {  	[tilespmem:s1+$0x14E20] =	vst v1  }
0x28: {  	[tilespmem:s1+$0x14E30] =	vst v1  }
0x29: {  	[tilespmem:s1+$0x14E40] =	vst v1  }
0x2a: {  	[tilespmem:s1+$0x14E50] =	vst v1  }
0x2b: {  	[tilespmem:s1+$0x14E60] =	vst v1;
	s6 =	rddreg [dreg:$0x4]  }
0x2c: {  	[spmem:s6] =	stream.linear.scatter [tilespmem:s18], [sflag:$0x7], $0x3800, $0x38;
	[tilespmem:$0x1F600] =	vst v63  }
0x2d: {  	_ =	swait.ge [sflag:s19], $0x3800  }
0x2e: {  	[sflag:s19] =	ssyncset.done $0x0  }
0x2f: {  	s6 =	rddreg [dreg:$0x5];
	[sflag:s19] =	ssyncadd.s32 $0xFFFFC800  }
0x30: {  	[spmem:s6] =	stream.linear.scatter [tilespmem:s18], [sflag:$0x7], $0x3800, $0x38;
	[tilespmem:$0x1F600] =	vst v63  }
0x31: {  	_ =	swait.ge [sflag:s19], $0x3800  }
0x32: {  	[sflag:s19] =	ssyncset.done $0x0  }
0x33: {  	s6 =	rddreg [dreg:$0x6];
	[sflag:s19] =	ssyncadd.s32 $0xFFFFC800  }
0x34: {  	[spmem:s6] =	stream.linear.scatter [tilespmem:s18], [sflag:$0x7], $0x3800, $0x38;
	[tilespmem:$0x1F600] =	vst v63  }
0x35: {  	_ =	swait.ge [sflag:s19], $0x3800  }
0x36: {  	[sflag:s19] =	ssyncset.done $0x0  }
0x37: {  	s6 =	rddreg [dreg:$0x7];
	[sflag:s19] =	ssyncadd.s32 $0xFFFFC800  }
0x38: {  	[spmem:s6] =	stream.linear.scatter [tilespmem:s18], [sflag:$0x7], $0x3800, $0x38;
	[tilespmem:$0x1F600] =	vst v63  }
0x39: {  	_ =	swait.ge [sflag:s19], $0x3800  }
0x3a: {  	[sflag:s19] =	ssyncset.done $0x0  }
0x3b: {  	s6 =	rddreg [dreg:$0x8];
	[sflag:s19] =	ssyncadd.s32 $0xFFFFC800  }
0x3c: {  	[spmem:s6] =	stream.linear.scatter [tilespmem:s18], [sflag:$0x7], $0x3800, $0x38;
	[tilespmem:$0x1F600] =	vst v63  }
0x3d: {  	_ =	swait.ge [sflag:s19], $0x3800  }
0x3e: {  	[sflag:s19] =	ssyncset.done $0x0  }
0x3f: {  	s6 =	rddreg [dreg:$0x9];
	[sflag:s19] =	ssyncadd.s32 $0xFFFFC800  }
0x40: {  	[spmem:s6] =	stream.linear.scatter [tilespmem:s18], [sflag:$0x7], $0x2400, $0x38;
	[tilespmem:$0x1F600] =	vst v63  }
0x41: {  	_ =	swait.ge [sflag:s19], $0x2400  }
0x42: {  	[sflag:s19] =	ssyncset.done $0x0  }
0x43: {  	[sflag:s19] =	ssyncadd.s32 $0xFFFFDC00  }
0x44: {  	[bflag:$0x0] =	sbarrier.arrive $0xFFFF  }
0x45: {  	s1 =	simm.s32 $0x0;
	s6 =	rddreg [dreg:$0xa]  }
0x46: {  	[tilespmem:s20], [sflag:$0x7] =	stream.linear.gather [hbm4b:s6+s1], $0x1200, $0x38;
	[tilespmem:$0x1F600] =	vst v63  }
0x47: {  	_ =	swait.ge [sflag:s19], $0x1200  }
0x48: {  	[sflag:s19] =	ssyncset.done $0x0  }
0x49: {  	s30 =	simm.s32 $0x0;
	[sflag:s19] =	ssyncadd.s32 $0xFFFFEE00  }
0x4a: {  	v2 =	vld [tilespmem:s30+$0x13C00]  }
0x4b: {  	v6 =	vld [tilespmem:s30+$0x13C10]  }
0x4c: {  	v5 =	vld [tilespmem:s30+$0x13C20]  }
0x4d: {  	v4 =	vld [tilespmem:s30+$0x13C30]  }
0x4e: {  	v3 =	vld [tilespmem:s30+$0x13C40]  }
0x4f: {  	s1 =	simm.s32 $0x400;
	v7 =	vshll.u32 v2, $0x1;
	v2 =	vld [tilespmem:s30+$0x13C50]  }
.LBB2_4:
0x50: {  	p0 =	sne.s32 s1, $0x4400;
	v7 =	vor.u32 v0, v7;
	v6 =	vshll.u32 v6, $0x1;
	v8 =	vld [tilespmem:s30+$0x13C60]  }
0x51: {  	s6 =	sshra.s32 s1, $0x2;
	[tilespmem:s30+$0x13C00] =	vst v7;
	v6 =	vor.u32 v0, v6;
	v5 =	vshll.u32 v5, $0x1  }
0x52: {  	v7 =	vld [tilespmem:s6+$0x13C00];
	[tilespmem:s30+$0x13C10] =	vst v6;
	v5 =	vor.u32 v0, v5;
	v4 =	vshll.u32 v4, $0x1  }
.Ltmp1:
0x53: {  	v6 =	vld [tilespmem:s6+$0x13C10];
	[tilespmem:s30+$0x13C20] =	vst v5;
	v4 =	vor.u32 v0, v4;
	v3 =	vshll.u32 v3, $0x1;
	(pc) =	sbr.rel @p0 .LBB2_4-.Ltmp1, $4  }
0x54: {  	v5 =	vld [tilespmem:s6+$0x13C20];
	[tilespmem:s30+$0x13C30] =	vst v4;
	v3 =	vor.u32 v0, v3;
	v2 =	vshll.u32 v2, $0x1  }
0x55: {  	v4 =	vld [tilespmem:s6+$0x13C30];
	[tilespmem:s30+$0x13C40] =	vst v3;
	v2 =	vor.u32 v0, v2;
	v8 =	vshll.u32 v8, $0x1  }
0x56: {  	v3 =	vld [tilespmem:s6+$0x13C40];
	[tilespmem:s30+$0x13C50] =	vst v2;
	v8 =	vor.u32 v0, v8  }
0x57: {  	s1 =	sadd.s32 $0x400, s1;
	v7 =	vshll.u32 v7, $0x1;
	v2 =	vld [tilespmem:s6+$0x13C50];
	[tilespmem:s30+$0x13C60] =	vst v8;
	s30 =	smov.u32 s6  }
0x58: {  	v7 =	vor.u32 v0, v7;
	v6 =	vshll.u32 v6, $0x1;
	v8 =	vld [tilespmem:s30+$0x13C60]  }
0x59: {  	[tilespmem:s30+$0x13C00] =	vst v7;
	v6 =	vor.u32 v0, v6;
	v5 =	vshll.u32 v5, $0x1  }
0x5a: {  	[tilespmem:s30+$0x13C10] =	vst v6;
	v5 =	vor.u32 v0, v5;
	v4 =	vshll.u32 v4, $0x1  }
0x5b: {  	[tilespmem:s30+$0x13C20] =	vst v5;
	v4 =	vor.u32 v0, v4;
	v3 =	vshll.u32 v3, $0x1  }
0x5c: {  	[tilespmem:s30+$0x13C30] =	vst v4;
	v3 =	vor.u32 v0, v3;
	v2 =	vshll.u32 v2, $0x1  }
0x5d: {  	[tilespmem:s30+$0x13C40] =	vst v3;
	v2 =	vor.u32 v0, v2;
	v3 =	vshll.u32 v8, $0x1  }
0x5e: {  	[tilespmem:s30+$0x13C50] =	vst v2;
	v2 =	vor.u32 v0, v3  }
0x5f: {  	[tilespmem:s30+$0x13C60] =	vst v2  }
0x60: {  	[tilespmem:s18], [sflag:$0x1] =	stream.indirect.gather [hbm4b:s4+s21], $0x80, s20, s21, $0xb8;
	[tilespmem:$0x1F600] =	vst v63  }
0x61: {  	s1 =	simm.s32 $0x13D00  }
0x62: {  	[tilespmem:s23], [sflag:$0x2] =	stream.indirect.gather [hbm4b:s4+s21], $0x80, s1, s21, $0xb8;
	[tilespmem:$0x1F600] =	vst v63  }
0x63: {  	_ =	swait.ge [sflag:s24], $0x3800  }
0x64: {  	[sflag:s24] =	ssyncset.done $0x0  }
0x65: {  	s6 =	simm.s32 $0x13C80;
	[sflag:s24] =	ssyncadd.s32 $0xFFFFC800  }
0x66: {  	[spmem:s2] =	stream.indirect.scatter.add.f32 [tilespmem:s18], [sflag:$0x4], $0x80, s6, s21, $0xb8;
	[tilespmem:$0x1F600] =	vst v63  }
0x67: {  	s6 =	simm.s32 $0x13E00  }
0x68: {  	[tilespmem:s28], [sflag:$0x3] =	stream.indirect.gather [hbm4b:s4+s21], $0x80, s6, s21, $0xb8;
	[tilespmem:$0x1F600] =	vst v63  }
0x69: {  	_ =	swait.ge [sflag:s29], $0x3800  }
0x6a: {  	[sflag:s29] =	ssyncset.done $0x0  }
0x6b: {  	s6 =	simm.s32 $0x13D80;
	[sflag:s29] =	ssyncadd.s32 $0xFFFFC800  }
0x6c: {  	[spmem:s2] =	stream.indirect.scatter.add.f32 [tilespmem:s23], [sflag:$0x5], $0x80, s6, s21, $0xb8;
	[tilespmem:$0x1F600] =	vst v63  }
0x6d: {  	_ =	swait.ge [sflag:s31], $0x3800  }
0x6e: {  	[sflag:s31] =	ssyncset.done $0x0  }
0x6f: {  	s6 =	simm.s32 $0x13F00;
	[sflag:s31] =	ssyncadd.s32 $0xFFFFC800  }
0x70: {  	[tilespmem:s18], [sflag:$0x1] =	stream.indirect.gather [hbm4b:s4+s21], $0x80, s6, s21, $0xb8;
	[tilespmem:$0x1F600] =	vst v63  }
0x71: {  	_ =	swait.ge [sflag:s0], $0x3800  }
0x72: {  	[sflag:s0] =	ssyncset.done $0x0  }
0x73: {  	s6 =	simm.s32 $0x13E80;
	[sflag:s0] =	ssyncadd.s32 $0xFFFFC800  }
0x74: {  	[spmem:s2] =	stream.indirect.scatter.add.f32 [tilespmem:s28], [sflag:$0x6], $0x80, s6, s21, $0xb8;
	[tilespmem:$0x1F600] =	vst v63  }
0x75: {  	_ =	swait.ge [sflag:s7], $0x3800  }
0x76: {  	[sflag:s7] =	ssyncset.done $0x0  }
0x77: {  	s6 =	simm.s32 $0x14000;
	[sflag:s7] =	ssyncadd.s32 $0xFFFFC800  }
0x78: {  	[tilespmem:s23], [sflag:$0x2] =	stream.indirect.gather [hbm4b:s4+s21], $0x80, s6, s21, $0xb8;
	[tilespmem:$0x1F600] =	vst v63  }
0x79: {  	_ =	swait.ge [sflag:s24], $0x3800  }
0x7a: {  	[sflag:s24] =	ssyncset.done $0x0  }
0x7b: {  	s6 =	simm.s32 $0x13F80;
	[sflag:s24] =	ssyncadd.s32 $0xFFFFC800  }
0x7c: {  	[spmem:s2] =	stream.indirect.scatter.add.f32 [tilespmem:s18], [sflag:$0x4], $0x80, s6, s21, $0xb8;
	[tilespmem:$0x1F600] =	vst v63  }
0x7d: {  	_ =	swait.ge [sflag:s10], $0x3800  }
0x7e: {  	[sflag:s10] =	ssyncset.done $0x0  }
0x7f: {  	s6 =	simm.s32 $0x14100;
	[sflag:s10] =	ssyncadd.s32 $0xFFFFC800  }
0x80: {  	[tilespmem:s28], [sflag:$0x3] =	stream.indirect.gather [hbm4b:s4+s21], $0x80, s6, s21, $0xb8;
	[tilespmem:$0x1F600] =	vst v63  }
0x81: {  	_ =	swait.ge [sflag:s29], $0x3800  }
0x82: {  	[sflag:s29] =	ssyncset.done $0x0  }
0x83: {  	s6 =	simm.s32 $0x14080;
	[sflag:s29] =	ssyncadd.s32 $0xFFFFC800  }
0x84: {  	[spmem:s2] =	stream.indirect.scatter.add.f32 [tilespmem:s23], [sflag:$0x5], $0x80, s6, s21, $0xb8;
	[tilespmem:$0x1F600] =	vst v63  }
0x85: {  	_ =	swait.ge [sflag:s31], $0x3800  }
0x86: {  	[sflag:s31] =	ssyncset.done $0x0  }
0x87: {  	s6 =	simm.s32 $0x14200;
	[sflag:s31] =	ssyncadd.s32 $0xFFFFC800  }
0x88: {  	[tilespmem:s18], [sflag:$0x1] =	stream.indirect.gather [hbm4b:s4+s21], $0x80, s6, s21, $0xb8;
	[tilespmem:$0x1F600] =	vst v63  }
0x89: {  	_ =	swait.ge [sflag:s0], $0x3800  }
0x8a: {  	[sflag:s0] =	ssyncset.done $0x0  }
0x8b: {  	s6 =	simm.s32 $0x14180;
	[sflag:s0] =	ssyncadd.s32 $0xFFFFC800  }
0x8c: {  	[spmem:s2] =	stream.indirect.scatter.add.f32 [tilespmem:s28], [sflag:$0x6], $0x80, s6, s21, $0xb8;
	[tilespmem:$0x1F600] =	vst v63  }
0x8d: {  	_ =	swait.ge [sflag:s7], $0x3800  }
0x8e: {  	[sflag:s7] =	ssyncset.done $0x0  }
0x8f: {  	s6 =	simm.s32 $0x14300;
	[sflag:s7] =	ssyncadd.s32 $0xFFFFC800  }
0x90: {  	[tilespmem:s23], [sflag:$0x2] =	stream.indirect.gather [hbm4b:s4+s21], $0x80, s6, s21, $0xb8;
	[tilespmem:$0x1F600] =	vst v63  }
0x91: {  	_ =	swait.ge [sflag:s24], $0x3800  }
0x92: {  	[sflag:s24] =	ssyncset.done $0x0  }
0x93: {  	s6 =	simm.s32 $0x14280;
	[sflag:s24] =	ssyncadd.s32 $0xFFFFC800  }
0x94: {  	[spmem:s2] =	stream.indirect.scatter.add.f32 [tilespmem:s18], [sflag:$0x4], $0x80, s6, s21, $0xb8;
	[tilespmem:$0x1F600] =	vst v63  }
0x95: {  	_ =	swait.ge [sflag:s10], $0x3800  }
0x96: {  	[sflag:s10] =	ssyncset.done $0x0  }
0x97: {  	s6 =	simm.s32 $0x14400;
	[sflag:s10] =	ssyncadd.s32 $0xFFFFC800  }
0x98: {  	[tilespmem:s28], [sflag:$0x3] =	stream.indirect.gather [hbm4b:s4+s21], $0x80, s6, s21, $0xb8;
	[tilespmem:$0x1F600] =	vst v63  }
0x99: {  	_ =	swait.ge [sflag:s29], $0x3800  }
0x9a: {  	[sflag:s29] =	ssyncset.done $0x0  }
0x9b: {  	s6 =	simm.s32 $0x14380;
	[sflag:s29] =	ssyncadd.s32 $0xFFFFC800  }
0x9c: {  	[spmem:s2] =	stream.indirect.scatter.add.f32 [tilespmem:s23], [sflag:$0x5], $0x80, s6, s21, $0xb8;
	[tilespmem:$0x1F600] =	vst v63  }
0x9d: {  	_ =	swait.ge [sflag:s31], $0x3800  }
0x9e: {  	[sflag:s31] =	ssyncset.done $0x0  }
0x9f: {  	s6 =	simm.s32 $0x14500;
	[sflag:s31] =	ssyncadd.s32 $0xFFFFC800  }
0xa0: {  	[tilespmem:s18], [sflag:$0x1] =	stream.indirect.gather [hbm4b:s4+s21], $0x80, s6, s21, $0xb8;
	[tilespmem:$0x1F600] =	vst v63  }
0xa1: {  	_ =	swait.ge [sflag:s0], $0x3800  }
0xa2: {  	[sflag:s0] =	ssyncset.done $0x0  }
0xa3: {  	s6 =	simm.s32 $0x14480;
	[sflag:s0] =	ssyncadd.s32 $0xFFFFC800  }
0xa4: {  	[spmem:s2] =	stream.indirect.scatter.add.f32 [tilespmem:s28], [sflag:$0x6], $0x80, s6, s21, $0xb8;
	[tilespmem:$0x1F600] =	vst v63  }
0xa5: {  	_ =	swait.ge [sflag:s7], $0x3800  }
0xa6: {  	[sflag:s7] =	ssyncset.done $0x0  }
0xa7: {  	s6 =	simm.s32 $0x14600;
	[sflag:s7] =	ssyncadd.s32 $0xFFFFC800  }
0xa8: {  	[tilespmem:s23], [sflag:$0x2] =	stream.indirect.gather [hbm4b:s4+s21], $0x80, s6, s21, $0xb8;
	[tilespmem:$0x1F600] =	vst v63  }
0xa9: {  	_ =	swait.ge [sflag:s24], $0x3800  }
0xaa: {  	[sflag:s24] =	ssyncset.done $0x0  }
0xab: {  	s6 =	simm.s32 $0x14580;
	[sflag:s24] =	ssyncadd.s32 $0xFFFFC800  }
0xac: {  	[spmem:s2] =	stream.indirect.scatter.add.f32 [tilespmem:s18], [sflag:$0x4], $0x80, s6, s21, $0xb8;
	[tilespmem:$0x1F600] =	vst v63  }
0xad: {  	_ =	swait.ge [sflag:s10], $0x3800  }
0xae: {  	[sflag:s10] =	ssyncset.done $0x0  }
0xaf: {  	s6 =	simm.s32 $0x14700;
	[sflag:s10] =	ssyncadd.s32 $0xFFFFC800  }
0xb0: {  	[tilespmem:s28], [sflag:$0x3] =	stream.indirect.gather [hbm4b:s4+s21], $0x80, s6, s21, $0xb8;
	[tilespmem:$0x1F600] =	vst v63  }
0xb1: {  	_ =	swait.ge [sflag:s29], $0x3800  }
0xb2: {  	[sflag:s29] =	ssyncset.done $0x0  }
0xb3: {  	s6 =	simm.s32 $0x14680;
	[sflag:s29] =	ssyncadd.s32 $0xFFFFC800  }
0xb4: {  	[spmem:s2] =	stream.indirect.scatter.add.f32 [tilespmem:s23], [sflag:$0x5], $0x80, s6, s21, $0xb8;
	[tilespmem:$0x1F600] =	vst v63  }
0xb5: {  	_ =	swait.ge [sflag:s31], $0x3800  }
0xb6: {  	[sflag:s31] =	ssyncset.done $0x0  }
0xb7: {  	[sflag:s31] =	ssyncadd.s32 $0xFFFFC800  }
0xb8: {  	[tilespmem:s18], [sflag:$0x1] =	stream.indirect.gather [hbm4b:s4+s21], $0x80, s8, s21, $0xb8;
	[tilespmem:$0x1F600] =	vst v63  }
0xb9: {  	_ =	swait.ge [sflag:s0], $0x3800  }
0xba: {  	[sflag:s0] =	ssyncset.done $0x0  }
0xbb: {  	[sflag:s0] =	ssyncadd.s32 $0xFFFFC800  }
0xbc: {  	[spmem:s2] =	stream.indirect.scatter.add.f32 [tilespmem:s28], [sflag:$0x6], $0x80, s9, s21, $0xb8;
	[tilespmem:$0x1F600] =	vst v63  }
0xbd: {  	_ =	swait.ge [sflag:s7], $0x3800  }
0xbe: {  	[sflag:s7] =	ssyncset.done $0x0  }
0xbf: {  	[sflag:s7] =	ssyncadd.s32 $0xFFFFC800  }
0xc0: {  	[tilespmem:s23], [sflag:$0x2] =	stream.indirect.gather [hbm4b:s4+s21], $0x80, s11, s21, $0xb8;
	[tilespmem:$0x1F600] =	vst v63  }
0xc1: {  	_ =	swait.ge [sflag:s24], $0x3800  }
0xc2: {  	[sflag:s24] =	ssyncset.done $0x0  }
0xc3: {  	[sflag:s24] =	ssyncadd.s32 $0xFFFFC800  }
0xc4: {  	[spmem:s2] =	stream.indirect.scatter.add.f32 [tilespmem:s18], [sflag:$0x4], $0x80, s12, s21, $0xb8;
	[tilespmem:$0x1F600] =	vst v63  }
0xc5: {  	_ =	swait.ge [sflag:s10], $0x3800  }
0xc6: {  	[sflag:s10] =	ssyncset.done $0x0  }
0xc7: {  	[sflag:s10] =	ssyncadd.s32 $0xFFFFC800  }
0xc8: {  	[tilespmem:s28], [sflag:$0x3] =	stream.indirect.gather [hbm4b:s4+s21], $0x80, s13, s21, $0xb8;
	[tilespmem:$0x1F600] =	vst v63  }
0xc9: {  	_ =	swait.ge [sflag:s29], $0x3800  }
0xca: {  	[sflag:s29] =	ssyncset.done $0x0  }
0xcb: {  	[sflag:s29] =	ssyncadd.s32 $0xFFFFC800  }
0xcc: {  	[spmem:s2] =	stream.indirect.scatter.add.f32 [tilespmem:s23], [sflag:$0x5], $0x80, s14, s21, $0xb8;
	[tilespmem:$0x1F600] =	vst v63  }
0xcd: {  	_ =	swait.ge [sflag:s31], $0x3800  }
0xce: {  	[sflag:s31] =	ssyncset.done $0x0  }
0xcf: {  	[sflag:s31] =	ssyncadd.s32 $0xFFFFC800  }
0xd0: {  	[tilespmem:s18], [sflag:$0x1] =	stream.indirect.gather [hbm4b:s4+s21], $0x80, s15, s21, $0xb8;
	[tilespmem:$0x1F600] =	vst v63  }
0xd1: {  	_ =	swait.ge [sflag:s0], $0x3800  }
0xd2: {  	[sflag:s0] =	ssyncset.done $0x0  }
0xd3: {  	[sflag:s0] =	ssyncadd.s32 $0xFFFFC800  }
0xd4: {  	[spmem:s2] =	stream.indirect.scatter.add.f32 [tilespmem:s28], [sflag:$0x6], $0x80, s16, s21, $0xb8;
	[tilespmem:$0x1F600] =	vst v63  }
0xd5: {  	_ =	swait.ge [sflag:s7], $0x3800  }
0xd6: {  	[sflag:s7] =	ssyncset.done $0x0  }
0xd7: {  	[sflag:s7] =	ssyncadd.s32 $0xFFFFC800  }
0xd8: {  	[tilespmem:s23], [sflag:$0x2] =	stream.indirect.gather [hbm4b:s4+s21], $0x80, s17, s21, $0xb8;
	[tilespmem:$0x1F600] =	vst v63  }
0xd9: {  	_ =	swait.ge [sflag:s24], $0x3800  }
0xda: {  	[sflag:s24] =	ssyncset.done $0x0  }
0xdb: {  	[sflag:s24] =	ssyncadd.s32 $0xFFFFC800  }
0xdc: {  	[spmem:s2] =	stream.indirect.scatter.add.f32 [tilespmem:s18], [sflag:$0x4], $0x80, s5, s21, $0xb8;
	[tilespmem:$0x1F600] =	vst v63  }
0xdd: {  	_ =	swait.ge [sflag:s10], $0x3800  }
0xde: {  	[sflag:s10] =	ssyncset.done $0x0  }
0xdf: {  	[sflag:s10] =	ssyncadd.s32 $0xFFFFC800  }
0xe0: {  	[tilespmem:s28], [sflag:$0x3] =	stream.indirect.gather [hbm4b:s4+s21], $0x80, s22, s21, $0xb8;
	[tilespmem:$0x1F600] =	vst v63  }
0xe1: {  	_ =	swait.ge [sflag:s29], $0x3800  }
0xe2: {  	[sflag:s29] =	ssyncset.done $0x0  }
0xe3: {  	[sflag:s29] =	ssyncadd.s32 $0xFFFFC800  }
0xe4: {  	[spmem:s2] =	stream.indirect.scatter.add.f32 [tilespmem:s23], [sflag:$0x5], $0x80, s25, s21, $0xb8;
	[tilespmem:$0x1F600] =	vst v63  }
0xe5: {  	_ =	swait.ge [sflag:s31], $0x3800  }
0xe6: {  	[sflag:s31] =	ssyncset.done $0x0  }
0xe7: {  	[sflag:s31] =	ssyncadd.s32 $0xFFFFC800  }
0xe8: {  	_ =	swait.ge [sflag:s0], $0x3800  }
0xe9: {  	[sflag:s0] =	ssyncset.done $0x0  }
0xea: {  	[sflag:s0] =	ssyncadd.s32 $0xFFFFC800  }
0xeb: {  	[spmem:s2] =	stream.indirect.scatter.add.f32 [tilespmem:s28], [sflag:$0x6], $0x80, s26, s21, $0xb8;
	[tilespmem:$0x1F600] =	vst v63  }
0xec: {  	_ =	swait.ge [sflag:s7], $0x3800  }
0xed: {  	[sflag:s7] =	ssyncset.done $0x0  }
0xee: {  	[sflag:s7] =	ssyncadd.s32 $0xFFFFC800  }
0xef: {  	_ =	swait.ge [sflag:s10], $0x3800  }
0xf0: {  	[sflag:s10] =	ssyncset.done $0x0  }
0xf1: {  	s1 =	simm.s32 $0x0;
	s6 =	rddreg [dreg:$0xb];
	[sflag:s10] =	ssyncadd.s32 $0xFFFFC800  }
0xf2: {  	[tilespmem:s20], [sflag:$0x7] =	stream.linear.gather [hbm4b:s6+s1], $0x1200, $0x38;
	[tilespmem:$0x1F600] =	vst v63  }
0xf3: {  	_ =	swait.ge [sflag:s19], $0x1200  }
0xf4: {  	[sflag:s19] =	ssyncset.done $0x0  }
0xf5: {  	s30 =	simm.s32 $0x0;
	[sflag:s19] =	ssyncadd.s32 $0xFFFFEE00  }
0xf6: {  	v2 =	vld [tilespmem:s30+$0x13C00]  }
0xf7: {  	v6 =	vld [tilespmem:s30+$0x13C10]  }
0xf8: {  	v5 =	vld [tilespmem:s30+$0x13C20]  }
0xf9: {  	v4 =	vld [tilespmem:s30+$0x13C30]  }
0xfa: {  	v3 =	vld [tilespmem:s30+$0x13C40]  }
0xfb: {  	s1 =	simm.s32 $0x400;
	v7 =	vshll.u32 v2, $0x1;
	v2 =	vld [tilespmem:s30+$0x13C50]  }
.LBB2_6:
0xfc: {  	p0 =	sne.s32 s1, $0x4400;
	v7 =	vor.u32 v0, v7;
	v6 =	vshll.u32 v6, $0x1;
	v8 =	vld [tilespmem:s30+$0x13C60]  }
0xfd: {  	s6 =	sshra.s32 s1, $0x2;
	[tilespmem:s30+$0x13C00] =	vst v7;
	v6 =	vor.u32 v0, v6;
	v5 =	vshll.u32 v5, $0x1  }
0xfe: {  	v7 =	vld [tilespmem:s6+$0x13C00];
	[tilespmem:s30+$0x13C10] =	vst v6;
	v5 =	vor.u32 v0, v5;
	v4 =	vshll.u32 v4, $0x1  }
.Ltmp2:
0xff: {  	v6 =	vld [tilespmem:s6+$0x13C10];
	[tilespmem:s30+$0x13C20] =	vst v5;
	v4 =	vor.u32 v0, v4;
	v3 =	vshll.u32 v3, $0x1;
	(pc) =	sbr.rel @p0 .LBB2_6-.Ltmp2, $4  }
0x100: {  	v5 =	vld [tilespmem:s6+$0x13C20];
	[tilespmem:s30+$0x13C30] =	vst v4;
	v3 =	vor.u32 v0, v3;
	v2 =	vshll.u32 v2, $0x1  }
0x101: {  	v4 =	vld [tilespmem:s6+$0x13C30];
	[tilespmem:s30+$0x13C40] =	vst v3;
	v2 =	vor.u32 v0, v2;
	v8 =	vshll.u32 v8, $0x1  }
0x102: {  	v3 =	vld [tilespmem:s6+$0x13C40];
	[tilespmem:s30+$0x13C50] =	vst v2;
	v8 =	vor.u32 v0, v8  }
0x103: {  	s1 =	sadd.s32 $0x400, s1;
	v7 =	vshll.u32 v7, $0x1;
	v2 =	vld [tilespmem:s6+$0x13C50];
	[tilespmem:s30+$0x13C60] =	vst v8;
	s30 =	smov.u32 s6  }
0x104: {  	v7 =	vor.u32 v0, v7;
	v6 =	vshll.u32 v6, $0x1;
	v8 =	vld [tilespmem:s30+$0x13C60]  }
0x105: {  	[tilespmem:s30+$0x13C00] =	vst v7;
	v6 =	vor.u32 v0, v6;
	v5 =	vshll.u32 v5, $0x1  }
0x106: {  	[tilespmem:s30+$0x13C10] =	vst v6;
	v5 =	vor.u32 v0, v5;
	v4 =	vshll.u32 v4, $0x1  }
0x107: {  	[tilespmem:s30+$0x13C20] =	vst v5;
	v4 =	vor.u32 v0, v4;
	v3 =	vshll.u32 v3, $0x1  }
0x108: {  	[tilespmem:s30+$0x13C30] =	vst v4;
	v3 =	vor.u32 v0, v3;
	v2 =	vshll.u32 v2, $0x1  }
0x109: {  	[tilespmem:s30+$0x13C40] =	vst v3;
	v2 =	vor.u32 v0, v2;
	v3 =	vshll.u32 v8, $0x1  }
0x10a: {  	[tilespmem:s30+$0x13C50] =	vst v2;
	v2 =	vor.u32 v0, v3  }
0x10b: {  	[tilespmem:s30+$0x13C60] =	vst v2  }
0x10c: {  	[tilespmem:s18], [sflag:$0x1] =	stream.indirect.gather [hbm4b:s4+s21], $0x80, s20, s21, $0xb8;
	[tilespmem:$0x1F600] =	vst v63  }
0x10d: {  	s1 =	simm.s32 $0x13D00  }
0x10e: {  	[tilespmem:s23], [sflag:$0x2] =	stream.indirect.gather [hbm4b:s4+s21], $0x80, s1, s21, $0xb8;
	[tilespmem:$0x1F600] =	vst v63  }
0x10f: {  	_ =	swait.ge [sflag:s24], $0x3800  }
0x110: {  	[sflag:s24] =	ssyncset.done $0x0  }
0x111: {  	s6 =	simm.s32 $0x13C80;
	[sflag:s24] =	ssyncadd.s32 $0xFFFFC800  }
0x112: {  	[spmem:s2] =	stream.indirect.scatter.add.f32 [tilespmem:s18], [sflag:$0x4], $0x80, s6, s21, $0xb8;
	[tilespmem:$0x1F600] =	vst v63  }
0x113: {  	s6 =	simm.s32 $0x13E00  }
0x114: {  	[tilespmem:s28], [sflag:$0x3] =	stream.indirect.gather [hbm4b:s4+s21], $0x80, s6, s21, $0xb8;
	[tilespmem:$0x1F600] =	vst v63  }
0x115: {  	_ =	swait.ge [sflag:s29], $0x3800  }
0x116: {  	[sflag:s29] =	ssyncset.done $0x0  }
0x117: {  	s6 =	simm.s32 $0x13D80;
	[sflag:s29] =	ssyncadd.s32 $0xFFFFC800  }
0x118: {  	[spmem:s2] =	stream.indirect.scatter.add.f32 [tilespmem:s23], [sflag:$0x5], $0x80, s6, s21, $0xb8;
	[tilespmem:$0x1F600] =	vst v63  }
0x119: {  	_ =	swait.ge [sflag:s31], $0x3800  }
0x11a: {  	[sflag:s31] =	ssyncset.done $0x0  }
0x11b: {  	s6 =	simm.s32 $0x13F00;
	[sflag:s31] =	ssyncadd.s32 $0xFFFFC800  }
0x11c: {  	[tilespmem:s18], [sflag:$0x1] =	stream.indirect.gather [hbm4b:s4+s21], $0x80, s6, s21, $0xb8;
	[tilespmem:$0x1F600] =	vst v63  }
0x11d: {  	_ =	swait.ge [sflag:s0], $0x3800  }
0x11e: {  	[sflag:s0] =	ssyncset.done $0x0  }
0x11f: {  	s6 =	simm.s32 $0x13E80;
	[sflag:s0] =	ssyncadd.s32 $0xFFFFC800  }
0x120: {  	[spmem:s2] =	stream.indirect.scatter.add.f32 [tilespmem:s28], [sflag:$0x6], $0x80, s6, s21, $0xb8;
	[tilespmem:$0x1F600] =	vst v63  }
0x121: {  	_ =	swait.ge [sflag:s7], $0x3800  }
0x122: {  	[sflag:s7] =	ssyncset.done $0x0  }
0x123: {  	s6 =	simm.s32 $0x14000;
	[sflag:s7] =	ssyncadd.s32 $0xFFFFC800  }
0x124: {  	[tilespmem:s23], [sflag:$0x2] =	stream.indirect.gather [hbm4b:s4+s21], $0x80, s6, s21, $0xb8;
	[tilespmem:$0x1F600] =	vst v63  }
0x125: {  	_ =	swait.ge [sflag:s24], $0x3800  }
0x126: {  	[sflag:s24] =	ssyncset.done $0x0  }
0x127: {  	s6 =	simm.s32 $0x13F80;
	[sflag:s24] =	ssyncadd.s32 $0xFFFFC800  }
0x128: {  	[spmem:s2] =	stream.indirect.scatter.add.f32 [tilespmem:s18], [sflag:$0x4], $0x80, s6, s21, $0xb8;
	[tilespmem:$0x1F600] =	vst v63  }
0x129: {  	_ =	swait.ge [sflag:s10], $0x3800  }
0x12a: {  	[sflag:s10] =	ssyncset.done $0x0  }
0x12b: {  	s6 =	simm.s32 $0x14100;
	[sflag:s10] =	ssyncadd.s32 $0xFFFFC800  }
0x12c: {  	[tilespmem:s28], [sflag:$0x3] =	stream.indirect.gather [hbm4b:s4+s21], $0x80, s6, s21, $0xb8;
	[tilespmem:$0x1F600] =	vst v63  }
0x12d: {  	_ =	swait.ge [sflag:s29], $0x3800  }
0x12e: {  	[sflag:s29] =	ssyncset.done $0x0  }
0x12f: {  	s6 =	simm.s32 $0x14080;
	[sflag:s29] =	ssyncadd.s32 $0xFFFFC800  }
0x130: {  	[spmem:s2] =	stream.indirect.scatter.add.f32 [tilespmem:s23], [sflag:$0x5], $0x80, s6, s21, $0xb8;
	[tilespmem:$0x1F600] =	vst v63  }
0x131: {  	_ =	swait.ge [sflag:s31], $0x3800  }
0x132: {  	[sflag:s31] =	ssyncset.done $0x0  }
0x133: {  	s6 =	simm.s32 $0x14200;
	[sflag:s31] =	ssyncadd.s32 $0xFFFFC800  }
0x134: {  	[tilespmem:s18], [sflag:$0x1] =	stream.indirect.gather [hbm4b:s4+s21], $0x80, s6, s21, $0xb8;
	[tilespmem:$0x1F600] =	vst v63  }
0x135: {  	_ =	swait.ge [sflag:s0], $0x3800  }
0x136: {  	[sflag:s0] =	ssyncset.done $0x0  }
0x137: {  	s6 =	simm.s32 $0x14180;
	[sflag:s0] =	ssyncadd.s32 $0xFFFFC800  }
0x138: {  	[spmem:s2] =	stream.indirect.scatter.add.f32 [tilespmem:s28], [sflag:$0x6], $0x80, s6, s21, $0xb8;
	[tilespmem:$0x1F600] =	vst v63  }
0x139: {  	_ =	swait.ge [sflag:s7], $0x3800  }
0x13a: {  	[sflag:s7] =	ssyncset.done $0x0  }
0x13b: {  	s6 =	simm.s32 $0x14300;
	[sflag:s7] =	ssyncadd.s32 $0xFFFFC800  }
0x13c: {  	[tilespmem:s23], [sflag:$0x2] =	stream.indirect.gather [hbm4b:s4+s21], $0x80, s6, s21, $0xb8;
	[tilespmem:$0x1F600] =	vst v63  }
0x13d: {  	_ =	swait.ge [sflag:s24], $0x3800  }
0x13e: {  	[sflag:s24] =	ssyncset.done $0x0  }
0x13f: {  	s6 =	simm.s32 $0x14280;
	[sflag:s24] =	ssyncadd.s32 $0xFFFFC800  }
0x140: {  	[spmem:s2] =	stream.indirect.scatter.add.f32 [tilespmem:s18], [sflag:$0x4], $0x80, s6, s21, $0xb8;
	[tilespmem:$0x1F600] =	vst v63  }
0x141: {  	_ =	swait.ge [sflag:s10], $0x3800  }
0x142: {  	[sflag:s10] =	ssyncset.done $0x0  }
0x143: {  	s6 =	simm.s32 $0x14400;
	[sflag:s10] =	ssyncadd.s32 $0xFFFFC800  }
0x144: {  	[tilespmem:s28], [sflag:$0x3] =	stream.indirect.gather [hbm4b:s4+s21], $0x80, s6, s21, $0xb8;
	[tilespmem:$0x1F600] =	vst v63  }
0x145: {  	_ =	swait.ge [sflag:s29], $0x3800  }
0x146: {  	[sflag:s29] =	ssyncset.done $0x0  }
0x147: {  	s6 =	simm.s32 $0x14380;
	[sflag:s29] =	ssyncadd.s32 $0xFFFFC800  }
0x148: {  	[spmem:s2] =	stream.indirect.scatter.add.f32 [tilespmem:s23], [sflag:$0x5], $0x80, s6, s21, $0xb8;
	[tilespmem:$0x1F600] =	vst v63  }
0x149: {  	_ =	swait.ge [sflag:s31], $0x3800  }
0x14a: {  	[sflag:s31] =	ssyncset.done $0x0  }
0x14b: {  	s6 =	simm.s32 $0x14500;
	[sflag:s31] =	ssyncadd.s32 $0xFFFFC800  }
0x14c: {  	[tilespmem:s18], [sflag:$0x1] =	stream.indirect.gather [hbm4b:s4+s21], $0x80, s6, s21, $0xb8;
	[tilespmem:$0x1F600] =	vst v63  }
0x14d: {  	_ =	swait.ge [sflag:s0], $0x3800  }
0x14e: {  	[sflag:s0] =	ssyncset.done $0x0  }
0x14f: {  	s6 =	simm.s32 $0x14480;
	[sflag:s0] =	ssyncadd.s32 $0xFFFFC800  }
0x150: {  	[spmem:s2] =	stream.indirect.scatter.add.f32 [tilespmem:s28], [sflag:$0x6], $0x80, s6, s21, $0xb8;
	[tilespmem:$0x1F600] =	vst v63  }
0x151: {  	_ =	swait.ge [sflag:s7], $0x3800  }
0x152: {  	[sflag:s7] =	ssyncset.done $0x0  }
0x153: {  	s6 =	simm.s32 $0x14600;
	[sflag:s7] =	ssyncadd.s32 $0xFFFFC800  }
0x154: {  	[tilespmem:s23], [sflag:$0x2] =	stream.indirect.gather [hbm4b:s4+s21], $0x80, s6, s21, $0xb8;
	[tilespmem:$0x1F600] =	vst v63  }
0x155: {  	_ =	swait.ge [sflag:s24], $0x3800  }
0x156: {  	[sflag:s24] =	ssyncset.done $0x0  }
0x157: {  	s6 =	simm.s32 $0x14580;
	[sflag:s24] =	ssyncadd.s32 $0xFFFFC800  }
0x158: {  	[spmem:s2] =	stream.indirect.scatter.add.f32 [tilespmem:s18], [sflag:$0x4], $0x80, s6, s21, $0xb8;
	[tilespmem:$0x1F600] =	vst v63  }
0x159: {  	_ =	swait.ge [sflag:s10], $0x3800  }
0x15a: {  	[sflag:s10] =	ssyncset.done $0x0  }
0x15b: {  	s6 =	simm.s32 $0x14700;
	[sflag:s10] =	ssyncadd.s32 $0xFFFFC800  }
0x15c: {  	[tilespmem:s28], [sflag:$0x3] =	stream.indirect.gather [hbm4b:s4+s21], $0x80, s6, s21, $0xb8;
	[tilespmem:$0x1F600] =	vst v63  }
0x15d: {  	_ =	swait.ge [sflag:s29], $0x3800  }
0x15e: {  	[sflag:s29] =	ssyncset.done $0x0  }
0x15f: {  	s6 =	simm.s32 $0x14680;
	[sflag:s29] =	ssyncadd.s32 $0xFFFFC800  }
0x160: {  	[spmem:s2] =	stream.indirect.scatter.add.f32 [tilespmem:s23], [sflag:$0x5], $0x80, s6, s21, $0xb8;
	[tilespmem:$0x1F600] =	vst v63  }
0x161: {  	_ =	swait.ge [sflag:s31], $0x3800  }
0x162: {  	[sflag:s31] =	ssyncset.done $0x0  }
0x163: {  	[sflag:s31] =	ssyncadd.s32 $0xFFFFC800  }
0x164: {  	[tilespmem:s18], [sflag:$0x1] =	stream.indirect.gather [hbm4b:s4+s21], $0x80, s8, s21, $0xb8;
	[tilespmem:$0x1F600] =	vst v63  }
0x165: {  	_ =	swait.ge [sflag:s0], $0x3800  }
0x166: {  	[sflag:s0] =	ssyncset.done $0x0  }
0x167: {  	[sflag:s0] =	ssyncadd.s32 $0xFFFFC800  }
0x168: {  	[spmem:s2] =	stream.indirect.scatter.add.f32 [tilespmem:s28], [sflag:$0x6], $0x80, s9, s21, $0xb8;
	[tilespmem:$0x1F600] =	vst v63  }
0x169: {  	_ =	swait.ge [sflag:s7], $0x3800  }
0x16a: {  	[sflag:s7] =	ssyncset.done $0x0  }
0x16b: {  	[sflag:s7] =	ssyncadd.s32 $0xFFFFC800  }
0x16c: {  	[tilespmem:s23], [sflag:$0x2] =	stream.indirect.gather [hbm4b:s4+s21], $0x80, s11, s21, $0xb8;
	[tilespmem:$0x1F600] =	vst v63  }
0x16d: {  	_ =	swait.ge [sflag:s24], $0x3800  }
0x16e: {  	[sflag:s24] =	ssyncset.done $0x0  }
0x16f: {  	[sflag:s24] =	ssyncadd.s32 $0xFFFFC800  }
0x170: {  	[spmem:s2] =	stream.indirect.scatter.add.f32 [tilespmem:s18], [sflag:$0x4], $0x80, s12, s21, $0xb8;
	[tilespmem:$0x1F600] =	vst v63  }
0x171: {  	_ =	swait.ge [sflag:s10], $0x3800  }
0x172: {  	[sflag:s10] =	ssyncset.done $0x0  }
0x173: {  	[sflag:s10] =	ssyncadd.s32 $0xFFFFC800  }
0x174: {  	[tilespmem:s28], [sflag:$0x3] =	stream.indirect.gather [hbm4b:s4+s21], $0x80, s13, s21, $0xb8;
	[tilespmem:$0x1F600] =	vst v63  }
0x175: {  	_ =	swait.ge [sflag:s29], $0x3800  }
0x176: {  	[sflag:s29] =	ssyncset.done $0x0  }
0x177: {  	[sflag:s29] =	ssyncadd.s32 $0xFFFFC800  }
0x178: {  	[spmem:s2] =	stream.indirect.scatter.add.f32 [tilespmem:s23], [sflag:$0x5], $0x80, s14, s21, $0xb8;
	[tilespmem:$0x1F600] =	vst v63  }
0x179: {  	_ =	swait.ge [sflag:s31], $0x3800  }
0x17a: {  	[sflag:s31] =	ssyncset.done $0x0  }
0x17b: {  	[sflag:s31] =	ssyncadd.s32 $0xFFFFC800  }
0x17c: {  	[tilespmem:s18], [sflag:$0x1] =	stream.indirect.gather [hbm4b:s4+s21], $0x80, s15, s21, $0xb8;
	[tilespmem:$0x1F600] =	vst v63  }
0x17d: {  	_ =	swait.ge [sflag:s0], $0x3800  }
0x17e: {  	[sflag:s0] =	ssyncset.done $0x0  }
0x17f: {  	[sflag:s0] =	ssyncadd.s32 $0xFFFFC800  }
0x180: {  	[spmem:s2] =	stream.indirect.scatter.add.f32 [tilespmem:s28], [sflag:$0x6], $0x80, s16, s21, $0xb8;
	[tilespmem:$0x1F600] =	vst v63  }
0x181: {  	_ =	swait.ge [sflag:s7], $0x3800  }
0x182: {  	[sflag:s7] =	ssyncset.done $0x0  }
0x183: {  	[sflag:s7] =	ssyncadd.s32 $0xFFFFC800  }
0x184: {  	[tilespmem:s23], [sflag:$0x2] =	stream.indirect.gather [hbm4b:s4+s21], $0x80, s17, s21, $0xb8;
	[tilespmem:$0x1F600] =	vst v63  }
0x185: {  	_ =	swait.ge [sflag:s24], $0x3800  }
0x186: {  	[sflag:s24] =	ssyncset.done $0x0  }
0x187: {  	[sflag:s24] =	ssyncadd.s32 $0xFFFFC800  }
0x188: {  	[spmem:s2] =	stream.indirect.scatter.add.f32 [tilespmem:s18], [sflag:$0x4], $0x80, s5, s21, $0xb8;
	[tilespmem:$0x1F600] =	vst v63  }
0x189: {  	_ =	swait.ge [sflag:s10], $0x3800  }
0x18a: {  	[sflag:s10] =	ssyncset.done $0x0  }
0x18b: {  	[sflag:s10] =	ssyncadd.s32 $0xFFFFC800  }
0x18c: {  	[tilespmem:s28], [sflag:$0x3] =	stream.indirect.gather [hbm4b:s4+s21], $0x80, s22, s21, $0xb8;
	[tilespmem:$0x1F600] =	vst v63  }
0x18d: {  	_ =	swait.ge [sflag:s29], $0x3800  }
0x18e: {  	[sflag:s29] =	ssyncset.done $0x0  }
0x18f: {  	[sflag:s29] =	ssyncadd.s32 $0xFFFFC800  }
0x190: {  	[spmem:s2] =	stream.indirect.scatter.add.f32 [tilespmem:s23], [sflag:$0x5], $0x80, s25, s21, $0xb8;
	[tilespmem:$0x1F600] =	vst v63  }
0x191: {  	_ =	swait.ge [sflag:s31], $0x3800  }
0x192: {  	[sflag:s31] =	ssyncset.done $0x0  }
0x193: {  	[sflag:s31] =	ssyncadd.s32 $0xFFFFC800  }
0x194: {  	_ =	swait.ge [sflag:s0], $0x3800  }
0x195: {  	[sflag:s0] =	ssyncset.done $0x0  }
0x196: {  	[sflag:s0] =	ssyncadd.s32 $0xFFFFC800  }
0x197: {  	[spmem:s2] =	stream.indirect.scatter.add.f32 [tilespmem:s28], [sflag:$0x6], $0x80, s26, s21, $0xb8;
	[tilespmem:$0x1F600] =	vst v63  }
0x198: {  	_ =	swait.ge [sflag:s7], $0x3800  }
0x199: {  	[sflag:s7] =	ssyncset.done $0x0  }
0x19a: {  	[sflag:s7] =	ssyncadd.s32 $0xFFFFC800  }
0x19b: {  	_ =	swait.ge [sflag:s10], $0x3800  }
0x19c: {  	[sflag:s10] =	ssyncset.done $0x0  }
0x19d: {  	s1 =	simm.s32 $0x0;
	s6 =	rddreg [dreg:$0xc];
	[sflag:s10] =	ssyncadd.s32 $0xFFFFC800  }
0x19e: {  	[tilespmem:s20], [sflag:$0x7] =	stream.linear.gather [hbm4b:s6+s1], $0x1200, $0x38;
	[tilespmem:$0x1F600] =	vst v63  }
0x19f: {  	_ =	swait.ge [sflag:s19], $0x1200  }
0x1a0: {  	[sflag:s19] =	ssyncset.done $0x0  }
0x1a1: {  	s30 =	simm.s32 $0x0;
	[sflag:s19] =	ssyncadd.s32 $0xFFFFEE00  }
0x1a2: {  	v2 =	vld [tilespmem:s30+$0x13C00]  }
0x1a3: {  	v6 =	vld [tilespmem:s30+$0x13C10]  }
0x1a4: {  	v5 =	vld [tilespmem:s30+$0x13C20]  }
0x1a5: {  	v4 =	vld [tilespmem:s30+$0x13C30]  }
0x1a6: {  	v3 =	vld [tilespmem:s30+$0x13C40]  }
0x1a7: {  	s1 =	simm.s32 $0x400;
	v7 =	vshll.u32 v2, $0x1;
	v2 =	vld [tilespmem:s30+$0x13C50]  }
.LBB2_8:
0x1a8: {  	p0 =	sne.s32 s1, $0x4400;
	v7 =	vor.u32 v0, v7;
	v6 =	vshll.u32 v6, $0x1;
	v8 =	vld [tilespmem:s30+$0x13C60]  }
0x1a9: {  	s6 =	sshra.s32 s1, $0x2;
	[tilespmem:s30+$0x13C00] =	vst v7;
	v6 =	vor.u32 v0, v6;
	v5 =	vshll.u32 v5, $0x1  }
0x1aa: {  	v7 =	vld [tilespmem:s6+$0x13C00];
	[tilespmem:s30+$0x13C10] =	vst v6;
	v5 =	vor.u32 v0, v5;
	v4 =	vshll.u32 v4, $0x1  }
.Ltmp3:
0x1ab: {  	v6 =	vld [tilespmem:s6+$0x13C10];
	[tilespmem:s30+$0x13C20] =	vst v5;
	v4 =	vor.u32 v0, v4;
	v3 =	vshll.u32 v3, $0x1;
	(pc) =	sbr.rel @p0 .LBB2_8-.Ltmp3, $4  }
0x1ac: {  	v5 =	vld [tilespmem:s6+$0x13C20];
	[tilespmem:s30+$0x13C30] =	vst v4;
	v3 =	vor.u32 v0, v3;
	v2 =	vshll.u32 v2, $0x1  }
0x1ad: {  	v4 =	vld [tilespmem:s6+$0x13C30];
	[tilespmem:s30+$0x13C40] =	vst v3;
	v2 =	vor.u32 v0, v2;
	v8 =	vshll.u32 v8, $0x1  }
0x1ae: {  	v3 =	vld [tilespmem:s6+$0x13C40];
	[tilespmem:s30+$0x13C50] =	vst v2;
	v8 =	vor.u32 v0, v8  }
0x1af: {  	s1 =	sadd.s32 $0x400, s1;
	v7 =	vshll.u32 v7, $0x1;
	v2 =	vld [tilespmem:s6+$0x13C50];
	[tilespmem:s30+$0x13C60] =	vst v8;
	s30 =	smov.u32 s6  }
0x1b0: {  	v7 =	vor.u32 v0, v7;
	v6 =	vshll.u32 v6, $0x1;
	v8 =	vld [tilespmem:s30+$0x13C60]  }
0x1b1: {  	[tilespmem:s30+$0x13C00] =	vst v7;
	v6 =	vor.u32 v0, v6;
	v5 =	vshll.u32 v5, $0x1  }
0x1b2: {  	[tilespmem:s30+$0x13C10] =	vst v6;
	v5 =	vor.u32 v0, v5;
	v4 =	vshll.u32 v4, $0x1  }
0x1b3: {  	[tilespmem:s30+$0x13C20] =	vst v5;
	v4 =	vor.u32 v0, v4;
	v3 =	vshll.u32 v3, $0x1  }
0x1b4: {  	[tilespmem:s30+$0x13C30] =	vst v4;
	v3 =	vor.u32 v0, v3;
	v2 =	vshll.u32 v2, $0x1  }
0x1b5: {  	[tilespmem:s30+$0x13C40] =	vst v3;
	v2 =	vor.u32 v0, v2;
	v3 =	vshll.u32 v8, $0x1  }
0x1b6: {  	[tilespmem:s30+$0x13C50] =	vst v2;
	v2 =	vor.u32 v0, v3  }
0x1b7: {  	[tilespmem:s30+$0x13C60] =	vst v2  }
0x1b8: {  	[tilespmem:s18], [sflag:$0x1] =	stream.indirect.gather [hbm4b:s4+s21], $0x80, s20, s21, $0xb8;
	[tilespmem:$0x1F600] =	vst v63  }
0x1b9: {  	s1 =	simm.s32 $0x13D00  }
0x1ba: {  	[tilespmem:s23], [sflag:$0x2] =	stream.indirect.gather [hbm4b:s4+s21], $0x80, s1, s21, $0xb8;
	[tilespmem:$0x1F600] =	vst v63  }
0x1bb: {  	_ =	swait.ge [sflag:s24], $0x3800  }
0x1bc: {  	[sflag:s24] =	ssyncset.done $0x0  }
0x1bd: {  	s6 =	simm.s32 $0x13C80;
	[sflag:s24] =	ssyncadd.s32 $0xFFFFC800  }
0x1be: {  	[spmem:s2] =	stream.indirect.scatter.add.f32 [tilespmem:s18], [sflag:$0x4], $0x80, s6, s21, $0xb8;
	[tilespmem:$0x1F600] =	vst v63  }
0x1bf: {  	s6 =	simm.s32 $0x13E00  }
0x1c0: {  	[tilespmem:s28], [sflag:$0x3] =	stream.indirect.gather [hbm4b:s4+s21], $0x80, s6, s21, $0xb8;
	[tilespmem:$0x1F600] =	vst v63  }
0x1c1: {  	_ =	swait.ge [sflag:s29], $0x3800  }
0x1c2: {  	[sflag:s29] =	ssyncset.done $0x0  }
0x1c3: {  	s6 =	simm.s32 $0x13D80;
	[sflag:s29] =	ssyncadd.s32 $0xFFFFC800  }
0x1c4: {  	[spmem:s2] =	stream.indirect.scatter.add.f32 [tilespmem:s23], [sflag:$0x5], $0x80, s6, s21, $0xb8;
	[tilespmem:$0x1F600] =	vst v63  }
0x1c5: {  	_ =	swait.ge [sflag:s31], $0x3800  }
0x1c6: {  	[sflag:s31] =	ssyncset.done $0x0  }
0x1c7: {  	s6 =	simm.s32 $0x13F00;
	[sflag:s31] =	ssyncadd.s32 $0xFFFFC800  }
0x1c8: {  	[tilespmem:s18], [sflag:$0x1] =	stream.indirect.gather [hbm4b:s4+s21], $0x80, s6, s21, $0xb8;
	[tilespmem:$0x1F600] =	vst v63  }
0x1c9: {  	_ =	swait.ge [sflag:s0], $0x3800  }
0x1ca: {  	[sflag:s0] =	ssyncset.done $0x0  }
0x1cb: {  	s6 =	simm.s32 $0x13E80;
	[sflag:s0] =	ssyncadd.s32 $0xFFFFC800  }
0x1cc: {  	[spmem:s2] =	stream.indirect.scatter.add.f32 [tilespmem:s28], [sflag:$0x6], $0x80, s6, s21, $0xb8;
	[tilespmem:$0x1F600] =	vst v63  }
0x1cd: {  	_ =	swait.ge [sflag:s7], $0x3800  }
0x1ce: {  	[sflag:s7] =	ssyncset.done $0x0  }
0x1cf: {  	s6 =	simm.s32 $0x14000;
	[sflag:s7] =	ssyncadd.s32 $0xFFFFC800  }
0x1d0: {  	[tilespmem:s23], [sflag:$0x2] =	stream.indirect.gather [hbm4b:s4+s21], $0x80, s6, s21, $0xb8;
	[tilespmem:$0x1F600] =	vst v63  }
0x1d1: {  	_ =	swait.ge [sflag:s24], $0x3800  }
0x1d2: {  	[sflag:s24] =	ssyncset.done $0x0  }
0x1d3: {  	s6 =	simm.s32 $0x13F80;
	[sflag:s24] =	ssyncadd.s32 $0xFFFFC800  }
0x1d4: {  	[spmem:s2] =	stream.indirect.scatter.add.f32 [tilespmem:s18], [sflag:$0x4], $0x80, s6, s21, $0xb8;
	[tilespmem:$0x1F600] =	vst v63  }
0x1d5: {  	_ =	swait.ge [sflag:s10], $0x3800  }
0x1d6: {  	[sflag:s10] =	ssyncset.done $0x0  }
0x1d7: {  	s6 =	simm.s32 $0x14100;
	[sflag:s10] =	ssyncadd.s32 $0xFFFFC800  }
0x1d8: {  	[tilespmem:s28], [sflag:$0x3] =	stream.indirect.gather [hbm4b:s4+s21], $0x80, s6, s21, $0xb8;
	[tilespmem:$0x1F600] =	vst v63  }
0x1d9: {  	_ =	swait.ge [sflag:s29], $0x3800  }
0x1da: {  	[sflag:s29] =	ssyncset.done $0x0  }
0x1db: {  	s6 =	simm.s32 $0x14080;
	[sflag:s29] =	ssyncadd.s32 $0xFFFFC800  }
0x1dc: {  	[spmem:s2] =	stream.indirect.scatter.add.f32 [tilespmem:s23], [sflag:$0x5], $0x80, s6, s21, $0xb8;
	[tilespmem:$0x1F600] =	vst v63  }
0x1dd: {  	_ =	swait.ge [sflag:s31], $0x3800  }
0x1de: {  	[sflag:s31] =	ssyncset.done $0x0  }
0x1df: {  	s6 =	simm.s32 $0x14200;
	[sflag:s31] =	ssyncadd.s32 $0xFFFFC800  }
0x1e0: {  	[tilespmem:s18], [sflag:$0x1] =	stream.indirect.gather [hbm4b:s4+s21], $0x80, s6, s21, $0xb8;
	[tilespmem:$0x1F600] =	vst v63  }
0x1e1: {  	_ =	swait.ge [sflag:s0], $0x3800  }
0x1e2: {  	[sflag:s0] =	ssyncset.done $0x0  }
0x1e3: {  	s6 =	simm.s32 $0x14180;
	[sflag:s0] =	ssyncadd.s32 $0xFFFFC800  }
0x1e4: {  	[spmem:s2] =	stream.indirect.scatter.add.f32 [tilespmem:s28], [sflag:$0x6], $0x80, s6, s21, $0xb8;
	[tilespmem:$0x1F600] =	vst v63  }
0x1e5: {  	_ =	swait.ge [sflag:s7], $0x3800  }
0x1e6: {  	[sflag:s7] =	ssyncset.done $0x0  }
0x1e7: {  	s6 =	simm.s32 $0x14300;
	[sflag:s7] =	ssyncadd.s32 $0xFFFFC800  }
0x1e8: {  	[tilespmem:s23], [sflag:$0x2] =	stream.indirect.gather [hbm4b:s4+s21], $0x80, s6, s21, $0xb8;
	[tilespmem:$0x1F600] =	vst v63  }
0x1e9: {  	_ =	swait.ge [sflag:s24], $0x3800  }
0x1ea: {  	[sflag:s24] =	ssyncset.done $0x0  }
0x1eb: {  	s6 =	simm.s32 $0x14280;
	[sflag:s24] =	ssyncadd.s32 $0xFFFFC800  }
0x1ec: {  	[spmem:s2] =	stream.indirect.scatter.add.f32 [tilespmem:s18], [sflag:$0x4], $0x80, s6, s21, $0xb8;
	[tilespmem:$0x1F600] =	vst v63  }
0x1ed: {  	_ =	swait.ge [sflag:s10], $0x3800  }
0x1ee: {  	[sflag:s10] =	ssyncset.done $0x0  }
0x1ef: {  	s6 =	simm.s32 $0x14400;
	[sflag:s10] =	ssyncadd.s32 $0xFFFFC800  }
0x1f0: {  	[tilespmem:s28], [sflag:$0x3] =	stream.indirect.gather [hbm4b:s4+s21], $0x80, s6, s21, $0xb8;
	[tilespmem:$0x1F600] =	vst v63  }
0x1f1: {  	_ =	swait.ge [sflag:s29], $0x3800  }
0x1f2: {  	[sflag:s29] =	ssyncset.done $0x0  }
0x1f3: {  	s6 =	simm.s32 $0x14380;
	[sflag:s29] =	ssyncadd.s32 $0xFFFFC800  }
0x1f4: {  	[spmem:s2] =	stream.indirect.scatter.add.f32 [tilespmem:s23], [sflag:$0x5], $0x80, s6, s21, $0xb8;
	[tilespmem:$0x1F600] =	vst v63  }
0x1f5: {  	_ =	swait.ge [sflag:s31], $0x3800  }
0x1f6: {  	[sflag:s31] =	ssyncset.done $0x0  }
0x1f7: {  	s6 =	simm.s32 $0x14500;
	[sflag:s31] =	ssyncadd.s32 $0xFFFFC800  }
0x1f8: {  	[tilespmem:s18], [sflag:$0x1] =	stream.indirect.gather [hbm4b:s4+s21], $0x80, s6, s21, $0xb8;
	[tilespmem:$0x1F600] =	vst v63  }
0x1f9: {  	_ =	swait.ge [sflag:s0], $0x3800  }
0x1fa: {  	[sflag:s0] =	ssyncset.done $0x0  }
0x1fb: {  	s6 =	simm.s32 $0x14480;
	[sflag:s0] =	ssyncadd.s32 $0xFFFFC800  }
0x1fc: {  	[spmem:s2] =	stream.indirect.scatter.add.f32 [tilespmem:s28], [sflag:$0x6], $0x80, s6, s21, $0xb8;
	[tilespmem:$0x1F600] =	vst v63  }
0x1fd: {  	_ =	swait.ge [sflag:s7], $0x3800  }
0x1fe: {  	[sflag:s7] =	ssyncset.done $0x0  }
0x1ff: {  	s6 =	simm.s32 $0x14600;
	[sflag:s7] =	ssyncadd.s32 $0xFFFFC800  }
0x200: {  	[tilespmem:s23], [sflag:$0x2] =	stream.indirect.gather [hbm4b:s4+s21], $0x80, s6, s21, $0xb8;
	[tilespmem:$0x1F600] =	vst v63  }
0x201: {  	_ =	swait.ge [sflag:s24], $0x3800  }
0x202: {  	[sflag:s24] =	ssyncset.done $0x0  }
0x203: {  	s6 =	simm.s32 $0x14580;
	[sflag:s24] =	ssyncadd.s32 $0xFFFFC800  }
0x204: {  	[spmem:s2] =	stream.indirect.scatter.add.f32 [tilespmem:s18], [sflag:$0x4], $0x80, s6, s21, $0xb8;
	[tilespmem:$0x1F600] =	vst v63  }
0x205: {  	_ =	swait.ge [sflag:s10], $0x3800  }
0x206: {  	[sflag:s10] =	ssyncset.done $0x0  }
0x207: {  	s6 =	simm.s32 $0x14700;
	[sflag:s10] =	ssyncadd.s32 $0xFFFFC800  }
0x208: {  	[tilespmem:s28], [sflag:$0x3] =	stream.indirect.gather [hbm4b:s4+s21], $0x80, s6, s21, $0xb8;
	[tilespmem:$0x1F600] =	vst v63  }
0x209: {  	_ =	swait.ge [sflag:s29], $0x3800  }
0x20a: {  	[sflag:s29] =	ssyncset.done $0x0  }
0x20b: {  	s6 =	simm.s32 $0x14680;
	[sflag:s29] =	ssyncadd.s32 $0xFFFFC800  }
0x20c: {  	[spmem:s2] =	stream.indirect.scatter.add.f32 [tilespmem:s23], [sflag:$0x5], $0x80, s6, s21, $0xb8;
	[tilespmem:$0x1F600] =	vst v63  }
0x20d: {  	_ =	swait.ge [sflag:s31], $0x3800  }
0x20e: {  	[sflag:s31] =	ssyncset.done $0x0  }
0x20f: {  	[sflag:s31] =	ssyncadd.s32 $0xFFFFC800  }
0x210: {  	[tilespmem:s18], [sflag:$0x1] =	stream.indirect.gather [hbm4b:s4+s21], $0x80, s8, s21, $0xb8;
	[tilespmem:$0x1F600] =	vst v63  }
0x211: {  	_ =	swait.ge [sflag:s0], $0x3800  }
0x212: {  	[sflag:s0] =	ssyncset.done $0x0  }
0x213: {  	[sflag:s0] =	ssyncadd.s32 $0xFFFFC800  }
0x214: {  	[spmem:s2] =	stream.indirect.scatter.add.f32 [tilespmem:s28], [sflag:$0x6], $0x80, s9, s21, $0xb8;
	[tilespmem:$0x1F600] =	vst v63  }
0x215: {  	_ =	swait.ge [sflag:s7], $0x3800  }
0x216: {  	[sflag:s7] =	ssyncset.done $0x0  }
0x217: {  	[sflag:s7] =	ssyncadd.s32 $0xFFFFC800  }
0x218: {  	[tilespmem:s23], [sflag:$0x2] =	stream.indirect.gather [hbm4b:s4+s21], $0x80, s11, s21, $0xb8;
	[tilespmem:$0x1F600] =	vst v63  }
0x219: {  	_ =	swait.ge [sflag:s24], $0x3800  }
0x21a: {  	[sflag:s24] =	ssyncset.done $0x0  }
0x21b: {  	[sflag:s24] =	ssyncadd.s32 $0xFFFFC800  }
0x21c: {  	[spmem:s2] =	stream.indirect.scatter.add.f32 [tilespmem:s18], [sflag:$0x4], $0x80, s12, s21, $0xb8;
	[tilespmem:$0x1F600] =	vst v63  }
0x21d: {  	_ =	swait.ge [sflag:s10], $0x3800  }
0x21e: {  	[sflag:s10] =	ssyncset.done $0x0  }
0x21f: {  	[sflag:s10] =	ssyncadd.s32 $0xFFFFC800  }
0x220: {  	[tilespmem:s28], [sflag:$0x3] =	stream.indirect.gather [hbm4b:s4+s21], $0x80, s13, s21, $0xb8;
	[tilespmem:$0x1F600] =	vst v63  }
0x221: {  	_ =	swait.ge [sflag:s29], $0x3800  }
0x222: {  	[sflag:s29] =	ssyncset.done $0x0  }
0x223: {  	[sflag:s29] =	ssyncadd.s32 $0xFFFFC800  }
0x224: {  	[spmem:s2] =	stream.indirect.scatter.add.f32 [tilespmem:s23], [sflag:$0x5], $0x80, s14, s21, $0xb8;
	[tilespmem:$0x1F600] =	vst v63  }
0x225: {  	_ =	swait.ge [sflag:s31], $0x3800  }
0x226: {  	[sflag:s31] =	ssyncset.done $0x0  }
0x227: {  	[sflag:s31] =	ssyncadd.s32 $0xFFFFC800  }
0x228: {  	[tilespmem:s18], [sflag:$0x1] =	stream.indirect.gather [hbm4b:s4+s21], $0x80, s15, s21, $0xb8;
	[tilespmem:$0x1F600] =	vst v63  }
0x229: {  	_ =	swait.ge [sflag:s0], $0x3800  }
0x22a: {  	[sflag:s0] =	ssyncset.done $0x0  }
0x22b: {  	[sflag:s0] =	ssyncadd.s32 $0xFFFFC800  }
0x22c: {  	[spmem:s2] =	stream.indirect.scatter.add.f32 [tilespmem:s28], [sflag:$0x6], $0x80, s16, s21, $0xb8;
	[tilespmem:$0x1F600] =	vst v63  }
0x22d: {  	_ =	swait.ge [sflag:s7], $0x3800  }
0x22e: {  	[sflag:s7] =	ssyncset.done $0x0  }
0x22f: {  	[sflag:s7] =	ssyncadd.s32 $0xFFFFC800  }
0x230: {  	[tilespmem:s23], [sflag:$0x2] =	stream.indirect.gather [hbm4b:s4+s21], $0x80, s17, s21, $0xb8;
	[tilespmem:$0x1F600] =	vst v63  }
0x231: {  	_ =	swait.ge [sflag:s24], $0x3800  }
0x232: {  	[sflag:s24] =	ssyncset.done $0x0  }
0x233: {  	[sflag:s24] =	ssyncadd.s32 $0xFFFFC800  }
0x234: {  	[spmem:s2] =	stream.indirect.scatter.add.f32 [tilespmem:s18], [sflag:$0x4], $0x80, s5, s21, $0xb8;
	[tilespmem:$0x1F600] =	vst v63  }
0x235: {  	_ =	swait.ge [sflag:s10], $0x3800  }
0x236: {  	[sflag:s10] =	ssyncset.done $0x0  }
0x237: {  	[sflag:s10] =	ssyncadd.s32 $0xFFFFC800  }
0x238: {  	[tilespmem:s28], [sflag:$0x3] =	stream.indirect.gather [hbm4b:s4+s21], $0x80, s22, s21, $0xb8;
	[tilespmem:$0x1F600] =	vst v63  }
0x239: {  	_ =	swait.ge [sflag:s29], $0x3800  }
0x23a: {  	[sflag:s29] =	ssyncset.done $0x0  }
0x23b: {  	[sflag:s29] =	ssyncadd.s32 $0xFFFFC800  }
0x23c: {  	[spmem:s2] =	stream.indirect.scatter.add.f32 [tilespmem:s23], [sflag:$0x5], $0x80, s25, s21, $0xb8;
	[tilespmem:$0x1F600] =	vst v63  }
0x23d: {  	_ =	swait.ge [sflag:s31], $0x3800  }
0x23e: {  	[sflag:s31] =	ssyncset.done $0x0  }
0x23f: {  	[sflag:s31] =	ssyncadd.s32 $0xFFFFC800  }
0x240: {  	_ =	swait.ge [sflag:s0], $0x3800  }
0x241: {  	[sflag:s0] =	ssyncset.done $0x0  }
0x242: {  	[sflag:s0] =	ssyncadd.s32 $0xFFFFC800  }
0x243: {  	[spmem:s2] =	stream.indirect.scatter.add.f32 [tilespmem:s28], [sflag:$0x6], $0x80, s26, s21, $0xb8;
	[tilespmem:$0x1F600] =	vst v63  }
0x244: {  	_ =	swait.ge [sflag:s7], $0x3800  }
0x245: {  	[sflag:s7] =	ssyncset.done $0x0  }
0x246: {  	[sflag:s7] =	ssyncadd.s32 $0xFFFFC800  }
0x247: {  	_ =	swait.ge [sflag:s10], $0x3800  }
0x248: {  	[sflag:s10] =	ssyncset.done $0x0  }
0x249: {  	s1 =	simm.s32 $0x0;
	s6 =	rddreg [dreg:$0xd];
	[sflag:s10] =	ssyncadd.s32 $0xFFFFC800  }
0x24a: {  	[tilespmem:s20], [sflag:$0x7] =	stream.linear.gather [hbm4b:s6+s1], $0x1200, $0x38;
	[tilespmem:$0x1F600] =	vst v63  }
0x24b: {  	_ =	swait.ge [sflag:s19], $0x1200  }
0x24c: {  	[sflag:s19] =	ssyncset.done $0x0  }
0x24d: {  	s30 =	simm.s32 $0x0;
	[sflag:s19] =	ssyncadd.s32 $0xFFFFEE00  }
0x24e: {  	v2 =	vld [tilespmem:s30+$0x13C00]  }
0x24f: {  	v6 =	vld [tilespmem:s30+$0x13C10]  }
0x250: {  	v5 =	vld [tilespmem:s30+$0x13C20]  }
0x251: {  	v4 =	vld [tilespmem:s30+$0x13C30]  }
0x252: {  	v3 =	vld [tilespmem:s30+$0x13C40]  }
0x253: {  	s1 =	simm.s32 $0x400;
	v7 =	vshll.u32 v2, $0x1;
	v2 =	vld [tilespmem:s30+$0x13C50]  }
.LBB2_10:
0x254: {  	p0 =	sne.s32 s1, $0x4400;
	v7 =	vor.u32 v0, v7;
	v6 =	vshll.u32 v6, $0x1;
	v8 =	vld [tilespmem:s30+$0x13C60]  }
0x255: {  	s6 =	sshra.s32 s1, $0x2;
	[tilespmem:s30+$0x13C00] =	vst v7;
	v6 =	vor.u32 v0, v6;
	v5 =	vshll.u32 v5, $0x1  }
0x256: {  	v7 =	vld [tilespmem:s6+$0x13C00];
	[tilespmem:s30+$0x13C10] =	vst v6;
	v5 =	vor.u32 v0, v5;
	v4 =	vshll.u32 v4, $0x1  }
.Ltmp4:
0x257: {  	v6 =	vld [tilespmem:s6+$0x13C10];
	[tilespmem:s30+$0x13C20] =	vst v5;
	v4 =	vor.u32 v0, v4;
	v3 =	vshll.u32 v3, $0x1;
	(pc) =	sbr.rel @p0 .LBB2_10-.Ltmp4, $4  }
0x258: {  	v5 =	vld [tilespmem:s6+$0x13C20];
	[tilespmem:s30+$0x13C30] =	vst v4;
	v3 =	vor.u32 v0, v3;
	v2 =	vshll.u32 v2, $0x1  }
0x259: {  	v4 =	vld [tilespmem:s6+$0x13C30];
	[tilespmem:s30+$0x13C40] =	vst v3;
	v2 =	vor.u32 v0, v2;
	v8 =	vshll.u32 v8, $0x1  }
0x25a: {  	v3 =	vld [tilespmem:s6+$0x13C40];
	[tilespmem:s30+$0x13C50] =	vst v2;
	v8 =	vor.u32 v0, v8  }
0x25b: {  	s1 =	sadd.s32 $0x400, s1;
	v7 =	vshll.u32 v7, $0x1;
	v2 =	vld [tilespmem:s6+$0x13C50];
	[tilespmem:s30+$0x13C60] =	vst v8;
	s30 =	smov.u32 s6  }
0x25c: {  	v7 =	vor.u32 v0, v7;
	v6 =	vshll.u32 v6, $0x1;
	v8 =	vld [tilespmem:s30+$0x13C60]  }
0x25d: {  	[tilespmem:s30+$0x13C00] =	vst v7;
	v6 =	vor.u32 v0, v6;
	v5 =	vshll.u32 v5, $0x1  }
0x25e: {  	[tilespmem:s30+$0x13C10] =	vst v6;
	v5 =	vor.u32 v0, v5;
	v4 =	vshll.u32 v4, $0x1  }
0x25f: {  	[tilespmem:s30+$0x13C20] =	vst v5;
	v4 =	vor.u32 v0, v4;
	v3 =	vshll.u32 v3, $0x1  }
0x260: {  	[tilespmem:s30+$0x13C30] =	vst v4;
	v3 =	vor.u32 v0, v3;
	v2 =	vshll.u32 v2, $0x1  }
0x261: {  	[tilespmem:s30+$0x13C40] =	vst v3;
	v2 =	vor.u32 v0, v2;
	v3 =	vshll.u32 v8, $0x1  }
0x262: {  	[tilespmem:s30+$0x13C50] =	vst v2;
	v2 =	vor.u32 v0, v3  }
0x263: {  	[tilespmem:s30+$0x13C60] =	vst v2  }
0x264: {  	[tilespmem:s18], [sflag:$0x1] =	stream.indirect.gather [hbm4b:s4+s21], $0x80, s20, s21, $0xb8;
	[tilespmem:$0x1F600] =	vst v63  }
0x265: {  	s1 =	simm.s32 $0x13D00  }
0x266: {  	[tilespmem:s23], [sflag:$0x2] =	stream.indirect.gather [hbm4b:s4+s21], $0x80, s1, s21, $0xb8;
	[tilespmem:$0x1F600] =	vst v63  }
0x267: {  	_ =	swait.ge [sflag:s24], $0x3800  }
0x268: {  	[sflag:s24] =	ssyncset.done $0x0  }
0x269: {  	s6 =	simm.s32 $0x13C80;
	[sflag:s24] =	ssyncadd.s32 $0xFFFFC800  }
0x26a: {  	[spmem:s2] =	stream.indirect.scatter.add.f32 [tilespmem:s18], [sflag:$0x4], $0x80, s6, s21, $0xb8;
	[tilespmem:$0x1F600] =	vst v63  }
0x26b: {  	s6 =	simm.s32 $0x13E00  }
0x26c: {  	[tilespmem:s28], [sflag:$0x3] =	stream.indirect.gather [hbm4b:s4+s21], $0x80, s6, s21, $0xb8;
	[tilespmem:$0x1F600] =	vst v63  }
0x26d: {  	_ =	swait.ge [sflag:s29], $0x3800  }
0x26e: {  	[sflag:s29] =	ssyncset.done $0x0  }
0x26f: {  	s6 =	simm.s32 $0x13D80;
	[sflag:s29] =	ssyncadd.s32 $0xFFFFC800  }
0x270: {  	[spmem:s2] =	stream.indirect.scatter.add.f32 [tilespmem:s23], [sflag:$0x5], $0x80, s6, s21, $0xb8;
	[tilespmem:$0x1F600] =	vst v63  }
0x271: {  	_ =	swait.ge [sflag:s31], $0x3800  }
0x272: {  	[sflag:s31] =	ssyncset.done $0x0  }
0x273: {  	s6 =	simm.s32 $0x13F00;
	[sflag:s31] =	ssyncadd.s32 $0xFFFFC800  }
0x274: {  	[tilespmem:s18], [sflag:$0x1] =	stream.indirect.gather [hbm4b:s4+s21], $0x80, s6, s21, $0xb8;
	[tilespmem:$0x1F600] =	vst v63  }
0x275: {  	_ =	swait.ge [sflag:s0], $0x3800  }
0x276: {  	[sflag:s0] =	ssyncset.done $0x0  }
0x277: {  	s6 =	simm.s32 $0x13E80;
	[sflag:s0] =	ssyncadd.s32 $0xFFFFC800  }
0x278: {  	[spmem:s2] =	stream.indirect.scatter.add.f32 [tilespmem:s28], [sflag:$0x6], $0x80, s6, s21, $0xb8;
	[tilespmem:$0x1F600] =	vst v63  }
0x279: {  	_ =	swait.ge [sflag:s7], $0x3800  }
0x27a: {  	[sflag:s7] =	ssyncset.done $0x0  }
0x27b: {  	s6 =	simm.s32 $0x14000;
	[sflag:s7] =	ssyncadd.s32 $0xFFFFC800  }
0x27c: {  	[tilespmem:s23], [sflag:$0x2] =	stream.indirect.gather [hbm4b:s4+s21], $0x80, s6, s21, $0xb8;
	[tilespmem:$0x1F600] =	vst v63  }
0x27d: {  	_ =	swait.ge [sflag:s24], $0x3800  }
0x27e: {  	[sflag:s24] =	ssyncset.done $0x0  }
0x27f: {  	s6 =	simm.s32 $0x13F80;
	[sflag:s24] =	ssyncadd.s32 $0xFFFFC800  }
0x280: {  	[spmem:s2] =	stream.indirect.scatter.add.f32 [tilespmem:s18], [sflag:$0x4], $0x80, s6, s21, $0xb8;
	[tilespmem:$0x1F600] =	vst v63  }
0x281: {  	_ =	swait.ge [sflag:s10], $0x3800  }
0x282: {  	[sflag:s10] =	ssyncset.done $0x0  }
0x283: {  	s6 =	simm.s32 $0x14100;
	[sflag:s10] =	ssyncadd.s32 $0xFFFFC800  }
0x284: {  	[tilespmem:s28], [sflag:$0x3] =	stream.indirect.gather [hbm4b:s4+s21], $0x80, s6, s21, $0xb8;
	[tilespmem:$0x1F600] =	vst v63  }
0x285: {  	_ =	swait.ge [sflag:s29], $0x3800  }
0x286: {  	[sflag:s29] =	ssyncset.done $0x0  }
0x287: {  	s6 =	simm.s32 $0x14080;
	[sflag:s29] =	ssyncadd.s32 $0xFFFFC800  }
0x288: {  	[spmem:s2] =	stream.indirect.scatter.add.f32 [tilespmem:s23], [sflag:$0x5], $0x80, s6, s21, $0xb8;
	[tilespmem:$0x1F600] =	vst v63  }
0x289: {  	_ =	swait.ge [sflag:s31], $0x3800  }
0x28a: {  	[sflag:s31] =	ssyncset.done $0x0  }
0x28b: {  	s6 =	simm.s32 $0x14200;
	[sflag:s31] =	ssyncadd.s32 $0xFFFFC800  }
0x28c: {  	[tilespmem:s18], [sflag:$0x1] =	stream.indirect.gather [hbm4b:s4+s21], $0x80, s6, s21, $0xb8;
	[tilespmem:$0x1F600] =	vst v63  }
0x28d: {  	_ =	swait.ge [sflag:s0], $0x3800  }
0x28e: {  	[sflag:s0] =	ssyncset.done $0x0  }
0x28f: {  	s6 =	simm.s32 $0x14180;
	[sflag:s0] =	ssyncadd.s32 $0xFFFFC800  }
0x290: {  	[spmem:s2] =	stream.indirect.scatter.add.f32 [tilespmem:s28], [sflag:$0x6], $0x80, s6, s21, $0xb8;
	[tilespmem:$0x1F600] =	vst v63  }
0x291: {  	_ =	swait.ge [sflag:s7], $0x3800  }
0x292: {  	[sflag:s7] =	ssyncset.done $0x0  }
0x293: {  	s6 =	simm.s32 $0x14300;
	[sflag:s7] =	ssyncadd.s32 $0xFFFFC800  }
0x294: {  	[tilespmem:s23], [sflag:$0x2] =	stream.indirect.gather [hbm4b:s4+s21], $0x80, s6, s21, $0xb8;
	[tilespmem:$0x1F600] =	vst v63  }
0x295: {  	_ =	swait.ge [sflag:s24], $0x3800  }
0x296: {  	[sflag:s24] =	ssyncset.done $0x0  }
0x297: {  	s6 =	simm.s32 $0x14280;
	[sflag:s24] =	ssyncadd.s32 $0xFFFFC800  }
0x298: {  	[spmem:s2] =	stream.indirect.scatter.add.f32 [tilespmem:s18], [sflag:$0x4], $0x80, s6, s21, $0xb8;
	[tilespmem:$0x1F600] =	vst v63  }
0x299: {  	_ =	swait.ge [sflag:s10], $0x3800  }
0x29a: {  	[sflag:s10] =	ssyncset.done $0x0  }
0x29b: {  	s6 =	simm.s32 $0x14400;
	[sflag:s10] =	ssyncadd.s32 $0xFFFFC800  }
0x29c: {  	[tilespmem:s28], [sflag:$0x3] =	stream.indirect.gather [hbm4b:s4+s21], $0x80, s6, s21, $0xb8;
	[tilespmem:$0x1F600] =	vst v63  }
0x29d: {  	_ =	swait.ge [sflag:s29], $0x3800  }
0x29e: {  	[sflag:s29] =	ssyncset.done $0x0  }
0x29f: {  	s6 =	simm.s32 $0x14380;
	[sflag:s29] =	ssyncadd.s32 $0xFFFFC800  }
0x2a0: {  	[spmem:s2] =	stream.indirect.scatter.add.f32 [tilespmem:s23], [sflag:$0x5], $0x80, s6, s21, $0xb8;
	[tilespmem:$0x1F600] =	vst v63  }
0x2a1: {  	_ =	swait.ge [sflag:s31], $0x3800  }
0x2a2: {  	[sflag:s31] =	ssyncset.done $0x0  }
0x2a3: {  	s6 =	simm.s32 $0x14500;
	[sflag:s31] =	ssyncadd.s32 $0xFFFFC800  }
0x2a4: {  	[tilespmem:s18], [sflag:$0x1] =	stream.indirect.gather [hbm4b:s4+s21], $0x80, s6, s21, $0xb8;
	[tilespmem:$0x1F600] =	vst v63  }
0x2a5: {  	_ =	swait.ge [sflag:s0], $0x3800  }
0x2a6: {  	[sflag:s0] =	ssyncset.done $0x0  }
0x2a7: {  	s6 =	simm.s32 $0x14480;
	[sflag:s0] =	ssyncadd.s32 $0xFFFFC800  }
0x2a8: {  	[spmem:s2] =	stream.indirect.scatter.add.f32 [tilespmem:s28], [sflag:$0x6], $0x80, s6, s21, $0xb8;
	[tilespmem:$0x1F600] =	vst v63  }
0x2a9: {  	_ =	swait.ge [sflag:s7], $0x3800  }
0x2aa: {  	[sflag:s7] =	ssyncset.done $0x0  }
0x2ab: {  	s6 =	simm.s32 $0x14600;
	[sflag:s7] =	ssyncadd.s32 $0xFFFFC800  }
0x2ac: {  	[tilespmem:s23], [sflag:$0x2] =	stream.indirect.gather [hbm4b:s4+s21], $0x80, s6, s21, $0xb8;
	[tilespmem:$0x1F600] =	vst v63  }
0x2ad: {  	_ =	swait.ge [sflag:s24], $0x3800  }
0x2ae: {  	[sflag:s24] =	ssyncset.done $0x0  }
0x2af: {  	s6 =	simm.s32 $0x14580;
	[sflag:s24] =	ssyncadd.s32 $0xFFFFC800  }
0x2b0: {  	[spmem:s2] =	stream.indirect.scatter.add.f32 [tilespmem:s18], [sflag:$0x4], $0x80, s6, s21, $0xb8;
	[tilespmem:$0x1F600] =	vst v63  }
0x2b1: {  	_ =	swait.ge [sflag:s10], $0x3800  }
0x2b2: {  	[sflag:s10] =	ssyncset.done $0x0  }
0x2b3: {  	s6 =	simm.s32 $0x14700;
	[sflag:s10] =	ssyncadd.s32 $0xFFFFC800  }
0x2b4: {  	[tilespmem:s28], [sflag:$0x3] =	stream.indirect.gather [hbm4b:s4+s21], $0x80, s6, s21, $0xb8;
	[tilespmem:$0x1F600] =	vst v63  }
0x2b5: {  	_ =	swait.ge [sflag:s29], $0x3800  }
0x2b6: {  	[sflag:s29] =	ssyncset.done $0x0  }
0x2b7: {  	s6 =	simm.s32 $0x14680;
	[sflag:s29] =	ssyncadd.s32 $0xFFFFC800  }
0x2b8: {  	[spmem:s2] =	stream.indirect.scatter.add.f32 [tilespmem:s23], [sflag:$0x5], $0x80, s6, s21, $0xb8;
	[tilespmem:$0x1F600] =	vst v63  }
0x2b9: {  	_ =	swait.ge [sflag:s31], $0x3800  }
0x2ba: {  	[sflag:s31] =	ssyncset.done $0x0  }
0x2bb: {  	[sflag:s31] =	ssyncadd.s32 $0xFFFFC800  }
0x2bc: {  	[tilespmem:s18], [sflag:$0x1] =	stream.indirect.gather [hbm4b:s4+s21], $0x80, s8, s21, $0xb8;
	[tilespmem:$0x1F600] =	vst v63  }
0x2bd: {  	_ =	swait.ge [sflag:s0], $0x3800  }
0x2be: {  	[sflag:s0] =	ssyncset.done $0x0  }
0x2bf: {  	[sflag:s0] =	ssyncadd.s32 $0xFFFFC800  }
0x2c0: {  	[spmem:s2] =	stream.indirect.scatter.add.f32 [tilespmem:s28], [sflag:$0x6], $0x80, s9, s21, $0xb8;
	[tilespmem:$0x1F600] =	vst v63  }
0x2c1: {  	_ =	swait.ge [sflag:s7], $0x3800  }
0x2c2: {  	[sflag:s7] =	ssyncset.done $0x0  }
0x2c3: {  	[sflag:s7] =	ssyncadd.s32 $0xFFFFC800  }
0x2c4: {  	[tilespmem:s23], [sflag:$0x2] =	stream.indirect.gather [hbm4b:s4+s21], $0x80, s11, s21, $0xb8;
	[tilespmem:$0x1F600] =	vst v63  }
0x2c5: {  	_ =	swait.ge [sflag:s24], $0x3800  }
0x2c6: {  	[sflag:s24] =	ssyncset.done $0x0  }
0x2c7: {  	[sflag:s24] =	ssyncadd.s32 $0xFFFFC800  }
0x2c8: {  	[spmem:s2] =	stream.indirect.scatter.add.f32 [tilespmem:s18], [sflag:$0x4], $0x80, s12, s21, $0xb8;
	[tilespmem:$0x1F600] =	vst v63  }
0x2c9: {  	_ =	swait.ge [sflag:s10], $0x3800  }
0x2ca: {  	[sflag:s10] =	ssyncset.done $0x0  }
0x2cb: {  	[sflag:s10] =	ssyncadd.s32 $0xFFFFC800  }
0x2cc: {  	[tilespmem:s28], [sflag:$0x3] =	stream.indirect.gather [hbm4b:s4+s21], $0x80, s13, s21, $0xb8;
	[tilespmem:$0x1F600] =	vst v63  }
0x2cd: {  	_ =	swait.ge [sflag:s29], $0x3800  }
0x2ce: {  	[sflag:s29] =	ssyncset.done $0x0  }
0x2cf: {  	[sflag:s29] =	ssyncadd.s32 $0xFFFFC800  }
0x2d0: {  	[spmem:s2] =	stream.indirect.scatter.add.f32 [tilespmem:s23], [sflag:$0x5], $0x80, s14, s21, $0xb8;
	[tilespmem:$0x1F600] =	vst v63  }
0x2d1: {  	_ =	swait.ge [sflag:s31], $0x3800  }
0x2d2: {  	[sflag:s31] =	ssyncset.done $0x0  }
0x2d3: {  	[sflag:s31] =	ssyncadd.s32 $0xFFFFC800  }
0x2d4: {  	[tilespmem:s18], [sflag:$0x1] =	stream.indirect.gather [hbm4b:s4+s21], $0x80, s15, s21, $0xb8;
	[tilespmem:$0x1F600] =	vst v63  }
0x2d5: {  	_ =	swait.ge [sflag:s0], $0x3800  }
0x2d6: {  	[sflag:s0] =	ssyncset.done $0x0  }
0x2d7: {  	[sflag:s0] =	ssyncadd.s32 $0xFFFFC800  }
0x2d8: {  	[spmem:s2] =	stream.indirect.scatter.add.f32 [tilespmem:s28], [sflag:$0x6], $0x80, s16, s21, $0xb8;
	[tilespmem:$0x1F600] =	vst v63  }
0x2d9: {  	_ =	swait.ge [sflag:s7], $0x3800  }
0x2da: {  	[sflag:s7] =	ssyncset.done $0x0  }
0x2db: {  	[sflag:s7] =	ssyncadd.s32 $0xFFFFC800  }
0x2dc: {  	[tilespmem:s23], [sflag:$0x2] =	stream.indirect.gather [hbm4b:s4+s21], $0x80, s17, s21, $0xb8;
	[tilespmem:$0x1F600] =	vst v63  }
0x2dd: {  	_ =	swait.ge [sflag:s24], $0x3800  }
0x2de: {  	[sflag:s24] =	ssyncset.done $0x0  }
0x2df: {  	[sflag:s24] =	ssyncadd.s32 $0xFFFFC800  }
0x2e0: {  	[spmem:s2] =	stream.indirect.scatter.add.f32 [tilespmem:s18], [sflag:$0x4], $0x80, s5, s21, $0xb8;
	[tilespmem:$0x1F600] =	vst v63  }
0x2e1: {  	_ =	swait.ge [sflag:s10], $0x3800  }
0x2e2: {  	[sflag:s10] =	ssyncset.done $0x0  }
0x2e3: {  	[sflag:s10] =	ssyncadd.s32 $0xFFFFC800  }
0x2e4: {  	[tilespmem:s28], [sflag:$0x3] =	stream.indirect.gather [hbm4b:s4+s21], $0x80, s22, s21, $0xb8;
	[tilespmem:$0x1F600] =	vst v63  }
0x2e5: {  	_ =	swait.ge [sflag:s29], $0x3800  }
0x2e6: {  	[sflag:s29] =	ssyncset.done $0x0  }
0x2e7: {  	[sflag:s29] =	ssyncadd.s32 $0xFFFFC800  }
0x2e8: {  	[spmem:s2] =	stream.indirect.scatter.add.f32 [tilespmem:s23], [sflag:$0x5], $0x80, s25, s21, $0xb8;
	[tilespmem:$0x1F600] =	vst v63  }
0x2e9: {  	_ =	swait.ge [sflag:s31], $0x3800  }
0x2ea: {  	[sflag:s31] =	ssyncset.done $0x0  }
0x2eb: {  	[sflag:s31] =	ssyncadd.s32 $0xFFFFC800  }
0x2ec: {  	_ =	swait.ge [sflag:s0], $0x3800  }
0x2ed: {  	[sflag:s0] =	ssyncset.done $0x0  }
0x2ee: {  	[sflag:s0] =	ssyncadd.s32 $0xFFFFC800  }
0x2ef: {  	[spmem:s2] =	stream.indirect.scatter.add.f32 [tilespmem:s28], [sflag:$0x6], $0x80, s26, s21, $0xb8;
	[tilespmem:$0x1F600] =	vst v63  }
0x2f0: {  	_ =	swait.ge [sflag:s7], $0x3800  }
0x2f1: {  	[sflag:s7] =	ssyncset.done $0x0  }
0x2f2: {  	[sflag:s7] =	ssyncadd.s32 $0xFFFFC800  }
0x2f3: {  	_ =	swait.ge [sflag:s10], $0x3800  }
0x2f4: {  	[sflag:s10] =	ssyncset.done $0x0  }
0x2f5: {  	s1 =	simm.s32 $0x0;
	s6 =	rddreg [dreg:$0xe];
	[sflag:s10] =	ssyncadd.s32 $0xFFFFC800  }
0x2f6: {  	[tilespmem:s20], [sflag:$0x7] =	stream.linear.gather [hbm4b:s6+s1], $0x1200, $0x38;
	[tilespmem:$0x1F600] =	vst v63  }
0x2f7: {  	_ =	swait.ge [sflag:s19], $0x1200  }
0x2f8: {  	[sflag:s19] =	ssyncset.done $0x0  }
0x2f9: {  	s30 =	simm.s32 $0x0;
	[sflag:s19] =	ssyncadd.s32 $0xFFFFEE00  }
0x2fa: {  	v2 =	vld [tilespmem:s30+$0x13C00]  }
0x2fb: {  	v6 =	vld [tilespmem:s30+$0x13C10]  }
0x2fc: {  	v5 =	vld [tilespmem:s30+$0x13C20]  }
0x2fd: {  	v4 =	vld [tilespmem:s30+$0x13C30]  }
0x2fe: {  	v3 =	vld [tilespmem:s30+$0x13C40]  }
0x2ff: {  	s1 =	simm.s32 $0x400;
	v7 =	vshll.u32 v2, $0x1;
	v2 =	vld [tilespmem:s30+$0x13C50]  }
.LBB2_12:
0x300: {  	p0 =	sne.s32 s1, $0x4400;
	v7 =	vor.u32 v0, v7;
	v6 =	vshll.u32 v6, $0x1;
	v8 =	vld [tilespmem:s30+$0x13C60]  }
0x301: {  	s6 =	sshra.s32 s1, $0x2;
	[tilespmem:s30+$0x13C00] =	vst v7;
	v6 =	vor.u32 v0, v6;
	v5 =	vshll.u32 v5, $0x1  }
0x302: {  	v7 =	vld [tilespmem:s6+$0x13C00];
	[tilespmem:s30+$0x13C10] =	vst v6;
	v5 =	vor.u32 v0, v5;
	v4 =	vshll.u32 v4, $0x1  }
.Ltmp5:
0x303: {  	v6 =	vld [tilespmem:s6+$0x13C10];
	[tilespmem:s30+$0x13C20] =	vst v5;
	v4 =	vor.u32 v0, v4;
	v3 =	vshll.u32 v3, $0x1;
	(pc) =	sbr.rel @p0 .LBB2_12-.Ltmp5, $4  }
0x304: {  	v5 =	vld [tilespmem:s6+$0x13C20];
	[tilespmem:s30+$0x13C30] =	vst v4;
	v3 =	vor.u32 v0, v3;
	v2 =	vshll.u32 v2, $0x1  }
0x305: {  	v4 =	vld [tilespmem:s6+$0x13C30];
	[tilespmem:s30+$0x13C40] =	vst v3;
	v2 =	vor.u32 v0, v2;
	v8 =	vshll.u32 v8, $0x1  }
0x306: {  	v3 =	vld [tilespmem:s6+$0x13C40];
	[tilespmem:s30+$0x13C50] =	vst v2;
	v8 =	vor.u32 v0, v8  }
0x307: {  	s1 =	sadd.s32 $0x400, s1;
	v7 =	vshll.u32 v7, $0x1;
	v2 =	vld [tilespmem:s6+$0x13C50];
	[tilespmem:s30+$0x13C60] =	vst v8;
	s30 =	smov.u32 s6  }
0x308: {  	v7 =	vor.u32 v0, v7;
	v6 =	vshll.u32 v6, $0x1;
	v8 =	vld [tilespmem:s30+$0x13C60]  }
0x309: {  	[tilespmem:s30+$0x13C00] =	vst v7;
	v6 =	vor.u32 v0, v6;
	v5 =	vshll.u32 v5, $0x1  }
0x30a: {  	[tilespmem:s30+$0x13C10] =	vst v6;
	v5 =	vor.u32 v0, v5;
	v4 =	vshll.u32 v4, $0x1  }
0x30b: {  	[tilespmem:s30+$0x13C20] =	vst v5;
	v4 =	vor.u32 v0, v4;
	v3 =	vshll.u32 v3, $0x1  }
0x30c: {  	[tilespmem:s30+$0x13C30] =	vst v4;
	v3 =	vor.u32 v0, v3;
	v2 =	vshll.u32 v2, $0x1  }
0x30d: {  	[tilespmem:s30+$0x13C40] =	vst v3;
	v2 =	vor.u32 v0, v2;
	v3 =	vshll.u32 v8, $0x1  }
0x30e: {  	[tilespmem:s30+$0x13C50] =	vst v2;
	v2 =	vor.u32 v0, v3  }
0x30f: {  	[tilespmem:s30+$0x13C60] =	vst v2  }
0x310: {  	[tilespmem:s18], [sflag:$0x1] =	stream.indirect.gather [hbm4b:s4+s21], $0x80, s20, s21, $0xb8;
	[tilespmem:$0x1F600] =	vst v63  }
0x311: {  	s1 =	simm.s32 $0x13D00  }
0x312: {  	[tilespmem:s23], [sflag:$0x2] =	stream.indirect.gather [hbm4b:s4+s21], $0x80, s1, s21, $0xb8;
	[tilespmem:$0x1F600] =	vst v63  }
0x313: {  	_ =	swait.ge [sflag:s24], $0x3800  }
0x314: {  	[sflag:s24] =	ssyncset.done $0x0  }
0x315: {  	s30 =	simm.s32 $0x13C80;
	[sflag:s24] =	ssyncadd.s32 $0xFFFFC800  }
0x316: {  	[spmem:s2] =	stream.indirect.scatter.add.f32 [tilespmem:s18], [sflag:$0x4], $0x80, s30, s21, $0xb8;
	[tilespmem:$0x1F600] =	vst v63  }
0x317: {  	s6 =	simm.s32 $0x13E00  }
0x318: {  	[tilespmem:s28], [sflag:$0x3] =	stream.indirect.gather [hbm4b:s4+s21], $0x80, s6, s21, $0xb8;
	[tilespmem:$0x1F600] =	vst v63  }
0x319: {  	_ =	swait.ge [sflag:s29], $0x3800  }
0x31a: {  	[sflag:s29] =	ssyncset.done $0x0  }
0x31b: {  	s30 =	simm.s32 $0x13D80;
	[sflag:s29] =	ssyncadd.s32 $0xFFFFC800  }
0x31c: {  	[spmem:s2] =	stream.indirect.scatter.add.f32 [tilespmem:s23], [sflag:$0x5], $0x80, s30, s21, $0xb8;
	[tilespmem:$0x1F600] =	vst v63  }
0x31d: {  	_ =	swait.ge [sflag:s31], $0x3800  }
0x31e: {  	[sflag:s31] =	ssyncset.done $0x0  }
0x31f: {  	s6 =	simm.s32 $0x13F00;
	[sflag:s31] =	ssyncadd.s32 $0xFFFFC800  }
0x320: {  	[tilespmem:s18], [sflag:$0x1] =	stream.indirect.gather [hbm4b:s4+s21], $0x80, s6, s21, $0xb8;
	[tilespmem:$0x1F600] =	vst v63  }
0x321: {  	_ =	swait.ge [sflag:s0], $0x3800  }
0x322: {  	[sflag:s0] =	ssyncset.done $0x0  }
0x323: {  	s30 =	simm.s32 $0x13E80;
	[sflag:s0] =	ssyncadd.s32 $0xFFFFC800  }
0x324: {  	[spmem:s2] =	stream.indirect.scatter.add.f32 [tilespmem:s28], [sflag:$0x6], $0x80, s30, s21, $0xb8;
	[tilespmem:$0x1F600] =	vst v63  }
0x325: {  	_ =	swait.ge [sflag:s7], $0x3800  }
0x326: {  	[sflag:s7] =	ssyncset.done $0x0  }
0x327: {  	s6 =	simm.s32 $0x14000;
	[sflag:s7] =	ssyncadd.s32 $0xFFFFC800  }
0x328: {  	[tilespmem:s23], [sflag:$0x2] =	stream.indirect.gather [hbm4b:s4+s21], $0x80, s6, s21, $0xb8;
	[tilespmem:$0x1F600] =	vst v63  }
0x329: {  	_ =	swait.ge [sflag:s24], $0x3800  }
0x32a: {  	[sflag:s24] =	ssyncset.done $0x0  }
0x32b: {  	s30 =	simm.s32 $0x13F80;
	[sflag:s24] =	ssyncadd.s32 $0xFFFFC800  }
0x32c: {  	[spmem:s2] =	stream.indirect.scatter.add.f32 [tilespmem:s18], [sflag:$0x4], $0x80, s30, s21, $0xb8;
	[tilespmem:$0x1F600] =	vst v63  }
0x32d: {  	_ =	swait.ge [sflag:s10], $0x3800  }
0x32e: {  	[sflag:s10] =	ssyncset.done $0x0  }
0x32f: {  	s6 =	simm.s32 $0x14100;
	[sflag:s10] =	ssyncadd.s32 $0xFFFFC800  }
0x330: {  	[tilespmem:s28], [sflag:$0x3] =	stream.indirect.gather [hbm4b:s4+s21], $0x80, s6, s21, $0xb8;
	[tilespmem:$0x1F600] =	vst v63  }
0x331: {  	_ =	swait.ge [sflag:s29], $0x3800  }
0x332: {  	[sflag:s29] =	ssyncset.done $0x0  }
0x333: {  	s30 =	simm.s32 $0x14080;
	[sflag:s29] =	ssyncadd.s32 $0xFFFFC800  }
0x334: {  	[spmem:s2] =	stream.indirect.scatter.add.f32 [tilespmem:s23], [sflag:$0x5], $0x80, s30, s21, $0xb8;
	[tilespmem:$0x1F600] =	vst v63  }
0x335: {  	_ =	swait.ge [sflag:s31], $0x3800  }
0x336: {  	[sflag:s31] =	ssyncset.done $0x0  }
0x337: {  	s6 =	simm.s32 $0x14200;
	[sflag:s31] =	ssyncadd.s32 $0xFFFFC800  }
0x338: {  	[tilespmem:s18], [sflag:$0x1] =	stream.indirect.gather [hbm4b:s4+s21], $0x80, s6, s21, $0xb8;
	[tilespmem:$0x1F600] =	vst v63  }
0x339: {  	_ =	swait.ge [sflag:s0], $0x3800  }
0x33a: {  	[sflag:s0] =	ssyncset.done $0x0  }
0x33b: {  	s30 =	simm.s32 $0x14180;
	[sflag:s0] =	ssyncadd.s32 $0xFFFFC800  }
0x33c: {  	[spmem:s2] =	stream.indirect.scatter.add.f32 [tilespmem:s28], [sflag:$0x6], $0x80, s30, s21, $0xb8;
	[tilespmem:$0x1F600] =	vst v63  }
0x33d: {  	_ =	swait.ge [sflag:s7], $0x3800  }
0x33e: {  	[sflag:s7] =	ssyncset.done $0x0  }
0x33f: {  	s6 =	simm.s32 $0x14300;
	[sflag:s7] =	ssyncadd.s32 $0xFFFFC800  }
0x340: {  	[tilespmem:s23], [sflag:$0x2] =	stream.indirect.gather [hbm4b:s4+s21], $0x80, s6, s21, $0xb8;
	[tilespmem:$0x1F600] =	vst v63  }
0x341: {  	_ =	swait.ge [sflag:s24], $0x3800  }
0x342: {  	[sflag:s24] =	ssyncset.done $0x0  }
0x343: {  	s30 =	simm.s32 $0x14280;
	[sflag:s24] =	ssyncadd.s32 $0xFFFFC800  }
0x344: {  	[spmem:s2] =	stream.indirect.scatter.add.f32 [tilespmem:s18], [sflag:$0x4], $0x80, s30, s21, $0xb8;
	[tilespmem:$0x1F600] =	vst v63  }
0x345: {  	_ =	swait.ge [sflag:s10], $0x3800  }
0x346: {  	[sflag:s10] =	ssyncset.done $0x0  }
0x347: {  	s6 =	simm.s32 $0x14400;
	[sflag:s10] =	ssyncadd.s32 $0xFFFFC800  }
0x348: {  	[tilespmem:s28], [sflag:$0x3] =	stream.indirect.gather [hbm4b:s4+s21], $0x80, s6, s21, $0xb8;
	[tilespmem:$0x1F600] =	vst v63  }
0x349: {  	_ =	swait.ge [sflag:s29], $0x3800  }
0x34a: {  	[sflag:s29] =	ssyncset.done $0x0  }
0x34b: {  	s30 =	simm.s32 $0x14380;
	[sflag:s29] =	ssyncadd.s32 $0xFFFFC800  }
0x34c: {  	[spmem:s2] =	stream.indirect.scatter.add.f32 [tilespmem:s23], [sflag:$0x5], $0x80, s30, s21, $0xb8;
	[tilespmem:$0x1F600] =	vst v63  }
0x34d: {  	_ =	swait.ge [sflag:s31], $0x3800  }
0x34e: {  	[sflag:s31] =	ssyncset.done $0x0  }
0x34f: {  	s6 =	simm.s32 $0x14500;
	[sflag:s31] =	ssyncadd.s32 $0xFFFFC800  }
0x350: {  	[tilespmem:s18], [sflag:$0x1] =	stream.indirect.gather [hbm4b:s4+s21], $0x80, s6, s21, $0xb8;
	[tilespmem:$0x1F600] =	vst v63  }
0x351: {  	_ =	swait.ge [sflag:s0], $0x3800  }
0x352: {  	[sflag:s0] =	ssyncset.done $0x0  }
0x353: {  	s30 =	simm.s32 $0x14480;
	[sflag:s0] =	ssyncadd.s32 $0xFFFFC800  }
0x354: {  	[spmem:s2] =	stream.indirect.scatter.add.f32 [tilespmem:s28], [sflag:$0x6], $0x80, s30, s21, $0xb8;
	[tilespmem:$0x1F600] =	vst v63  }
0x355: {  	_ =	swait.ge [sflag:s7], $0x3800  }
0x356: {  	[sflag:s7] =	ssyncset.done $0x0  }
0x357: {  	s6 =	simm.s32 $0x14600;
	[sflag:s7] =	ssyncadd.s32 $0xFFFFC800  }
0x358: {  	[tilespmem:s23], [sflag:$0x2] =	stream.indirect.gather [hbm4b:s4+s21], $0x80, s6, s21, $0xb8;
	[tilespmem:$0x1F600] =	vst v63  }
0x359: {  	_ =	swait.ge [sflag:s24], $0x3800  }
0x35a: {  	[sflag:s24] =	ssyncset.done $0x0  }
0x35b: {  	s30 =	simm.s32 $0x14580;
	[sflag:s24] =	ssyncadd.s32 $0xFFFFC800  }
0x35c: {  	[spmem:s2] =	stream.indirect.scatter.add.f32 [tilespmem:s18], [sflag:$0x4], $0x80, s30, s21, $0xb8;
	[tilespmem:$0x1F600] =	vst v63  }
0x35d: {  	_ =	swait.ge [sflag:s10], $0x3800  }
0x35e: {  	[sflag:s10] =	ssyncset.done $0x0  }
0x35f: {  	s6 =	simm.s32 $0x14700;
	[sflag:s10] =	ssyncadd.s32 $0xFFFFC800  }
0x360: {  	[tilespmem:s28], [sflag:$0x3] =	stream.indirect.gather [hbm4b:s4+s21], $0x80, s6, s21, $0xb8;
	[tilespmem:$0x1F600] =	vst v63  }
0x361: {  	_ =	swait.ge [sflag:s29], $0x3800  }
0x362: {  	[sflag:s29] =	ssyncset.done $0x0  }
0x363: {  	s30 =	simm.s32 $0x14680;
	[sflag:s29] =	ssyncadd.s32 $0xFFFFC800  }
0x364: {  	[spmem:s2] =	stream.indirect.scatter.add.f32 [tilespmem:s23], [sflag:$0x5], $0x80, s30, s21, $0xb8;
	[tilespmem:$0x1F600] =	vst v63  }
0x365: {  	_ =	swait.ge [sflag:s31], $0x3800  }
0x366: {  	[sflag:s31] =	ssyncset.done $0x0  }
0x367: {  	[sflag:s31] =	ssyncadd.s32 $0xFFFFC800  }
0x368: {  	[tilespmem:s18], [sflag:$0x1] =	stream.indirect.gather [hbm4b:s4+s21], $0x80, s8, s21, $0xb8;
	[tilespmem:$0x1F600] =	vst v63  }
0x369: {  	_ =	swait.ge [sflag:s0], $0x3800  }
0x36a: {  	[sflag:s0] =	ssyncset.done $0x0  }
0x36b: {  	[sflag:s0] =	ssyncadd.s32 $0xFFFFC800  }
0x36c: {  	[spmem:s2] =	stream.indirect.scatter.add.f32 [tilespmem:s28], [sflag:$0x6], $0x80, s9, s21, $0xb8;
	[tilespmem:$0x1F600] =	vst v63  }
0x36d: {  	_ =	swait.ge [sflag:s7], $0x3800  }
0x36e: {  	[sflag:s7] =	ssyncset.done $0x0  }
0x36f: {  	[sflag:s7] =	ssyncadd.s32 $0xFFFFC800  }
0x370: {  	[tilespmem:s23], [sflag:$0x2] =	stream.indirect.gather [hbm4b:s4+s21], $0x80, s11, s21, $0xb8;
	[tilespmem:$0x1F600] =	vst v63  }
0x371: {  	_ =	swait.ge [sflag:s24], $0x3800  }
0x372: {  	[sflag:s24] =	ssyncset.done $0x0  }
0x373: {  	[sflag:s24] =	ssyncadd.s32 $0xFFFFC800  }
0x374: {  	[spmem:s2] =	stream.indirect.scatter.add.f32 [tilespmem:s18], [sflag:$0x4], $0x80, s12, s21, $0xb8;
	[tilespmem:$0x1F600] =	vst v63  }
0x375: {  	_ =	swait.ge [sflag:s10], $0x3800  }
0x376: {  	[sflag:s10] =	ssyncset.done $0x0  }
0x377: {  	[sflag:s10] =	ssyncadd.s32 $0xFFFFC800  }
0x378: {  	[tilespmem:s28], [sflag:$0x3] =	stream.indirect.gather [hbm4b:s4+s21], $0x80, s13, s21, $0xb8;
	[tilespmem:$0x1F600] =	vst v63  }
0x379: {  	_ =	swait.ge [sflag:s29], $0x3800  }
0x37a: {  	[sflag:s29] =	ssyncset.done $0x0  }
0x37b: {  	[sflag:s29] =	ssyncadd.s32 $0xFFFFC800  }
0x37c: {  	[spmem:s2] =	stream.indirect.scatter.add.f32 [tilespmem:s23], [sflag:$0x5], $0x80, s14, s21, $0xb8;
	[tilespmem:$0x1F600] =	vst v63  }
0x37d: {  	_ =	swait.ge [sflag:s31], $0x3800  }
0x37e: {  	[sflag:s31] =	ssyncset.done $0x0  }
0x37f: {  	[sflag:s31] =	ssyncadd.s32 $0xFFFFC800  }
0x380: {  	[tilespmem:s18], [sflag:$0x1] =	stream.indirect.gather [hbm4b:s4+s21], $0x80, s15, s21, $0xb8;
	[tilespmem:$0x1F600] =	vst v63  }
0x381: {  	_ =	swait.ge [sflag:s0], $0x3800  }
0x382: {  	[sflag:s0] =	ssyncset.done $0x0  }
0x383: {  	[sflag:s0] =	ssyncadd.s32 $0xFFFFC800  }
0x384: {  	[spmem:s2] =	stream.indirect.scatter.add.f32 [tilespmem:s28], [sflag:$0x6], $0x80, s16, s21, $0xb8;
	[tilespmem:$0x1F600] =	vst v63  }
0x385: {  	_ =	swait.ge [sflag:s7], $0x3800  }
0x386: {  	[sflag:s7] =	ssyncset.done $0x0  }
0x387: {  	[sflag:s7] =	ssyncadd.s32 $0xFFFFC800  }
0x388: {  	[tilespmem:s23], [sflag:$0x2] =	stream.indirect.gather [hbm4b:s4+s21], $0x80, s17, s21, $0xb8;
	[tilespmem:$0x1F600] =	vst v63  }
0x389: {  	_ =	swait.ge [sflag:s24], $0x3800  }
0x38a: {  	[sflag:s24] =	ssyncset.done $0x0  }
0x38b: {  	[sflag:s24] =	ssyncadd.s32 $0xFFFFC800  }
0x38c: {  	[spmem:s2] =	stream.indirect.scatter.add.f32 [tilespmem:s18], [sflag:$0x4], $0x80, s5, s21, $0xb8;
	[tilespmem:$0x1F600] =	vst v63  }
0x38d: {  	_ =	swait.ge [sflag:s10], $0x3800  }
0x38e: {  	[sflag:s10] =	ssyncset.done $0x0  }
0x38f: {  	[sflag:s10] =	ssyncadd.s32 $0xFFFFC800  }
0x390: {  	[tilespmem:s28], [sflag:$0x3] =	stream.indirect.gather [hbm4b:s4+s21], $0x80, s22, s21, $0xb8;
	[tilespmem:$0x1F600] =	vst v63  }
0x391: {  	_ =	swait.ge [sflag:s29], $0x3800  }
0x392: {  	[sflag:s29] =	ssyncset.done $0x0  }
0x393: {  	[sflag:s29] =	ssyncadd.s32 $0xFFFFC800  }
0x394: {  	[spmem:s2] =	stream.indirect.scatter.add.f32 [tilespmem:s23], [sflag:$0x5], $0x80, s25, s21, $0xb8;
	[tilespmem:$0x1F600] =	vst v63  }
0x395: {  	_ =	swait.ge [sflag:s31], $0x3800  }
0x396: {  	[sflag:s31] =	ssyncset.done $0x0  }
0x397: {  	[sflag:s31] =	ssyncadd.s32 $0xFFFFC800  }
0x398: {  	_ =	swait.ge [sflag:s0], $0x3800  }
0x399: {  	[sflag:s0] =	ssyncset.done $0x0  }
0x39a: {  	[sflag:s0] =	ssyncadd.s32 $0xFFFFC800  }
0x39b: {  	[spmem:s2] =	stream.indirect.scatter.add.f32 [tilespmem:s28], [sflag:$0x6], $0x80, s26, s21, $0xb8;
	[tilespmem:$0x1F600] =	vst v63  }
0x39c: {  	_ =	swait.ge [sflag:s7], $0x3800  }
0x39d: {  	[sflag:s7] =	ssyncset.done $0x0  }
0x39e: {  	[sflag:s7] =	ssyncadd.s32 $0xFFFFC800  }
0x39f: {  	_ =	swait.ge [sflag:s10], $0x3800  }
0x3a0: {  	[sflag:s10] =	ssyncset.done $0x0  }
0x3a1: {  	[sflag:s10] =	ssyncadd.s32 $0xFFFFC800  }
0x3a2: {  	s6 =	stileid.u32;
	[bflag:$0x0] =	sbarrier.arrive $0xFFFF  }
0x3a3: {  	s1 =	sshll.u32 s6, $0x6;
	s6 =	rddreg [dreg:$0x4]  }
0x3a4: {  	s1 =	sor.u32 $0x1C07, s1;
	s30 =	rddreg [dreg:$0xf];
	s6 =	sshrl.u32 s6, $0x3  }
0x3a5: {  	[hbm:s30], [sflag:s1] =	dma.local [spmem:s6], $0x2780  }
0x3a6: {  	_ =	swait.ge [sflag:s19], $0x2780  }
0x3a7: {  	s3 =	sadd.s32 $0x1, s3;
	s30 =	rddreg [dreg:$0x10]  }
0x3a8: {  	p0 =	sne.s32 s3, s30  }
.Ltmp6:
0x3a9: {  	_ = 	snop;
	(pc) =	sbr.rel @p0 .LBB2_1-.Ltmp6, $3  }
0x3aa: {  	_ =	sdelay $0x1  }
0x3ab: {  	[sflag:s19] =	ssyncset.done $0x0  }
0x3ac: {  	[sflag:s19] =	ssyncadd.s32 $0xFFFFD880  }
0x3ad: {  	_ =	sfence.sel $0x180000  }
0x3ae: {  	[bflag:$0x0] =	sbarrier.arrive $0xFFFF  }
0x3af: {  	_ =	strace $0x90000047  }
0x3b0: {  	s0 =	stileid.u32;
	[bflag:$0x2] =	sbarrier.arrive $0xFFFF  }
0x3b1: {  	p0 =	sne.s32 s0, $0x0;
	s0 =	rddreg [dreg:$0x3]  }
0x3b2: {  	s0 =	sadd.s32 @!p0 $0x100000, s0  }
0x3b3: {  	[sflag:s0] =	ssyncadd.tile.s32 @!p0 $0x1;
	_ =	shalt  }
.Lfunc_end2:
_tile_overlayer_lowered:
.L_overlay_start_2:
0x3b4: {  	(tag) =	ssettag $0x2  }
0x3b5: {  	s0 =	rddreg [dreg:$0x0];
	s2 =	stileid.u32  }
0x3b6: {  	s1 =	rddreg [dreg:$0x1];
	p0 =	sne.s32 s2, $0x0  }
0x3b7: {  	s3 =	rddreg [dreg:$0x2];
	[bflag:$0x3] =	sbarrier.arrive $0xFFFF;
	s2 =	simm.s32 @!p0 $0x1C07  }
0x3b8: {  	[timem:s3], [sflag:s2] =	dma.local @!p0 [hbm:s0], s1  }
0x3b9: {  	s0 =	simm.s32 @!p0 $0x7  }
0x3ba: {  	_ =	swait.ge @!p0 [sflag:s0], s1  }
0x3bb: {  	s1 =	ssub.s32 @!p0 $0x0, s1;
	[sflag:s0] =	ssyncset.done @!p0 $0x0  }
0x3bc: {  	[sflag:s0] =	ssyncadd.s32 @!p0 s1  }
0x3bd: {  	[bflag:$0x3] =	sbarrier.arrive $0xFFFF  }
0x3be: {  	_ =	shalt  }

</sc_bundles>
